<compile_context>
chip_gen: v7x
topology: tpu7x:2x2x1
jax: 0.10.2.dev20260603
libtpu: 0.0.44.dev20260713+nightly
codegen_flags: <defaults>
</compile_context>

<pallas_src>
import functools

import jax
import jax.numpy as jnp
from jax import lax
from jax.experimental import pallas as pl
from jax.experimental.pallas import tpu as pltpu
from jax.experimental.pallas import tpu_sc as plsc

B = 16384
D = 64
NEG = 20
K = NEG + 1
NC = 2
NS = 16
NW = NC * NS
BPW = B // NW
CHB = 16
CH = CHB * K
NCHUNK = BPW // CHB


def _tr_body(x_ref, o_ref):
    x = x_ref[...]
    r = lax.broadcasted_iota(jnp.int32, (D, D), 0)
    c = lax.broadcasted_iota(jnp.int32, (D, D), 1)
    eye = (r == c).astype(jnp.bfloat16)
    xt = lax.dot_general(x.astype(jnp.bfloat16), eye,
                         (((0,), (0,)), ((), ())),
                         preferred_element_type=jnp.float32)
    o_ref[...] = jnp.concatenate([xt, jnp.zeros_like(xt)], axis=1)


def _transpose(w_out):
    v = w_out.shape[1]
    cb = 4096
    grid = (pl.cdiv(v, cb),)
    return pl.pallas_call(
        _tr_body,
        grid=grid,
        in_specs=[pl.BlockSpec((D, cb), lambda i: (0, i))],
        out_specs=pl.BlockSpec((cb, 2 * D), lambda i: (i, 0)),
        out_shape=jax.ShapeDtypeStruct((v, 2 * D), jnp.float32),
    )(w_out)


_MESH = plsc.VectorSubcoreMesh(core_axis_name="c", subcore_axis_name="s")


@functools.partial(
    pl.kernel,
    mesh=_MESH,
    out_type=jax.ShapeDtypeStruct((B * K,), jnp.float32),
    scratch_types=[
        pltpu.VMEM((CHB,), jnp.int32),
        pltpu.VMEM((CH,), jnp.int32),
        pltpu.VMEM((CH,), jnp.int32),
        pltpu.VMEM((2 * CHB, 2 * D), jnp.float32),
        pltpu.VMEM((2 * CH, 2 * D), jnp.float32),
        pltpu.VMEM((BPW * K,), jnp.float32),
        pltpu.VMEM((CH,), jnp.int32),
        pltpu.SemaphoreType.DMA,
        pltpu.SemaphoreType.DMA,
        pltpu.SemaphoreType.DMA,
    ],
)
def _sc_score(idx_hbm, cen_hbm, bmap_hbm, win_hbm, wt_hbm, out_hbm,
              cidx_v, idx0, idx1, h_v, w_v, s_v, bmap_v, sg0, sg1, shh):
    wid = lax.axis_index("s") * NC + lax.axis_index("c")
    idx_v = (idx0, idx1)
    sg = (sg0, sg1)

    lane = lax.iota(jnp.int32, 16)
    perm_idx = [lane ^ p for p in (1, 2, 4, 8)]
    dn = lax.GatherDimensionNumbers(
        offset_dims=(), collapsed_slice_dims=(0,), start_index_map=(0,))

    def hsum(x):
        for idx in perm_idx:
            x = x + lax.gather(x, idx[:, None], dn, (1,),
                               mode=lax.GatherScatterMode.PROMISE_IN_BOUNDS)
        return x

    pltpu.sync_copy(bmap_hbm, bmap_v)

    def bounds(c):
        b0 = wid * BPW + c * CHB
        return b0, b0 * K

    def fetch_cen(c):
        b0, _ = bounds(c)
        pltpu.sync_copy(cen_hbm.at[pl.ds(b0, CHB)], cidx_v)

    def fetch_idx(c, slot):
        _, pbase = bounds(c)
        pltpu.sync_copy(idx_hbm.at[pl.ds(pbase, CH)], idx_v[slot])

    def fire_g(slot):
        pltpu.async_copy(wt_hbm.at[idx_v[slot]],
                         w_v.at[pl.ds(slot * CH, CH)], sg[slot])

    def wait_g(slot):
        pltpu.make_async_copy(wt_hbm.at[idx_v[slot]],
                              w_v.at[pl.ds(slot * CH, CH)], sg[slot]).wait()

    def fetch_h(slot):
        cvec = cidx_v[pl.ds(0, 16)]
        copies = [
            pltpu.async_copy(win_hbm.at[cvec[l]],
                             h_v.at[slot * CHB + l, pl.ds(0, D)], shh)
            for l in range(16)
        ]
        for cp in copies:
            cp.wait()

    def compute(c, slot):
        _, pbase = bounds(c)

        sbase = c * CH

        def per_g(g, carry):
            bvec = bmap_v[pl.ds(g * 16, 16)]
            svec = jnp.zeros((16,), jnp.float32)
            for l in range(16):
                i = slot * CH + g * 16 + l
                bl = slot * CHB + bvec[l]
                acc = h_v[bl, pl.ds(0, 16)] * w_v[i, pl.ds(0, 16)]
                for j in range(1, D // 16):
                    acc = acc + (h_v[bl, pl.ds(16 * j, 16)]
                                 * w_v[i, pl.ds(16 * j, 16)])
                svec = jnp.where(lane == l, hsum(acc), svec)
            s_v[pl.ds(sbase + g * 16, 16)] = svec
            return carry

        lax.fori_loop(0, CH // 16, per_g, 0)

    last = NCHUNK - 1
    fetch_cen(0)
    fetch_idx(0, 0)
    fire_g(0)
    fetch_h(0)

    def step(t, carry):
        for sub in range(2):
            c = t * 2 + sub
            slot, other = sub, 1 - sub
            nxt = jnp.minimum(c + 1, last)
            fetch_cen(nxt)
            fetch_idx(nxt, other)
            fire_g(other)
            fetch_h(other)
            wait_g(slot)
            compute(c, slot)
        return carry

    lax.fori_loop(0, NCHUNK // 2, step, 0)
    wait_g(0)
    pltpu.sync_copy(s_v, out_hbm.at[pl.ds(wid * BPW * K, BPW * K)])


def kernel(centers, pos, negs, W_in, W_out):
    wt = _transpose(W_out)
    idx_flat = jnp.concatenate(
        [pos[:, None].astype(jnp.int32), negs.astype(jnp.int32)],
        axis=1).reshape(B * K)
    bmap = (jnp.arange(CH, dtype=jnp.int32) // K).astype(jnp.int32)
    s_flat = _sc_score(idx_flat, centers.astype(jnp.int32), bmap, W_in, wt)
    s_all = s_flat.reshape(B, K)
    return s_all[:, 0], s_all[:, 1:]

# --- scband reference (transcript-rebuilt; emitter-appended) ---
"""Pipeline reference for scband-skip-gram-negative-48369921687575 (READ-ONLY COPY).

The authoritative reference and input builder live on the scoring server;
editing this copy changes nothing except your own understanding.
"""

import jax, jax.numpy as jnp
import numpy as np

INPUT_SIZE = 1000000
OUTPUT_SIZE = 1000000
EMBED = 64
BATCH = 16384
NEG = 20

def setup_inputs(seed: int = 0) -> dict:
    key = jax.random.key(seed)
    k1, k2, k3, k4, k5 = jax.random.split(key, 5)
    centers = jax.random.randint(k1, (BATCH,), 0, INPUT_SIZE, dtype=jnp.int64) if jax.config.jax_enable_x64 else jax.random.randint(k1, (BATCH,), 0, INPUT_SIZE).astype(jnp.int32)
    pos = jax.random.randint(k2, (BATCH,), 0, OUTPUT_SIZE).astype(centers.dtype)
    negs = jax.random.randint(k3, (BATCH, NEG), 0, OUTPUT_SIZE).astype(centers.dtype)
    dev = 1.0 / EMBED ** 0.5
    W_in = jax.random.uniform(k4, (INPUT_SIZE, EMBED), minval=-dev, maxval=dev, dtype=jnp.float32)
    # W_out is initialized to zeros in the torch module; use small random values here
    # so forward/backward are numerically nontrivial (it is a learned parameter).
    W_out = jax.random.normal(k5, (EMBED, OUTPUT_SIZE), dtype=jnp.float32) * 0.01
    return {"centers": centers, "pos": pos, "negs": negs, "W_in": W_in, "W_out": W_out}

def reference(centers, pos, negs, W_in, W_out):
    h = jnp.take(W_in, centers, axis=0)                 # [B, D]
    W_out_t = W_out.T                                    # [V, D]
    v_pos = jnp.take(W_out_t, pos, axis=0)               # [B, D]
    v_neg = jnp.take(W_out_t, negs, axis=0)              # [B, K, D]
    s_pos = jnp.sum(h * v_pos, axis=-1)                  # [B]
    s_neg = jnp.sum(v_neg * h[:, None, :], axis=-1)      # [B, K]
    return (s_pos, s_neg)

if __name__ == "__main__":
    import jax
    _d = setup_inputs()
    print(jax.jit(kernel)(*tuple(_d.values())))

</pallas_src>

<mosaic_0001>
#map = affine_map<(d0, d1) -> (0)>
#map1 = affine_map<(d0, d1) -> (0, 0)>
module attributes {stable_mosaic.version = 14 : i64} {
  func.func @_sc_score(%arg0: i32, %arg1: i32, %arg2: memref<344064xi32, #tpu.memory_space<hbm>>, %arg3: memref<16384xi32, #tpu.memory_space<hbm>>, %arg4: memref<336xi32, #tpu.memory_space<hbm>>, %arg5: memref<1000000x64xf32, #tpu.memory_space<hbm>>, %arg6: memref<1000000x128xf32, #tpu.memory_space<hbm>>, %arg7: memref<344064xf32, #tpu.memory_space<hbm>>, %arg8: memref<16xi32, #tpu.memory_space<vmem>>, %arg9: memref<336xi32, #tpu.memory_space<vmem>>, %arg10: memref<336xi32, #tpu.memory_space<vmem>>, %arg11: memref<32x128xf32, #tpu.memory_space<vmem>>, %arg12: memref<672x128xf32, #tpu.memory_space<vmem>>, %arg13: memref<10752xf32, #tpu.memory_space<vmem>>, %arg14: memref<336xi32, #tpu.memory_space<vmem>>, %arg15: memref<!tpu.dma_semaphore, #tpu.memory_space<semaphore_mem>>, %arg16: memref<!tpu.dma_semaphore, #tpu.memory_space<semaphore_mem>>, %arg17: memref<!tpu.dma_semaphore, #tpu.memory_space<semaphore_mem>>) attributes {dimension_semantics = [#tpu.dimension_semantics<core_parallel>, #tpu.dimension_semantics<subcore_parallel>], iteration_bounds = array<i64: 2, 16>, scalar_prefetch = 0 : i64, scratch_operands = 10 : i64, tpu.core_type = #tpu.core_type<sc_vector_subcore>, window_params = [{transform_indices = #map}, {transform_indices = #map}, {transform_indices = #map}, {transform_indices = #map1}, {transform_indices = #map1}, {transform_indices = #map}]} {
    %mul3A = arith.constant 2 : i32
    %mul3A_0 = arith.muli %arg1, %mul3A : i32
    %add3A = arith.addi %mul3A_0, %arg0 : i32
    %iota3A = tpu.iota {dimensions = array<i32: 0>} : vector<16xi32>
    %xor3A = arith.constant 1 : i32
    %xor3A_1 = vector.broadcast %xor3A : i32 to vector<16xi32>
    %xor3A_2 = arith.xori %iota3A, %xor3A_1 : vector<16xi32>
    %xor3A_3 = arith.constant 2 : i32
    %xor3A_4 = vector.broadcast %xor3A_3 : i32 to vector<16xi32>
    %xor3A_5 = arith.xori %iota3A, %xor3A_4 : vector<16xi32>
    %xor3A_6 = arith.constant 4 : i32
    %xor3A_7 = vector.broadcast %xor3A_6 : i32 to vector<16xi32>
    %xor3A_8 = arith.xori %iota3A, %xor3A_7 : vector<16xi32>
    %xor3A_9 = arith.constant 8 : i32
    %xor3A_10 = vector.broadcast %xor3A_9 : i32 to vector<16xi32>
    %xor3A_11 = arith.xori %iota3A, %xor3A_10 : vector<16xi32>
    "tpu.region"() ({
      %run_scoped3A = tpu.sem_alloc : memref<!tpu.dma_semaphore, #tpu.memory_space<semaphore_mem>>
      tpu.enqueue_dma source(%arg4 : memref<336xi32, #tpu.memory_space<hbm>>) target(%arg14 : memref<336xi32, #tpu.memory_space<vmem>>) target_semaphore(%run_scoped3A : memref<!tpu.dma_semaphore, #tpu.memory_space<semaphore_mem>>)
      tpu.wait_dma2 semaphore(%run_scoped3A : memref<!tpu.dma_semaphore, #tpu.memory_space<semaphore_mem>>) src(%arg4 : memref<336xi32, #tpu.memory_space<hbm>>) dst(%arg14 : memref<336xi32, #tpu.memory_space<vmem>>)
      tpu.yield
    }) : () -> ()
    %mul3A_12 = arith.constant 512 : i32
    %mul3A_13 = arith.muli %add3A, %mul3A_12 : i32
    %add3A_14 = arith.constant 0 : i32
    %add3A_15 = arith.addi %mul3A_13, %add3A_14 : i32
    %mul3A_16 = arith.constant 21 : i32
    %mul3A_17 = arith.muli %add3A_15, %mul3A_16 : i32
    "tpu.region"() ({
      %run_scoped3A = tpu.sem_alloc : memref<!tpu.dma_semaphore, #tpu.memory_space<semaphore_mem>>
      %dma_start3A_491 = tpu.memref_slice %arg3[%add3A_15] : memref<16384xi32, #tpu.memory_space<hbm>> -> memref<16xi32, #tpu.memory_space<hbm>>
      %dma_start3A_492 = tpu.memref_slice %arg3[%add3A_15] : memref<16384xi32, #tpu.memory_space<hbm>> -> memref<16xi32, #tpu.memory_space<hbm>>
      tpu.enqueue_dma source(%dma_start3A_492 : memref<16xi32, #tpu.memory_space<hbm>>) target(%arg8 : memref<16xi32, #tpu.memory_space<vmem>>) target_semaphore(%run_scoped3A : memref<!tpu.dma_semaphore, #tpu.memory_space<semaphore_mem>>)
      %dma_wait3A_493 = tpu.memref_slice %arg3[%add3A_15] : memref<16384xi32, #tpu.memory_space<hbm>> -> memref<16xi32, #tpu.memory_space<hbm>>
      %dma_wait3A_494 = tpu.memref_slice %arg3[%add3A_15] : memref<16384xi32, #tpu.memory_space<hbm>> -> memref<16xi32, #tpu.memory_space<hbm>>
      tpu.wait_dma2 semaphore(%run_scoped3A : memref<!tpu.dma_semaphore, #tpu.memory_space<semaphore_mem>>) src(%dma_wait3A_494 : memref<16xi32, #tpu.memory_space<hbm>>) dst(%arg8 : memref<16xi32, #tpu.memory_space<vmem>>)
      tpu.yield
    }) : () -> ()
    %mul3A_18 = arith.constant 512 : i32
    %mul3A_19 = arith.muli %add3A, %mul3A_18 : i32
    %add3A_20 = arith.constant 0 : i32
    %add3A_21 = arith.addi %mul3A_19, %add3A_20 : i32
    %mul3A_22 = arith.constant 21 : i32
    %mul3A_23 = arith.muli %add3A_21, %mul3A_22 : i32
    "tpu.region"() ({
      %run_scoped3A = tpu.sem_alloc : memref<!tpu.dma_semaphore, #tpu.memory_space<semaphore_mem>>
      %dma_start3A_491 = tpu.memref_slice %arg2[%mul3A_23] : memref<344064xi32, #tpu.memory_space<hbm>> -> memref<336xi32, #tpu.memory_space<hbm>>
      %dma_start3A_492 = tpu.memref_slice %arg2[%mul3A_23] : memref<344064xi32, #tpu.memory_space<hbm>> -> memref<336xi32, #tpu.memory_space<hbm>>
      tpu.enqueue_dma source(%dma_start3A_492 : memref<336xi32, #tpu.memory_space<hbm>>) target(%arg9 : memref<336xi32, #tpu.memory_space<vmem>>) target_semaphore(%run_scoped3A : memref<!tpu.dma_semaphore, #tpu.memory_space<semaphore_mem>>)
      %dma_wait3A_493 = tpu.memref_slice %arg2[%mul3A_23] : memref<344064xi32, #tpu.memory_space<hbm>> -> memref<336xi32, #tpu.memory_space<hbm>>
      %dma_wait3A_494 = tpu.memref_slice %arg2[%mul3A_23] : memref<344064xi32, #tpu.memory_space<hbm>> -> memref<336xi32, #tpu.memory_space<hbm>>
      tpu.wait_dma2 semaphore(%run_scoped3A : memref<!tpu.dma_semaphore, #tpu.memory_space<semaphore_mem>>) src(%dma_wait3A_494 : memref<336xi32, #tpu.memory_space<hbm>>) dst(%arg9 : memref<336xi32, #tpu.memory_space<vmem>>)
      tpu.yield
    }) : () -> ()
    %dma_start3A = arith.constant 0 : i32
    %dma_start3A_24 = arith.constant 0 : i32
    %dma_start3A_25 = tpu.memref_slice %arg12[%dma_start3A, %dma_start3A_24] : memref<672x128xf32, #tpu.memory_space<vmem>> -> memref<336x128xf32, #tpu.memory_space<vmem>>
    %dma_start3A_26 = arith.constant 0 : i32
    %dma_start3A_27 = arith.constant 0 : i32
    %dma_start3A_28 = tpu.memref_slice %arg6[%dma_start3A_26, %dma_start3A_27] : memref<1000000x128xf32, #tpu.memory_space<hbm>> -> memref<1000000x128xf32, #tpu.memory_space<hbm>>
    tpu.enqueue_indirect_dma source(%dma_start3A_28 : memref<1000000x128xf32, #tpu.memory_space<hbm>>) target(%dma_start3A_25 : memref<336x128xf32, #tpu.memory_space<vmem>>) offsets(%arg9 : memref<336xi32, #tpu.memory_space<vmem>>) semaphore(%arg15 : memref<!tpu.dma_semaphore, #tpu.memory_space<semaphore_mem>>)
    %get3A = arith.constant 0 : index
    %get3A_29 = tpu.vector_load %arg8[%get3A] {strides = array<i32>} : memref<16xi32, #tpu.memory_space<vmem>>, vector<16xi32>,
    %get3A_30 = vector.shape_cast %get3A_29 : vector<16xi32> to vector<16xi32>
    %slice3A = vector.extract_strided_slice %get3A_30 {offsets = [0], sizes = [1], strides = [1]} : vector<16xi32> to vector<1xi32>
    %squeeze3A = vector.extract %slice3A[0] : i32 from vector<1xi32>
    %dma_start3A_31 = arith.constant 0 : i32
    %dma_start3A_32 = arith.constant 0 : i32
    %dma_start3A_33 = tpu.memref_slice %arg11[%dma_start3A_31, %dma_start3A_32] : memref<32x128xf32, #tpu.memory_space<vmem>> -> memref<1x64xf32, #tpu.memory_space<vmem>>
    %dma_start3A_34 = tpu.memref_squeeze %dma_start3A_33 : memref<1x64xf32, #tpu.memory_space<vmem>> -> memref<64xf32, #tpu.memory_space<vmem>>
    %dma_start3A_35 = arith.constant 0 : i32
    %dma_start3A_36 = tpu.memref_slice %arg5[%squeeze3A, %dma_start3A_35] : memref<1000000x64xf32, #tpu.memory_space<hbm>> -> memref<1x64xf32, #tpu.memory_space<hbm>>
    %dma_start3A_37 = tpu.memref_squeeze %dma_start3A_36 : memref<1x64xf32, #tpu.memory_space<hbm>> -> memref<64xf32, #tpu.memory_space<hbm>>
    %dma_start3A_38 = arith.constant 0 : i32
    %dma_start3A_39 = tpu.memref_slice %arg11[%dma_start3A_31, %dma_start3A_38] : memref<32x128xf32, #tpu.memory_space<vmem>> -> memref<1x64xf32, #tpu.memory_space<vmem>>
    %dma_start3A_40 = tpu.memref_squeeze %dma_start3A_39 : memref<1x64xf32, #tpu.memory_space<vmem>> -> memref<64xf32, #tpu.memory_space<vmem>>
    %dma_start3A_41 = arith.constant 0 : i32
    %dma_start3A_42 = tpu.memref_slice %arg5[%squeeze3A, %dma_start3A_41] : memref<1000000x64xf32, #tpu.memory_space<hbm>> -> memref<1x64xf32, #tpu.memory_space<hbm>>
    %dma_start3A_43 = tpu.memref_squeeze %dma_start3A_42 : memref<1x64xf32, #tpu.memory_space<hbm>> -> memref<64xf32, #tpu.memory_space<hbm>>
    tpu.enqueue_dma source(%dma_start3A_43 : memref<64xf32, #tpu.memory_space<hbm>>) target(%dma_start3A_40 : memref<64xf32, #tpu.memory_space<vmem>>) target_semaphore(%arg17 : memref<!tpu.dma_semaphore, #tpu.memory_space<semaphore_mem>>)
    %slice3A_44 = vector.extract_strided_slice %get3A_30 {offsets = [1], sizes = [1], strides = [1]} : vector<16xi32> to vector<1xi32>
    %squeeze3A_45 = vector.extract %slice3A_44[0] : i32 from vector<1xi32>
    %dma_start3A_46 = arith.constant 1 : i32
    %dma_start3A_47 = arith.constant 0 : i32
    %dma_start3A_48 = tpu.memref_slice %arg11[%dma_start3A_46, %dma_start3A_47] : memref<32x128xf32, #tpu.memory_space<vmem>> -> memref<1x64xf32, #tpu.memory_space<vmem>>
    %dma_start3A_49 = tpu.memref_squeeze %dma_start3A_48 : memref<1x64xf32, #tpu.memory_space<vmem>> -> memref<64xf32, #tpu.memory_space<vmem>>
    %dma_start3A_50 = arith.constant 0 : i32
    %dma_start3A_51 = tpu.memref_slice %arg5[%squeeze3A_45, %dma_start3A_50] : memref<1000000x64xf32, #tpu.memory_space<hbm>> -> memref<1x64xf32, #tpu.memory_space<hbm>>
    %dma_start3A_52 = tpu.memref_squeeze %dma_start3A_51 : memref<1x64xf32, #tpu.memory_space<hbm>> -> memref<64xf32, #tpu.memory_space<hbm>>
    %dma_start3A_53 = arith.constant 0 : i32
    %dma_start3A_54 = tpu.memref_slice %arg11[%dma_start3A_46, %dma_start3A_53] : memref<32x128xf32, #tpu.memory_space<vmem>> -> memref<1x64xf32, #tpu.memory_space<vmem>>
    %dma_start3A_55 = tpu.memref_squeeze %dma_start3A_54 : memref<1x64xf32, #tpu.memory_space<vmem>> -> memref<64xf32, #tpu.memory_space<vmem>>
    %dma_start3A_56 = arith.constant 0 : i32
    %dma_start3A_57 = tpu.memref_slice %arg5[%squeeze3A_45, %dma_start3A_56] : memref<1000000x64xf32, #tpu.memory_space<hbm>> -> memref<1x64xf32, #tpu.memory_space<hbm>>
    %dma_start3A_58 = tpu.memref_squeeze %dma_start3A_57 : memref<1x64xf32, #tpu.memory_space<hbm>> -> memref<64xf32, #tpu.memory_space<hbm>>
    tpu.enqueue_dma source(%dma_start3A_58 : memref<64xf32, #tpu.memory_space<hbm>>) target(%dma_start3A_55 : memref<64xf32, #tpu.memory_space<vmem>>) target_semaphore(%arg17 : memref<!tpu.dma_semaphore, #tpu.memory_space<semaphore_mem>>)
    %slice3A_59 = vector.extract_strided_slice %get3A_30 {offsets = [2], sizes = [1], strides = [1]} : vector<16xi32> to vector<1xi32>
    %squeeze3A_60 = vector.extract %slice3A_59[0] : i32 from vector<1xi32>
    %dma_start3A_61 = arith.constant 2 : i32
    %dma_start3A_62 = arith.constant 0 : i32
    %dma_start3A_63 = tpu.memref_slice %arg11[%dma_start3A_61, %dma_start3A_62] : memref<32x128xf32, #tpu.memory_space<vmem>> -> memref<1x64xf32, #tpu.memory_space<vmem>>
    %dma_start3A_64 = tpu.memref_squeeze %dma_start3A_63 : memref<1x64xf32, #tpu.memory_space<vmem>> -> memref<64xf32, #tpu.memory_space<vmem>>
    %dma_start3A_65 = arith.constant 0 : i32
    %dma_start3A_66 = tpu.memref_slice %arg5[%squeeze3A_60, %dma_start3A_65] : memref<1000000x64xf32, #tpu.memory_space<hbm>> -> memref<1x64xf32, #tpu.memory_space<hbm>>
    %dma_start3A_67 = tpu.memref_squeeze %dma_start3A_66 : memref<1x64xf32, #tpu.memory_space<hbm>> -> memref<64xf32, #tpu.memory_space<hbm>>
    %dma_start3A_68 = arith.constant 0 : i32
    %dma_start3A_69 = tpu.memref_slice %arg11[%dma_start3A_61, %dma_start3A_68] : memref<32x128xf32, #tpu.memory_space<vmem>> -> memref<1x64xf32, #tpu.memory_space<vmem>>
    %dma_start3A_70 = tpu.memref_squeeze %dma_start3A_69 : memref<1x64xf32, #tpu.memory_space<vmem>> -> memref<64xf32, #tpu.memory_space<vmem>>
    %dma_start3A_71 = arith.constant 0 : i32
    %dma_start3A_72 = tpu.memref_slice %arg5[%squeeze3A_60, %dma_start3A_71] : memref<1000000x64xf32, #tpu.memory_space<hbm>> -> memref<1x64xf32, #tpu.memory_space<hbm>>
    %dma_start3A_73 = tpu.memref_squeeze %dma_start3A_72 : memref<1x64xf32, #tpu.memory_space<hbm>> -> memref<64xf32, #tpu.memory_space<hbm>>
    tpu.enqueue_dma source(%dma_start3A_73 : memref<64xf32, #tpu.memory_space<hbm>>) target(%dma_start3A_70 : memref<64xf32, #tpu.memory_space<vmem>>) target_semaphore(%arg17 : memref<!tpu.dma_semaphore, #tpu.memory_space<semaphore_mem>>)
    %slice3A_74 = vector.extract_strided_slice %get3A_30 {offsets = [3], sizes = [1], strides = [1]} : vector<16xi32> to vector<1xi32>
    %squeeze3A_75 = vector.extract %slice3A_74[0] : i32 from vector<1xi32>
    %dma_start3A_76 = arith.constant 3 : i32
    %dma_start3A_77 = arith.constant 0 : i32
    %dma_start3A_78 = tpu.memref_slice %arg11[%dma_start3A_76, %dma_start3A_77] : memref<32x128xf32, #tpu.memory_space<vmem>> -> memref<1x64xf32, #tpu.memory_space<vmem>>
    %dma_start3A_79 = tpu.memref_squeeze %dma_start3A_78 : memref<1x64xf32, #tpu.memory_space<vmem>> -> memref<64xf32, #tpu.memory_space<vmem>>
    %dma_start3A_80 = arith.constant 0 : i32
    %dma_start3A_81 = tpu.memref_slice %arg5[%squeeze3A_75, %dma_start3A_80] : memref<1000000x64xf32, #tpu.memory_space<hbm>> -> memref<1x64xf32, #tpu.memory_space<hbm>>
    %dma_start3A_82 = tpu.memref_squeeze %dma_start3A_81 : memref<1x64xf32, #tpu.memory_space<hbm>> -> memref<64xf32, #tpu.memory_space<hbm>>
    %dma_start3A_83 = arith.constant 0 : i32
    %dma_start3A_84 = tpu.memref_slice %arg11[%dma_start3A_76, %dma_start3A_83] : memref<32x128xf32, #tpu.memory_space<vmem>> -> memref<1x64xf32, #tpu.memory_space<vmem>>
    %dma_start3A_85 = tpu.memref_squeeze %dma_start3A_84 : memref<1x64xf32, #tpu.memory_space<vmem>> -> memref<64xf32, #tpu.memory_space<vmem>>
    %dma_start3A_86 = arith.constant 0 : i32
    %dma_start3A_87 = tpu.memref_slice %arg5[%squeeze3A_75, %dma_start3A_86] : memref<1000000x64xf32, #tpu.memory_space<hbm>> -> memref<1x64xf32, #tpu.memory_space<hbm>>
    %dma_start3A_88 = tpu.memref_squeeze %dma_start3A_87 : memref<1x64xf32, #tpu.memory_space<hbm>> -> memref<64xf32, #tpu.memory_space<hbm>>
    tpu.enqueue_dma source(%dma_start3A_88 : memref<64xf32, #tpu.memory_space<hbm>>) target(%dma_start3A_85 : memref<64xf32, #tpu.memory_space<vmem>>) target_semaphore(%arg17 : memref<!tpu.dma_semaphore, #tpu.memory_space<semaphore_mem>>)
    %slice3A_89 = vector.extract_strided_slice %get3A_30 {offsets = [4], sizes = [1], strides = [1]} : vector<16xi32> to vector<1xi32>
    %squeeze3A_90 = vector.extract %slice3A_89[0] : i32 from vector<1xi32>
    %dma_start3A_91 = arith.constant 4 : i32
    %dma_start3A_92 = arith.constant 0 : i32
    %dma_start3A_93 = tpu.memref_slice %arg11[%dma_start3A_91, %dma_start3A_92] : memref<32x128xf32, #tpu.memory_space<vmem>> -> memref<1x64xf32, #tpu.memory_space<vmem>>
    %dma_start3A_94 = tpu.memref_squeeze %dma_start3A_93 : memref<1x64xf32, #tpu.memory_space<vmem>> -> memref<64xf32, #tpu.memory_space<vmem>>
    %dma_start3A_95 = arith.constant 0 : i32
    %dma_start3A_96 = tpu.memref_slice %arg5[%squeeze3A_90, %dma_start3A_95] : memref<1000000x64xf32, #tpu.memory_space<hbm>> -> memref<1x64xf32, #tpu.memory_space<hbm>>
    %dma_start3A_97 = tpu.memref_squeeze %dma_start3A_96 : memref<1x64xf32, #tpu.memory_space<hbm>> -> memref<64xf32, #tpu.memory_space<hbm>>
    %dma_start3A_98 = arith.constant 0 : i32
    %dma_start3A_99 = tpu.memref_slice %arg11[%dma_start3A_91, %dma_start3A_98] : memref<32x128xf32, #tpu.memory_space<vmem>> -> memref<1x64xf32, #tpu.memory_space<vmem>>
    %dma_start3A_100 = tpu.memref_squeeze %dma_start3A_99 : memref<1x64xf32, #tpu.memory_space<vmem>> -> memref<64xf32, #tpu.memory_space<vmem>>
    %dma_start3A_101 = arith.constant 0 : i32
    %dma_start3A_102 = tpu.memref_slice %arg5[%squeeze3A_90, %dma_start3A_101] : memref<1000000x64xf32, #tpu.memory_space<hbm>> -> memref<1x64xf32, #tpu.memory_space<hbm>>
    %dma_start3A_103 = tpu.memref_squeeze %dma_start3A_102 : memref<1x64xf32, #tpu.memory_space<hbm>> -> memref<64xf32, #tpu.memory_space<hbm>>
    tpu.enqueue_dma source(%dma_start3A_103 : memref<64xf32, #tpu.memory_space<hbm>>) target(%dma_start3A_100 : memref<64xf32, #tpu.memory_space<vmem>>) target_semaphore(%arg17 : memref<!tpu.dma_semaphore, #tpu.memory_space<semaphore_mem>>)
    %slice3A_104 = vector.extract_strided_slice %get3A_30 {offsets = [5], sizes = [1], strides = [1]} : vector<16xi32> to vector<1xi32>
    %squeeze3A_105 = vector.extract %slice3A_104[0] : i32 from vector<1xi32>
    %dma_start3A_106 = arith.constant 5 : i32
    %dma_start3A_107 = arith.constant 0 : i32
    %dma_start3A_108 = tpu.memref_slice %arg11[%dma_start3A_106, %dma_start3A_107] : memref<32x128xf32, #tpu.memory_space<vmem>> -> memref<1x64xf32, #tpu.memory_space<vmem>>
    %dma_start3A_109 = tpu.memref_squeeze %dma_start3A_108 : memref<1x64xf32, #tpu.memory_space<vmem>> -> memref<64xf32, #tpu.memory_space<vmem>>
    %dma_start3A_110 = arith.constant 0 : i32
    %dma_start3A_111 = tpu.memref_slice %arg5[%squeeze3A_105, %dma_start3A_110] : memref<1000000x64xf32, #tpu.memory_space<hbm>> -> memref<1x64xf32, #tpu.memory_space<hbm>>
    %dma_start3A_112 = tpu.memref_squeeze %dma_start3A_111 : memref<1x64xf32, #tpu.memory_space<hbm>> -> memref<64xf32, #tpu.memory_space<hbm>>
    %dma_start3A_113 = arith.constant 0 : i32
    %dma_start3A_114 = tpu.memref_slice %arg11[%dma_start3A_106, %dma_start3A_113] : memref<32x128xf32, #tpu.memory_space<vmem>> -> memref<1x64xf32, #tpu.memory_space<vmem>>
    %dma_start3A_115 = tpu.memref_squeeze %dma_start3A_114 : memref<1x64xf32, #tpu.memory_space<vmem>> -> memref<64xf32, #tpu.memory_space<vmem>>
    %dma_start3A_116 = arith.constant 0 : i32
    %dma_start3A_117 = tpu.memref_slice %arg5[%squeeze3A_105, %dma_start3A_116] : memref<1000000x64xf32, #tpu.memory_space<hbm>> -> memref<1x64xf32, #tpu.memory_space<hbm>>
    %dma_start3A_118 = tpu.memref_squeeze %dma_start3A_117 : memref<1x64xf32, #tpu.memory_space<hbm>> -> memref<64xf32, #tpu.memory_space<hbm>>
    tpu.enqueue_dma source(%dma_start3A_118 : memref<64xf32, #tpu.memory_space<hbm>>) target(%dma_start3A_115 : memref<64xf32, #tpu.memory_space<vmem>>) target_semaphore(%arg17 : memref<!tpu.dma_semaphore, #tpu.memory_space<semaphore_mem>>)
    %slice3A_119 = vector.extract_strided_slice %get3A_30 {offsets = [6], sizes = [1], strides = [1]} : vector<16xi32> to vector<1xi32>
    %squeeze3A_120 = vector.extract %slice3A_119[0] : i32 from vector<1xi32>
    %dma_start3A_121 = arith.constant 6 : i32
    %dma_start3A_122 = arith.constant 0 : i32
    %dma_start3A_123 = tpu.memref_slice %arg11[%dma_start3A_121, %dma_start3A_122] : memref<32x128xf32, #tpu.memory_space<vmem>> -> memref<1x64xf32, #tpu.memory_space<vmem>>
    %dma_start3A_124 = tpu.memref_squeeze %dma_start3A_123 : memref<1x64xf32, #tpu.memory_space<vmem>> -> memref<64xf32, #tpu.memory_space<vmem>>
    %dma_start3A_125 = arith.constant 0 : i32
    %dma_start3A_126 = tpu.memref_slice %arg5[%squeeze3A_120, %dma_start3A_125] : memref<1000000x64xf32, #tpu.memory_space<hbm>> -> memref<1x64xf32, #tpu.memory_space<hbm>>
    %dma_start3A_127 = tpu.memref_squeeze %dma_start3A_126 : memref<1x64xf32, #tpu.memory_space<hbm>> -> memref<64xf32, #tpu.memory_space<hbm>>
    %dma_start3A_128 = arith.constant 0 : i32
    %dma_start3A_129 = tpu.memref_slice %arg11[%dma_start3A_121, %dma_start3A_128] : memref<32x128xf32, #tpu.memory_space<vmem>> -> memref<1x64xf32, #tpu.memory_space<vmem>>
    %dma_start3A_130 = tpu.memref_squeeze %dma_start3A_129 : memref<1x64xf32, #tpu.memory_space<vmem>> -> memref<64xf32, #tpu.memory_space<vmem>>
    %dma_start3A_131 = arith.constant 0 : i32
    %dma_start3A_132 = tpu.memref_slice %arg5[%squeeze3A_120, %dma_start3A_131] : memref<1000000x64xf32, #tpu.memory_space<hbm>> -> memref<1x64xf32, #tpu.memory_space<hbm>>
    %dma_start3A_133 = tpu.memref_squeeze %dma_start3A_132 : memref<1x64xf32, #tpu.memory_space<hbm>> -> memref<64xf32, #tpu.memory_space<hbm>>
    tpu.enqueue_dma source(%dma_start3A_133 : memref<64xf32, #tpu.memory_space<hbm>>) target(%dma_start3A_130 : memref<64xf32, #tpu.memory_space<vmem>>) target_semaphore(%arg17 : memref<!tpu.dma_semaphore, #tpu.memory_space<semaphore_mem>>)
    %slice3A_134 = vector.extract_strided_slice %get3A_30 {offsets = [7], sizes = [1], strides = [1]} : vector<16xi32> to vector<1xi32>
    %squeeze3A_135 = vector.extract %slice3A_134[0] : i32 from vector<1xi32>
    %dma_start3A_136 = arith.constant 7 : i32
    %dma_start3A_137 = arith.constant 0 : i32
    %dma_start3A_138 = tpu.memref_slice %arg11[%dma_start3A_136, %dma_start3A_137] : memref<32x128xf32, #tpu.memory_space<vmem>> -> memref<1x64xf32, #tpu.memory_space<vmem>>
    %dma_start3A_139 = tpu.memref_squeeze %dma_start3A_138 : memref<1x64xf32, #tpu.memory_space<vmem>> -> memref<64xf32, #tpu.memory_space<vmem>>
    %dma_start3A_140 = arith.constant 0 : i32
    %dma_start3A_141 = tpu.memref_slice %arg5[%squeeze3A_135, %dma_start3A_140] : memref<1000000x64xf32, #tpu.memory_space<hbm>> -> memref<1x64xf32, #tpu.memory_space<hbm>>
    %dma_start3A_142 = tpu.memref_squeeze %dma_start3A_141 : memref<1x64xf32, #tpu.memory_space<hbm>> -> memref<64xf32, #tpu.memory_space<hbm>>
    %dma_start3A_143 = arith.constant 0 : i32
    %dma_start3A_144 = tpu.memref_slice %arg11[%dma_start3A_136, %dma_start3A_143] : memref<32x128xf32, #tpu.memory_space<vmem>> -> memref<1x64xf32, #tpu.memory_space<vmem>>
    %dma_start3A_145 = tpu.memref_squeeze %dma_start3A_144 : memref<1x64xf32, #tpu.memory_space<vmem>> -> memref<64xf32, #tpu.memory_space<vmem>>
    %dma_start3A_146 = arith.constant 0 : i32
    %dma_start3A_147 = tpu.memref_slice %arg5[%squeeze3A_135, %dma_start3A_146] : memref<1000000x64xf32, #tpu.memory_space<hbm>> -> memref<1x64xf32, #tpu.memory_space<hbm>>
    %dma_start3A_148 = tpu.memref_squeeze %dma_start3A_147 : memref<1x64xf32, #tpu.memory_space<hbm>> -> memref<64xf32, #tpu.memory_space<hbm>>
    tpu.enqueue_dma source(%dma_start3A_148 : memref<64xf32, #tpu.memory_space<hbm>>) target(%dma_start3A_145 : memref<64xf32, #tpu.memory_space<vmem>>) target_semaphore(%arg17 : memref<!tpu.dma_semaphore, #tpu.memory_space<semaphore_mem>>)
    %slice3A_149 = vector.extract_strided_slice %get3A_30 {offsets = [8], sizes = [1], strides = [1]} : vector<16xi32> to vector<1xi32>
    %squeeze3A_150 = vector.extract %slice3A_149[0] : i32 from vector<1xi32>
    %dma_start3A_151 = arith.constant 8 : i32
    %dma_start3A_152 = arith.constant 0 : i32
    %dma_start3A_153 = tpu.memref_slice %arg11[%dma_start3A_151, %dma_start3A_152] : memref<32x128xf32, #tpu.memory_space<vmem>> -> memref<1x64xf32, #tpu.memory_space<vmem>>
    %dma_start3A_154 = tpu.memref_squeeze %dma_start3A_153 : memref<1x64xf32, #tpu.memory_space<vmem>> -> memref<64xf32, #tpu.memory_space<vmem>>
    %dma_start3A_155 = arith.constant 0 : i32
    %dma_start3A_156 = tpu.memref_slice %arg5[%squeeze3A_150, %dma_start3A_155] : memref<1000000x64xf32, #tpu.memory_space<hbm>> -> memref<1x64xf32, #tpu.memory_space<hbm>>
    %dma_start3A_157 = tpu.memref_squeeze %dma_start3A_156 : memref<1x64xf32, #tpu.memory_space<hbm>> -> memref<64xf32, #tpu.memory_space<hbm>>
    %dma_start3A_158 = arith.constant 0 : i32
    %dma_start3A_159 = tpu.memref_slice %arg11[%dma_start3A_151, %dma_start3A_158] : memref<32x128xf32, #tpu.memory_space<vmem>> -> memref<1x64xf32, #tpu.memory_space<vmem>>
    %dma_start3A_160 = tpu.memref_squeeze %dma_start3A_159 : memref<1x64xf32, #tpu.memory_space<vmem>> -> memref<64xf32, #tpu.memory_space<vmem>>
    %dma_start3A_161 = arith.constant 0 : i32
    %dma_start3A_162 = tpu.memref_slice %arg5[%squeeze3A_150, %dma_start3A_161] : memref<1000000x64xf32, #tpu.memory_space<hbm>> -> memref<1x64xf32, #tpu.memory_space<hbm>>
    %dma_start3A_163 = tpu.memref_squeeze %dma_start3A_162 : memref<1x64xf32, #tpu.memory_space<hbm>> -> memref<64xf32, #tpu.memory_space<hbm>>
    tpu.enqueue_dma source(%dma_start3A_163 : memref<64xf32, #tpu.memory_space<hbm>>) target(%dma_start3A_160 : memref<64xf32, #tpu.memory_space<vmem>>) target_semaphore(%arg17 : memref<!tpu.dma_semaphore, #tpu.memory_space<semaphore_mem>>)
    %slice3A_164 = vector.extract_strided_slice %get3A_30 {offsets = [9], sizes = [1], strides = [1]} : vector<16xi32> to vector<1xi32>
    %squeeze3A_165 = vector.extract %slice3A_164[0] : i32 from vector<1xi32>
    %dma_start3A_166 = arith.constant 9 : i32
    %dma_start3A_167 = arith.constant 0 : i32
    %dma_start3A_168 = tpu.memref_slice %arg11[%dma_start3A_166, %dma_start3A_167] : memref<32x128xf32, #tpu.memory_space<vmem>> -> memref<1x64xf32, #tpu.memory_space<vmem>>
    %dma_start3A_169 = tpu.memref_squeeze %dma_start3A_168 : memref<1x64xf32, #tpu.memory_space<vmem>> -> memref<64xf32, #tpu.memory_space<vmem>>
    %dma_start3A_170 = arith.constant 0 : i32
    %dma_start3A_171 = tpu.memref_slice %arg5[%squeeze3A_165, %dma_start3A_170] : memref<1000000x64xf32, #tpu.memory_space<hbm>> -> memref<1x64xf32, #tpu.memory_space<hbm>>
    %dma_start3A_172 = tpu.memref_squeeze %dma_start3A_171 : memref<1x64xf32, #tpu.memory_space<hbm>> -> memref<64xf32, #tpu.memory_space<hbm>>
    %dma_start3A_173 = arith.constant 0 : i32
    %dma_start3A_174 = tpu.memref_slice %arg11[%dma_start3A_166, %dma_start3A_173] : memref<32x128xf32, #tpu.memory_space<vmem>> -> memref<1x64xf32, #tpu.memory_space<vmem>>
    %dma_start3A_175 = tpu.memref_squeeze %dma_start3A_174 : memref<1x64xf32, #tpu.memory_space<vmem>> -> memref<64xf32, #tpu.memory_space<vmem>>
    %dma_start3A_176 = arith.constant 0 : i32
    %dma_start3A_177 = tpu.memref_slice %arg5[%squeeze3A_165, %dma_start3A_176] : memref<1000000x64xf32, #tpu.memory_space<hbm>> -> memref<1x64xf32, #tpu.memory_space<hbm>>
    %dma_start3A_178 = tpu.memref_squeeze %dma_start3A_177 : memref<1x64xf32, #tpu.memory_space<hbm>> -> memref<64xf32, #tpu.memory_space<hbm>>
    tpu.enqueue_dma source(%dma_start3A_178 : memref<64xf32, #tpu.memory_space<hbm>>) target(%dma_start3A_175 : memref<64xf32, #tpu.memory_space<vmem>>) target_semaphore(%arg17 : memref<!tpu.dma_semaphore, #tpu.memory_space<semaphore_mem>>)
    %slice3A_179 = vector.extract_strided_slice %get3A_30 {offsets = [10], sizes = [1], strides = [1]} : vector<16xi32> to vector<1xi32>
    %squeeze3A_180 = vector.extract %slice3A_179[0] : i32 from vector<1xi32>
    %dma_start3A_181 = arith.constant 10 : i32
    %dma_start3A_182 = arith.constant 0 : i32
    %dma_start3A_183 = tpu.memref_slice %arg11[%dma_start3A_181, %dma_start3A_182] : memref<32x128xf32, #tpu.memory_space<vmem>> -> memref<1x64xf32, #tpu.memory_space<vmem>>
    %dma_start3A_184 = tpu.memref_squeeze %dma_start3A_183 : memref<1x64xf32, #tpu.memory_space<vmem>> -> memref<64xf32, #tpu.memory_space<vmem>>
    %dma_start3A_185 = arith.constant 0 : i32
    %dma_start3A_186 = tpu.memref_slice %arg5[%squeeze3A_180, %dma_start3A_185] : memref<1000000x64xf32, #tpu.memory_space<hbm>> -> memref<1x64xf32, #tpu.memory_space<hbm>>
    %dma_start3A_187 = tpu.memref_squeeze %dma_start3A_186 : memref<1x64xf32, #tpu.memory_space<hbm>> -> memref<64xf32, #tpu.memory_space<hbm>>
    %dma_start3A_188 = arith.constant 0 : i32
    %dma_start3A_189 = tpu.memref_slice %arg11[%dma_start3A_181, %dma_start3A_188] : memref<32x128xf32, #tpu.memory_space<vmem>> -> memref<1x64xf32, #tpu.memory_space<vmem>>
    %dma_start3A_190 = tpu.memref_squeeze %dma_start3A_189 : memref<1x64xf32, #tpu.memory_space<vmem>> -> memref<64xf32, #tpu.memory_space<vmem>>
    %dma_start3A_191 = arith.constant 0 : i32
    %dma_start3A_192 = tpu.memref_slice %arg5[%squeeze3A_180, %dma_start3A_191] : memref<1000000x64xf32, #tpu.memory_space<hbm>> -> memref<1x64xf32, #tpu.memory_space<hbm>>
    %dma_start3A_193 = tpu.memref_squeeze %dma_start3A_192 : memref<1x64xf32, #tpu.memory_space<hbm>> -> memref<64xf32, #tpu.memory_space<hbm>>
    tpu.enqueue_dma source(%dma_start3A_193 : memref<64xf32, #tpu.memory_space<hbm>>) target(%dma_start3A_190 : memref<64xf32, #tpu.memory_space<vmem>>) target_semaphore(%arg17 : memref<!tpu.dma_semaphore, #tpu.memory_space<semaphore_mem>>)
    %slice3A_194 = vector.extract_strided_slice %get3A_30 {offsets = [11], sizes = [1], strides = [1]} : vector<16xi32> to vector<1xi32>
    %squeeze3A_195 = vector.extract %slice3A_194[0] : i32 from vector<1xi32>
    %dma_start3A_196 = arith.constant 11 : i32
    %dma_start3A_197 = arith.constant 0 : i32
    %dma_start3A_198 = tpu.memref_slice %arg11[%dma_start3A_196, %dma_start3A_197] : memref<32x128xf32, #tpu.memory_space<vmem>> -> memref<1x64xf32, #tpu.memory_space<vmem>>
    %dma_start3A_199 = tpu.memref_squeeze %dma_start3A_198 : memref<1x64xf32, #tpu.memory_space<vmem>> -> memref<64xf32, #tpu.memory_space<vmem>>
    %dma_start3A_200 = arith.constant 0 : i32
    %dma_start3A_201 = tpu.memref_slice %arg5[%squeeze3A_195, %dma_start3A_200] : memref<1000000x64xf32, #tpu.memory_space<hbm>> -> memref<1x64xf32, #tpu.memory_space<hbm>>
    %dma_start3A_202 = tpu.memref_squeeze %dma_start3A_201 : memref<1x64xf32, #tpu.memory_space<hbm>> -> memref<64xf32, #tpu.memory_space<hbm>>
    %dma_start3A_203 = arith.constant 0 : i32
    %dma_start3A_204 = tpu.memref_slice %arg11[%dma_start3A_196, %dma_start3A_203] : memref<32x128xf32, #tpu.memory_space<vmem>> -> memref<1x64xf32, #tpu.memory_space<vmem>>
    %dma_start3A_205 = tpu.memref_squeeze %dma_start3A_204 : memref<1x64xf32, #tpu.memory_space<vmem>> -> memref<64xf32, #tpu.memory_space<vmem>>
    %dma_start3A_206 = arith.constant 0 : i32
    %dma_start3A_207 = tpu.memref_slice %arg5[%squeeze3A_195, %dma_start3A_206] : memref<1000000x64xf32, #tpu.memory_space<hbm>> -> memref<1x64xf32, #tpu.memory_space<hbm>>
    %dma_start3A_208 = tpu.memref_squeeze %dma_start3A_207 : memref<1x64xf32, #tpu.memory_space<hbm>> -> memref<64xf32, #tpu.memory_space<hbm>>
    tpu.enqueue_dma source(%dma_start3A_208 : memref<64xf32, #tpu.memory_space<hbm>>) target(%dma_start3A_205 : memref<64xf32, #tpu.memory_space<vmem>>) target_semaphore(%arg17 : memref<!tpu.dma_semaphore, #tpu.memory_space<semaphore_mem>>)
    %slice3A_209 = vector.extract_strided_slice %get3A_30 {offsets = [12], sizes = [1], strides = [1]} : vector<16xi32> to vector<1xi32>
    %squeeze3A_210 = vector.extract %slice3A_209[0] : i32 from vector<1xi32>
    %dma_start3A_211 = arith.constant 12 : i32
    %dma_start3A_212 = arith.constant 0 : i32
    %dma_start3A_213 = tpu.memref_slice %arg11[%dma_start3A_211, %dma_start3A_212] : memref<32x128xf32, #tpu.memory_space<vmem>> -> memref<1x64xf32, #tpu.memory_space<vmem>>
    %dma_start3A_214 = tpu.memref_squeeze %dma_start3A_213 : memref<1x64xf32, #tpu.memory_space<vmem>> -> memref<64xf32, #tpu.memory_space<vmem>>
    %dma_start3A_215 = arith.constant 0 : i32
    %dma_start3A_216 = tpu.memref_slice %arg5[%squeeze3A_210, %dma_start3A_215] : memref<1000000x64xf32, #tpu.memory_space<hbm>> -> memref<1x64xf32, #tpu.memory_space<hbm>>
    %dma_start3A_217 = tpu.memref_squeeze %dma_start3A_216 : memref<1x64xf32, #tpu.memory_space<hbm>> -> memref<64xf32, #tpu.memory_space<hbm>>
    %dma_start3A_218 = arith.constant 0 : i32
    %dma_start3A_219 = tpu.memref_slice %arg11[%dma_start3A_211, %dma_start3A_218] : memref<32x128xf32, #tpu.memory_space<vmem>> -> memref<1x64xf32, #tpu.memory_space<vmem>>
    %dma_start3A_220 = tpu.memref_squeeze %dma_start3A_219 : memref<1x64xf32, #tpu.memory_space<vmem>> -> memref<64xf32, #tpu.memory_space<vmem>>
    %dma_start3A_221 = arith.constant 0 : i32
    %dma_start3A_222 = tpu.memref_slice %arg5[%squeeze3A_210, %dma_start3A_221] : memref<1000000x64xf32, #tpu.memory_space<hbm>> -> memref<1x64xf32, #tpu.memory_space<hbm>>
    %dma_start3A_223 = tpu.memref_squeeze %dma_start3A_222 : memref<1x64xf32, #tpu.memory_space<hbm>> -> memref<64xf32, #tpu.memory_space<hbm>>
    tpu.enqueue_dma source(%dma_start3A_223 : memref<64xf32, #tpu.memory_space<hbm>>) target(%dma_start3A_220 : memref<64xf32, #tpu.memory_space<vmem>>) target_semaphore(%arg17 : memref<!tpu.dma_semaphore, #tpu.memory_space<semaphore_mem>>)
    %slice3A_224 = vector.extract_strided_slice %get3A_30 {offsets = [13], sizes = [1], strides = [1]} : vector<16xi32> to vector<1xi32>
    %squeeze3A_225 = vector.extract %slice3A_224[0] : i32 from vector<1xi32>
    %dma_start3A_226 = arith.constant 13 : i32
    %dma_start3A_227 = arith.constant 0 : i32
    %dma_start3A_228 = tpu.memref_slice %arg11[%dma_start3A_226, %dma_start3A_227] : memref<32x128xf32, #tpu.memory_space<vmem>> -> memref<1x64xf32, #tpu.memory_space<vmem>>
    %dma_start3A_229 = tpu.memref_squeeze %dma_start3A_228 : memref<1x64xf32, #tpu.memory_space<vmem>> -> memref<64xf32, #tpu.memory_space<vmem>>
    %dma_start3A_230 = arith.constant 0 : i32
    %dma_start3A_231 = tpu.memref_slice %arg5[%squeeze3A_225, %dma_start3A_230] : memref<1000000x64xf32, #tpu.memory_space<hbm>> -> memref<1x64xf32, #tpu.memory_space<hbm>>
    %dma_start3A_232 = tpu.memref_squeeze %dma_start3A_231 : memref<1x64xf32, #tpu.memory_space<hbm>> -> memref<64xf32, #tpu.memory_space<hbm>>
    %dma_start3A_233 = arith.constant 0 : i32
    %dma_start3A_234 = tpu.memref_slice %arg11[%dma_start3A_226, %dma_start3A_233] : memref<32x128xf32, #tpu.memory_space<vmem>> -> memref<1x64xf32, #tpu.memory_space<vmem>>
    %dma_start3A_235 = tpu.memref_squeeze %dma_start3A_234 : memref<1x64xf32, #tpu.memory_space<vmem>> -> memref<64xf32, #tpu.memory_space<vmem>>
    %dma_start3A_236 = arith.constant 0 : i32
    %dma_start3A_237 = tpu.memref_slice %arg5[%squeeze3A_225, %dma_start3A_236] : memref<1000000x64xf32, #tpu.memory_space<hbm>> -> memref<1x64xf32, #tpu.memory_space<hbm>>
    %dma_start3A_238 = tpu.memref_squeeze %dma_start3A_237 : memref<1x64xf32, #tpu.memory_space<hbm>> -> memref<64xf32, #tpu.memory_space<hbm>>
    tpu.enqueue_dma source(%dma_start3A_238 : memref<64xf32, #tpu.memory_space<hbm>>) target(%dma_start3A_235 : memref<64xf32, #tpu.memory_space<vmem>>) target_semaphore(%arg17 : memref<!tpu.dma_semaphore, #tpu.memory_space<semaphore_mem>>)
    %slice3A_239 = vector.extract_strided_slice %get3A_30 {offsets = [14], sizes = [1], strides = [1]} : vector<16xi32> to vector<1xi32>
    %squeeze3A_240 = vector.extract %slice3A_239[0] : i32 from vector<1xi32>
    %dma_start3A_241 = arith.constant 14 : i32
    %dma_start3A_242 = arith.constant 0 : i32
    %dma_start3A_243 = tpu.memref_slice %arg11[%dma_start3A_241, %dma_start3A_242] : memref<32x128xf32, #tpu.memory_space<vmem>> -> memref<1x64xf32, #tpu.memory_space<vmem>>
    %dma_start3A_244 = tpu.memref_squeeze %dma_start3A_243 : memref<1x64xf32, #tpu.memory_space<vmem>> -> memref<64xf32, #tpu.memory_space<vmem>>
    %dma_start3A_245 = arith.constant 0 : i32
    %dma_start3A_246 = tpu.memref_slice %arg5[%squeeze3A_240, %dma_start3A_245] : memref<1000000x64xf32, #tpu.memory_space<hbm>> -> memref<1x64xf32, #tpu.memory_space<hbm>>
    %dma_start3A_247 = tpu.memref_squeeze %dma_start3A_246 : memref<1x64xf32, #tpu.memory_space<hbm>> -> memref<64xf32, #tpu.memory_space<hbm>>
    %dma_start3A_248 = arith.constant 0 : i32
    %dma_start3A_249 = tpu.memref_slice %arg11[%dma_start3A_241, %dma_start3A_248] : memref<32x128xf32, #tpu.memory_space<vmem>> -> memref<1x64xf32, #tpu.memory_space<vmem>>
    %dma_start3A_250 = tpu.memref_squeeze %dma_start3A_249 : memref<1x64xf32, #tpu.memory_space<vmem>> -> memref<64xf32, #tpu.memory_space<vmem>>
    %dma_start3A_251 = arith.constant 0 : i32
    %dma_start3A_252 = tpu.memref_slice %arg5[%squeeze3A_240, %dma_start3A_251] : memref<1000000x64xf32, #tpu.memory_space<hbm>> -> memref<1x64xf32, #tpu.memory_space<hbm>>
    %dma_start3A_253 = tpu.memref_squeeze %dma_start3A_252 : memref<1x64xf32, #tpu.memory_space<hbm>> -> memref<64xf32, #tpu.memory_space<hbm>>
    tpu.enqueue_dma source(%dma_start3A_253 : memref<64xf32, #tpu.memory_space<hbm>>) target(%dma_start3A_250 : memref<64xf32, #tpu.memory_space<vmem>>) target_semaphore(%arg17 : memref<!tpu.dma_semaphore, #tpu.memory_space<semaphore_mem>>)
    %slice3A_254 = vector.extract_strided_slice %get3A_30 {offsets = [15], sizes = [1], strides = [1]} : vector<16xi32> to vector<1xi32>
    %squeeze3A_255 = vector.extract %slice3A_254[0] : i32 from vector<1xi32>
    %dma_start3A_256 = arith.constant 15 : i32
    %dma_start3A_257 = arith.constant 0 : i32
    %dma_start3A_258 = tpu.memref_slice %arg11[%dma_start3A_256, %dma_start3A_257] : memref<32x128xf32, #tpu.memory_space<vmem>> -> memref<1x64xf32, #tpu.memory_space<vmem>>
    %dma_start3A_259 = tpu.memref_squeeze %dma_start3A_258 : memref<1x64xf32, #tpu.memory_space<vmem>> -> memref<64xf32, #tpu.memory_space<vmem>>
    %dma_start3A_260 = arith.constant 0 : i32
    %dma_start3A_261 = tpu.memref_slice %arg5[%squeeze3A_255, %dma_start3A_260] : memref<1000000x64xf32, #tpu.memory_space<hbm>> -> memref<1x64xf32, #tpu.memory_space<hbm>>
    %dma_start3A_262 = tpu.memref_squeeze %dma_start3A_261 : memref<1x64xf32, #tpu.memory_space<hbm>> -> memref<64xf32, #tpu.memory_space<hbm>>
    %dma_start3A_263 = arith.constant 0 : i32
    %dma_start3A_264 = tpu.memref_slice %arg11[%dma_start3A_256, %dma_start3A_263] : memref<32x128xf32, #tpu.memory_space<vmem>> -> memref<1x64xf32, #tpu.memory_space<vmem>>
    %dma_start3A_265 = tpu.memref_squeeze %dma_start3A_264 : memref<1x64xf32, #tpu.memory_space<vmem>> -> memref<64xf32, #tpu.memory_space<vmem>>
    %dma_start3A_266 = arith.constant 0 : i32
    %dma_start3A_267 = tpu.memref_slice %arg5[%squeeze3A_255, %dma_start3A_266] : memref<1000000x64xf32, #tpu.memory_space<hbm>> -> memref<1x64xf32, #tpu.memory_space<hbm>>
    %dma_start3A_268 = tpu.memref_squeeze %dma_start3A_267 : memref<1x64xf32, #tpu.memory_space<hbm>> -> memref<64xf32, #tpu.memory_space<hbm>>
    tpu.enqueue_dma source(%dma_start3A_268 : memref<64xf32, #tpu.memory_space<hbm>>) target(%dma_start3A_265 : memref<64xf32, #tpu.memory_space<vmem>>) target_semaphore(%arg17 : memref<!tpu.dma_semaphore, #tpu.memory_space<semaphore_mem>>)
    %dma_wait3A = arith.constant 0 : i32
    %dma_wait3A_269 = arith.constant 0 : i32
    %dma_wait3A_270 = tpu.memref_slice %arg11[%dma_wait3A, %dma_wait3A_269] : memref<32x128xf32, #tpu.memory_space<vmem>> -> memref<1x64xf32, #tpu.memory_space<vmem>>
    %dma_wait3A_271 = tpu.memref_squeeze %dma_wait3A_270 : memref<1x64xf32, #tpu.memory_space<vmem>> -> memref<64xf32, #tpu.memory_space<vmem>>
    %dma_wait3A_272 = arith.constant 0 : i32
    %dma_wait3A_273 = tpu.memref_slice %arg5[%squeeze3A, %dma_wait3A_272] : memref<1000000x64xf32, #tpu.memory_space<hbm>> -> memref<1x64xf32, #tpu.memory_space<hbm>>
    %dma_wait3A_274 = tpu.memref_squeeze %dma_wait3A_273 : memref<1x64xf32, #tpu.memory_space<hbm>> -> memref<64xf32, #tpu.memory_space<hbm>>
    %dma_wait3A_275 = arith.constant 0 : i32
    %dma_wait3A_276 = tpu.memref_slice %arg11[%dma_wait3A, %dma_wait3A_275] : memref<32x128xf32, #tpu.memory_space<vmem>> -> memref<1x64xf32, #tpu.memory_space<vmem>>
    %dma_wait3A_277 = tpu.memref_squeeze %dma_wait3A_276 : memref<1x64xf32, #tpu.memory_space<vmem>> -> memref<64xf32, #tpu.memory_space<vmem>>
    %dma_wait3A_278 = arith.constant 0 : i32
    %dma_wait3A_279 = tpu.memref_slice %arg5[%squeeze3A, %dma_wait3A_278] : memref<1000000x64xf32, #tpu.memory_space<hbm>> -> memref<1x64xf32, #tpu.memory_space<hbm>>
    %dma_wait3A_280 = tpu.memref_squeeze %dma_wait3A_279 : memref<1x64xf32, #tpu.memory_space<hbm>> -> memref<64xf32, #tpu.memory_space<hbm>>
    tpu.wait_dma2 semaphore(%arg17 : memref<!tpu.dma_semaphore, #tpu.memory_space<semaphore_mem>>) src(%dma_wait3A_280 : memref<64xf32, #tpu.memory_space<hbm>>) dst(%dma_wait3A_277 : memref<64xf32, #tpu.memory_space<vmem>>)
    %dma_wait3A_281 = arith.constant 1 : i32
    %dma_wait3A_282 = arith.constant 0 : i32
    %dma_wait3A_283 = tpu.memref_slice %arg11[%dma_wait3A_281, %dma_wait3A_282] : memref<32x128xf32, #tpu.memory_space<vmem>> -> memref<1x64xf32, #tpu.memory_space<vmem>>
    %dma_wait3A_284 = tpu.memref_squeeze %dma_wait3A_283 : memref<1x64xf32, #tpu.memory_space<vmem>> -> memref<64xf32, #tpu.memory_space<vmem>>
    %dma_wait3A_285 = arith.constant 0 : i32
    %dma_wait3A_286 = tpu.memref_slice %arg5[%squeeze3A_45, %dma_wait3A_285] : memref<1000000x64xf32, #tpu.memory_space<hbm>> -> memref<1x64xf32, #tpu.memory_space<hbm>>
    %dma_wait3A_287 = tpu.memref_squeeze %dma_wait3A_286 : memref<1x64xf32, #tpu.memory_space<hbm>> -> memref<64xf32, #tpu.memory_space<hbm>>
    %dma_wait3A_288 = arith.constant 0 : i32
    %dma_wait3A_289 = tpu.memref_slice %arg11[%dma_wait3A_281, %dma_wait3A_288] : memref<32x128xf32, #tpu.memory_space<vmem>> -> memref<1x64xf32, #tpu.memory_space<vmem>>
    %dma_wait3A_290 = tpu.memref_squeeze %dma_wait3A_289 : memref<1x64xf32, #tpu.memory_space<vmem>> -> memref<64xf32, #tpu.memory_space<vmem>>
    %dma_wait3A_291 = arith.constant 0 : i32
    %dma_wait3A_292 = tpu.memref_slice %arg5[%squeeze3A_45, %dma_wait3A_291] : memref<1000000x64xf32, #tpu.memory_space<hbm>> -> memref<1x64xf32, #tpu.memory_space<hbm>>
    %dma_wait3A_293 = tpu.memref_squeeze %dma_wait3A_292 : memref<1x64xf32, #tpu.memory_space<hbm>> -> memref<64xf32, #tpu.memory_space<hbm>>
    tpu.wait_dma2 semaphore(%arg17 : memref<!tpu.dma_semaphore, #tpu.memory_space<semaphore_mem>>) src(%dma_wait3A_293 : memref<64xf32, #tpu.memory_space<hbm>>) dst(%dma_wait3A_290 : memref<64xf32, #tpu.memory_space<vmem>>)
    %dma_wait3A_294 = arith.constant 2 : i32
    %dma_wait3A_295 = arith.constant 0 : i32
    %dma_wait3A_296 = tpu.memref_slice %arg11[%dma_wait3A_294, %dma_wait3A_295] : memref<32x128xf32, #tpu.memory_space<vmem>> -> memref<1x64xf32, #tpu.memory_space<vmem>>
    %dma_wait3A_297 = tpu.memref_squeeze %dma_wait3A_296 : memref<1x64xf32, #tpu.memory_space<vmem>> -> memref<64xf32, #tpu.memory_space<vmem>>
    %dma_wait3A_298 = arith.constant 0 : i32
    %dma_wait3A_299 = tpu.memref_slice %arg5[%squeeze3A_60, %dma_wait3A_298] : memref<1000000x64xf32, #tpu.memory_space<hbm>> -> memref<1x64xf32, #tpu.memory_space<hbm>>
    %dma_wait3A_300 = tpu.memref_squeeze %dma_wait3A_299 : memref<1x64xf32, #tpu.memory_space<hbm>> -> memref<64xf32, #tpu.memory_space<hbm>>
    %dma_wait3A_301 = arith.constant 0 : i32
    %dma_wait3A_302 = tpu.memref_slice %arg11[%dma_wait3A_294, %dma_wait3A_301] : memref<32x128xf32, #tpu.memory_space<vmem>> -> memref<1x64xf32, #tpu.memory_space<vmem>>
    %dma_wait3A_303 = tpu.memref_squeeze %dma_wait3A_302 : memref<1x64xf32, #tpu.memory_space<vmem>> -> memref<64xf32, #tpu.memory_space<vmem>>
    %dma_wait3A_304 = arith.constant 0 : i32
    %dma_wait3A_305 = tpu.memref_slice %arg5[%squeeze3A_60, %dma_wait3A_304] : memref<1000000x64xf32, #tpu.memory_space<hbm>> -> memref<1x64xf32, #tpu.memory_space<hbm>>
    %dma_wait3A_306 = tpu.memref_squeeze %dma_wait3A_305 : memref<1x64xf32, #tpu.memory_space<hbm>> -> memref<64xf32, #tpu.memory_space<hbm>>
    tpu.wait_dma2 semaphore(%arg17 : memref<!tpu.dma_semaphore, #tpu.memory_space<semaphore_mem>>) src(%dma_wait3A_306 : memref<64xf32, #tpu.memory_space<hbm>>) dst(%dma_wait3A_303 : memref<64xf32, #tpu.memory_space<vmem>>)
    %dma_wait3A_307 = arith.constant 3 : i32
    %dma_wait3A_308 = arith.constant 0 : i32
    %dma_wait3A_309 = tpu.memref_slice %arg11[%dma_wait3A_307, %dma_wait3A_308] : memref<32x128xf32, #tpu.memory_space<vmem>> -> memref<1x64xf32, #tpu.memory_space<vmem>>
    %dma_wait3A_310 = tpu.memref_squeeze %dma_wait3A_309 : memref<1x64xf32, #tpu.memory_space<vmem>> -> memref<64xf32, #tpu.memory_space<vmem>>
    %dma_wait3A_311 = arith.constant 0 : i32
    %dma_wait3A_312 = tpu.memref_slice %arg5[%squeeze3A_75, %dma_wait3A_311] : memref<1000000x64xf32, #tpu.memory_space<hbm>> -> memref<1x64xf32, #tpu.memory_space<hbm>>
    %dma_wait3A_313 = tpu.memref_squeeze %dma_wait3A_312 : memref<1x64xf32, #tpu.memory_space<hbm>> -> memref<64xf32, #tpu.memory_space<hbm>>
    %dma_wait3A_314 = arith.constant 0 : i32
    %dma_wait3A_315 = tpu.memref_slice %arg11[%dma_wait3A_307, %dma_wait3A_314] : memref<32x128xf32, #tpu.memory_space<vmem>> -> memref<1x64xf32, #tpu.memory_space<vmem>>
    %dma_wait3A_316 = tpu.memref_squeeze %dma_wait3A_315 : memref<1x64xf32, #tpu.memory_space<vmem>> -> memref<64xf32, #tpu.memory_space<vmem>>
    %dma_wait3A_317 = arith.constant 0 : i32
    %dma_wait3A_318 = tpu.memref_slice %arg5[%squeeze3A_75, %dma_wait3A_317] : memref<1000000x64xf32, #tpu.memory_space<hbm>> -> memref<1x64xf32, #tpu.memory_space<hbm>>
    %dma_wait3A_319 = tpu.memref_squeeze %dma_wait3A_318 : memref<1x64xf32, #tpu.memory_space<hbm>> -> memref<64xf32, #tpu.memory_space<hbm>>
    tpu.wait_dma2 semaphore(%arg17 : memref<!tpu.dma_semaphore, #tpu.memory_space<semaphore_mem>>) src(%dma_wait3A_319 : memref<64xf32, #tpu.memory_space<hbm>>) dst(%dma_wait3A_316 : memref<64xf32, #tpu.memory_space<vmem>>)
    %dma_wait3A_320 = arith.constant 4 : i32
    %dma_wait3A_321 = arith.constant 0 : i32
    %dma_wait3A_322 = tpu.memref_slice %arg11[%dma_wait3A_320, %dma_wait3A_321] : memref<32x128xf32, #tpu.memory_space<vmem>> -> memref<1x64xf32, #tpu.memory_space<vmem>>
    %dma_wait3A_323 = tpu.memref_squeeze %dma_wait3A_322 : memref<1x64xf32, #tpu.memory_space<vmem>> -> memref<64xf32, #tpu.memory_space<vmem>>
    %dma_wait3A_324 = arith.constant 0 : i32
    %dma_wait3A_325 = tpu.memref_slice %arg5[%squeeze3A_90, %dma_wait3A_324] : memref<1000000x64xf32, #tpu.memory_space<hbm>> -> memref<1x64xf32, #tpu.memory_space<hbm>>
    %dma_wait3A_326 = tpu.memref_squeeze %dma_wait3A_325 : memref<1x64xf32, #tpu.memory_space<hbm>> -> memref<64xf32, #tpu.memory_space<hbm>>
    %dma_wait3A_327 = arith.constant 0 : i32
    %dma_wait3A_328 = tpu.memref_slice %arg11[%dma_wait3A_320, %dma_wait3A_327] : memref<32x128xf32, #tpu.memory_space<vmem>> -> memref<1x64xf32, #tpu.memory_space<vmem>>
    %dma_wait3A_329 = tpu.memref_squeeze %dma_wait3A_328 : memref<1x64xf32, #tpu.memory_space<vmem>> -> memref<64xf32, #tpu.memory_space<vmem>>
    %dma_wait3A_330 = arith.constant 0 : i32
    %dma_wait3A_331 = tpu.memref_slice %arg5[%squeeze3A_90, %dma_wait3A_330] : memref<1000000x64xf32, #tpu.memory_space<hbm>> -> memref<1x64xf32, #tpu.memory_space<hbm>>
    %dma_wait3A_332 = tpu.memref_squeeze %dma_wait3A_331 : memref<1x64xf32, #tpu.memory_space<hbm>> -> memref<64xf32, #tpu.memory_space<hbm>>
    tpu.wait_dma2 semaphore(%arg17 : memref<!tpu.dma_semaphore, #tpu.memory_space<semaphore_mem>>) src(%dma_wait3A_332 : memref<64xf32, #tpu.memory_space<hbm>>) dst(%dma_wait3A_329 : memref<64xf32, #tpu.memory_space<vmem>>)
    %dma_wait3A_333 = arith.constant 5 : i32
    %dma_wait3A_334 = arith.constant 0 : i32
    %dma_wait3A_335 = tpu.memref_slice %arg11[%dma_wait3A_333, %dma_wait3A_334] : memref<32x128xf32, #tpu.memory_space<vmem>> -> memref<1x64xf32, #tpu.memory_space<vmem>>
    %dma_wait3A_336 = tpu.memref_squeeze %dma_wait3A_335 : memref<1x64xf32, #tpu.memory_space<vmem>> -> memref<64xf32, #tpu.memory_space<vmem>>
    %dma_wait3A_337 = arith.constant 0 : i32
    %dma_wait3A_338 = tpu.memref_slice %arg5[%squeeze3A_105, %dma_wait3A_337] : memref<1000000x64xf32, #tpu.memory_space<hbm>> -> memref<1x64xf32, #tpu.memory_space<hbm>>
    %dma_wait3A_339 = tpu.memref_squeeze %dma_wait3A_338 : memref<1x64xf32, #tpu.memory_space<hbm>> -> memref<64xf32, #tpu.memory_space<hbm>>
    %dma_wait3A_340 = arith.constant 0 : i32
    %dma_wait3A_341 = tpu.memref_slice %arg11[%dma_wait3A_333, %dma_wait3A_340] : memref<32x128xf32, #tpu.memory_space<vmem>> -> memref<1x64xf32, #tpu.memory_space<vmem>>
    %dma_wait3A_342 = tpu.memref_squeeze %dma_wait3A_341 : memref<1x64xf32, #tpu.memory_space<vmem>> -> memref<64xf32, #tpu.memory_space<vmem>>
    %dma_wait3A_343 = arith.constant 0 : i32
    %dma_wait3A_344 = tpu.memref_slice %arg5[%squeeze3A_105, %dma_wait3A_343] : memref<1000000x64xf32, #tpu.memory_space<hbm>> -> memref<1x64xf32, #tpu.memory_space<hbm>>
    %dma_wait3A_345 = tpu.memref_squeeze %dma_wait3A_344 : memref<1x64xf32, #tpu.memory_space<hbm>> -> memref<64xf32, #tpu.memory_space<hbm>>
    tpu.wait_dma2 semaphore(%arg17 : memref<!tpu.dma_semaphore, #tpu.memory_space<semaphore_mem>>) src(%dma_wait3A_345 : memref<64xf32, #tpu.memory_space<hbm>>) dst(%dma_wait3A_342 : memref<64xf32, #tpu.memory_space<vmem>>)
    %dma_wait3A_346 = arith.constant 6 : i32
    %dma_wait3A_347 = arith.constant 0 : i32
    %dma_wait3A_348 = tpu.memref_slice %arg11[%dma_wait3A_346, %dma_wait3A_347] : memref<32x128xf32, #tpu.memory_space<vmem>> -> memref<1x64xf32, #tpu.memory_space<vmem>>
    %dma_wait3A_349 = tpu.memref_squeeze %dma_wait3A_348 : memref<1x64xf32, #tpu.memory_space<vmem>> -> memref<64xf32, #tpu.memory_space<vmem>>
    %dma_wait3A_350 = arith.constant 0 : i32
    %dma_wait3A_351 = tpu.memref_slice %arg5[%squeeze3A_120, %dma_wait3A_350] : memref<1000000x64xf32, #tpu.memory_space<hbm>> -> memref<1x64xf32, #tpu.memory_space<hbm>>
    %dma_wait3A_352 = tpu.memref_squeeze %dma_wait3A_351 : memref<1x64xf32, #tpu.memory_space<hbm>> -> memref<64xf32, #tpu.memory_space<hbm>>
    %dma_wait3A_353 = arith.constant 0 : i32
    %dma_wait3A_354 = tpu.memref_slice %arg11[%dma_wait3A_346, %dma_wait3A_353] : memref<32x128xf32, #tpu.memory_space<vmem>> -> memref<1x64xf32, #tpu.memory_space<vmem>>
    %dma_wait3A_355 = tpu.memref_squeeze %dma_wait3A_354 : memref<1x64xf32, #tpu.memory_space<vmem>> -> memref<64xf32, #tpu.memory_space<vmem>>
    %dma_wait3A_356 = arith.constant 0 : i32
    %dma_wait3A_357 = tpu.memref_slice %arg5[%squeeze3A_120, %dma_wait3A_356] : memref<1000000x64xf32, #tpu.memory_space<hbm>> -> memref<1x64xf32, #tpu.memory_space<hbm>>
    %dma_wait3A_358 = tpu.memref_squeeze %dma_wait3A_357 : memref<1x64xf32, #tpu.memory_space<hbm>> -> memref<64xf32, #tpu.memory_space<hbm>>
    tpu.wait_dma2 semaphore(%arg17 : memref<!tpu.dma_semaphore, #tpu.memory_space<semaphore_mem>>) src(%dma_wait3A_358 : memref<64xf32, #tpu.memory_space<hbm>>) dst(%dma_wait3A_355 : memref<64xf32, #tpu.memory_space<vmem>>)
    %dma_wait3A_359 = arith.constant 7 : i32
    %dma_wait3A_360 = arith.constant 0 : i32
    %dma_wait3A_361 = tpu.memref_slice %arg11[%dma_wait3A_359, %dma_wait3A_360] : memref<32x128xf32, #tpu.memory_space<vmem>> -> memref<1x64xf32, #tpu.memory_space<vmem>>
    %dma_wait3A_362 = tpu.memref_squeeze %dma_wait3A_361 : memref<1x64xf32, #tpu.memory_space<vmem>> -> memref<64xf32, #tpu.memory_space<vmem>>
    %dma_wait3A_363 = arith.constant 0 : i32
    %dma_wait3A_364 = tpu.memref_slice %arg5[%squeeze3A_135, %dma_wait3A_363] : memref<1000000x64xf32, #tpu.memory_space<hbm>> -> memref<1x64xf32, #tpu.memory_space<hbm>>
    %dma_wait3A_365 = tpu.memref_squeeze %dma_wait3A_364 : memref<1x64xf32, #tpu.memory_space<hbm>> -> memref<64xf32, #tpu.memory_space<hbm>>
    %dma_wait3A_366 = arith.constant 0 : i32
    %dma_wait3A_367 = tpu.memref_slice %arg11[%dma_wait3A_359, %dma_wait3A_366] : memref<32x128xf32, #tpu.memory_space<vmem>> -> memref<1x64xf32, #tpu.memory_space<vmem>>
    %dma_wait3A_368 = tpu.memref_squeeze %dma_wait3A_367 : memref<1x64xf32, #tpu.memory_space<vmem>> -> memref<64xf32, #tpu.memory_space<vmem>>
    %dma_wait3A_369 = arith.constant 0 : i32
    %dma_wait3A_370 = tpu.memref_slice %arg5[%squeeze3A_135, %dma_wait3A_369] : memref<1000000x64xf32, #tpu.memory_space<hbm>> -> memref<1x64xf32, #tpu.memory_space<hbm>>
    %dma_wait3A_371 = tpu.memref_squeeze %dma_wait3A_370 : memref<1x64xf32, #tpu.memory_space<hbm>> -> memref<64xf32, #tpu.memory_space<hbm>>
    tpu.wait_dma2 semaphore(%arg17 : memref<!tpu.dma_semaphore, #tpu.memory_space<semaphore_mem>>) src(%dma_wait3A_371 : memref<64xf32, #tpu.memory_space<hbm>>) dst(%dma_wait3A_368 : memref<64xf32, #tpu.memory_space<vmem>>)
    %dma_wait3A_372 = arith.constant 8 : i32
    %dma_wait3A_373 = arith.constant 0 : i32
    %dma_wait3A_374 = tpu.memref_slice %arg11[%dma_wait3A_372, %dma_wait3A_373] : memref<32x128xf32, #tpu.memory_space<vmem>> -> memref<1x64xf32, #tpu.memory_space<vmem>>
    %dma_wait3A_375 = tpu.memref_squeeze %dma_wait3A_374 : memref<1x64xf32, #tpu.memory_space<vmem>> -> memref<64xf32, #tpu.memory_space<vmem>>
    %dma_wait3A_376 = arith.constant 0 : i32
    %dma_wait3A_377 = tpu.memref_slice %arg5[%squeeze3A_150, %dma_wait3A_376] : memref<1000000x64xf32, #tpu.memory_space<hbm>> -> memref<1x64xf32, #tpu.memory_space<hbm>>
    %dma_wait3A_378 = tpu.memref_squeeze %dma_wait3A_377 : memref<1x64xf32, #tpu.memory_space<hbm>> -> memref<64xf32, #tpu.memory_space<hbm>>
    %dma_wait3A_379 = arith.constant 0 : i32
    %dma_wait3A_380 = tpu.memref_slice %arg11[%dma_wait3A_372, %dma_wait3A_379] : memref<32x128xf32, #tpu.memory_space<vmem>> -> memref<1x64xf32, #tpu.memory_space<vmem>>
    %dma_wait3A_381 = tpu.memref_squeeze %dma_wait3A_380 : memref<1x64xf32, #tpu.memory_space<vmem>> -> memref<64xf32, #tpu.memory_space<vmem>>
    %dma_wait3A_382 = arith.constant 0 : i32
    %dma_wait3A_383 = tpu.memref_slice %arg5[%squeeze3A_150, %dma_wait3A_382] : memref<1000000x64xf32, #tpu.memory_space<hbm>> -> memref<1x64xf32, #tpu.memory_space<hbm>>
    %dma_wait3A_384 = tpu.memref_squeeze %dma_wait3A_383 : memref<1x64xf32, #tpu.memory_space<hbm>> -> memref<64xf32, #tpu.memory_space<hbm>>
    tpu.wait_dma2 semaphore(%arg17 : memref<!tpu.dma_semaphore, #tpu.memory_space<semaphore_mem>>) src(%dma_wait3A_384 : memref<64xf32, #tpu.memory_space<hbm>>) dst(%dma_wait3A_381 : memref<64xf32, #tpu.memory_space<vmem>>)
    %dma_wait3A_385 = arith.constant 9 : i32
    %dma_wait3A_386 = arith.constant 0 : i32
    %dma_wait3A_387 = tpu.memref_slice %arg11[%dma_wait3A_385, %dma_wait3A_386] : memref<32x128xf32, #tpu.memory_space<vmem>> -> memref<1x64xf32, #tpu.memory_space<vmem>>
    %dma_wait3A_388 = tpu.memref_squeeze %dma_wait3A_387 : memref<1x64xf32, #tpu.memory_space<vmem>> -> memref<64xf32, #tpu.memory_space<vmem>>
    %dma_wait3A_389 = arith.constant 0 : i32
    %dma_wait3A_390 = tpu.memref_slice %arg5[%squeeze3A_165, %dma_wait3A_389] : memref<1000000x64xf32, #tpu.memory_space<hbm>> -> memref<1x64xf32, #tpu.memory_space<hbm>>
    %dma_wait3A_391 = tpu.memref_squeeze %dma_wait3A_390 : memref<1x64xf32, #tpu.memory_space<hbm>> -> memref<64xf32, #tpu.memory_space<hbm>>
    %dma_wait3A_392 = arith.constant 0 : i32
    %dma_wait3A_393 = tpu.memref_slice %arg11[%dma_wait3A_385, %dma_wait3A_392] : memref<32x128xf32, #tpu.memory_space<vmem>> -> memref<1x64xf32, #tpu.memory_space<vmem>>
    %dma_wait3A_394 = tpu.memref_squeeze %dma_wait3A_393 : memref<1x64xf32, #tpu.memory_space<vmem>> -> memref<64xf32, #tpu.memory_space<vmem>>
    %dma_wait3A_395 = arith.constant 0 : i32
    %dma_wait3A_396 = tpu.memref_slice %arg5[%squeeze3A_165, %dma_wait3A_395] : memref<1000000x64xf32, #tpu.memory_space<hbm>> -> memref<1x64xf32, #tpu.memory_space<hbm>>
    %dma_wait3A_397 = tpu.memref_squeeze %dma_wait3A_396 : memref<1x64xf32, #tpu.memory_space<hbm>> -> memref<64xf32, #tpu.memory_space<hbm>>
    tpu.wait_dma2 semaphore(%arg17 : memref<!tpu.dma_semaphore, #tpu.memory_space<semaphore_mem>>) src(%dma_wait3A_397 : memref<64xf32, #tpu.memory_space<hbm>>) dst(%dma_wait3A_394 : memref<64xf32, #tpu.memory_space<vmem>>)
    %dma_wait3A_398 = arith.constant 10 : i32
    %dma_wait3A_399 = arith.constant 0 : i32
    %dma_wait3A_400 = tpu.memref_slice %arg11[%dma_wait3A_398, %dma_wait3A_399] : memref<32x128xf32, #tpu.memory_space<vmem>> -> memref<1x64xf32, #tpu.memory_space<vmem>>
    %dma_wait3A_401 = tpu.memref_squeeze %dma_wait3A_400 : memref<1x64xf32, #tpu.memory_space<vmem>> -> memref<64xf32, #tpu.memory_space<vmem>>
    %dma_wait3A_402 = arith.constant 0 : i32
    %dma_wait3A_403 = tpu.memref_slice %arg5[%squeeze3A_180, %dma_wait3A_402] : memref<1000000x64xf32, #tpu.memory_space<hbm>> -> memref<1x64xf32, #tpu.memory_space<hbm>>
    %dma_wait3A_404 = tpu.memref_squeeze %dma_wait3A_403 : memref<1x64xf32, #tpu.memory_space<hbm>> -> memref<64xf32, #tpu.memory_space<hbm>>
    %dma_wait3A_405 = arith.constant 0 : i32
    %dma_wait3A_406 = tpu.memref_slice %arg11[%dma_wait3A_398, %dma_wait3A_405] : memref<32x128xf32, #tpu.memory_space<vmem>> -> memref<1x64xf32, #tpu.memory_space<vmem>>
    %dma_wait3A_407 = tpu.memref_squeeze %dma_wait3A_406 : memref<1x64xf32, #tpu.memory_space<vmem>> -> memref<64xf32, #tpu.memory_space<vmem>>
    %dma_wait3A_408 = arith.constant 0 : i32
    %dma_wait3A_409 = tpu.memref_slice %arg5[%squeeze3A_180, %dma_wait3A_408] : memref<1000000x64xf32, #tpu.memory_space<hbm>> -> memref<1x64xf32, #tpu.memory_space<hbm>>
    %dma_wait3A_410 = tpu.memref_squeeze %dma_wait3A_409 : memref<1x64xf32, #tpu.memory_space<hbm>> -> memref<64xf32, #tpu.memory_space<hbm>>
    tpu.wait_dma2 semaphore(%arg17 : memref<!tpu.dma_semaphore, #tpu.memory_space<semaphore_mem>>) src(%dma_wait3A_410 : memref<64xf32, #tpu.memory_space<hbm>>) dst(%dma_wait3A_407 : memref<64xf32, #tpu.memory_space<vmem>>)
    %dma_wait3A_411 = arith.constant 11 : i32
    %dma_wait3A_412 = arith.constant 0 : i32
    %dma_wait3A_413 = tpu.memref_slice %arg11[%dma_wait3A_411, %dma_wait3A_412] : memref<32x128xf32, #tpu.memory_space<vmem>> -> memref<1x64xf32, #tpu.memory_space<vmem>>
    %dma_wait3A_414 = tpu.memref_squeeze %dma_wait3A_413 : memref<1x64xf32, #tpu.memory_space<vmem>> -> memref<64xf32, #tpu.memory_space<vmem>>
    %dma_wait3A_415 = arith.constant 0 : i32
    %dma_wait3A_416 = tpu.memref_slice %arg5[%squeeze3A_195, %dma_wait3A_415] : memref<1000000x64xf32, #tpu.memory_space<hbm>> -> memref<1x64xf32, #tpu.memory_space<hbm>>
    %dma_wait3A_417 = tpu.memref_squeeze %dma_wait3A_416 : memref<1x64xf32, #tpu.memory_space<hbm>> -> memref<64xf32, #tpu.memory_space<hbm>>
    %dma_wait3A_418 = arith.constant 0 : i32
    %dma_wait3A_419 = tpu.memref_slice %arg11[%dma_wait3A_411, %dma_wait3A_418] : memref<32x128xf32, #tpu.memory_space<vmem>> -> memref<1x64xf32, #tpu.memory_space<vmem>>
    %dma_wait3A_420 = tpu.memref_squeeze %dma_wait3A_419 : memref<1x64xf32, #tpu.memory_space<vmem>> -> memref<64xf32, #tpu.memory_space<vmem>>
    %dma_wait3A_421 = arith.constant 0 : i32
    %dma_wait3A_422 = tpu.memref_slice %arg5[%squeeze3A_195, %dma_wait3A_421] : memref<1000000x64xf32, #tpu.memory_space<hbm>> -> memref<1x64xf32, #tpu.memory_space<hbm>>
    %dma_wait3A_423 = tpu.memref_squeeze %dma_wait3A_422 : memref<1x64xf32, #tpu.memory_space<hbm>> -> memref<64xf32, #tpu.memory_space<hbm>>
    tpu.wait_dma2 semaphore(%arg17 : memref<!tpu.dma_semaphore, #tpu.memory_space<semaphore_mem>>) src(%dma_wait3A_423 : memref<64xf32, #tpu.memory_space<hbm>>) dst(%dma_wait3A_420 : memref<64xf32, #tpu.memory_space<vmem>>)
    %dma_wait3A_424 = arith.constant 12 : i32
    %dma_wait3A_425 = arith.constant 0 : i32
    %dma_wait3A_426 = tpu.memref_slice %arg11[%dma_wait3A_424, %dma_wait3A_425] : memref<32x128xf32, #tpu.memory_space<vmem>> -> memref<1x64xf32, #tpu.memory_space<vmem>>
    %dma_wait3A_427 = tpu.memref_squeeze %dma_wait3A_426 : memref<1x64xf32, #tpu.memory_space<vmem>> -> memref<64xf32, #tpu.memory_space<vmem>>
    %dma_wait3A_428 = arith.constant 0 : i32
    %dma_wait3A_429 = tpu.memref_slice %arg5[%squeeze3A_210, %dma_wait3A_428] : memref<1000000x64xf32, #tpu.memory_space<hbm>> -> memref<1x64xf32, #tpu.memory_space<hbm>>
    %dma_wait3A_430 = tpu.memref_squeeze %dma_wait3A_429 : memref<1x64xf32, #tpu.memory_space<hbm>> -> memref<64xf32, #tpu.memory_space<hbm>>
    %dma_wait3A_431 = arith.constant 0 : i32
    %dma_wait3A_432 = tpu.memref_slice %arg11[%dma_wait3A_424, %dma_wait3A_431] : memref<32x128xf32, #tpu.memory_space<vmem>> -> memref<1x64xf32, #tpu.memory_space<vmem>>
    %dma_wait3A_433 = tpu.memref_squeeze %dma_wait3A_432 : memref<1x64xf32, #tpu.memory_space<vmem>> -> memref<64xf32, #tpu.memory_space<vmem>>
    %dma_wait3A_434 = arith.constant 0 : i32
    %dma_wait3A_435 = tpu.memref_slice %arg5[%squeeze3A_210, %dma_wait3A_434] : memref<1000000x64xf32, #tpu.memory_space<hbm>> -> memref<1x64xf32, #tpu.memory_space<hbm>>
    %dma_wait3A_436 = tpu.memref_squeeze %dma_wait3A_435 : memref<1x64xf32, #tpu.memory_space<hbm>> -> memref<64xf32, #tpu.memory_space<hbm>>
    tpu.wait_dma2 semaphore(%arg17 : memref<!tpu.dma_semaphore, #tpu.memory_space<semaphore_mem>>) src(%dma_wait3A_436 : memref<64xf32, #tpu.memory_space<hbm>>) dst(%dma_wait3A_433 : memref<64xf32, #tpu.memory_space<vmem>>)
    %dma_wait3A_437 = arith.constant 13 : i32
    %dma_wait3A_438 = arith.constant 0 : i32
    %dma_wait3A_439 = tpu.memref_slice %arg11[%dma_wait3A_437, %dma_wait3A_438] : memref<32x128xf32, #tpu.memory_space<vmem>> -> memref<1x64xf32, #tpu.memory_space<vmem>>
    %dma_wait3A_440 = tpu.memref_squeeze %dma_wait3A_439 : memref<1x64xf32, #tpu.memory_space<vmem>> -> memref<64xf32, #tpu.memory_space<vmem>>
    %dma_wait3A_441 = arith.constant 0 : i32
    %dma_wait3A_442 = tpu.memref_slice %arg5[%squeeze3A_225, %dma_wait3A_441] : memref<1000000x64xf32, #tpu.memory_space<hbm>> -> memref<1x64xf32, #tpu.memory_space<hbm>>
    %dma_wait3A_443 = tpu.memref_squeeze %dma_wait3A_442 : memref<1x64xf32, #tpu.memory_space<hbm>> -> memref<64xf32, #tpu.memory_space<hbm>>
    %dma_wait3A_444 = arith.constant 0 : i32
    %dma_wait3A_445 = tpu.memref_slice %arg11[%dma_wait3A_437, %dma_wait3A_444] : memref<32x128xf32, #tpu.memory_space<vmem>> -> memref<1x64xf32, #tpu.memory_space<vmem>>
    %dma_wait3A_446 = tpu.memref_squeeze %dma_wait3A_445 : memref<1x64xf32, #tpu.memory_space<vmem>> -> memref<64xf32, #tpu.memory_space<vmem>>
    %dma_wait3A_447 = arith.constant 0 : i32
    %dma_wait3A_448 = tpu.memref_slice %arg5[%squeeze3A_225, %dma_wait3A_447] : memref<1000000x64xf32, #tpu.memory_space<hbm>> -> memref<1x64xf32, #tpu.memory_space<hbm>>
    %dma_wait3A_449 = tpu.memref_squeeze %dma_wait3A_448 : memref<1x64xf32, #tpu.memory_space<hbm>> -> memref<64xf32, #tpu.memory_space<hbm>>
    tpu.wait_dma2 semaphore(%arg17 : memref<!tpu.dma_semaphore, #tpu.memory_space<semaphore_mem>>) src(%dma_wait3A_449 : memref<64xf32, #tpu.memory_space<hbm>>) dst(%dma_wait3A_446 : memref<64xf32, #tpu.memory_space<vmem>>)
    %dma_wait3A_450 = arith.constant 14 : i32
    %dma_wait3A_451 = arith.constant 0 : i32
    %dma_wait3A_452 = tpu.memref_slice %arg11[%dma_wait3A_450, %dma_wait3A_451] : memref<32x128xf32, #tpu.memory_space<vmem>> -> memref<1x64xf32, #tpu.memory_space<vmem>>
    %dma_wait3A_453 = tpu.memref_squeeze %dma_wait3A_452 : memref<1x64xf32, #tpu.memory_space<vmem>> -> memref<64xf32, #tpu.memory_space<vmem>>
    %dma_wait3A_454 = arith.constant 0 : i32
    %dma_wait3A_455 = tpu.memref_slice %arg5[%squeeze3A_240, %dma_wait3A_454] : memref<1000000x64xf32, #tpu.memory_space<hbm>> -> memref<1x64xf32, #tpu.memory_space<hbm>>
    %dma_wait3A_456 = tpu.memref_squeeze %dma_wait3A_455 : memref<1x64xf32, #tpu.memory_space<hbm>> -> memref<64xf32, #tpu.memory_space<hbm>>
    %dma_wait3A_457 = arith.constant 0 : i32
    %dma_wait3A_458 = tpu.memref_slice %arg11[%dma_wait3A_450, %dma_wait3A_457] : memref<32x128xf32, #tpu.memory_space<vmem>> -> memref<1x64xf32, #tpu.memory_space<vmem>>
    %dma_wait3A_459 = tpu.memref_squeeze %dma_wait3A_458 : memref<1x64xf32, #tpu.memory_space<vmem>> -> memref<64xf32, #tpu.memory_space<vmem>>
    %dma_wait3A_460 = arith.constant 0 : i32
    %dma_wait3A_461 = tpu.memref_slice %arg5[%squeeze3A_240, %dma_wait3A_460] : memref<1000000x64xf32, #tpu.memory_space<hbm>> -> memref<1x64xf32, #tpu.memory_space<hbm>>
    %dma_wait3A_462 = tpu.memref_squeeze %dma_wait3A_461 : memref<1x64xf32, #tpu.memory_space<hbm>> -> memref<64xf32, #tpu.memory_space<hbm>>
    tpu.wait_dma2 semaphore(%arg17 : memref<!tpu.dma_semaphore, #tpu.memory_space<semaphore_mem>>) src(%dma_wait3A_462 : memref<64xf32, #tpu.memory_space<hbm>>) dst(%dma_wait3A_459 : memref<64xf32, #tpu.memory_space<vmem>>)
    %dma_wait3A_463 = arith.constant 15 : i32
    %dma_wait3A_464 = arith.constant 0 : i32
    %dma_wait3A_465 = tpu.memref_slice %arg11[%dma_wait3A_463, %dma_wait3A_464] : memref<32x128xf32, #tpu.memory_space<vmem>> -> memref<1x64xf32, #tpu.memory_space<vmem>>
    %dma_wait3A_466 = tpu.memref_squeeze %dma_wait3A_465 : memref<1x64xf32, #tpu.memory_space<vmem>> -> memref<64xf32, #tpu.memory_space<vmem>>
    %dma_wait3A_467 = arith.constant 0 : i32
    %dma_wait3A_468 = tpu.memref_slice %arg5[%squeeze3A_255, %dma_wait3A_467] : memref<1000000x64xf32, #tpu.memory_space<hbm>> -> memref<1x64xf32, #tpu.memory_space<hbm>>
    %dma_wait3A_469 = tpu.memref_squeeze %dma_wait3A_468 : memref<1x64xf32, #tpu.memory_space<hbm>> -> memref<64xf32, #tpu.memory_space<hbm>>
    %dma_wait3A_470 = arith.constant 0 : i32
    %dma_wait3A_471 = tpu.memref_slice %arg11[%dma_wait3A_463, %dma_wait3A_470] : memref<32x128xf32, #tpu.memory_space<vmem>> -> memref<1x64xf32, #tpu.memory_space<vmem>>
    %dma_wait3A_472 = tpu.memref_squeeze %dma_wait3A_471 : memref<1x64xf32, #tpu.memory_space<vmem>> -> memref<64xf32, #tpu.memory_space<vmem>>
    %dma_wait3A_473 = arith.constant 0 : i32
    %dma_wait3A_474 = tpu.memref_slice %arg5[%squeeze3A_255, %dma_wait3A_473] : memref<1000000x64xf32, #tpu.memory_space<hbm>> -> memref<1x64xf32, #tpu.memory_space<hbm>>
    %dma_wait3A_475 = tpu.memref_squeeze %dma_wait3A_474 : memref<1x64xf32, #tpu.memory_space<hbm>> -> memref<64xf32, #tpu.memory_space<hbm>>
    tpu.wait_dma2 semaphore(%arg17 : memref<!tpu.dma_semaphore, #tpu.memory_space<semaphore_mem>>) src(%dma_wait3A_475 : memref<64xf32, #tpu.memory_space<hbm>>) dst(%dma_wait3A_472 : memref<64xf32, #tpu.memory_space<vmem>>)
    %scan3A = arith.constant 0 : i32
    %scan3A_476 = arith.constant 0 : i32
    %scan3A_477 = arith.constant 16 : i32
    %scan3A_478 = arith.addi %scan3A_476, %scan3A_477 : i32
    %scan3A_479 = arith.constant 1 : i32
    scf.for %scan3A_491 = %scan3A_476 to %scan3A_478 step %scan3A_479  : i32 {
      %mul3A_492 = arith.constant 2 : i32
      %mul3A_493 = arith.muli %scan3A_491, %mul3A_492 : i32
      %add3A_494 = arith.constant 0 : i32
      %add3A_495 = arith.addi %mul3A_493, %add3A_494 : i32
      %add3A_496 = arith.constant 1 : i32
      %add3A_497 = arith.addi %add3A_495, %add3A_496 : i32
      %min3A = arith.constant 31 : i32
      %min3A_498 = arith.minsi %add3A_497, %min3A : i32
      %mul3A_499 = arith.constant 512 : i32
      %mul3A_500 = arith.muli %add3A, %mul3A_499 : i32
      %mul3A_501 = arith.constant 16 : i32
      %mul3A_502 = arith.muli %min3A_498, %mul3A_501 : i32
      %add3A_503 = arith.addi %mul3A_500, %mul3A_502 : i32
      %mul3A_504 = arith.constant 21 : i32
      %mul3A_505 = arith.muli %add3A_503, %mul3A_504 : i32
      "tpu.region"() ({
        %run_scoped3A = tpu.sem_alloc : memref<!tpu.dma_semaphore, #tpu.memory_space<semaphore_mem>>
        %dma_start3A_1491 = tpu.memref_slice %arg3[%add3A_503] : memref<16384xi32, #tpu.memory_space<hbm>> -> memref<16xi32, #tpu.memory_space<hbm>>
        %dma_start3A_1492 = tpu.memref_slice %arg3[%add3A_503] : memref<16384xi32, #tpu.memory_space<hbm>> -> memref<16xi32, #tpu.memory_space<hbm>>
        tpu.enqueue_dma source(%dma_start3A_1492 : memref<16xi32, #tpu.memory_space<hbm>>) target(%arg8 : memref<16xi32, #tpu.memory_space<vmem>>) target_semaphore(%run_scoped3A : memref<!tpu.dma_semaphore, #tpu.memory_space<semaphore_mem>>)
        %dma_wait3A_1493 = tpu.memref_slice %arg3[%add3A_503] : memref<16384xi32, #tpu.memory_space<hbm>> -> memref<16xi32, #tpu.memory_space<hbm>>
        %dma_wait3A_1494 = tpu.memref_slice %arg3[%add3A_503] : memref<16384xi32, #tpu.memory_space<hbm>> -> memref<16xi32, #tpu.memory_space<hbm>>
        tpu.wait_dma2 semaphore(%run_scoped3A : memref<!tpu.dma_semaphore, #tpu.memory_space<semaphore_mem>>) src(%dma_wait3A_1494 : memref<16xi32, #tpu.memory_space<hbm>>) dst(%arg8 : memref<16xi32, #tpu.memory_space<vmem>>)
        tpu.yield
      }) : () -> ()
      %mul3A_506 = arith.constant 512 : i32
      %mul3A_507 = arith.muli %add3A, %mul3A_506 : i32
      %mul3A_508 = arith.constant 16 : i32
      %mul3A_509 = arith.muli %min3A_498, %mul3A_508 : i32
      %add3A_510 = arith.addi %mul3A_507, %mul3A_509 : i32
      %mul3A_511 = arith.constant 21 : i32
      %mul3A_512 = arith.muli %add3A_510, %mul3A_511 : i32
      "tpu.region"() ({
        %run_scoped3A = tpu.sem_alloc : memref<!tpu.dma_semaphore, #tpu.memory_space<semaphore_mem>>
        %dma_start3A_1491 = tpu.memref_slice %arg2[%mul3A_512] : memref<344064xi32, #tpu.memory_space<hbm>> -> memref<336xi32, #tpu.memory_space<hbm>>
        %dma_start3A_1492 = tpu.memref_slice %arg2[%mul3A_512] : memref<344064xi32, #tpu.memory_space<hbm>> -> memref<336xi32, #tpu.memory_space<hbm>>
        tpu.enqueue_dma source(%dma_start3A_1492 : memref<336xi32, #tpu.memory_space<hbm>>) target(%arg10 : memref<336xi32, #tpu.memory_space<vmem>>) target_semaphore(%run_scoped3A : memref<!tpu.dma_semaphore, #tpu.memory_space<semaphore_mem>>)
        %dma_wait3A_1493 = tpu.memref_slice %arg2[%mul3A_512] : memref<344064xi32, #tpu.memory_space<hbm>> -> memref<336xi32, #tpu.memory_space<hbm>>
        %dma_wait3A_1494 = tpu.memref_slice %arg2[%mul3A_512] : memref<344064xi32, #tpu.memory_space<hbm>> -> memref<336xi32, #tpu.memory_space<hbm>>
        tpu.wait_dma2 semaphore(%run_scoped3A : memref<!tpu.dma_semaphore, #tpu.memory_space<semaphore_mem>>) src(%dma_wait3A_1494 : memref<336xi32, #tpu.memory_space<hbm>>) dst(%arg10 : memref<336xi32, #tpu.memory_space<vmem>>)
        tpu.yield
      }) : () -> ()
      %dma_start3A_513 = arith.constant 336 : i32
      %dma_start3A_514 = arith.constant 0 : i32
      %dma_start3A_515 = tpu.memref_slice %arg12[%dma_start3A_513, %dma_start3A_514] : memref<672x128xf32, #tpu.memory_space<vmem>> -> memref<336x128xf32, #tpu.memory_space<vmem>>
      %dma_start3A_516 = arith.constant 0 : i32
      %dma_start3A_517 = arith.constant 0 : i32
      %dma_start3A_518 = tpu.memref_slice %arg6[%dma_start3A_516, %dma_start3A_517] : memref<1000000x128xf32, #tpu.memory_space<hbm>> -> memref<1000000x128xf32, #tpu.memory_space<hbm>>
      tpu.enqueue_indirect_dma source(%dma_start3A_518 : memref<1000000x128xf32, #tpu.memory_space<hbm>>) target(%dma_start3A_515 : memref<336x128xf32, #tpu.memory_space<vmem>>) offsets(%arg10 : memref<336xi32, #tpu.memory_space<vmem>>) semaphore(%arg16 : memref<!tpu.dma_semaphore, #tpu.memory_space<semaphore_mem>>)
      %get3A_519 = arith.constant 0 : index
      %get3A_520 = tpu.vector_load %arg8[%get3A_519] {strides = array<i32>} : memref<16xi32, #tpu.memory_space<vmem>>, vector<16xi32>,
      %get3A_521 = vector.shape_cast %get3A_520 : vector<16xi32> to vector<16xi32>
      %slice3A_522 = vector.extract_strided_slice %get3A_521 {offsets = [0], sizes = [1], strides = [1]} : vector<16xi32> to vector<1xi32>
      %squeeze3A_523 = vector.extract %slice3A_522[0] : i32 from vector<1xi32>
      %dma_start3A_524 = arith.constant 16 : i32
      %dma_start3A_525 = arith.constant 0 : i32
      %dma_start3A_526 = tpu.memref_slice %arg11[%dma_start3A_524, %dma_start3A_525] : memref<32x128xf32, #tpu.memory_space<vmem>> -> memref<1x64xf32, #tpu.memory_space<vmem>>
      %dma_start3A_527 = tpu.memref_squeeze %dma_start3A_526 : memref<1x64xf32, #tpu.memory_space<vmem>> -> memref<64xf32, #tpu.memory_space<vmem>>
      %dma_start3A_528 = arith.constant 0 : i32
      %dma_start3A_529 = tpu.memref_slice %arg5[%squeeze3A_523, %dma_start3A_528] : memref<1000000x64xf32, #tpu.memory_space<hbm>> -> memref<1x64xf32, #tpu.memory_space<hbm>>
      %dma_start3A_530 = tpu.memref_squeeze %dma_start3A_529 : memref<1x64xf32, #tpu.memory_space<hbm>> -> memref<64xf32, #tpu.memory_space<hbm>>
      %dma_start3A_531 = arith.constant 0 : i32
      %dma_start3A_532 = tpu.memref_slice %arg11[%dma_start3A_524, %dma_start3A_531] : memref<32x128xf32, #tpu.memory_space<vmem>> -> memref<1x64xf32, #tpu.memory_space<vmem>>
      %dma_start3A_533 = tpu.memref_squeeze %dma_start3A_532 : memref<1x64xf32, #tpu.memory_space<vmem>> -> memref<64xf32, #tpu.memory_space<vmem>>
      %dma_start3A_534 = arith.constant 0 : i32
      %dma_start3A_535 = tpu.memref_slice %arg5[%squeeze3A_523, %dma_start3A_534] : memref<1000000x64xf32, #tpu.memory_space<hbm>> -> memref<1x64xf32, #tpu.memory_space<hbm>>
      %dma_start3A_536 = tpu.memref_squeeze %dma_start3A_535 : memref<1x64xf32, #tpu.memory_space<hbm>> -> memref<64xf32, #tpu.memory_space<hbm>>
      tpu.enqueue_dma source(%dma_start3A_536 : memref<64xf32, #tpu.memory_space<hbm>>) target(%dma_start3A_533 : memref<64xf32, #tpu.memory_space<vmem>>) target_semaphore(%arg17 : memref<!tpu.dma_semaphore, #tpu.memory_space<semaphore_mem>>)
      %slice3A_537 = vector.extract_strided_slice %get3A_521 {offsets = [1], sizes = [1], strides = [1]} : vector<16xi32> to vector<1xi32>
      %squeeze3A_538 = vector.extract %slice3A_537[0] : i32 from vector<1xi32>
      %dma_start3A_539 = arith.constant 17 : i32
      %dma_start3A_540 = arith.constant 0 : i32
      %dma_start3A_541 = tpu.memref_slice %arg11[%dma_start3A_539, %dma_start3A_540] : memref<32x128xf32, #tpu.memory_space<vmem>> -> memref<1x64xf32, #tpu.memory_space<vmem>>
      %dma_start3A_542 = tpu.memref_squeeze %dma_start3A_541 : memref<1x64xf32, #tpu.memory_space<vmem>> -> memref<64xf32, #tpu.memory_space<vmem>>
      %dma_start3A_543 = arith.constant 0 : i32
      %dma_start3A_544 = tpu.memref_slice %arg5[%squeeze3A_538, %dma_start3A_543] : memref<1000000x64xf32, #tpu.memory_space<hbm>> -> memref<1x64xf32, #tpu.memory_space<hbm>>
      %dma_start3A_545 = tpu.memref_squeeze %dma_start3A_544 : memref<1x64xf32, #tpu.memory_space<hbm>> -> memref<64xf32, #tpu.memory_space<hbm>>
      %dma_start3A_546 = arith.constant 0 : i32
      %dma_start3A_547 = tpu.memref_slice %arg11[%dma_start3A_539, %dma_start3A_546] : memref<32x128xf32, #tpu.memory_space<vmem>> -> memref<1x64xf32, #tpu.memory_space<vmem>>
      %dma_start3A_548 = tpu.memref_squeeze %dma_start3A_547 : memref<1x64xf32, #tpu.memory_space<vmem>> -> memref<64xf32, #tpu.memory_space<vmem>>
      %dma_start3A_549 = arith.constant 0 : i32
      %dma_start3A_550 = tpu.memref_slice %arg5[%squeeze3A_538, %dma_start3A_549] : memref<1000000x64xf32, #tpu.memory_space<hbm>> -> memref<1x64xf32, #tpu.memory_space<hbm>>
      %dma_start3A_551 = tpu.memref_squeeze %dma_start3A_550 : memref<1x64xf32, #tpu.memory_space<hbm>> -> memref<64xf32, #tpu.memory_space<hbm>>
      tpu.enqueue_dma source(%dma_start3A_551 : memref<64xf32, #tpu.memory_space<hbm>>) target(%dma_start3A_548 : memref<64xf32, #tpu.memory_space<vmem>>) target_semaphore(%arg17 : memref<!tpu.dma_semaphore, #tpu.memory_space<semaphore_mem>>)
      %slice3A_552 = vector.extract_strided_slice %get3A_521 {offsets = [2], sizes = [1], strides = [1]} : vector<16xi32> to vector<1xi32>
      %squeeze3A_553 = vector.extract %slice3A_552[0] : i32 from vector<1xi32>
      %dma_start3A_554 = arith.constant 18 : i32
      %dma_start3A_555 = arith.constant 0 : i32
      %dma_start3A_556 = tpu.memref_slice %arg11[%dma_start3A_554, %dma_start3A_555] : memref<32x128xf32, #tpu.memory_space<vmem>> -> memref<1x64xf32, #tpu.memory_space<vmem>>
      %dma_start3A_557 = tpu.memref_squeeze %dma_start3A_556 : memref<1x64xf32, #tpu.memory_space<vmem>> -> memref<64xf32, #tpu.memory_space<vmem>>
      %dma_start3A_558 = arith.constant 0 : i32
      %dma_start3A_559 = tpu.memref_slice %arg5[%squeeze3A_553, %dma_start3A_558] : memref<1000000x64xf32, #tpu.memory_space<hbm>> -> memref<1x64xf32, #tpu.memory_space<hbm>>
      %dma_start3A_560 = tpu.memref_squeeze %dma_start3A_559 : memref<1x64xf32, #tpu.memory_space<hbm>> -> memref<64xf32, #tpu.memory_space<hbm>>
      %dma_start3A_561 = arith.constant 0 : i32
      %dma_start3A_562 = tpu.memref_slice %arg11[%dma_start3A_554, %dma_start3A_561] : memref<32x128xf32, #tpu.memory_space<vmem>> -> memref<1x64xf32, #tpu.memory_space<vmem>>
      %dma_start3A_563 = tpu.memref_squeeze %dma_start3A_562 : memref<1x64xf32, #tpu.memory_space<vmem>> -> memref<64xf32, #tpu.memory_space<vmem>>
      %dma_start3A_564 = arith.constant 0 : i32
      %dma_start3A_565 = tpu.memref_slice %arg5[%squeeze3A_553, %dma_start3A_564] : memref<1000000x64xf32, #tpu.memory_space<hbm>> -> memref<1x64xf32, #tpu.memory_space<hbm>>
      %dma_start3A_566 = tpu.memref_squeeze %dma_start3A_565 : memref<1x64xf32, #tpu.memory_space<hbm>> -> memref<64xf32, #tpu.memory_space<hbm>>
      tpu.enqueue_dma source(%dma_start3A_566 : memref<64xf32, #tpu.memory_space<hbm>>) target(%dma_start3A_563 : memref<64xf32, #tpu.memory_space<vmem>>) target_semaphore(%arg17 : memref<!tpu.dma_semaphore, #tpu.memory_space<semaphore_mem>>)
      %slice3A_567 = vector.extract_strided_slice %get3A_521 {offsets = [3], sizes = [1], strides = [1]} : vector<16xi32> to vector<1xi32>
      %squeeze3A_568 = vector.extract %slice3A_567[0] : i32 from vector<1xi32>
      %dma_start3A_569 = arith.constant 19 : i32
      %dma_start3A_570 = arith.constant 0 : i32
      %dma_start3A_571 = tpu.memref_slice %arg11[%dma_start3A_569, %dma_start3A_570] : memref<32x128xf32, #tpu.memory_space<vmem>> -> memref<1x64xf32, #tpu.memory_space<vmem>>
      %dma_start3A_572 = tpu.memref_squeeze %dma_start3A_571 : memref<1x64xf32, #tpu.memory_space<vmem>> -> memref<64xf32, #tpu.memory_space<vmem>>
      %dma_start3A_573 = arith.constant 0 : i32
      %dma_start3A_574 = tpu.memref_slice %arg5[%squeeze3A_568, %dma_start3A_573] : memref<1000000x64xf32, #tpu.memory_space<hbm>> -> memref<1x64xf32, #tpu.memory_space<hbm>>
      %dma_start3A_575 = tpu.memref_squeeze %dma_start3A_574 : memref<1x64xf32, #tpu.memory_space<hbm>> -> memref<64xf32, #tpu.memory_space<hbm>>
      %dma_start3A_576 = arith.constant 0 : i32
      %dma_start3A_577 = tpu.memref_slice %arg11[%dma_start3A_569, %dma_start3A_576] : memref<32x128xf32, #tpu.memory_space<vmem>> -> memref<1x64xf32, #tpu.memory_space<vmem>>
      %dma_start3A_578 = tpu.memref_squeeze %dma_start3A_577 : memref<1x64xf32, #tpu.memory_space<vmem>> -> memref<64xf32, #tpu.memory_space<vmem>>
      %dma_start3A_579 = arith.constant 0 : i32
      %dma_start3A_580 = tpu.memref_slice %arg5[%squeeze3A_568, %dma_start3A_579] : memref<1000000x64xf32, #tpu.memory_space<hbm>> -> memref<1x64xf32, #tpu.memory_space<hbm>>
      %dma_start3A_581 = tpu.memref_squeeze %dma_start3A_580 : memref<1x64xf32, #tpu.memory_space<hbm>> -> memref<64xf32, #tpu.memory_space<hbm>>
      tpu.enqueue_dma source(%dma_start3A_581 : memref<64xf32, #tpu.memory_space<hbm>>) target(%dma_start3A_578 : memref<64xf32, #tpu.memory_space<vmem>>) target_semaphore(%arg17 : memref<!tpu.dma_semaphore, #tpu.memory_space<semaphore_mem>>)
      %slice3A_582 = vector.extract_strided_slice %get3A_521 {offsets = [4], sizes = [1], strides = [1]} : vector<16xi32> to vector<1xi32>
      %squeeze3A_583 = vector.extract %slice3A_582[0] : i32 from vector<1xi32>
      %dma_start3A_584 = arith.constant 20 : i32
      %dma_start3A_585 = arith.constant 0 : i32
      %dma_start3A_586 = tpu.memref_slice %arg11[%dma_start3A_584, %dma_start3A_585] : memref<32x128xf32, #tpu.memory_space<vmem>> -> memref<1x64xf32, #tpu.memory_space<vmem>>
      %dma_start3A_587 = tpu.memref_squeeze %dma_start3A_586 : memref<1x64xf32, #tpu.memory_space<vmem>> -> memref<64xf32, #tpu.memory_space<vmem>>
      %dma_start3A_588 = arith.constant 0 : i32
      %dma_start3A_589 = tpu.memref_slice %arg5[%squeeze3A_583, %dma_start3A_588] : memref<1000000x64xf32, #tpu.memory_space<hbm>> -> memref<1x64xf32, #tpu.memory_space<hbm>>
      %dma_start3A_590 = tpu.memref_squeeze %dma_start3A_589 : memref<1x64xf32, #tpu.memory_space<hbm>> -> memref<64xf32, #tpu.memory_space<hbm>>
      %dma_start3A_591 = arith.constant 0 : i32
      %dma_start3A_592 = tpu.memref_slice %arg11[%dma_start3A_584, %dma_start3A_591] : memref<32x128xf32, #tpu.memory_space<vmem>> -> memref<1x64xf32, #tpu.memory_space<vmem>>
      %dma_start3A_593 = tpu.memref_squeeze %dma_start3A_592 : memref<1x64xf32, #tpu.memory_space<vmem>> -> memref<64xf32, #tpu.memory_space<vmem>>
      %dma_start3A_594 = arith.constant 0 : i32
      %dma_start3A_595 = tpu.memref_slice %arg5[%squeeze3A_583, %dma_start3A_594] : memref<1000000x64xf32, #tpu.memory_space<hbm>> -> memref<1x64xf32, #tpu.memory_space<hbm>>
      %dma_start3A_596 = tpu.memref_squeeze %dma_start3A_595 : memref<1x64xf32, #tpu.memory_space<hbm>> -> memref<64xf32, #tpu.memory_space<hbm>>
      tpu.enqueue_dma source(%dma_start3A_596 : memref<64xf32, #tpu.memory_space<hbm>>) target(%dma_start3A_593 : memref<64xf32, #tpu.memory_space<vmem>>) target_semaphore(%arg17 : memref<!tpu.dma_semaphore, #tpu.memory_space<semaphore_mem>>)
      %slice3A_597 = vector.extract_strided_slice %get3A_521 {offsets = [5], sizes = [1], strides = [1]} : vector<16xi32> to vector<1xi32>
      %squeeze3A_598 = vector.extract %slice3A_597[0] : i32 from vector<1xi32>
      %dma_start3A_599 = arith.constant 21 : i32
      %dma_start3A_600 = arith.constant 0 : i32
      %dma_start3A_601 = tpu.memref_slice %arg11[%dma_start3A_599, %dma_start3A_600] : memref<32x128xf32, #tpu.memory_space<vmem>> -> memref<1x64xf32, #tpu.memory_space<vmem>>
      %dma_start3A_602 = tpu.memref_squeeze %dma_start3A_601 : memref<1x64xf32, #tpu.memory_space<vmem>> -> memref<64xf32, #tpu.memory_space<vmem>>
      %dma_start3A_603 = arith.constant 0 : i32
      %dma_start3A_604 = tpu.memref_slice %arg5[%squeeze3A_598, %dma_start3A_603] : memref<1000000x64xf32, #tpu.memory_space<hbm>> -> memref<1x64xf32, #tpu.memory_space<hbm>>
      %dma_start3A_605 = tpu.memref_squeeze %dma_start3A_604 : memref<1x64xf32, #tpu.memory_space<hbm>> -> memref<64xf32, #tpu.memory_space<hbm>>
      %dma_start3A_606 = arith.constant 0 : i32
      %dma_start3A_607 = tpu.memref_slice %arg11[%dma_start3A_599, %dma_start3A_606] : memref<32x128xf32, #tpu.memory_space<vmem>> -> memref<1x64xf32, #tpu.memory_space<vmem>>
      %dma_start3A_608 = tpu.memref_squeeze %dma_start3A_607 : memref<1x64xf32, #tpu.memory_space<vmem>> -> memref<64xf32, #tpu.memory_space<vmem>>
      %dma_start3A_609 = arith.constant 0 : i32
      %dma_start3A_610 = tpu.memref_slice %arg5[%squeeze3A_598, %dma_start3A_609] : memref<1000000x64xf32, #tpu.memory_space<hbm>> -> memref<1x64xf32, #tpu.memory_space<hbm>>
      %dma_start3A_611 = tpu.memref_squeeze %dma_start3A_610 : memref<1x64xf32, #tpu.memory_space<hbm>> -> memref<64xf32, #tpu.memory_space<hbm>>
      tpu.enqueue_dma source(%dma_start3A_611 : memref<64xf32, #tpu.memory_space<hbm>>) target(%dma_start3A_608 : memref<64xf32, #tpu.memory_space<vmem>>) target_semaphore(%arg17 : memref<!tpu.dma_semaphore, #tpu.memory_space<semaphore_mem>>)
      %slice3A_612 = vector.extract_strided_slice %get3A_521 {offsets = [6], sizes = [1], strides = [1]} : vector<16xi32> to vector<1xi32>
      %squeeze3A_613 = vector.extract %slice3A_612[0] : i32 from vector<1xi32>
      %dma_start3A_614 = arith.constant 22 : i32
      %dma_start3A_615 = arith.constant 0 : i32
      %dma_start3A_616 = tpu.memref_slice %arg11[%dma_start3A_614, %dma_start3A_615] : memref<32x128xf32, #tpu.memory_space<vmem>> -> memref<1x64xf32, #tpu.memory_space<vmem>>
      %dma_start3A_617 = tpu.memref_squeeze %dma_start3A_616 : memref<1x64xf32, #tpu.memory_space<vmem>> -> memref<64xf32, #tpu.memory_space<vmem>>
      %dma_start3A_618 = arith.constant 0 : i32
      %dma_start3A_619 = tpu.memref_slice %arg5[%squeeze3A_613, %dma_start3A_618] : memref<1000000x64xf32, #tpu.memory_space<hbm>> -> memref<1x64xf32, #tpu.memory_space<hbm>>
      %dma_start3A_620 = tpu.memref_squeeze %dma_start3A_619 : memref<1x64xf32, #tpu.memory_space<hbm>> -> memref<64xf32, #tpu.memory_space<hbm>>
      %dma_start3A_621 = arith.constant 0 : i32
      %dma_start3A_622 = tpu.memref_slice %arg11[%dma_start3A_614, %dma_start3A_621] : memref<32x128xf32, #tpu.memory_space<vmem>> -> memref<1x64xf32, #tpu.memory_space<vmem>>
      %dma_start3A_623 = tpu.memref_squeeze %dma_start3A_622 : memref<1x64xf32, #tpu.memory_space<vmem>> -> memref<64xf32, #tpu.memory_space<vmem>>
      %dma_start3A_624 = arith.constant 0 : i32
      %dma_start3A_625 = tpu.memref_slice %arg5[%squeeze3A_613, %dma_start3A_624] : memref<1000000x64xf32, #tpu.memory_space<hbm>> -> memref<1x64xf32, #tpu.memory_space<hbm>>
      %dma_start3A_626 = tpu.memref_squeeze %dma_start3A_625 : memref<1x64xf32, #tpu.memory_space<hbm>> -> memref<64xf32, #tpu.memory_space<hbm>>
      tpu.enqueue_dma source(%dma_start3A_626 : memref<64xf32, #tpu.memory_space<hbm>>) target(%dma_start3A_623 : memref<64xf32, #tpu.memory_space<vmem>>) target_semaphore(%arg17 : memref<!tpu.dma_semaphore, #tpu.memory_space<semaphore_mem>>)
      %slice3A_627 = vector.extract_strided_slice %get3A_521 {offsets = [7], sizes = [1], strides = [1]} : vector<16xi32> to vector<1xi32>
      %squeeze3A_628 = vector.extract %slice3A_627[0] : i32 from vector<1xi32>
      %dma_start3A_629 = arith.constant 23 : i32
      %dma_start3A_630 = arith.constant 0 : i32
      %dma_start3A_631 = tpu.memref_slice %arg11[%dma_start3A_629, %dma_start3A_630] : memref<32x128xf32, #tpu.memory_space<vmem>> -> memref<1x64xf32, #tpu.memory_space<vmem>>
      %dma_start3A_632 = tpu.memref_squeeze %dma_start3A_631 : memref<1x64xf32, #tpu.memory_space<vmem>> -> memref<64xf32, #tpu.memory_space<vmem>>
      %dma_start3A_633 = arith.constant 0 : i32
      %dma_start3A_634 = tpu.memref_slice %arg5[%squeeze3A_628, %dma_start3A_633] : memref<1000000x64xf32, #tpu.memory_space<hbm>> -> memref<1x64xf32, #tpu.memory_space<hbm>>
      %dma_start3A_635 = tpu.memref_squeeze %dma_start3A_634 : memref<1x64xf32, #tpu.memory_space<hbm>> -> memref<64xf32, #tpu.memory_space<hbm>>
      %dma_start3A_636 = arith.constant 0 : i32
      %dma_start3A_637 = tpu.memref_slice %arg11[%dma_start3A_629, %dma_start3A_636] : memref<32x128xf32, #tpu.memory_space<vmem>> -> memref<1x64xf32, #tpu.memory_space<vmem>>
      %dma_start3A_638 = tpu.memref_squeeze %dma_start3A_637 : memref<1x64xf32, #tpu.memory_space<vmem>> -> memref<64xf32, #tpu.memory_space<vmem>>
      %dma_start3A_639 = arith.constant 0 : i32
      %dma_start3A_640 = tpu.memref_slice %arg5[%squeeze3A_628, %dma_start3A_639] : memref<1000000x64xf32, #tpu.memory_space<hbm>> -> memref<1x64xf32, #tpu.memory_space<hbm>>
      %dma_start3A_641 = tpu.memref_squeeze %dma_start3A_640 : memref<1x64xf32, #tpu.memory_space<hbm>> -> memref<64xf32, #tpu.memory_space<hbm>>
      tpu.enqueue_dma source(%dma_start3A_641 : memref<64xf32, #tpu.memory_space<hbm>>) target(%dma_start3A_638 : memref<64xf32, #tpu.memory_space<vmem>>) target_semaphore(%arg17 : memref<!tpu.dma_semaphore, #tpu.memory_space<semaphore_mem>>)
      %slice3A_642 = vector.extract_strided_slice %get3A_521 {offsets = [8], sizes = [1], strides = [1]} : vector<16xi32> to vector<1xi32>
      %squeeze3A_643 = vector.extract %slice3A_642[0] : i32 from vector<1xi32>
      %dma_start3A_644 = arith.constant 24 : i32
      %dma_start3A_645 = arith.constant 0 : i32
      %dma_start3A_646 = tpu.memref_slice %arg11[%dma_start3A_644, %dma_start3A_645] : memref<32x128xf32, #tpu.memory_space<vmem>> -> memref<1x64xf32, #tpu.memory_space<vmem>>
      %dma_start3A_647 = tpu.memref_squeeze %dma_start3A_646 : memref<1x64xf32, #tpu.memory_space<vmem>> -> memref<64xf32, #tpu.memory_space<vmem>>
      %dma_start3A_648 = arith.constant 0 : i32
      %dma_start3A_649 = tpu.memref_slice %arg5[%squeeze3A_643, %dma_start3A_648] : memref<1000000x64xf32, #tpu.memory_space<hbm>> -> memref<1x64xf32, #tpu.memory_space<hbm>>
      %dma_start3A_650 = tpu.memref_squeeze %dma_start3A_649 : memref<1x64xf32, #tpu.memory_space<hbm>> -> memref<64xf32, #tpu.memory_space<hbm>>
      %dma_start3A_651 = arith.constant 0 : i32
      %dma_start3A_652 = tpu.memref_slice %arg11[%dma_start3A_644, %dma_start3A_651] : memref<32x128xf32, #tpu.memory_space<vmem>> -> memref<1x64xf32, #tpu.memory_space<vmem>>
      %dma_start3A_653 = tpu.memref_squeeze %dma_start3A_652 : memref<1x64xf32, #tpu.memory_space<vmem>> -> memref<64xf32, #tpu.memory_space<vmem>>
      %dma_start3A_654 = arith.constant 0 : i32
      %dma_start3A_655 = tpu.memref_slice %arg5[%squeeze3A_643, %dma_start3A_654] : memref<1000000x64xf32, #tpu.memory_space<hbm>> -> memref<1x64xf32, #tpu.memory_space<hbm>>
      %dma_start3A_656 = tpu.memref_squeeze %dma_start3A_655 : memref<1x64xf32, #tpu.memory_space<hbm>> -> memref<64xf32, #tpu.memory_space<hbm>>
      tpu.enqueue_dma source(%dma_start3A_656 : memref<64xf32, #tpu.memory_space<hbm>>) target(%dma_start3A_653 : memref<64xf32, #tpu.memory_space<vmem>>) target_semaphore(%arg17 : memref<!tpu.dma_semaphore, #tpu.memory_space<semaphore_mem>>)
      %slice3A_657 = vector.extract_strided_slice %get3A_521 {offsets = [9], sizes = [1], strides = [1]} : vector<16xi32> to vector<1xi32>
      %squeeze3A_658 = vector.extract %slice3A_657[0] : i32 from vector<1xi32>
      %dma_start3A_659 = arith.constant 25 : i32
      %dma_start3A_660 = arith.constant 0 : i32
      %dma_start3A_661 = tpu.memref_slice %arg11[%dma_start3A_659, %dma_start3A_660] : memref<32x128xf32, #tpu.memory_space<vmem>> -> memref<1x64xf32, #tpu.memory_space<vmem>>
      %dma_start3A_662 = tpu.memref_squeeze %dma_start3A_661 : memref<1x64xf32, #tpu.memory_space<vmem>> -> memref<64xf32, #tpu.memory_space<vmem>>
      %dma_start3A_663 = arith.constant 0 : i32
      %dma_start3A_664 = tpu.memref_slice %arg5[%squeeze3A_658, %dma_start3A_663] : memref<1000000x64xf32, #tpu.memory_space<hbm>> -> memref<1x64xf32, #tpu.memory_space<hbm>>
      %dma_start3A_665 = tpu.memref_squeeze %dma_start3A_664 : memref<1x64xf32, #tpu.memory_space<hbm>> -> memref<64xf32, #tpu.memory_space<hbm>>
      %dma_start3A_666 = arith.constant 0 : i32
      %dma_start3A_667 = tpu.memref_slice %arg11[%dma_start3A_659, %dma_start3A_666] : memref<32x128xf32, #tpu.memory_space<vmem>> -> memref<1x64xf32, #tpu.memory_space<vmem>>
      %dma_start3A_668 = tpu.memref_squeeze %dma_start3A_667 : memref<1x64xf32, #tpu.memory_space<vmem>> -> memref<64xf32, #tpu.memory_space<vmem>>
      %dma_start3A_669 = arith.constant 0 : i32
      %dma_start3A_670 = tpu.memref_slice %arg5[%squeeze3A_658, %dma_start3A_669] : memref<1000000x64xf32, #tpu.memory_space<hbm>> -> memref<1x64xf32, #tpu.memory_space<hbm>>
      %dma_start3A_671 = tpu.memref_squeeze %dma_start3A_670 : memref<1x64xf32, #tpu.memory_space<hbm>> -> memref<64xf32, #tpu.memory_space<hbm>>
      tpu.enqueue_dma source(%dma_start3A_671 : memref<64xf32, #tpu.memory_space<hbm>>) target(%dma_start3A_668 : memref<64xf32, #tpu.memory_space<vmem>>) target_semaphore(%arg17 : memref<!tpu.dma_semaphore, #tpu.memory_space<semaphore_mem>>)
      %slice3A_672 = vector.extract_strided_slice %get3A_521 {offsets = [10], sizes = [1], strides = [1]} : vector<16xi32> to vector<1xi32>
      %squeeze3A_673 = vector.extract %slice3A_672[0] : i32 from vector<1xi32>
      %dma_start3A_674 = arith.constant 26 : i32
      %dma_start3A_675 = arith.constant 0 : i32
      %dma_start3A_676 = tpu.memref_slice %arg11[%dma_start3A_674, %dma_start3A_675] : memref<32x128xf32, #tpu.memory_space<vmem>> -> memref<1x64xf32, #tpu.memory_space<vmem>>
      %dma_start3A_677 = tpu.memref_squeeze %dma_start3A_676 : memref<1x64xf32, #tpu.memory_space<vmem>> -> memref<64xf32, #tpu.memory_space<vmem>>
      %dma_start3A_678 = arith.constant 0 : i32
      %dma_start3A_679 = tpu.memref_slice %arg5[%squeeze3A_673, %dma_start3A_678] : memref<1000000x64xf32, #tpu.memory_space<hbm>> -> memref<1x64xf32, #tpu.memory_space<hbm>>
      %dma_start3A_680 = tpu.memref_squeeze %dma_start3A_679 : memref<1x64xf32, #tpu.memory_space<hbm>> -> memref<64xf32, #tpu.memory_space<hbm>>
      %dma_start3A_681 = arith.constant 0 : i32
      %dma_start3A_682 = tpu.memref_slice %arg11[%dma_start3A_674, %dma_start3A_681] : memref<32x128xf32, #tpu.memory_space<vmem>> -> memref<1x64xf32, #tpu.memory_space<vmem>>
      %dma_start3A_683 = tpu.memref_squeeze %dma_start3A_682 : memref<1x64xf32, #tpu.memory_space<vmem>> -> memref<64xf32, #tpu.memory_space<vmem>>
      %dma_start3A_684 = arith.constant 0 : i32
      %dma_start3A_685 = tpu.memref_slice %arg5[%squeeze3A_673, %dma_start3A_684] : memref<1000000x64xf32, #tpu.memory_space<hbm>> -> memref<1x64xf32, #tpu.memory_space<hbm>>
      %dma_start3A_686 = tpu.memref_squeeze %dma_start3A_685 : memref<1x64xf32, #tpu.memory_space<hbm>> -> memref<64xf32, #tpu.memory_space<hbm>>
      tpu.enqueue_dma source(%dma_start3A_686 : memref<64xf32, #tpu.memory_space<hbm>>) target(%dma_start3A_683 : memref<64xf32, #tpu.memory_space<vmem>>) target_semaphore(%arg17 : memref<!tpu.dma_semaphore, #tpu.memory_space<semaphore_mem>>)
      %slice3A_687 = vector.extract_strided_slice %get3A_521 {offsets = [11], sizes = [1], strides = [1]} : vector<16xi32> to vector<1xi32>
      %squeeze3A_688 = vector.extract %slice3A_687[0] : i32 from vector<1xi32>
      %dma_start3A_689 = arith.constant 27 : i32
      %dma_start3A_690 = arith.constant 0 : i32
      %dma_start3A_691 = tpu.memref_slice %arg11[%dma_start3A_689, %dma_start3A_690] : memref<32x128xf32, #tpu.memory_space<vmem>> -> memref<1x64xf32, #tpu.memory_space<vmem>>
      %dma_start3A_692 = tpu.memref_squeeze %dma_start3A_691 : memref<1x64xf32, #tpu.memory_space<vmem>> -> memref<64xf32, #tpu.memory_space<vmem>>
      %dma_start3A_693 = arith.constant 0 : i32
      %dma_start3A_694 = tpu.memref_slice %arg5[%squeeze3A_688, %dma_start3A_693] : memref<1000000x64xf32, #tpu.memory_space<hbm>> -> memref<1x64xf32, #tpu.memory_space<hbm>>
      %dma_start3A_695 = tpu.memref_squeeze %dma_start3A_694 : memref<1x64xf32, #tpu.memory_space<hbm>> -> memref<64xf32, #tpu.memory_space<hbm>>
      %dma_start3A_696 = arith.constant 0 : i32
      %dma_start3A_697 = tpu.memref_slice %arg11[%dma_start3A_689, %dma_start3A_696] : memref<32x128xf32, #tpu.memory_space<vmem>> -> memref<1x64xf32, #tpu.memory_space<vmem>>
      %dma_start3A_698 = tpu.memref_squeeze %dma_start3A_697 : memref<1x64xf32, #tpu.memory_space<vmem>> -> memref<64xf32, #tpu.memory_space<vmem>>
      %dma_start3A_699 = arith.constant 0 : i32
      %dma_start3A_700 = tpu.memref_slice %arg5[%squeeze3A_688, %dma_start3A_699] : memref<1000000x64xf32, #tpu.memory_space<hbm>> -> memref<1x64xf32, #tpu.memory_space<hbm>>
      %dma_start3A_701 = tpu.memref_squeeze %dma_start3A_700 : memref<1x64xf32, #tpu.memory_space<hbm>> -> memref<64xf32, #tpu.memory_space<hbm>>
      tpu.enqueue_dma source(%dma_start3A_701 : memref<64xf32, #tpu.memory_space<hbm>>) target(%dma_start3A_698 : memref<64xf32, #tpu.memory_space<vmem>>) target_semaphore(%arg17 : memref<!tpu.dma_semaphore, #tpu.memory_space<semaphore_mem>>)
      %slice3A_702 = vector.extract_strided_slice %get3A_521 {offsets = [12], sizes = [1], strides = [1]} : vector<16xi32> to vector<1xi32>
      %squeeze3A_703 = vector.extract %slice3A_702[0] : i32 from vector<1xi32>
      %dma_start3A_704 = arith.constant 28 : i32
      %dma_start3A_705 = arith.constant 0 : i32
      %dma_start3A_706 = tpu.memref_slice %arg11[%dma_start3A_704, %dma_start3A_705] : memref<32x128xf32, #tpu.memory_space<vmem>> -> memref<1x64xf32, #tpu.memory_space<vmem>>
      %dma_start3A_707 = tpu.memref_squeeze %dma_start3A_706 : memref<1x64xf32, #tpu.memory_space<vmem>> -> memref<64xf32, #tpu.memory_space<vmem>>
      %dma_start3A_708 = arith.constant 0 : i32
      %dma_start3A_709 = tpu.memref_slice %arg5[%squeeze3A_703, %dma_start3A_708] : memref<1000000x64xf32, #tpu.memory_space<hbm>> -> memref<1x64xf32, #tpu.memory_space<hbm>>
      %dma_start3A_710 = tpu.memref_squeeze %dma_start3A_709 : memref<1x64xf32, #tpu.memory_space<hbm>> -> memref<64xf32, #tpu.memory_space<hbm>>
      %dma_start3A_711 = arith.constant 0 : i32
      %dma_start3A_712 = tpu.memref_slice %arg11[%dma_start3A_704, %dma_start3A_711] : memref<32x128xf32, #tpu.memory_space<vmem>> -> memref<1x64xf32, #tpu.memory_space<vmem>>
      %dma_start3A_713 = tpu.memref_squeeze %dma_start3A_712 : memref<1x64xf32, #tpu.memory_space<vmem>> -> memref<64xf32, #tpu.memory_space<vmem>>
      %dma_start3A_714 = arith.constant 0 : i32
      %dma_start3A_715 = tpu.memref_slice %arg5[%squeeze3A_703, %dma_start3A_714] : memref<1000000x64xf32, #tpu.memory_space<hbm>> -> memref<1x64xf32, #tpu.memory_space<hbm>>
      %dma_start3A_716 = tpu.memref_squeeze %dma_start3A_715 : memref<1x64xf32, #tpu.memory_space<hbm>> -> memref<64xf32, #tpu.memory_space<hbm>>
      tpu.enqueue_dma source(%dma_start3A_716 : memref<64xf32, #tpu.memory_space<hbm>>) target(%dma_start3A_713 : memref<64xf32, #tpu.memory_space<vmem>>) target_semaphore(%arg17 : memref<!tpu.dma_semaphore, #tpu.memory_space<semaphore_mem>>)
      %slice3A_717 = vector.extract_strided_slice %get3A_521 {offsets = [13], sizes = [1], strides = [1]} : vector<16xi32> to vector<1xi32>
      %squeeze3A_718 = vector.extract %slice3A_717[0] : i32 from vector<1xi32>
      %dma_start3A_719 = arith.constant 29 : i32
      %dma_start3A_720 = arith.constant 0 : i32
      %dma_start3A_721 = tpu.memref_slice %arg11[%dma_start3A_719, %dma_start3A_720] : memref<32x128xf32, #tpu.memory_space<vmem>> -> memref<1x64xf32, #tpu.memory_space<vmem>>
      %dma_start3A_722 = tpu.memref_squeeze %dma_start3A_721 : memref<1x64xf32, #tpu.memory_space<vmem>> -> memref<64xf32, #tpu.memory_space<vmem>>
      %dma_start3A_723 = arith.constant 0 : i32
      %dma_start3A_724 = tpu.memref_slice %arg5[%squeeze3A_718, %dma_start3A_723] : memref<1000000x64xf32, #tpu.memory_space<hbm>> -> memref<1x64xf32, #tpu.memory_space<hbm>>
      %dma_start3A_725 = tpu.memref_squeeze %dma_start3A_724 : memref<1x64xf32, #tpu.memory_space<hbm>> -> memref<64xf32, #tpu.memory_space<hbm>>
      %dma_start3A_726 = arith.constant 0 : i32
      %dma_start3A_727 = tpu.memref_slice %arg11[%dma_start3A_719, %dma_start3A_726] : memref<32x128xf32, #tpu.memory_space<vmem>> -> memref<1x64xf32, #tpu.memory_space<vmem>>
      %dma_start3A_728 = tpu.memref_squeeze %dma_start3A_727 : memref<1x64xf32, #tpu.memory_space<vmem>> -> memref<64xf32, #tpu.memory_space<vmem>>
      %dma_start3A_729 = arith.constant 0 : i32
      %dma_start3A_730 = tpu.memref_slice %arg5[%squeeze3A_718, %dma_start3A_729] : memref<1000000x64xf32, #tpu.memory_space<hbm>> -> memref<1x64xf32, #tpu.memory_space<hbm>>
      %dma_start3A_731 = tpu.memref_squeeze %dma_start3A_730 : memref<1x64xf32, #tpu.memory_space<hbm>> -> memref<64xf32, #tpu.memory_space<hbm>>
      tpu.enqueue_dma source(%dma_start3A_731 : memref<64xf32, #tpu.memory_space<hbm>>) target(%dma_start3A_728 : memref<64xf32, #tpu.memory_space<vmem>>) target_semaphore(%arg17 : memref<!tpu.dma_semaphore, #tpu.memory_space<semaphore_mem>>)
      %slice3A_732 = vector.extract_strided_slice %get3A_521 {offsets = [14], sizes = [1], strides = [1]} : vector<16xi32> to vector<1xi32>
      %squeeze3A_733 = vector.extract %slice3A_732[0] : i32 from vector<1xi32>
      %dma_start3A_734 = arith.constant 30 : i32
      %dma_start3A_735 = arith.constant 0 : i32
      %dma_start3A_736 = tpu.memref_slice %arg11[%dma_start3A_734, %dma_start3A_735] : memref<32x128xf32, #tpu.memory_space<vmem>> -> memref<1x64xf32, #tpu.memory_space<vmem>>
      %dma_start3A_737 = tpu.memref_squeeze %dma_start3A_736 : memref<1x64xf32, #tpu.memory_space<vmem>> -> memref<64xf32, #tpu.memory_space<vmem>>
      %dma_start3A_738 = arith.constant 0 : i32
      %dma_start3A_739 = tpu.memref_slice %arg5[%squeeze3A_733, %dma_start3A_738] : memref<1000000x64xf32, #tpu.memory_space<hbm>> -> memref<1x64xf32, #tpu.memory_space<hbm>>
      %dma_start3A_740 = tpu.memref_squeeze %dma_start3A_739 : memref<1x64xf32, #tpu.memory_space<hbm>> -> memref<64xf32, #tpu.memory_space<hbm>>
      %dma_start3A_741 = arith.constant 0 : i32
      %dma_start3A_742 = tpu.memref_slice %arg11[%dma_start3A_734, %dma_start3A_741] : memref<32x128xf32, #tpu.memory_space<vmem>> -> memref<1x64xf32, #tpu.memory_space<vmem>>
      %dma_start3A_743 = tpu.memref_squeeze %dma_start3A_742 : memref<1x64xf32, #tpu.memory_space<vmem>> -> memref<64xf32, #tpu.memory_space<vmem>>
      %dma_start3A_744 = arith.constant 0 : i32
      %dma_start3A_745 = tpu.memref_slice %arg5[%squeeze3A_733, %dma_start3A_744] : memref<1000000x64xf32, #tpu.memory_space<hbm>> -> memref<1x64xf32, #tpu.memory_space<hbm>>
      %dma_start3A_746 = tpu.memref_squeeze %dma_start3A_745 : memref<1x64xf32, #tpu.memory_space<hbm>> -> memref<64xf32, #tpu.memory_space<hbm>>
      tpu.enqueue_dma source(%dma_start3A_746 : memref<64xf32, #tpu.memory_space<hbm>>) target(%dma_start3A_743 : memref<64xf32, #tpu.memory_space<vmem>>) target_semaphore(%arg17 : memref<!tpu.dma_semaphore, #tpu.memory_space<semaphore_mem>>)
      %slice3A_747 = vector.extract_strided_slice %get3A_521 {offsets = [15], sizes = [1], strides = [1]} : vector<16xi32> to vector<1xi32>
      %squeeze3A_748 = vector.extract %slice3A_747[0] : i32 from vector<1xi32>
      %dma_start3A_749 = arith.constant 31 : i32
      %dma_start3A_750 = arith.constant 0 : i32
      %dma_start3A_751 = tpu.memref_slice %arg11[%dma_start3A_749, %dma_start3A_750] : memref<32x128xf32, #tpu.memory_space<vmem>> -> memref<1x64xf32, #tpu.memory_space<vmem>>
      %dma_start3A_752 = tpu.memref_squeeze %dma_start3A_751 : memref<1x64xf32, #tpu.memory_space<vmem>> -> memref<64xf32, #tpu.memory_space<vmem>>
      %dma_start3A_753 = arith.constant 0 : i32
      %dma_start3A_754 = tpu.memref_slice %arg5[%squeeze3A_748, %dma_start3A_753] : memref<1000000x64xf32, #tpu.memory_space<hbm>> -> memref<1x64xf32, #tpu.memory_space<hbm>>
      %dma_start3A_755 = tpu.memref_squeeze %dma_start3A_754 : memref<1x64xf32, #tpu.memory_space<hbm>> -> memref<64xf32, #tpu.memory_space<hbm>>
      %dma_start3A_756 = arith.constant 0 : i32
      %dma_start3A_757 = tpu.memref_slice %arg11[%dma_start3A_749, %dma_start3A_756] : memref<32x128xf32, #tpu.memory_space<vmem>> -> memref<1x64xf32, #tpu.memory_space<vmem>>
      %dma_start3A_758 = tpu.memref_squeeze %dma_start3A_757 : memref<1x64xf32, #tpu.memory_space<vmem>> -> memref<64xf32, #tpu.memory_space<vmem>>
      %dma_start3A_759 = arith.constant 0 : i32
      %dma_start3A_760 = tpu.memref_slice %arg5[%squeeze3A_748, %dma_start3A_759] : memref<1000000x64xf32, #tpu.memory_space<hbm>> -> memref<1x64xf32, #tpu.memory_space<hbm>>
      %dma_start3A_761 = tpu.memref_squeeze %dma_start3A_760 : memref<1x64xf32, #tpu.memory_space<hbm>> -> memref<64xf32, #tpu.memory_space<hbm>>
      tpu.enqueue_dma source(%dma_start3A_761 : memref<64xf32, #tpu.memory_space<hbm>>) target(%dma_start3A_758 : memref<64xf32, #tpu.memory_space<vmem>>) target_semaphore(%arg17 : memref<!tpu.dma_semaphore, #tpu.memory_space<semaphore_mem>>)
      %dma_wait3A_762 = arith.constant 16 : i32
      %dma_wait3A_763 = arith.constant 0 : i32
      %dma_wait3A_764 = tpu.memref_slice %arg11[%dma_wait3A_762, %dma_wait3A_763] : memref<32x128xf32, #tpu.memory_space<vmem>> -> memref<1x64xf32, #tpu.memory_space<vmem>>
      %dma_wait3A_765 = tpu.memref_squeeze %dma_wait3A_764 : memref<1x64xf32, #tpu.memory_space<vmem>> -> memref<64xf32, #tpu.memory_space<vmem>>
      %dma_wait3A_766 = arith.constant 0 : i32
      %dma_wait3A_767 = tpu.memref_slice %arg5[%squeeze3A_523, %dma_wait3A_766] : memref<1000000x64xf32, #tpu.memory_space<hbm>> -> memref<1x64xf32, #tpu.memory_space<hbm>>
      %dma_wait3A_768 = tpu.memref_squeeze %dma_wait3A_767 : memref<1x64xf32, #tpu.memory_space<hbm>> -> memref<64xf32, #tpu.memory_space<hbm>>
      %dma_wait3A_769 = arith.constant 0 : i32
      %dma_wait3A_770 = tpu.memref_slice %arg11[%dma_wait3A_762, %dma_wait3A_769] : memref<32x128xf32, #tpu.memory_space<vmem>> -> memref<1x64xf32, #tpu.memory_space<vmem>>
      %dma_wait3A_771 = tpu.memref_squeeze %dma_wait3A_770 : memref<1x64xf32, #tpu.memory_space<vmem>> -> memref<64xf32, #tpu.memory_space<vmem>>
      %dma_wait3A_772 = arith.constant 0 : i32
      %dma_wait3A_773 = tpu.memref_slice %arg5[%squeeze3A_523, %dma_wait3A_772] : memref<1000000x64xf32, #tpu.memory_space<hbm>> -> memref<1x64xf32, #tpu.memory_space<hbm>>
      %dma_wait3A_774 = tpu.memref_squeeze %dma_wait3A_773 : memref<1x64xf32, #tpu.memory_space<hbm>> -> memref<64xf32, #tpu.memory_space<hbm>>
      tpu.wait_dma2 semaphore(%arg17 : memref<!tpu.dma_semaphore, #tpu.memory_space<semaphore_mem>>) src(%dma_wait3A_774 : memref<64xf32, #tpu.memory_space<hbm>>) dst(%dma_wait3A_771 : memref<64xf32, #tpu.memory_space<vmem>>)
      %dma_wait3A_775 = arith.constant 17 : i32
      %dma_wait3A_776 = arith.constant 0 : i32
      %dma_wait3A_777 = tpu.memref_slice %arg11[%dma_wait3A_775, %dma_wait3A_776] : memref<32x128xf32, #tpu.memory_space<vmem>> -> memref<1x64xf32, #tpu.memory_space<vmem>>
      %dma_wait3A_778 = tpu.memref_squeeze %dma_wait3A_777 : memref<1x64xf32, #tpu.memory_space<vmem>> -> memref<64xf32, #tpu.memory_space<vmem>>
      %dma_wait3A_779 = arith.constant 0 : i32
      %dma_wait3A_780 = tpu.memref_slice %arg5[%squeeze3A_538, %dma_wait3A_779] : memref<1000000x64xf32, #tpu.memory_space<hbm>> -> memref<1x64xf32, #tpu.memory_space<hbm>>
      %dma_wait3A_781 = tpu.memref_squeeze %dma_wait3A_780 : memref<1x64xf32, #tpu.memory_space<hbm>> -> memref<64xf32, #tpu.memory_space<hbm>>
      %dma_wait3A_782 = arith.constant 0 : i32
      %dma_wait3A_783 = tpu.memref_slice %arg11[%dma_wait3A_775, %dma_wait3A_782] : memref<32x128xf32, #tpu.memory_space<vmem>> -> memref<1x64xf32, #tpu.memory_space<vmem>>
      %dma_wait3A_784 = tpu.memref_squeeze %dma_wait3A_783 : memref<1x64xf32, #tpu.memory_space<vmem>> -> memref<64xf32, #tpu.memory_space<vmem>>
      %dma_wait3A_785 = arith.constant 0 : i32
      %dma_wait3A_786 = tpu.memref_slice %arg5[%squeeze3A_538, %dma_wait3A_785] : memref<1000000x64xf32, #tpu.memory_space<hbm>> -> memref<1x64xf32, #tpu.memory_space<hbm>>
      %dma_wait3A_787 = tpu.memref_squeeze %dma_wait3A_786 : memref<1x64xf32, #tpu.memory_space<hbm>> -> memref<64xf32, #tpu.memory_space<hbm>>
      tpu.wait_dma2 semaphore(%arg17 : memref<!tpu.dma_semaphore, #tpu.memory_space<semaphore_mem>>) src(%dma_wait3A_787 : memref<64xf32, #tpu.memory_space<hbm>>) dst(%dma_wait3A_784 : memref<64xf32, #tpu.memory_space<vmem>>)
      %dma_wait3A_788 = arith.constant 18 : i32
      %dma_wait3A_789 = arith.constant 0 : i32
      %dma_wait3A_790 = tpu.memref_slice %arg11[%dma_wait3A_788, %dma_wait3A_789] : memref<32x128xf32, #tpu.memory_space<vmem>> -> memref<1x64xf32, #tpu.memory_space<vmem>>
      %dma_wait3A_791 = tpu.memref_squeeze %dma_wait3A_790 : memref<1x64xf32, #tpu.memory_space<vmem>> -> memref<64xf32, #tpu.memory_space<vmem>>
      %dma_wait3A_792 = arith.constant 0 : i32
      %dma_wait3A_793 = tpu.memref_slice %arg5[%squeeze3A_553, %dma_wait3A_792] : memref<1000000x64xf32, #tpu.memory_space<hbm>> -> memref<1x64xf32, #tpu.memory_space<hbm>>
      %dma_wait3A_794 = tpu.memref_squeeze %dma_wait3A_793 : memref<1x64xf32, #tpu.memory_space<hbm>> -> memref<64xf32, #tpu.memory_space<hbm>>
      %dma_wait3A_795 = arith.constant 0 : i32
      %dma_wait3A_796 = tpu.memref_slice %arg11[%dma_wait3A_788, %dma_wait3A_795] : memref<32x128xf32, #tpu.memory_space<vmem>> -> memref<1x64xf32, #tpu.memory_space<vmem>>
      %dma_wait3A_797 = tpu.memref_squeeze %dma_wait3A_796 : memref<1x64xf32, #tpu.memory_space<vmem>> -> memref<64xf32, #tpu.memory_space<vmem>>
      %dma_wait3A_798 = arith.constant 0 : i32
      %dma_wait3A_799 = tpu.memref_slice %arg5[%squeeze3A_553, %dma_wait3A_798] : memref<1000000x64xf32, #tpu.memory_space<hbm>> -> memref<1x64xf32, #tpu.memory_space<hbm>>
      %dma_wait3A_800 = tpu.memref_squeeze %dma_wait3A_799 : memref<1x64xf32, #tpu.memory_space<hbm>> -> memref<64xf32, #tpu.memory_space<hbm>>
      tpu.wait_dma2 semaphore(%arg17 : memref<!tpu.dma_semaphore, #tpu.memory_space<semaphore_mem>>) src(%dma_wait3A_800 : memref<64xf32, #tpu.memory_space<hbm>>) dst(%dma_wait3A_797 : memref<64xf32, #tpu.memory_space<vmem>>)
      %dma_wait3A_801 = arith.constant 19 : i32
      %dma_wait3A_802 = arith.constant 0 : i32
      %dma_wait3A_803 = tpu.memref_slice %arg11[%dma_wait3A_801, %dma_wait3A_802] : memref<32x128xf32, #tpu.memory_space<vmem>> -> memref<1x64xf32, #tpu.memory_space<vmem>>
      %dma_wait3A_804 = tpu.memref_squeeze %dma_wait3A_803 : memref<1x64xf32, #tpu.memory_space<vmem>> -> memref<64xf32, #tpu.memory_space<vmem>>
      %dma_wait3A_805 = arith.constant 0 : i32
      %dma_wait3A_806 = tpu.memref_slice %arg5[%squeeze3A_568, %dma_wait3A_805] : memref<1000000x64xf32, #tpu.memory_space<hbm>> -> memref<1x64xf32, #tpu.memory_space<hbm>>
      %dma_wait3A_807 = tpu.memref_squeeze %dma_wait3A_806 : memref<1x64xf32, #tpu.memory_space<hbm>> -> memref<64xf32, #tpu.memory_space<hbm>>
      %dma_wait3A_808 = arith.constant 0 : i32
      %dma_wait3A_809 = tpu.memref_slice %arg11[%dma_wait3A_801, %dma_wait3A_808] : memref<32x128xf32, #tpu.memory_space<vmem>> -> memref<1x64xf32, #tpu.memory_space<vmem>>
      %dma_wait3A_810 = tpu.memref_squeeze %dma_wait3A_809 : memref<1x64xf32, #tpu.memory_space<vmem>> -> memref<64xf32, #tpu.memory_space<vmem>>
      %dma_wait3A_811 = arith.constant 0 : i32
      %dma_wait3A_812 = tpu.memref_slice %arg5[%squeeze3A_568, %dma_wait3A_811] : memref<1000000x64xf32, #tpu.memory_space<hbm>> -> memref<1x64xf32, #tpu.memory_space<hbm>>
      %dma_wait3A_813 = tpu.memref_squeeze %dma_wait3A_812 : memref<1x64xf32, #tpu.memory_space<hbm>> -> memref<64xf32, #tpu.memory_space<hbm>>
      tpu.wait_dma2 semaphore(%arg17 : memref<!tpu.dma_semaphore, #tpu.memory_space<semaphore_mem>>) src(%dma_wait3A_813 : memref<64xf32, #tpu.memory_space<hbm>>) dst(%dma_wait3A_810 : memref<64xf32, #tpu.memory_space<vmem>>)
      %dma_wait3A_814 = arith.constant 20 : i32
      %dma_wait3A_815 = arith.constant 0 : i32
      %dma_wait3A_816 = tpu.memref_slice %arg11[%dma_wait3A_814, %dma_wait3A_815] : memref<32x128xf32, #tpu.memory_space<vmem>> -> memref<1x64xf32, #tpu.memory_space<vmem>>
      %dma_wait3A_817 = tpu.memref_squeeze %dma_wait3A_816 : memref<1x64xf32, #tpu.memory_space<vmem>> -> memref<64xf32, #tpu.memory_space<vmem>>
      %dma_wait3A_818 = arith.constant 0 : i32
      %dma_wait3A_819 = tpu.memref_slice %arg5[%squeeze3A_583, %dma_wait3A_818] : memref<1000000x64xf32, #tpu.memory_space<hbm>> -> memref<1x64xf32, #tpu.memory_space<hbm>>
      %dma_wait3A_820 = tpu.memref_squeeze %dma_wait3A_819 : memref<1x64xf32, #tpu.memory_space<hbm>> -> memref<64xf32, #tpu.memory_space<hbm>>
      %dma_wait3A_821 = arith.constant 0 : i32
      %dma_wait3A_822 = tpu.memref_slice %arg11[%dma_wait3A_814, %dma_wait3A_821] : memref<32x128xf32, #tpu.memory_space<vmem>> -> memref<1x64xf32, #tpu.memory_space<vmem>>
      %dma_wait3A_823 = tpu.memref_squeeze %dma_wait3A_822 : memref<1x64xf32, #tpu.memory_space<vmem>> -> memref<64xf32, #tpu.memory_space<vmem>>
      %dma_wait3A_824 = arith.constant 0 : i32
      %dma_wait3A_825 = tpu.memref_slice %arg5[%squeeze3A_583, %dma_wait3A_824] : memref<1000000x64xf32, #tpu.memory_space<hbm>> -> memref<1x64xf32, #tpu.memory_space<hbm>>
      %dma_wait3A_826 = tpu.memref_squeeze %dma_wait3A_825 : memref<1x64xf32, #tpu.memory_space<hbm>> -> memref<64xf32, #tpu.memory_space<hbm>>
      tpu.wait_dma2 semaphore(%arg17 : memref<!tpu.dma_semaphore, #tpu.memory_space<semaphore_mem>>) src(%dma_wait3A_826 : memref<64xf32, #tpu.memory_space<hbm>>) dst(%dma_wait3A_823 : memref<64xf32, #tpu.memory_space<vmem>>)
      %dma_wait3A_827 = arith.constant 21 : i32
      %dma_wait3A_828 = arith.constant 0 : i32
      %dma_wait3A_829 = tpu.memref_slice %arg11[%dma_wait3A_827, %dma_wait3A_828] : memref<32x128xf32, #tpu.memory_space<vmem>> -> memref<1x64xf32, #tpu.memory_space<vmem>>
      %dma_wait3A_830 = tpu.memref_squeeze %dma_wait3A_829 : memref<1x64xf32, #tpu.memory_space<vmem>> -> memref<64xf32, #tpu.memory_space<vmem>>
      %dma_wait3A_831 = arith.constant 0 : i32
      %dma_wait3A_832 = tpu.memref_slice %arg5[%squeeze3A_598, %dma_wait3A_831] : memref<1000000x64xf32, #tpu.memory_space<hbm>> -> memref<1x64xf32, #tpu.memory_space<hbm>>
      %dma_wait3A_833 = tpu.memref_squeeze %dma_wait3A_832 : memref<1x64xf32, #tpu.memory_space<hbm>> -> memref<64xf32, #tpu.memory_space<hbm>>
      %dma_wait3A_834 = arith.constant 0 : i32
      %dma_wait3A_835 = tpu.memref_slice %arg11[%dma_wait3A_827, %dma_wait3A_834] : memref<32x128xf32, #tpu.memory_space<vmem>> -> memref<1x64xf32, #tpu.memory_space<vmem>>
      %dma_wait3A_836 = tpu.memref_squeeze %dma_wait3A_835 : memref<1x64xf32, #tpu.memory_space<vmem>> -> memref<64xf32, #tpu.memory_space<vmem>>
      %dma_wait3A_837 = arith.constant 0 : i32
      %dma_wait3A_838 = tpu.memref_slice %arg5[%squeeze3A_598, %dma_wait3A_837] : memref<1000000x64xf32, #tpu.memory_space<hbm>> -> memref<1x64xf32, #tpu.memory_space<hbm>>
      %dma_wait3A_839 = tpu.memref_squeeze %dma_wait3A_838 : memref<1x64xf32, #tpu.memory_space<hbm>> -> memref<64xf32, #tpu.memory_space<hbm>>
      tpu.wait_dma2 semaphore(%arg17 : memref<!tpu.dma_semaphore, #tpu.memory_space<semaphore_mem>>) src(%dma_wait3A_839 : memref<64xf32, #tpu.memory_space<hbm>>) dst(%dma_wait3A_836 : memref<64xf32, #tpu.memory_space<vmem>>)
      %dma_wait3A_840 = arith.constant 22 : i32
      %dma_wait3A_841 = arith.constant 0 : i32
      %dma_wait3A_842 = tpu.memref_slice %arg11[%dma_wait3A_840, %dma_wait3A_841] : memref<32x128xf32, #tpu.memory_space<vmem>> -> memref<1x64xf32, #tpu.memory_space<vmem>>
      %dma_wait3A_843 = tpu.memref_squeeze %dma_wait3A_842 : memref<1x64xf32, #tpu.memory_space<vmem>> -> memref<64xf32, #tpu.memory_space<vmem>>
      %dma_wait3A_844 = arith.constant 0 : i32
      %dma_wait3A_845 = tpu.memref_slice %arg5[%squeeze3A_613, %dma_wait3A_844] : memref<1000000x64xf32, #tpu.memory_space<hbm>> -> memref<1x64xf32, #tpu.memory_space<hbm>>
      %dma_wait3A_846 = tpu.memref_squeeze %dma_wait3A_845 : memref<1x64xf32, #tpu.memory_space<hbm>> -> memref<64xf32, #tpu.memory_space<hbm>>
      %dma_wait3A_847 = arith.constant 0 : i32
      %dma_wait3A_848 = tpu.memref_slice %arg11[%dma_wait3A_840, %dma_wait3A_847] : memref<32x128xf32, #tpu.memory_space<vmem>> -> memref<1x64xf32, #tpu.memory_space<vmem>>
      %dma_wait3A_849 = tpu.memref_squeeze %dma_wait3A_848 : memref<1x64xf32, #tpu.memory_space<vmem>> -> memref<64xf32, #tpu.memory_space<vmem>>
      %dma_wait3A_850 = arith.constant 0 : i32
      %dma_wait3A_851 = tpu.memref_slice %arg5[%squeeze3A_613, %dma_wait3A_850] : memref<1000000x64xf32, #tpu.memory_space<hbm>> -> memref<1x64xf32, #tpu.memory_space<hbm>>
      %dma_wait3A_852 = tpu.memref_squeeze %dma_wait3A_851 : memref<1x64xf32, #tpu.memory_space<hbm>> -> memref<64xf32, #tpu.memory_space<hbm>>
      tpu.wait_dma2 semaphore(%arg17 : memref<!tpu.dma_semaphore, #tpu.memory_space<semaphore_mem>>) src(%dma_wait3A_852 : memref<64xf32, #tpu.memory_space<hbm>>) dst(%dma_wait3A_849 : memref<64xf32, #tpu.memory_space<vmem>>)
      %dma_wait3A_853 = arith.constant 23 : i32
      %dma_wait3A_854 = arith.constant 0 : i32
      %dma_wait3A_855 = tpu.memref_slice %arg11[%dma_wait3A_853, %dma_wait3A_854] : memref<32x128xf32, #tpu.memory_space<vmem>> -> memref<1x64xf32, #tpu.memory_space<vmem>>
      %dma_wait3A_856 = tpu.memref_squeeze %dma_wait3A_855 : memref<1x64xf32, #tpu.memory_space<vmem>> -> memref<64xf32, #tpu.memory_space<vmem>>
      %dma_wait3A_857 = arith.constant 0 : i32
      %dma_wait3A_858 = tpu.memref_slice %arg5[%squeeze3A_628, %dma_wait3A_857] : memref<1000000x64xf32, #tpu.memory_space<hbm>> -> memref<1x64xf32, #tpu.memory_space<hbm>>
      %dma_wait3A_859 = tpu.memref_squeeze %dma_wait3A_858 : memref<1x64xf32, #tpu.memory_space<hbm>> -> memref<64xf32, #tpu.memory_space<hbm>>
      %dma_wait3A_860 = arith.constant 0 : i32
      %dma_wait3A_861 = tpu.memref_slice %arg11[%dma_wait3A_853, %dma_wait3A_860] : memref<32x128xf32, #tpu.memory_space<vmem>> -> memref<1x64xf32, #tpu.memory_space<vmem>>
      %dma_wait3A_862 = tpu.memref_squeeze %dma_wait3A_861 : memref<1x64xf32, #tpu.memory_space<vmem>> -> memref<64xf32, #tpu.memory_space<vmem>>
      %dma_wait3A_863 = arith.constant 0 : i32
      %dma_wait3A_864 = tpu.memref_slice %arg5[%squeeze3A_628, %dma_wait3A_863] : memref<1000000x64xf32, #tpu.memory_space<hbm>> -> memref<1x64xf32, #tpu.memory_space<hbm>>
      %dma_wait3A_865 = tpu.memref_squeeze %dma_wait3A_864 : memref<1x64xf32, #tpu.memory_space<hbm>> -> memref<64xf32, #tpu.memory_space<hbm>>
      tpu.wait_dma2 semaphore(%arg17 : memref<!tpu.dma_semaphore, #tpu.memory_space<semaphore_mem>>) src(%dma_wait3A_865 : memref<64xf32, #tpu.memory_space<hbm>>) dst(%dma_wait3A_862 : memref<64xf32, #tpu.memory_space<vmem>>)
      %dma_wait3A_866 = arith.constant 24 : i32
      %dma_wait3A_867 = arith.constant 0 : i32
      %dma_wait3A_868 = tpu.memref_slice %arg11[%dma_wait3A_866, %dma_wait3A_867] : memref<32x128xf32, #tpu.memory_space<vmem>> -> memref<1x64xf32, #tpu.memory_space<vmem>>
      %dma_wait3A_869 = tpu.memref_squeeze %dma_wait3A_868 : memref<1x64xf32, #tpu.memory_space<vmem>> -> memref<64xf32, #tpu.memory_space<vmem>>
      %dma_wait3A_870 = arith.constant 0 : i32
      %dma_wait3A_871 = tpu.memref_slice %arg5[%squeeze3A_643, %dma_wait3A_870] : memref<1000000x64xf32, #tpu.memory_space<hbm>> -> memref<1x64xf32, #tpu.memory_space<hbm>>
      %dma_wait3A_872 = tpu.memref_squeeze %dma_wait3A_871 : memref<1x64xf32, #tpu.memory_space<hbm>> -> memref<64xf32, #tpu.memory_space<hbm>>
      %dma_wait3A_873 = arith.constant 0 : i32
      %dma_wait3A_874 = tpu.memref_slice %arg11[%dma_wait3A_866, %dma_wait3A_873] : memref<32x128xf32, #tpu.memory_space<vmem>> -> memref<1x64xf32, #tpu.memory_space<vmem>>
      %dma_wait3A_875 = tpu.memref_squeeze %dma_wait3A_874 : memref<1x64xf32, #tpu.memory_space<vmem>> -> memref<64xf32, #tpu.memory_space<vmem>>
      %dma_wait3A_876 = arith.constant 0 : i32
      %dma_wait3A_877 = tpu.memref_slice %arg5[%squeeze3A_643, %dma_wait3A_876] : memref<1000000x64xf32, #tpu.memory_space<hbm>> -> memref<1x64xf32, #tpu.memory_space<hbm>>
      %dma_wait3A_878 = tpu.memref_squeeze %dma_wait3A_877 : memref<1x64xf32, #tpu.memory_space<hbm>> -> memref<64xf32, #tpu.memory_space<hbm>>
      tpu.wait_dma2 semaphore(%arg17 : memref<!tpu.dma_semaphore, #tpu.memory_space<semaphore_mem>>) src(%dma_wait3A_878 : memref<64xf32, #tpu.memory_space<hbm>>) dst(%dma_wait3A_875 : memref<64xf32, #tpu.memory_space<vmem>>)
      %dma_wait3A_879 = arith.constant 25 : i32
      %dma_wait3A_880 = arith.constant 0 : i32
      %dma_wait3A_881 = tpu.memref_slice %arg11[%dma_wait3A_879, %dma_wait3A_880] : memref<32x128xf32, #tpu.memory_space<vmem>> -> memref<1x64xf32, #tpu.memory_space<vmem>>
      %dma_wait3A_882 = tpu.memref_squeeze %dma_wait3A_881 : memref<1x64xf32, #tpu.memory_space<vmem>> -> memref<64xf32, #tpu.memory_space<vmem>>
      %dma_wait3A_883 = arith.constant 0 : i32
      %dma_wait3A_884 = tpu.memref_slice %arg5[%squeeze3A_658, %dma_wait3A_883] : memref<1000000x64xf32, #tpu.memory_space<hbm>> -> memref<1x64xf32, #tpu.memory_space<hbm>>
      %dma_wait3A_885 = tpu.memref_squeeze %dma_wait3A_884 : memref<1x64xf32, #tpu.memory_space<hbm>> -> memref<64xf32, #tpu.memory_space<hbm>>
      %dma_wait3A_886 = arith.constant 0 : i32
      %dma_wait3A_887 = tpu.memref_slice %arg11[%dma_wait3A_879, %dma_wait3A_886] : memref<32x128xf32, #tpu.memory_space<vmem>> -> memref<1x64xf32, #tpu.memory_space<vmem>>
      %dma_wait3A_888 = tpu.memref_squeeze %dma_wait3A_887 : memref<1x64xf32, #tpu.memory_space<vmem>> -> memref<64xf32, #tpu.memory_space<vmem>>
      %dma_wait3A_889 = arith.constant 0 : i32
      %dma_wait3A_890 = tpu.memref_slice %arg5[%squeeze3A_658, %dma_wait3A_889] : memref<1000000x64xf32, #tpu.memory_space<hbm>> -> memref<1x64xf32, #tpu.memory_space<hbm>>
      %dma_wait3A_891 = tpu.memref_squeeze %dma_wait3A_890 : memref<1x64xf32, #tpu.memory_space<hbm>> -> memref<64xf32, #tpu.memory_space<hbm>>
      tpu.wait_dma2 semaphore(%arg17 : memref<!tpu.dma_semaphore, #tpu.memory_space<semaphore_mem>>) src(%dma_wait3A_891 : memref<64xf32, #tpu.memory_space<hbm>>) dst(%dma_wait3A_888 : memref<64xf32, #tpu.memory_space<vmem>>)
      %dma_wait3A_892 = arith.constant 26 : i32
      %dma_wait3A_893 = arith.constant 0 : i32
      %dma_wait3A_894 = tpu.memref_slice %arg11[%dma_wait3A_892, %dma_wait3A_893] : memref<32x128xf32, #tpu.memory_space<vmem>> -> memref<1x64xf32, #tpu.memory_space<vmem>>
      %dma_wait3A_895 = tpu.memref_squeeze %dma_wait3A_894 : memref<1x64xf32, #tpu.memory_space<vmem>> -> memref<64xf32, #tpu.memory_space<vmem>>
      %dma_wait3A_896 = arith.constant 0 : i32
      %dma_wait3A_897 = tpu.memref_slice %arg5[%squeeze3A_673, %dma_wait3A_896] : memref<1000000x64xf32, #tpu.memory_space<hbm>> -> memref<1x64xf32, #tpu.memory_space<hbm>>
      %dma_wait3A_898 = tpu.memref_squeeze %dma_wait3A_897 : memref<1x64xf32, #tpu.memory_space<hbm>> -> memref<64xf32, #tpu.memory_space<hbm>>
      %dma_wait3A_899 = arith.constant 0 : i32
      %dma_wait3A_900 = tpu.memref_slice %arg11[%dma_wait3A_892, %dma_wait3A_899] : memref<32x128xf32, #tpu.memory_space<vmem>> -> memref<1x64xf32, #tpu.memory_space<vmem>>
      %dma_wait3A_901 = tpu.memref_squeeze %dma_wait3A_900 : memref<1x64xf32, #tpu.memory_space<vmem>> -> memref<64xf32, #tpu.memory_space<vmem>>
      %dma_wait3A_902 = arith.constant 0 : i32
      %dma_wait3A_903 = tpu.memref_slice %arg5[%squeeze3A_673, %dma_wait3A_902] : memref<1000000x64xf32, #tpu.memory_space<hbm>> -> memref<1x64xf32, #tpu.memory_space<hbm>>
      %dma_wait3A_904 = tpu.memref_squeeze %dma_wait3A_903 : memref<1x64xf32, #tpu.memory_space<hbm>> -> memref<64xf32, #tpu.memory_space<hbm>>
      tpu.wait_dma2 semaphore(%arg17 : memref<!tpu.dma_semaphore, #tpu.memory_space<semaphore_mem>>) src(%dma_wait3A_904 : memref<64xf32, #tpu.memory_space<hbm>>) dst(%dma_wait3A_901 : memref<64xf32, #tpu.memory_space<vmem>>)
      %dma_wait3A_905 = arith.constant 27 : i32
      %dma_wait3A_906 = arith.constant 0 : i32
      %dma_wait3A_907 = tpu.memref_slice %arg11[%dma_wait3A_905, %dma_wait3A_906] : memref<32x128xf32, #tpu.memory_space<vmem>> -> memref<1x64xf32, #tpu.memory_space<vmem>>
      %dma_wait3A_908 = tpu.memref_squeeze %dma_wait3A_907 : memref<1x64xf32, #tpu.memory_space<vmem>> -> memref<64xf32, #tpu.memory_space<vmem>>
      %dma_wait3A_909 = arith.constant 0 : i32
      %dma_wait3A_910 = tpu.memref_slice %arg5[%squeeze3A_688, %dma_wait3A_909] : memref<1000000x64xf32, #tpu.memory_space<hbm>> -> memref<1x64xf32, #tpu.memory_space<hbm>>
      %dma_wait3A_911 = tpu.memref_squeeze %dma_wait3A_910 : memref<1x64xf32, #tpu.memory_space<hbm>> -> memref<64xf32, #tpu.memory_space<hbm>>
      %dma_wait3A_912 = arith.constant 0 : i32
      %dma_wait3A_913 = tpu.memref_slice %arg11[%dma_wait3A_905, %dma_wait3A_912] : memref<32x128xf32, #tpu.memory_space<vmem>> -> memref<1x64xf32, #tpu.memory_space<vmem>>
      %dma_wait3A_914 = tpu.memref_squeeze %dma_wait3A_913 : memref<1x64xf32, #tpu.memory_space<vmem>> -> memref<64xf32, #tpu.memory_space<vmem>>
      %dma_wait3A_915 = arith.constant 0 : i32
      %dma_wait3A_916 = tpu.memref_slice %arg5[%squeeze3A_688, %dma_wait3A_915] : memref<1000000x64xf32, #tpu.memory_space<hbm>> -> memref<1x64xf32, #tpu.memory_space<hbm>>
      %dma_wait3A_917 = tpu.memref_squeeze %dma_wait3A_916 : memref<1x64xf32, #tpu.memory_space<hbm>> -> memref<64xf32, #tpu.memory_space<hbm>>
      tpu.wait_dma2 semaphore(%arg17 : memref<!tpu.dma_semaphore, #tpu.memory_space<semaphore_mem>>) src(%dma_wait3A_917 : memref<64xf32, #tpu.memory_space<hbm>>) dst(%dma_wait3A_914 : memref<64xf32, #tpu.memory_space<vmem>>)
      %dma_wait3A_918 = arith.constant 28 : i32
      %dma_wait3A_919 = arith.constant 0 : i32
      %dma_wait3A_920 = tpu.memref_slice %arg11[%dma_wait3A_918, %dma_wait3A_919] : memref<32x128xf32, #tpu.memory_space<vmem>> -> memref<1x64xf32, #tpu.memory_space<vmem>>
      %dma_wait3A_921 = tpu.memref_squeeze %dma_wait3A_920 : memref<1x64xf32, #tpu.memory_space<vmem>> -> memref<64xf32, #tpu.memory_space<vmem>>
      %dma_wait3A_922 = arith.constant 0 : i32
      %dma_wait3A_923 = tpu.memref_slice %arg5[%squeeze3A_703, %dma_wait3A_922] : memref<1000000x64xf32, #tpu.memory_space<hbm>> -> memref<1x64xf32, #tpu.memory_space<hbm>>
      %dma_wait3A_924 = tpu.memref_squeeze %dma_wait3A_923 : memref<1x64xf32, #tpu.memory_space<hbm>> -> memref<64xf32, #tpu.memory_space<hbm>>
      %dma_wait3A_925 = arith.constant 0 : i32
      %dma_wait3A_926 = tpu.memref_slice %arg11[%dma_wait3A_918, %dma_wait3A_925] : memref<32x128xf32, #tpu.memory_space<vmem>> -> memref<1x64xf32, #tpu.memory_space<vmem>>
      %dma_wait3A_927 = tpu.memref_squeeze %dma_wait3A_926 : memref<1x64xf32, #tpu.memory_space<vmem>> -> memref<64xf32, #tpu.memory_space<vmem>>
      %dma_wait3A_928 = arith.constant 0 : i32
      %dma_wait3A_929 = tpu.memref_slice %arg5[%squeeze3A_703, %dma_wait3A_928] : memref<1000000x64xf32, #tpu.memory_space<hbm>> -> memref<1x64xf32, #tpu.memory_space<hbm>>
      %dma_wait3A_930 = tpu.memref_squeeze %dma_wait3A_929 : memref<1x64xf32, #tpu.memory_space<hbm>> -> memref<64xf32, #tpu.memory_space<hbm>>
      tpu.wait_dma2 semaphore(%arg17 : memref<!tpu.dma_semaphore, #tpu.memory_space<semaphore_mem>>) src(%dma_wait3A_930 : memref<64xf32, #tpu.memory_space<hbm>>) dst(%dma_wait3A_927 : memref<64xf32, #tpu.memory_space<vmem>>)
      %dma_wait3A_931 = arith.constant 29 : i32
      %dma_wait3A_932 = arith.constant 0 : i32
      %dma_wait3A_933 = tpu.memref_slice %arg11[%dma_wait3A_931, %dma_wait3A_932] : memref<32x128xf32, #tpu.memory_space<vmem>> -> memref<1x64xf32, #tpu.memory_space<vmem>>
      %dma_wait3A_934 = tpu.memref_squeeze %dma_wait3A_933 : memref<1x64xf32, #tpu.memory_space<vmem>> -> memref<64xf32, #tpu.memory_space<vmem>>
      %dma_wait3A_935 = arith.constant 0 : i32
      %dma_wait3A_936 = tpu.memref_slice %arg5[%squeeze3A_718, %dma_wait3A_935] : memref<1000000x64xf32, #tpu.memory_space<hbm>> -> memref<1x64xf32, #tpu.memory_space<hbm>>
      %dma_wait3A_937 = tpu.memref_squeeze %dma_wait3A_936 : memref<1x64xf32, #tpu.memory_space<hbm>> -> memref<64xf32, #tpu.memory_space<hbm>>
      %dma_wait3A_938 = arith.constant 0 : i32
      %dma_wait3A_939 = tpu.memref_slice %arg11[%dma_wait3A_931, %dma_wait3A_938] : memref<32x128xf32, #tpu.memory_space<vmem>> -> memref<1x64xf32, #tpu.memory_space<vmem>>
      %dma_wait3A_940 = tpu.memref_squeeze %dma_wait3A_939 : memref<1x64xf32, #tpu.memory_space<vmem>> -> memref<64xf32, #tpu.memory_space<vmem>>
      %dma_wait3A_941 = arith.constant 0 : i32
      %dma_wait3A_942 = tpu.memref_slice %arg5[%squeeze3A_718, %dma_wait3A_941] : memref<1000000x64xf32, #tpu.memory_space<hbm>> -> memref<1x64xf32, #tpu.memory_space<hbm>>
      %dma_wait3A_943 = tpu.memref_squeeze %dma_wait3A_942 : memref<1x64xf32, #tpu.memory_space<hbm>> -> memref<64xf32, #tpu.memory_space<hbm>>
      tpu.wait_dma2 semaphore(%arg17 : memref<!tpu.dma_semaphore, #tpu.memory_space<semaphore_mem>>) src(%dma_wait3A_943 : memref<64xf32, #tpu.memory_space<hbm>>) dst(%dma_wait3A_940 : memref<64xf32, #tpu.memory_space<vmem>>)
      %dma_wait3A_944 = arith.constant 30 : i32
      %dma_wait3A_945 = arith.constant 0 : i32
      %dma_wait3A_946 = tpu.memref_slice %arg11[%dma_wait3A_944, %dma_wait3A_945] : memref<32x128xf32, #tpu.memory_space<vmem>> -> memref<1x64xf32, #tpu.memory_space<vmem>>
      %dma_wait3A_947 = tpu.memref_squeeze %dma_wait3A_946 : memref<1x64xf32, #tpu.memory_space<vmem>> -> memref<64xf32, #tpu.memory_space<vmem>>
      %dma_wait3A_948 = arith.constant 0 : i32
      %dma_wait3A_949 = tpu.memref_slice %arg5[%squeeze3A_733, %dma_wait3A_948] : memref<1000000x64xf32, #tpu.memory_space<hbm>> -> memref<1x64xf32, #tpu.memory_space<hbm>>
      %dma_wait3A_950 = tpu.memref_squeeze %dma_wait3A_949 : memref<1x64xf32, #tpu.memory_space<hbm>> -> memref<64xf32, #tpu.memory_space<hbm>>
      %dma_wait3A_951 = arith.constant 0 : i32
      %dma_wait3A_952 = tpu.memref_slice %arg11[%dma_wait3A_944, %dma_wait3A_951] : memref<32x128xf32, #tpu.memory_space<vmem>> -> memref<1x64xf32, #tpu.memory_space<vmem>>
      %dma_wait3A_953 = tpu.memref_squeeze %dma_wait3A_952 : memref<1x64xf32, #tpu.memory_space<vmem>> -> memref<64xf32, #tpu.memory_space<vmem>>
      %dma_wait3A_954 = arith.constant 0 : i32
      %dma_wait3A_955 = tpu.memref_slice %arg5[%squeeze3A_733, %dma_wait3A_954] : memref<1000000x64xf32, #tpu.memory_space<hbm>> -> memref<1x64xf32, #tpu.memory_space<hbm>>
      %dma_wait3A_956 = tpu.memref_squeeze %dma_wait3A_955 : memref<1x64xf32, #tpu.memory_space<hbm>> -> memref<64xf32, #tpu.memory_space<hbm>>
      tpu.wait_dma2 semaphore(%arg17 : memref<!tpu.dma_semaphore, #tpu.memory_space<semaphore_mem>>) src(%dma_wait3A_956 : memref<64xf32, #tpu.memory_space<hbm>>) dst(%dma_wait3A_953 : memref<64xf32, #tpu.memory_space<vmem>>)
      %dma_wait3A_957 = arith.constant 31 : i32
      %dma_wait3A_958 = arith.constant 0 : i32
      %dma_wait3A_959 = tpu.memref_slice %arg11[%dma_wait3A_957, %dma_wait3A_958] : memref<32x128xf32, #tpu.memory_space<vmem>> -> memref<1x64xf32, #tpu.memory_space<vmem>>
      %dma_wait3A_960 = tpu.memref_squeeze %dma_wait3A_959 : memref<1x64xf32, #tpu.memory_space<vmem>> -> memref<64xf32, #tpu.memory_space<vmem>>
      %dma_wait3A_961 = arith.constant 0 : i32
      %dma_wait3A_962 = tpu.memref_slice %arg5[%squeeze3A_748, %dma_wait3A_961] : memref<1000000x64xf32, #tpu.memory_space<hbm>> -> memref<1x64xf32, #tpu.memory_space<hbm>>
      %dma_wait3A_963 = tpu.memref_squeeze %dma_wait3A_962 : memref<1x64xf32, #tpu.memory_space<hbm>> -> memref<64xf32, #tpu.memory_space<hbm>>
      %dma_wait3A_964 = arith.constant 0 : i32
      %dma_wait3A_965 = tpu.memref_slice %arg11[%dma_wait3A_957, %dma_wait3A_964] : memref<32x128xf32, #tpu.memory_space<vmem>> -> memref<1x64xf32, #tpu.memory_space<vmem>>
      %dma_wait3A_966 = tpu.memref_squeeze %dma_wait3A_965 : memref<1x64xf32, #tpu.memory_space<vmem>> -> memref<64xf32, #tpu.memory_space<vmem>>
      %dma_wait3A_967 = arith.constant 0 : i32
      %dma_wait3A_968 = tpu.memref_slice %arg5[%squeeze3A_748, %dma_wait3A_967] : memref<1000000x64xf32, #tpu.memory_space<hbm>> -> memref<1x64xf32, #tpu.memory_space<hbm>>
      %dma_wait3A_969 = tpu.memref_squeeze %dma_wait3A_968 : memref<1x64xf32, #tpu.memory_space<hbm>> -> memref<64xf32, #tpu.memory_space<hbm>>
      tpu.wait_dma2 semaphore(%arg17 : memref<!tpu.dma_semaphore, #tpu.memory_space<semaphore_mem>>) src(%dma_wait3A_969 : memref<64xf32, #tpu.memory_space<hbm>>) dst(%dma_wait3A_966 : memref<64xf32, #tpu.memory_space<vmem>>)
      %dma_wait3A_970 = arith.constant 0 : i32
      %dma_wait3A_971 = arith.constant 0 : i32
      %dma_wait3A_972 = tpu.memref_slice %arg12[%dma_wait3A_970, %dma_wait3A_971] : memref<672x128xf32, #tpu.memory_space<vmem>> -> memref<336x128xf32, #tpu.memory_space<vmem>>
      %dma_wait3A_973 = arith.constant 0 : i32
      %dma_wait3A_974 = arith.constant 0 : i32
      %dma_wait3A_975 = tpu.memref_slice %arg6[%dma_wait3A_973, %dma_wait3A_974] : memref<1000000x128xf32, #tpu.memory_space<hbm>> -> memref<1000000x128xf32, #tpu.memory_space<hbm>>
      tpu.wait_indirect_dma semaphore(%arg15 : memref<!tpu.dma_semaphore, #tpu.memory_space<semaphore_mem>>) src(%dma_wait3A_975 : memref<1000000x128xf32, #tpu.memory_space<hbm>>) dst(%dma_wait3A_972 : memref<336x128xf32, #tpu.memory_space<vmem>>)
      %mul3A_976 = arith.constant 512 : i32
      %mul3A_977 = arith.muli %add3A, %mul3A_976 : i32
      %mul3A_978 = arith.constant 16 : i32
      %mul3A_979 = arith.muli %add3A_495, %mul3A_978 : i32
      %add3A_980 = arith.addi %mul3A_977, %mul3A_979 : i32
      %mul3A_981 = arith.constant 21 : i32
      %mul3A_982 = arith.muli %add3A_980, %mul3A_981 : i32
      %mul3A_983 = arith.constant 336 : i32
      %mul3A_984 = arith.muli %add3A_495, %mul3A_983 : i32
      %scan3A_985 = arith.constant 0 : i32
      %scan3A_986 = arith.constant 0 : i32
      %scan3A_987 = arith.constant 21 : i32
      %scan3A_988 = arith.addi %scan3A_986, %scan3A_987 : i32
      %scan3A_989 = arith.constant 1 : i32
      scf.for %scan3A_1491 = %scan3A_986 to %scan3A_988 step %scan3A_989  : i32 {
        %mul3A_1492 = arith.constant 16 : i32
        %mul3A_1493 = arith.muli %scan3A_1491, %mul3A_1492 : i32
        %get3A_1494 = arith.index_cast %mul3A_1493 : i32 to index
        %get3A_1495 = tpu.vector_load %arg14[%get3A_1494] {strides = array<i32>} : memref<336xi32, #tpu.memory_space<vmem>>, vector<16xi32>,
        %get3A_1496 = vector.shape_cast %get3A_1495 : vector<16xi32> to vector<16xi32>
        %broadcast_in_dim3A = arith.constant 0.000000e+00 : f32
        %broadcast_in_dim3A_1497 = vector.broadcast %broadcast_in_dim3A : f32 to vector<16xf32>
        %mul3A_1498 = arith.constant 16 : i32
        %mul3A_1499 = arith.muli %scan3A_1491, %mul3A_1498 : i32
        %add3A_1500 = arith.constant 0 : i32
        %add3A_1501 = arith.addi %add3A_1500, %mul3A_1499 : i32
        %add3A_1502 = arith.constant 0 : i32
        %add3A_1503 = arith.addi %add3A_1501, %add3A_1502 : i32
        %slice3A_1504 = vector.extract_strided_slice %get3A_1496 {offsets = [0], sizes = [1], strides = [1]} : vector<16xi32> to vector<1xi32>
        %squeeze3A_1505 = vector.extract %slice3A_1504[0] : i32 from vector<1xi32>
        %add3A_1506 = arith.constant 0 : i32
        %add3A_1507 = arith.addi %add3A_1506, %squeeze3A_1505 : i32
        %get3A_1508 = arith.index_cast %add3A_1507 : i32 to index
        %get3A_1509 = arith.constant 0 : index
        %get3A_1510 = tpu.vector_load %arg11[%get3A_1508, %get3A_1509] {strides = array<i32>} : memref<32x128xf32, #tpu.memory_space<vmem>>, vector<1x16xf32>,
        %get3A_1511 = vector.shape_cast %get3A_1510 : vector<1x16xf32> to vector<16xf32>
        %get3A_1512 = arith.index_cast %add3A_1503 : i32 to index
        %get3A_1513 = arith.constant 0 : index
        %get3A_1514 = tpu.vector_load %arg12[%get3A_1512, %get3A_1513] {strides = array<i32>} : memref<672x128xf32, #tpu.memory_space<vmem>>, vector<1x16xf32>,
        %get3A_1515 = vector.shape_cast %get3A_1514 : vector<1x16xf32> to vector<16xf32>
        %mul3A_1516 = arith.mulf %get3A_1511, %get3A_1515 : vector<16xf32>
        %get3A_1517 = arith.index_cast %add3A_1507 : i32 to index
        %get3A_1518 = arith.constant 16 : index
        %get3A_1519 = tpu.vector_load %arg11[%get3A_1517, %get3A_1518] {strides = array<i32>} : memref<32x128xf32, #tpu.memory_space<vmem>>, vector<1x16xf32>,
        %get3A_1520 = vector.shape_cast %get3A_1519 : vector<1x16xf32> to vector<16xf32>
        %get3A_1521 = arith.index_cast %add3A_1503 : i32 to index
        %get3A_1522 = arith.constant 16 : index
        %get3A_1523 = tpu.vector_load %arg12[%get3A_1521, %get3A_1522] {strides = array<i32>} : memref<672x128xf32, #tpu.memory_space<vmem>>, vector<1x16xf32>,
        %get3A_1524 = vector.shape_cast %get3A_1523 : vector<1x16xf32> to vector<16xf32>
        %mul3A_1525 = arith.mulf %get3A_1520, %get3A_1524 : vector<16xf32>
        %add3A_1526 = arith.addf %mul3A_1516, %mul3A_1525 : vector<16xf32>
        %get3A_1527 = arith.index_cast %add3A_1507 : i32 to index
        %get3A_1528 = arith.constant 32 : index
        %get3A_1529 = tpu.vector_load %arg11[%get3A_1527, %get3A_1528] {strides = array<i32>} : memref<32x128xf32, #tpu.memory_space<vmem>>, vector<1x16xf32>,
        %get3A_1530 = vector.shape_cast %get3A_1529 : vector<1x16xf32> to vector<16xf32>
        %get3A_1531 = arith.index_cast %add3A_1503 : i32 to index
        %get3A_1532 = arith.constant 32 : index
        %get3A_1533 = tpu.vector_load %arg12[%get3A_1531, %get3A_1532] {strides = array<i32>} : memref<672x128xf32, #tpu.memory_space<vmem>>, vector<1x16xf32>,
        %get3A_1534 = vector.shape_cast %get3A_1533 : vector<1x16xf32> to vector<16xf32>
        %mul3A_1535 = arith.mulf %get3A_1530, %get3A_1534 : vector<16xf32>
        %add3A_1536 = arith.addf %add3A_1526, %mul3A_1535 : vector<16xf32>
        %get3A_1537 = arith.index_cast %add3A_1507 : i32 to index
        %get3A_1538 = arith.constant 48 : index
        %get3A_1539 = tpu.vector_load %arg11[%get3A_1537, %get3A_1538] {strides = array<i32>} : memref<32x128xf32, #tpu.memory_space<vmem>>, vector<1x16xf32>,
        %get3A_1540 = vector.shape_cast %get3A_1539 : vector<1x16xf32> to vector<16xf32>
        %get3A_1541 = arith.index_cast %add3A_1503 : i32 to index
        %get3A_1542 = arith.constant 48 : index
        %get3A_1543 = tpu.vector_load %arg12[%get3A_1541, %get3A_1542] {strides = array<i32>} : memref<672x128xf32, #tpu.memory_space<vmem>>, vector<1x16xf32>,
        %get3A_1544 = vector.shape_cast %get3A_1543 : vector<1x16xf32> to vector<16xf32>
        %mul3A_1545 = arith.mulf %get3A_1540, %get3A_1544 : vector<16xf32>
        %add3A_1546 = arith.addf %add3A_1536, %mul3A_1545 : vector<16xf32>
        %eq3A = arith.constant 0 : i32
        %eq3A_1547 = vector.broadcast %eq3A : i32 to vector<16xi32>
        %eq3A_1548 = arith.cmpi eq, %iota3A, %eq3A_1547 : vector<16xi32>
        %broadcast_in_dim3A_1549 = vector.shape_cast %xor3A_2 : vector<16xi32> to vector<16x1xi32>
        %gather3A = vector.shape_cast %broadcast_in_dim3A_1549 : vector<16x1xi32> to vector<16xi32>
        %gather3A_1550 = tpu.dynamic_gather %add3A_1546[%gather3A] in [0] : vector<16xf32>, vector<16xi32> -> vector<16xf32>
        %add3A_1551 = arith.addf %add3A_1546, %gather3A_1550 : vector<16xf32>
        %broadcast_in_dim3A_1552 = vector.shape_cast %xor3A_5 : vector<16xi32> to vector<16x1xi32>
        %gather3A_1553 = vector.shape_cast %broadcast_in_dim3A_1552 : vector<16x1xi32> to vector<16xi32>
        %gather3A_1554 = tpu.dynamic_gather %add3A_1551[%gather3A_1553] in [0] : vector<16xf32>, vector<16xi32> -> vector<16xf32>
        %add3A_1555 = arith.addf %add3A_1551, %gather3A_1554 : vector<16xf32>
        %broadcast_in_dim3A_1556 = vector.shape_cast %xor3A_8 : vector<16xi32> to vector<16x1xi32>
        %gather3A_1557 = vector.shape_cast %broadcast_in_dim3A_1556 : vector<16x1xi32> to vector<16xi32>
        %gather3A_1558 = tpu.dynamic_gather %add3A_1555[%gather3A_1557] in [0] : vector<16xf32>, vector<16xi32> -> vector<16xf32>
        %add3A_1559 = arith.addf %add3A_1555, %gather3A_1558 : vector<16xf32>
        %broadcast_in_dim3A_1560 = vector.shape_cast %xor3A_11 : vector<16xi32> to vector<16x1xi32>
        %gather3A_1561 = vector.shape_cast %broadcast_in_dim3A_1560 : vector<16x1xi32> to vector<16xi32>
        %gather3A_1562 = tpu.dynamic_gather %add3A_1559[%gather3A_1561] in [0] : vector<16xf32>, vector<16xi32> -> vector<16xf32>
        %add3A_1563 = arith.addf %add3A_1559, %gather3A_1562 : vector<16xf32>
        %select_n3A = arith.select %eq3A_1548, %add3A_1563, %broadcast_in_dim3A_1497 : vector<16xi1>, vector<16xf32>
        %mul3A_1564 = arith.constant 16 : i32
        %mul3A_1565 = arith.muli %scan3A_1491, %mul3A_1564 : i32
        %add3A_1566 = arith.constant 0 : i32
        %add3A_1567 = arith.addi %add3A_1566, %mul3A_1565 : i32
        %add3A_1568 = arith.constant 1 : i32
        %add3A_1569 = arith.addi %add3A_1567, %add3A_1568 : i32
        %slice3A_1570 = vector.extract_strided_slice %get3A_1496 {offsets = [1], sizes = [1], strides = [1]} : vector<16xi32> to vector<1xi32>
        %squeeze3A_1571 = vector.extract %slice3A_1570[0] : i32 from vector<1xi32>
        %add3A_1572 = arith.constant 0 : i32
        %add3A_1573 = arith.addi %add3A_1572, %squeeze3A_1571 : i32
        %get3A_1574 = arith.index_cast %add3A_1573 : i32 to index
        %get3A_1575 = arith.constant 0 : index
        %get3A_1576 = tpu.vector_load %arg11[%get3A_1574, %get3A_1575] {strides = array<i32>} : memref<32x128xf32, #tpu.memory_space<vmem>>, vector<1x16xf32>,
        %get3A_1577 = vector.shape_cast %get3A_1576 : vector<1x16xf32> to vector<16xf32>
        %get3A_1578 = arith.index_cast %add3A_1569 : i32 to index
        %get3A_1579 = arith.constant 0 : index
        %get3A_1580 = tpu.vector_load %arg12[%get3A_1578, %get3A_1579] {strides = array<i32>} : memref<672x128xf32, #tpu.memory_space<vmem>>, vector<1x16xf32>,
        %get3A_1581 = vector.shape_cast %get3A_1580 : vector<1x16xf32> to vector<16xf32>
        %mul3A_1582 = arith.mulf %get3A_1577, %get3A_1581 : vector<16xf32>
        %get3A_1583 = arith.index_cast %add3A_1573 : i32 to index
        %get3A_1584 = arith.constant 16 : index
        %get3A_1585 = tpu.vector_load %arg11[%get3A_1583, %get3A_1584] {strides = array<i32>} : memref<32x128xf32, #tpu.memory_space<vmem>>, vector<1x16xf32>,
        %get3A_1586 = vector.shape_cast %get3A_1585 : vector<1x16xf32> to vector<16xf32>
        %get3A_1587 = arith.index_cast %add3A_1569 : i32 to index
        %get3A_1588 = arith.constant 16 : index
        %get3A_1589 = tpu.vector_load %arg12[%get3A_1587, %get3A_1588] {strides = array<i32>} : memref<672x128xf32, #tpu.memory_space<vmem>>, vector<1x16xf32>,
        %get3A_1590 = vector.shape_cast %get3A_1589 : vector<1x16xf32> to vector<16xf32>
        %mul3A_1591 = arith.mulf %get3A_1586, %get3A_1590 : vector<16xf32>
        %add3A_1592 = arith.addf %mul3A_1582, %mul3A_1591 : vector<16xf32>
        %get3A_1593 = arith.index_cast %add3A_1573 : i32 to index
        %get3A_1594 = arith.constant 32 : index
        %get3A_1595 = tpu.vector_load %arg11[%get3A_1593, %get3A_1594] {strides = array<i32>} : memref<32x128xf32, #tpu.memory_space<vmem>>, vector<1x16xf32>,
        %get3A_1596 = vector.shape_cast %get3A_1595 : vector<1x16xf32> to vector<16xf32>
        %get3A_1597 = arith.index_cast %add3A_1569 : i32 to index
        %get3A_1598 = arith.constant 32 : index
        %get3A_1599 = tpu.vector_load %arg12[%get3A_1597, %get3A_1598] {strides = array<i32>} : memref<672x128xf32, #tpu.memory_space<vmem>>, vector<1x16xf32>,
        %get3A_1600 = vector.shape_cast %get3A_1599 : vector<1x16xf32> to vector<16xf32>
        %mul3A_1601 = arith.mulf %get3A_1596, %get3A_1600 : vector<16xf32>
        %add3A_1602 = arith.addf %add3A_1592, %mul3A_1601 : vector<16xf32>
        %get3A_1603 = arith.index_cast %add3A_1573 : i32 to index
        %get3A_1604 = arith.constant 48 : index
        %get3A_1605 = tpu.vector_load %arg11[%get3A_1603, %get3A_1604] {strides = array<i32>} : memref<32x128xf32, #tpu.memory_space<vmem>>, vector<1x16xf32>,
        %get3A_1606 = vector.shape_cast %get3A_1605 : vector<1x16xf32> to vector<16xf32>
        %get3A_1607 = arith.index_cast %add3A_1569 : i32 to index
        %get3A_1608 = arith.constant 48 : index
        %get3A_1609 = tpu.vector_load %arg12[%get3A_1607, %get3A_1608] {strides = array<i32>} : memref<672x128xf32, #tpu.memory_space<vmem>>, vector<1x16xf32>,
        %get3A_1610 = vector.shape_cast %get3A_1609 : vector<1x16xf32> to vector<16xf32>
        %mul3A_1611 = arith.mulf %get3A_1606, %get3A_1610 : vector<16xf32>
        %add3A_1612 = arith.addf %add3A_1602, %mul3A_1611 : vector<16xf32>
        %eq3A_1613 = arith.constant 1 : i32
        %eq3A_1614 = vector.broadcast %eq3A_1613 : i32 to vector<16xi32>
        %eq3A_1615 = arith.cmpi eq, %iota3A, %eq3A_1614 : vector<16xi32>
        %broadcast_in_dim3A_1616 = vector.shape_cast %xor3A_2 : vector<16xi32> to vector<16x1xi32>
        %gather3A_1617 = vector.shape_cast %broadcast_in_dim3A_1616 : vector<16x1xi32> to vector<16xi32>
        %gather3A_1618 = tpu.dynamic_gather %add3A_1612[%gather3A_1617] in [0] : vector<16xf32>, vector<16xi32> -> vector<16xf32>
        %add3A_1619 = arith.addf %add3A_1612, %gather3A_1618 : vector<16xf32>
        %broadcast_in_dim3A_1620 = vector.shape_cast %xor3A_5 : vector<16xi32> to vector<16x1xi32>
        %gather3A_1621 = vector.shape_cast %broadcast_in_dim3A_1620 : vector<16x1xi32> to vector<16xi32>
        %gather3A_1622 = tpu.dynamic_gather %add3A_1619[%gather3A_1621] in [0] : vector<16xf32>, vector<16xi32> -> vector<16xf32>
        %add3A_1623 = arith.addf %add3A_1619, %gather3A_1622 : vector<16xf32>
        %broadcast_in_dim3A_1624 = vector.shape_cast %xor3A_8 : vector<16xi32> to vector<16x1xi32>
        %gather3A_1625 = vector.shape_cast %broadcast_in_dim3A_1624 : vector<16x1xi32> to vector<16xi32>
        %gather3A_1626 = tpu.dynamic_gather %add3A_1623[%gather3A_1625] in [0] : vector<16xf32>, vector<16xi32> -> vector<16xf32>
        %add3A_1627 = arith.addf %add3A_1623, %gather3A_1626 : vector<16xf32>
        %broadcast_in_dim3A_1628 = vector.shape_cast %xor3A_11 : vector<16xi32> to vector<16x1xi32>
        %gather3A_1629 = vector.shape_cast %broadcast_in_dim3A_1628 : vector<16x1xi32> to vector<16xi32>
        %gather3A_1630 = tpu.dynamic_gather %add3A_1627[%gather3A_1629] in [0] : vector<16xf32>, vector<16xi32> -> vector<16xf32>
        %add3A_1631 = arith.addf %add3A_1627, %gather3A_1630 : vector<16xf32>
        %select_n3A_1632 = arith.select %eq3A_1615, %add3A_1631, %select_n3A : vector<16xi1>, vector<16xf32>
        %mul3A_1633 = arith.constant 16 : i32
        %mul3A_1634 = arith.muli %scan3A_1491, %mul3A_1633 : i32
        %add3A_1635 = arith.constant 0 : i32
        %add3A_1636 = arith.addi %add3A_1635, %mul3A_1634 : i32
        %add3A_1637 = arith.constant 2 : i32
        %add3A_1638 = arith.addi %add3A_1636, %add3A_1637 : i32
        %slice3A_1639 = vector.extract_strided_slice %get3A_1496 {offsets = [2], sizes = [1], strides = [1]} : vector<16xi32> to vector<1xi32>
        %squeeze3A_1640 = vector.extract %slice3A_1639[0] : i32 from vector<1xi32>
        %add3A_1641 = arith.constant 0 : i32
        %add3A_1642 = arith.addi %add3A_1641, %squeeze3A_1640 : i32
        %get3A_1643 = arith.index_cast %add3A_1642 : i32 to index
        %get3A_1644 = arith.constant 0 : index
        %get3A_1645 = tpu.vector_load %arg11[%get3A_1643, %get3A_1644] {strides = array<i32>} : memref<32x128xf32, #tpu.memory_space<vmem>>, vector<1x16xf32>,
        %get3A_1646 = vector.shape_cast %get3A_1645 : vector<1x16xf32> to vector<16xf32>
        %get3A_1647 = arith.index_cast %add3A_1638 : i32 to index
        %get3A_1648 = arith.constant 0 : index
        %get3A_1649 = tpu.vector_load %arg12[%get3A_1647, %get3A_1648] {strides = array<i32>} : memref<672x128xf32, #tpu.memory_space<vmem>>, vector<1x16xf32>,
        %get3A_1650 = vector.shape_cast %get3A_1649 : vector<1x16xf32> to vector<16xf32>
        %mul3A_1651 = arith.mulf %get3A_1646, %get3A_1650 : vector<16xf32>
        %get3A_1652 = arith.index_cast %add3A_1642 : i32 to index
        %get3A_1653 = arith.constant 16 : index
        %get3A_1654 = tpu.vector_load %arg11[%get3A_1652, %get3A_1653] {strides = array<i32>} : memref<32x128xf32, #tpu.memory_space<vmem>>, vector<1x16xf32>,
        %get3A_1655 = vector.shape_cast %get3A_1654 : vector<1x16xf32> to vector<16xf32>
        %get3A_1656 = arith.index_cast %add3A_1638 : i32 to index
        %get3A_1657 = arith.constant 16 : index
        %get3A_1658 = tpu.vector_load %arg12[%get3A_1656, %get3A_1657] {strides = array<i32>} : memref<672x128xf32, #tpu.memory_space<vmem>>, vector<1x16xf32>,
        %get3A_1659 = vector.shape_cast %get3A_1658 : vector<1x16xf32> to vector<16xf32>
        %mul3A_1660 = arith.mulf %get3A_1655, %get3A_1659 : vector<16xf32>
        %add3A_1661 = arith.addf %mul3A_1651, %mul3A_1660 : vector<16xf32>
        %get3A_1662 = arith.index_cast %add3A_1642 : i32 to index
        %get3A_1663 = arith.constant 32 : index
        %get3A_1664 = tpu.vector_load %arg11[%get3A_1662, %get3A_1663] {strides = array<i32>} : memref<32x128xf32, #tpu.memory_space<vmem>>, vector<1x16xf32>,
        %get3A_1665 = vector.shape_cast %get3A_1664 : vector<1x16xf32> to vector<16xf32>
        %get3A_1666 = arith.index_cast %add3A_1638 : i32 to index
        %get3A_1667 = arith.constant 32 : index
        %get3A_1668 = tpu.vector_load %arg12[%get3A_1666, %get3A_1667] {strides = array<i32>} : memref<672x128xf32, #tpu.memory_space<vmem>>, vector<1x16xf32>,
        %get3A_1669 = vector.shape_cast %get3A_1668 : vector<1x16xf32> to vector<16xf32>
        %mul3A_1670 = arith.mulf %get3A_1665, %get3A_1669 : vector<16xf32>
        %add3A_1671 = arith.addf %add3A_1661, %mul3A_1670 : vector<16xf32>
        %get3A_1672 = arith.index_cast %add3A_1642 : i32 to index
        %get3A_1673 = arith.constant 48 : index
        %get3A_1674 = tpu.vector_load %arg11[%get3A_1672, %get3A_1673] {strides = array<i32>} : memref<32x128xf32, #tpu.memory_space<vmem>>, vector<1x16xf32>,
        %get3A_1675 = vector.shape_cast %get3A_1674 : vector<1x16xf32> to vector<16xf32>
        %get3A_1676 = arith.index_cast %add3A_1638 : i32 to index
        %get3A_1677 = arith.constant 48 : index
        %get3A_1678 = tpu.vector_load %arg12[%get3A_1676, %get3A_1677] {strides = array<i32>} : memref<672x128xf32, #tpu.memory_space<vmem>>, vector<1x16xf32>,
        %get3A_1679 = vector.shape_cast %get3A_1678 : vector<1x16xf32> to vector<16xf32>
        %mul3A_1680 = arith.mulf %get3A_1675, %get3A_1679 : vector<16xf32>
        %add3A_1681 = arith.addf %add3A_1671, %mul3A_1680 : vector<16xf32>
        %eq3A_1682 = arith.constant 2 : i32
        %eq3A_1683 = vector.broadcast %eq3A_1682 : i32 to vector<16xi32>
        %eq3A_1684 = arith.cmpi eq, %iota3A, %eq3A_1683 : vector<16xi32>
        %broadcast_in_dim3A_1685 = vector.shape_cast %xor3A_2 : vector<16xi32> to vector<16x1xi32>
        %gather3A_1686 = vector.shape_cast %broadcast_in_dim3A_1685 : vector<16x1xi32> to vector<16xi32>
        %gather3A_1687 = tpu.dynamic_gather %add3A_1681[%gather3A_1686] in [0] : vector<16xf32>, vector<16xi32> -> vector<16xf32>
        %add3A_1688 = arith.addf %add3A_1681, %gather3A_1687 : vector<16xf32>
        %broadcast_in_dim3A_1689 = vector.shape_cast %xor3A_5 : vector<16xi32> to vector<16x1xi32>
        %gather3A_1690 = vector.shape_cast %broadcast_in_dim3A_1689 : vector<16x1xi32> to vector<16xi32>
        %gather3A_1691 = tpu.dynamic_gather %add3A_1688[%gather3A_1690] in [0] : vector<16xf32>, vector<16xi32> -> vector<16xf32>
        %add3A_1692 = arith.addf %add3A_1688, %gather3A_1691 : vector<16xf32>
        %broadcast_in_dim3A_1693 = vector.shape_cast %xor3A_8 : vector<16xi32> to vector<16x1xi32>
        %gather3A_1694 = vector.shape_cast %broadcast_in_dim3A_1693 : vector<16x1xi32> to vector<16xi32>
        %gather3A_1695 = tpu.dynamic_gather %add3A_1692[%gather3A_1694] in [0] : vector<16xf32>, vector<16xi32> -> vector<16xf32>
        %add3A_1696 = arith.addf %add3A_1692, %gather3A_1695 : vector<16xf32>
        %broadcast_in_dim3A_1697 = vector.shape_cast %xor3A_11 : vector<16xi32> to vector<16x1xi32>
        %gather3A_1698 = vector.shape_cast %broadcast_in_dim3A_1697 : vector<16x1xi32> to vector<16xi32>
        %gather3A_1699 = tpu.dynamic_gather %add3A_1696[%gather3A_1698] in [0] : vector<16xf32>, vector<16xi32> -> vector<16xf32>
        %add3A_1700 = arith.addf %add3A_1696, %gather3A_1699 : vector<16xf32>
        %select_n3A_1701 = arith.select %eq3A_1684, %add3A_1700, %select_n3A_1632 : vector<16xi1>, vector<16xf32>
        %mul3A_1702 = arith.constant 16 : i32
        %mul3A_1703 = arith.muli %scan3A_1491, %mul3A_1702 : i32
        %add3A_1704 = arith.constant 0 : i32
        %add3A_1705 = arith.addi %add3A_1704, %mul3A_1703 : i32
        %add3A_1706 = arith.constant 3 : i32
        %add3A_1707 = arith.addi %add3A_1705, %add3A_1706 : i32
        %slice3A_1708 = vector.extract_strided_slice %get3A_1496 {offsets = [3], sizes = [1], strides = [1]} : vector<16xi32> to vector<1xi32>
        %squeeze3A_1709 = vector.extract %slice3A_1708[0] : i32 from vector<1xi32>
        %add3A_1710 = arith.constant 0 : i32
        %add3A_1711 = arith.addi %add3A_1710, %squeeze3A_1709 : i32
        %get3A_1712 = arith.index_cast %add3A_1711 : i32 to index
        %get3A_1713 = arith.constant 0 : index
        %get3A_1714 = tpu.vector_load %arg11[%get3A_1712, %get3A_1713] {strides = array<i32>} : memref<32x128xf32, #tpu.memory_space<vmem>>, vector<1x16xf32>,
        %get3A_1715 = vector.shape_cast %get3A_1714 : vector<1x16xf32> to vector<16xf32>
        %get3A_1716 = arith.index_cast %add3A_1707 : i32 to index
        %get3A_1717 = arith.constant 0 : index
        %get3A_1718 = tpu.vector_load %arg12[%get3A_1716, %get3A_1717] {strides = array<i32>} : memref<672x128xf32, #tpu.memory_space<vmem>>, vector<1x16xf32>,
        %get3A_1719 = vector.shape_cast %get3A_1718 : vector<1x16xf32> to vector<16xf32>
        %mul3A_1720 = arith.mulf %get3A_1715, %get3A_1719 : vector<16xf32>
        %get3A_1721 = arith.index_cast %add3A_1711 : i32 to index
        %get3A_1722 = arith.constant 16 : index
        %get3A_1723 = tpu.vector_load %arg11[%get3A_1721, %get3A_1722] {strides = array<i32>} : memref<32x128xf32, #tpu.memory_space<vmem>>, vector<1x16xf32>,
        %get3A_1724 = vector.shape_cast %get3A_1723 : vector<1x16xf32> to vector<16xf32>
        %get3A_1725 = arith.index_cast %add3A_1707 : i32 to index
        %get3A_1726 = arith.constant 16 : index
        %get3A_1727 = tpu.vector_load %arg12[%get3A_1725, %get3A_1726] {strides = array<i32>} : memref<672x128xf32, #tpu.memory_space<vmem>>, vector<1x16xf32>,
        %get3A_1728 = vector.shape_cast %get3A_1727 : vector<1x16xf32> to vector<16xf32>
        %mul3A_1729 = arith.mulf %get3A_1724, %get3A_1728 : vector<16xf32>
        %add3A_1730 = arith.addf %mul3A_1720, %mul3A_1729 : vector<16xf32>
        %get3A_1731 = arith.index_cast %add3A_1711 : i32 to index
        %get3A_1732 = arith.constant 32 : index
        %get3A_1733 = tpu.vector_load %arg11[%get3A_1731, %get3A_1732] {strides = array<i32>} : memref<32x128xf32, #tpu.memory_space<vmem>>, vector<1x16xf32>,
        %get3A_1734 = vector.shape_cast %get3A_1733 : vector<1x16xf32> to vector<16xf32>
        %get3A_1735 = arith.index_cast %add3A_1707 : i32 to index
        %get3A_1736 = arith.constant 32 : index
        %get3A_1737 = tpu.vector_load %arg12[%get3A_1735, %get3A_1736] {strides = array<i32>} : memref<672x128xf32, #tpu.memory_space<vmem>>, vector<1x16xf32>,
        %get3A_1738 = vector.shape_cast %get3A_1737 : vector<1x16xf32> to vector<16xf32>
        %mul3A_1739 = arith.mulf %get3A_1734, %get3A_1738 : vector<16xf32>
        %add3A_1740 = arith.addf %add3A_1730, %mul3A_1739 : vector<16xf32>
        %get3A_1741 = arith.index_cast %add3A_1711 : i32 to index
        %get3A_1742 = arith.constant 48 : index
        %get3A_1743 = tpu.vector_load %arg11[%get3A_1741, %get3A_1742] {strides = array<i32>} : memref<32x128xf32, #tpu.memory_space<vmem>>, vector<1x16xf32>,
        %get3A_1744 = vector.shape_cast %get3A_1743 : vector<1x16xf32> to vector<16xf32>
        %get3A_1745 = arith.index_cast %add3A_1707 : i32 to index
        %get3A_1746 = arith.constant 48 : index
        %get3A_1747 = tpu.vector_load %arg12[%get3A_1745, %get3A_1746] {strides = array<i32>} : memref<672x128xf32, #tpu.memory_space<vmem>>, vector<1x16xf32>,
        %get3A_1748 = vector.shape_cast %get3A_1747 : vector<1x16xf32> to vector<16xf32>
        %mul3A_1749 = arith.mulf %get3A_1744, %get3A_1748 : vector<16xf32>
        %add3A_1750 = arith.addf %add3A_1740, %mul3A_1749 : vector<16xf32>
        %eq3A_1751 = arith.constant 3 : i32
        %eq3A_1752 = vector.broadcast %eq3A_1751 : i32 to vector<16xi32>
        %eq3A_1753 = arith.cmpi eq, %iota3A, %eq3A_1752 : vector<16xi32>
        %broadcast_in_dim3A_1754 = vector.shape_cast %xor3A_2 : vector<16xi32> to vector<16x1xi32>
        %gather3A_1755 = vector.shape_cast %broadcast_in_dim3A_1754 : vector<16x1xi32> to vector<16xi32>
        %gather3A_1756 = tpu.dynamic_gather %add3A_1750[%gather3A_1755] in [0] : vector<16xf32>, vector<16xi32> -> vector<16xf32>
        %add3A_1757 = arith.addf %add3A_1750, %gather3A_1756 : vector<16xf32>
        %broadcast_in_dim3A_1758 = vector.shape_cast %xor3A_5 : vector<16xi32> to vector<16x1xi32>
        %gather3A_1759 = vector.shape_cast %broadcast_in_dim3A_1758 : vector<16x1xi32> to vector<16xi32>
        %gather3A_1760 = tpu.dynamic_gather %add3A_1757[%gather3A_1759] in [0] : vector<16xf32>, vector<16xi32> -> vector<16xf32>
        %add3A_1761 = arith.addf %add3A_1757, %gather3A_1760 : vector<16xf32>
        %broadcast_in_dim3A_1762 = vector.shape_cast %xor3A_8 : vector<16xi32> to vector<16x1xi32>
        %gather3A_1763 = vector.shape_cast %broadcast_in_dim3A_1762 : vector<16x1xi32> to vector<16xi32>
        %gather3A_1764 = tpu.dynamic_gather %add3A_1761[%gather3A_1763] in [0] : vector<16xf32>, vector<16xi32> -> vector<16xf32>
        %add3A_1765 = arith.addf %add3A_1761, %gather3A_1764 : vector<16xf32>
        %broadcast_in_dim3A_1766 = vector.shape_cast %xor3A_11 : vector<16xi32> to vector<16x1xi32>
        %gather3A_1767 = vector.shape_cast %broadcast_in_dim3A_1766 : vector<16x1xi32> to vector<16xi32>
        %gather3A_1768 = tpu.dynamic_gather %add3A_1765[%gather3A_1767] in [0] : vector<16xf32>, vector<16xi32> -> vector<16xf32>
        %add3A_1769 = arith.addf %add3A_1765, %gather3A_1768 : vector<16xf32>
        %select_n3A_1770 = arith.select %eq3A_1753, %add3A_1769, %select_n3A_1701 : vector<16xi1>, vector<16xf32>
        %mul3A_1771 = arith.constant 16 : i32
        %mul3A_1772 = arith.muli %scan3A_1491, %mul3A_1771 : i32
        %add3A_1773 = arith.constant 0 : i32
        %add3A_1774 = arith.addi %add3A_1773, %mul3A_1772 : i32
        %add3A_1775 = arith.constant 4 : i32
        %add3A_1776 = arith.addi %add3A_1774, %add3A_1775 : i32
        %slice3A_1777 = vector.extract_strided_slice %get3A_1496 {offsets = [4], sizes = [1], strides = [1]} : vector<16xi32> to vector<1xi32>
        %squeeze3A_1778 = vector.extract %slice3A_1777[0] : i32 from vector<1xi32>
        %add3A_1779 = arith.constant 0 : i32
        %add3A_1780 = arith.addi %add3A_1779, %squeeze3A_1778 : i32
        %get3A_1781 = arith.index_cast %add3A_1780 : i32 to index
        %get3A_1782 = arith.constant 0 : index
        %get3A_1783 = tpu.vector_load %arg11[%get3A_1781, %get3A_1782] {strides = array<i32>} : memref<32x128xf32, #tpu.memory_space<vmem>>, vector<1x16xf32>,
        %get3A_1784 = vector.shape_cast %get3A_1783 : vector<1x16xf32> to vector<16xf32>
        %get3A_1785 = arith.index_cast %add3A_1776 : i32 to index
        %get3A_1786 = arith.constant 0 : index
        %get3A_1787 = tpu.vector_load %arg12[%get3A_1785, %get3A_1786] {strides = array<i32>} : memref<672x128xf32, #tpu.memory_space<vmem>>, vector<1x16xf32>,
        %get3A_1788 = vector.shape_cast %get3A_1787 : vector<1x16xf32> to vector<16xf32>
        %mul3A_1789 = arith.mulf %get3A_1784, %get3A_1788 : vector<16xf32>
        %get3A_1790 = arith.index_cast %add3A_1780 : i32 to index
        %get3A_1791 = arith.constant 16 : index
        %get3A_1792 = tpu.vector_load %arg11[%get3A_1790, %get3A_1791] {strides = array<i32>} : memref<32x128xf32, #tpu.memory_space<vmem>>, vector<1x16xf32>,
        %get3A_1793 = vector.shape_cast %get3A_1792 : vector<1x16xf32> to vector<16xf32>
        %get3A_1794 = arith.index_cast %add3A_1776 : i32 to index
        %get3A_1795 = arith.constant 16 : index
        %get3A_1796 = tpu.vector_load %arg12[%get3A_1794, %get3A_1795] {strides = array<i32>} : memref<672x128xf32, #tpu.memory_space<vmem>>, vector<1x16xf32>,
        %get3A_1797 = vector.shape_cast %get3A_1796 : vector<1x16xf32> to vector<16xf32>
        %mul3A_1798 = arith.mulf %get3A_1793, %get3A_1797 : vector<16xf32>
        %add3A_1799 = arith.addf %mul3A_1789, %mul3A_1798 : vector<16xf32>
        %get3A_1800 = arith.index_cast %add3A_1780 : i32 to index
        %get3A_1801 = arith.constant 32 : index
        %get3A_1802 = tpu.vector_load %arg11[%get3A_1800, %get3A_1801] {strides = array<i32>} : memref<32x128xf32, #tpu.memory_space<vmem>>, vector<1x16xf32>,
        %get3A_1803 = vector.shape_cast %get3A_1802 : vector<1x16xf32> to vector<16xf32>
        %get3A_1804 = arith.index_cast %add3A_1776 : i32 to index
        %get3A_1805 = arith.constant 32 : index
        %get3A_1806 = tpu.vector_load %arg12[%get3A_1804, %get3A_1805] {strides = array<i32>} : memref<672x128xf32, #tpu.memory_space<vmem>>, vector<1x16xf32>,
        %get3A_1807 = vector.shape_cast %get3A_1806 : vector<1x16xf32> to vector<16xf32>
        %mul3A_1808 = arith.mulf %get3A_1803, %get3A_1807 : vector<16xf32>
        %add3A_1809 = arith.addf %add3A_1799, %mul3A_1808 : vector<16xf32>
        %get3A_1810 = arith.index_cast %add3A_1780 : i32 to index
        %get3A_1811 = arith.constant 48 : index
        %get3A_1812 = tpu.vector_load %arg11[%get3A_1810, %get3A_1811] {strides = array<i32>} : memref<32x128xf32, #tpu.memory_space<vmem>>, vector<1x16xf32>,
        %get3A_1813 = vector.shape_cast %get3A_1812 : vector<1x16xf32> to vector<16xf32>
        %get3A_1814 = arith.index_cast %add3A_1776 : i32 to index
        %get3A_1815 = arith.constant 48 : index
        %get3A_1816 = tpu.vector_load %arg12[%get3A_1814, %get3A_1815] {strides = array<i32>} : memref<672x128xf32, #tpu.memory_space<vmem>>, vector<1x16xf32>,
        %get3A_1817 = vector.shape_cast %get3A_1816 : vector<1x16xf32> to vector<16xf32>
        %mul3A_1818 = arith.mulf %get3A_1813, %get3A_1817 : vector<16xf32>
        %add3A_1819 = arith.addf %add3A_1809, %mul3A_1818 : vector<16xf32>
        %eq3A_1820 = arith.constant 4 : i32
        %eq3A_1821 = vector.broadcast %eq3A_1820 : i32 to vector<16xi32>
        %eq3A_1822 = arith.cmpi eq, %iota3A, %eq3A_1821 : vector<16xi32>
        %broadcast_in_dim3A_1823 = vector.shape_cast %xor3A_2 : vector<16xi32> to vector<16x1xi32>
        %gather3A_1824 = vector.shape_cast %broadcast_in_dim3A_1823 : vector<16x1xi32> to vector<16xi32>
        %gather3A_1825 = tpu.dynamic_gather %add3A_1819[%gather3A_1824] in [0] : vector<16xf32>, vector<16xi32> -> vector<16xf32>
        %add3A_1826 = arith.addf %add3A_1819, %gather3A_1825 : vector<16xf32>
        %broadcast_in_dim3A_1827 = vector.shape_cast %xor3A_5 : vector<16xi32> to vector<16x1xi32>
        %gather3A_1828 = vector.shape_cast %broadcast_in_dim3A_1827 : vector<16x1xi32> to vector<16xi32>
        %gather3A_1829 = tpu.dynamic_gather %add3A_1826[%gather3A_1828] in [0] : vector<16xf32>, vector<16xi32> -> vector<16xf32>
        %add3A_1830 = arith.addf %add3A_1826, %gather3A_1829 : vector<16xf32>
        %broadcast_in_dim3A_1831 = vector.shape_cast %xor3A_8 : vector<16xi32> to vector<16x1xi32>
        %gather3A_1832 = vector.shape_cast %broadcast_in_dim3A_1831 : vector<16x1xi32> to vector<16xi32>
        %gather3A_1833 = tpu.dynamic_gather %add3A_1830[%gather3A_1832] in [0] : vector<16xf32>, vector<16xi32> -> vector<16xf32>
        %add3A_1834 = arith.addf %add3A_1830, %gather3A_1833 : vector<16xf32>
        %broadcast_in_dim3A_1835 = vector.shape_cast %xor3A_11 : vector<16xi32> to vector<16x1xi32>
        %gather3A_1836 = vector.shape_cast %broadcast_in_dim3A_1835 : vector<16x1xi32> to vector<16xi32>
        %gather3A_1837 = tpu.dynamic_gather %add3A_1834[%gather3A_1836] in [0] : vector<16xf32>, vector<16xi32> -> vector<16xf32>
        %add3A_1838 = arith.addf %add3A_1834, %gather3A_1837 : vector<16xf32>
        %select_n3A_1839 = arith.select %eq3A_1822, %add3A_1838, %select_n3A_1770 : vector<16xi1>, vector<16xf32>
        %mul3A_1840 = arith.constant 16 : i32
        %mul3A_1841 = arith.muli %scan3A_1491, %mul3A_1840 : i32
        %add3A_1842 = arith.constant 0 : i32
        %add3A_1843 = arith.addi %add3A_1842, %mul3A_1841 : i32
        %add3A_1844 = arith.constant 5 : i32
        %add3A_1845 = arith.addi %add3A_1843, %add3A_1844 : i32
        %slice3A_1846 = vector.extract_strided_slice %get3A_1496 {offsets = [5], sizes = [1], strides = [1]} : vector<16xi32> to vector<1xi32>
        %squeeze3A_1847 = vector.extract %slice3A_1846[0] : i32 from vector<1xi32>
        %add3A_1848 = arith.constant 0 : i32
        %add3A_1849 = arith.addi %add3A_1848, %squeeze3A_1847 : i32
        %get3A_1850 = arith.index_cast %add3A_1849 : i32 to index
        %get3A_1851 = arith.constant 0 : index
        %get3A_1852 = tpu.vector_load %arg11[%get3A_1850, %get3A_1851] {strides = array<i32>} : memref<32x128xf32, #tpu.memory_space<vmem>>, vector<1x16xf32>,
        %get3A_1853 = vector.shape_cast %get3A_1852 : vector<1x16xf32> to vector<16xf32>
        %get3A_1854 = arith.index_cast %add3A_1845 : i32 to index
        %get3A_1855 = arith.constant 0 : index
        %get3A_1856 = tpu.vector_load %arg12[%get3A_1854, %get3A_1855] {strides = array<i32>} : memref<672x128xf32, #tpu.memory_space<vmem>>, vector<1x16xf32>,
        %get3A_1857 = vector.shape_cast %get3A_1856 : vector<1x16xf32> to vector<16xf32>
        %mul3A_1858 = arith.mulf %get3A_1853, %get3A_1857 : vector<16xf32>
        %get3A_1859 = arith.index_cast %add3A_1849 : i32 to index
        %get3A_1860 = arith.constant 16 : index
        %get3A_1861 = tpu.vector_load %arg11[%get3A_1859, %get3A_1860] {strides = array<i32>} : memref<32x128xf32, #tpu.memory_space<vmem>>, vector<1x16xf32>,
        %get3A_1862 = vector.shape_cast %get3A_1861 : vector<1x16xf32> to vector<16xf32>
        %get3A_1863 = arith.index_cast %add3A_1845 : i32 to index
        %get3A_1864 = arith.constant 16 : index
        %get3A_1865 = tpu.vector_load %arg12[%get3A_1863, %get3A_1864] {strides = array<i32>} : memref<672x128xf32, #tpu.memory_space<vmem>>, vector<1x16xf32>,
        %get3A_1866 = vector.shape_cast %get3A_1865 : vector<1x16xf32> to vector<16xf32>
        %mul3A_1867 = arith.mulf %get3A_1862, %get3A_1866 : vector<16xf32>
        %add3A_1868 = arith.addf %mul3A_1858, %mul3A_1867 : vector<16xf32>
        %get3A_1869 = arith.index_cast %add3A_1849 : i32 to index
        %get3A_1870 = arith.constant 32 : index
        %get3A_1871 = tpu.vector_load %arg11[%get3A_1869, %get3A_1870] {strides = array<i32>} : memref<32x128xf32, #tpu.memory_space<vmem>>, vector<1x16xf32>,
        %get3A_1872 = vector.shape_cast %get3A_1871 : vector<1x16xf32> to vector<16xf32>
        %get3A_1873 = arith.index_cast %add3A_1845 : i32 to index
        %get3A_1874 = arith.constant 32 : index
        %get3A_1875 = tpu.vector_load %arg12[%get3A_1873, %get3A_1874] {strides = array<i32>} : memref<672x128xf32, #tpu.memory_space<vmem>>, vector<1x16xf32>,
        %get3A_1876 = vector.shape_cast %get3A_1875 : vector<1x16xf32> to vector<16xf32>
        %mul3A_1877 = arith.mulf %get3A_1872, %get3A_1876 : vector<16xf32>
        %add3A_1878 = arith.addf %add3A_1868, %mul3A_1877 : vector<16xf32>
        %get3A_1879 = arith.index_cast %add3A_1849 : i32 to index
        %get3A_1880 = arith.constant 48 : index
        %get3A_1881 = tpu.vector_load %arg11[%get3A_1879, %get3A_1880] {strides = array<i32>} : memref<32x128xf32, #tpu.memory_space<vmem>>, vector<1x16xf32>,
        %get3A_1882 = vector.shape_cast %get3A_1881 : vector<1x16xf32> to vector<16xf32>
        %get3A_1883 = arith.index_cast %add3A_1845 : i32 to index
        %get3A_1884 = arith.constant 48 : index
        %get3A_1885 = tpu.vector_load %arg12[%get3A_1883, %get3A_1884] {strides = array<i32>} : memref<672x128xf32, #tpu.memory_space<vmem>>, vector<1x16xf32>,
        %get3A_1886 = vector.shape_cast %get3A_1885 : vector<1x16xf32> to vector<16xf32>
        %mul3A_1887 = arith.mulf %get3A_1882, %get3A_1886 : vector<16xf32>
        %add3A_1888 = arith.addf %add3A_1878, %mul3A_1887 : vector<16xf32>
        %eq3A_1889 = arith.constant 5 : i32
        %eq3A_1890 = vector.broadcast %eq3A_1889 : i32 to vector<16xi32>
        %eq3A_1891 = arith.cmpi eq, %iota3A, %eq3A_1890 : vector<16xi32>
        %broadcast_in_dim3A_1892 = vector.shape_cast %xor3A_2 : vector<16xi32> to vector<16x1xi32>
        %gather3A_1893 = vector.shape_cast %broadcast_in_dim3A_1892 : vector<16x1xi32> to vector<16xi32>
        %gather3A_1894 = tpu.dynamic_gather %add3A_1888[%gather3A_1893] in [0] : vector<16xf32>, vector<16xi32> -> vector<16xf32>
        %add3A_1895 = arith.addf %add3A_1888, %gather3A_1894 : vector<16xf32>
        %broadcast_in_dim3A_1896 = vector.shape_cast %xor3A_5 : vector<16xi32> to vector<16x1xi32>
        %gather3A_1897 = vector.shape_cast %broadcast_in_dim3A_1896 : vector<16x1xi32> to vector<16xi32>
        %gather3A_1898 = tpu.dynamic_gather %add3A_1895[%gather3A_1897] in [0] : vector<16xf32>, vector<16xi32> -> vector<16xf32>
        %add3A_1899 = arith.addf %add3A_1895, %gather3A_1898 : vector<16xf32>
        %broadcast_in_dim3A_1900 = vector.shape_cast %xor3A_8 : vector<16xi32> to vector<16x1xi32>
        %gather3A_1901 = vector.shape_cast %broadcast_in_dim3A_1900 : vector<16x1xi32> to vector<16xi32>
        %gather3A_1902 = tpu.dynamic_gather %add3A_1899[%gather3A_1901] in [0] : vector<16xf32>, vector<16xi32> -> vector<16xf32>
        %add3A_1903 = arith.addf %add3A_1899, %gather3A_1902 : vector<16xf32>
        %broadcast_in_dim3A_1904 = vector.shape_cast %xor3A_11 : vector<16xi32> to vector<16x1xi32>
        %gather3A_1905 = vector.shape_cast %broadcast_in_dim3A_1904 : vector<16x1xi32> to vector<16xi32>
        %gather3A_1906 = tpu.dynamic_gather %add3A_1903[%gather3A_1905] in [0] : vector<16xf32>, vector<16xi32> -> vector<16xf32>
        %add3A_1907 = arith.addf %add3A_1903, %gather3A_1906 : vector<16xf32>
        %select_n3A_1908 = arith.select %eq3A_1891, %add3A_1907, %select_n3A_1839 : vector<16xi1>, vector<16xf32>
        %mul3A_1909 = arith.constant 16 : i32
        %mul3A_1910 = arith.muli %scan3A_1491, %mul3A_1909 : i32
        %add3A_1911 = arith.constant 0 : i32
        %add3A_1912 = arith.addi %add3A_1911, %mul3A_1910 : i32
        %add3A_1913 = arith.constant 6 : i32
        %add3A_1914 = arith.addi %add3A_1912, %add3A_1913 : i32
        %slice3A_1915 = vector.extract_strided_slice %get3A_1496 {offsets = [6], sizes = [1], strides = [1]} : vector<16xi32> to vector<1xi32>
        %squeeze3A_1916 = vector.extract %slice3A_1915[0] : i32 from vector<1xi32>
        %add3A_1917 = arith.constant 0 : i32
        %add3A_1918 = arith.addi %add3A_1917, %squeeze3A_1916 : i32
        %get3A_1919 = arith.index_cast %add3A_1918 : i32 to index
        %get3A_1920 = arith.constant 0 : index
        %get3A_1921 = tpu.vector_load %arg11[%get3A_1919, %get3A_1920] {strides = array<i32>} : memref<32x128xf32, #tpu.memory_space<vmem>>, vector<1x16xf32>,
        %get3A_1922 = vector.shape_cast %get3A_1921 : vector<1x16xf32> to vector<16xf32>
        %get3A_1923 = arith.index_cast %add3A_1914 : i32 to index
        %get3A_1924 = arith.constant 0 : index
        %get3A_1925 = tpu.vector_load %arg12[%get3A_1923, %get3A_1924] {strides = array<i32>} : memref<672x128xf32, #tpu.memory_space<vmem>>, vector<1x16xf32>,
        %get3A_1926 = vector.shape_cast %get3A_1925 : vector<1x16xf32> to vector<16xf32>
        %mul3A_1927 = arith.mulf %get3A_1922, %get3A_1926 : vector<16xf32>
        %get3A_1928 = arith.index_cast %add3A_1918 : i32 to index
        %get3A_1929 = arith.constant 16 : index
        %get3A_1930 = tpu.vector_load %arg11[%get3A_1928, %get3A_1929] {strides = array<i32>} : memref<32x128xf32, #tpu.memory_space<vmem>>, vector<1x16xf32>,
        %get3A_1931 = vector.shape_cast %get3A_1930 : vector<1x16xf32> to vector<16xf32>
        %get3A_1932 = arith.index_cast %add3A_1914 : i32 to index
        %get3A_1933 = arith.constant 16 : index
        %get3A_1934 = tpu.vector_load %arg12[%get3A_1932, %get3A_1933] {strides = array<i32>} : memref<672x128xf32, #tpu.memory_space<vmem>>, vector<1x16xf32>,
        %get3A_1935 = vector.shape_cast %get3A_1934 : vector<1x16xf32> to vector<16xf32>
        %mul3A_1936 = arith.mulf %get3A_1931, %get3A_1935 : vector<16xf32>
        %add3A_1937 = arith.addf %mul3A_1927, %mul3A_1936 : vector<16xf32>
        %get3A_1938 = arith.index_cast %add3A_1918 : i32 to index
        %get3A_1939 = arith.constant 32 : index
        %get3A_1940 = tpu.vector_load %arg11[%get3A_1938, %get3A_1939] {strides = array<i32>} : memref<32x128xf32, #tpu.memory_space<vmem>>, vector<1x16xf32>,
        %get3A_1941 = vector.shape_cast %get3A_1940 : vector<1x16xf32> to vector<16xf32>
        %get3A_1942 = arith.index_cast %add3A_1914 : i32 to index
        %get3A_1943 = arith.constant 32 : index
        %get3A_1944 = tpu.vector_load %arg12[%get3A_1942, %get3A_1943] {strides = array<i32>} : memref<672x128xf32, #tpu.memory_space<vmem>>, vector<1x16xf32>,
        %get3A_1945 = vector.shape_cast %get3A_1944 : vector<1x16xf32> to vector<16xf32>
        %mul3A_1946 = arith.mulf %get3A_1941, %get3A_1945 : vector<16xf32>
        %add3A_1947 = arith.addf %add3A_1937, %mul3A_1946 : vector<16xf32>
        %get3A_1948 = arith.index_cast %add3A_1918 : i32 to index
        %get3A_1949 = arith.constant 48 : index
        %get3A_1950 = tpu.vector_load %arg11[%get3A_1948, %get3A_1949] {strides = array<i32>} : memref<32x128xf32, #tpu.memory_space<vmem>>, vector<1x16xf32>,
        %get3A_1951 = vector.shape_cast %get3A_1950 : vector<1x16xf32> to vector<16xf32>
        %get3A_1952 = arith.index_cast %add3A_1914 : i32 to index
        %get3A_1953 = arith.constant 48 : index
        %get3A_1954 = tpu.vector_load %arg12[%get3A_1952, %get3A_1953] {strides = array<i32>} : memref<672x128xf32, #tpu.memory_space<vmem>>, vector<1x16xf32>,
        %get3A_1955 = vector.shape_cast %get3A_1954 : vector<1x16xf32> to vector<16xf32>
        %mul3A_1956 = arith.mulf %get3A_1951, %get3A_1955 : vector<16xf32>
        %add3A_1957 = arith.addf %add3A_1947, %mul3A_1956 : vector<16xf32>
        %eq3A_1958 = arith.constant 6 : i32
        %eq3A_1959 = vector.broadcast %eq3A_1958 : i32 to vector<16xi32>
        %eq3A_1960 = arith.cmpi eq, %iota3A, %eq3A_1959 : vector<16xi32>
        %broadcast_in_dim3A_1961 = vector.shape_cast %xor3A_2 : vector<16xi32> to vector<16x1xi32>
        %gather3A_1962 = vector.shape_cast %broadcast_in_dim3A_1961 : vector<16x1xi32> to vector<16xi32>
        %gather3A_1963 = tpu.dynamic_gather %add3A_1957[%gather3A_1962] in [0] : vector<16xf32>, vector<16xi32> -> vector<16xf32>
        %add3A_1964 = arith.addf %add3A_1957, %gather3A_1963 : vector<16xf32>
        %broadcast_in_dim3A_1965 = vector.shape_cast %xor3A_5 : vector<16xi32> to vector<16x1xi32>
        %gather3A_1966 = vector.shape_cast %broadcast_in_dim3A_1965 : vector<16x1xi32> to vector<16xi32>
        %gather3A_1967 = tpu.dynamic_gather %add3A_1964[%gather3A_1966] in [0] : vector<16xf32>, vector<16xi32> -> vector<16xf32>
        %add3A_1968 = arith.addf %add3A_1964, %gather3A_1967 : vector<16xf32>
        %broadcast_in_dim3A_1969 = vector.shape_cast %xor3A_8 : vector<16xi32> to vector<16x1xi32>
        %gather3A_1970 = vector.shape_cast %broadcast_in_dim3A_1969 : vector<16x1xi32> to vector<16xi32>
        %gather3A_1971 = tpu.dynamic_gather %add3A_1968[%gather3A_1970] in [0] : vector<16xf32>, vector<16xi32> -> vector<16xf32>
        %add3A_1972 = arith.addf %add3A_1968, %gather3A_1971 : vector<16xf32>
        %broadcast_in_dim3A_1973 = vector.shape_cast %xor3A_11 : vector<16xi32> to vector<16x1xi32>
        %gather3A_1974 = vector.shape_cast %broadcast_in_dim3A_1973 : vector<16x1xi32> to vector<16xi32>
        %gather3A_1975 = tpu.dynamic_gather %add3A_1972[%gather3A_1974] in [0] : vector<16xf32>, vector<16xi32> -> vector<16xf32>
        %add3A_1976 = arith.addf %add3A_1972, %gather3A_1975 : vector<16xf32>
        %select_n3A_1977 = arith.select %eq3A_1960, %add3A_1976, %select_n3A_1908 : vector<16xi1>, vector<16xf32>
        %mul3A_1978 = arith.constant 16 : i32
        %mul3A_1979 = arith.muli %scan3A_1491, %mul3A_1978 : i32
        %add3A_1980 = arith.constant 0 : i32
        %add3A_1981 = arith.addi %add3A_1980, %mul3A_1979 : i32
        %add3A_1982 = arith.constant 7 : i32
        %add3A_1983 = arith.addi %add3A_1981, %add3A_1982 : i32
        %slice3A_1984 = vector.extract_strided_slice %get3A_1496 {offsets = [7], sizes = [1], strides = [1]} : vector<16xi32> to vector<1xi32>
        %squeeze3A_1985 = vector.extract %slice3A_1984[0] : i32 from vector<1xi32>
        %add3A_1986 = arith.constant 0 : i32
        %add3A_1987 = arith.addi %add3A_1986, %squeeze3A_1985 : i32
        %get3A_1988 = arith.index_cast %add3A_1987 : i32 to index
        %get3A_1989 = arith.constant 0 : index
        %get3A_1990 = tpu.vector_load %arg11[%get3A_1988, %get3A_1989] {strides = array<i32>} : memref<32x128xf32, #tpu.memory_space<vmem>>, vector<1x16xf32>,
        %get3A_1991 = vector.shape_cast %get3A_1990 : vector<1x16xf32> to vector<16xf32>
        %get3A_1992 = arith.index_cast %add3A_1983 : i32 to index
        %get3A_1993 = arith.constant 0 : index
        %get3A_1994 = tpu.vector_load %arg12[%get3A_1992, %get3A_1993] {strides = array<i32>} : memref<672x128xf32, #tpu.memory_space<vmem>>, vector<1x16xf32>,
        %get3A_1995 = vector.shape_cast %get3A_1994 : vector<1x16xf32> to vector<16xf32>
        %mul3A_1996 = arith.mulf %get3A_1991, %get3A_1995 : vector<16xf32>
        %get3A_1997 = arith.index_cast %add3A_1987 : i32 to index
        %get3A_1998 = arith.constant 16 : index
        %get3A_1999 = tpu.vector_load %arg11[%get3A_1997, %get3A_1998] {strides = array<i32>} : memref<32x128xf32, #tpu.memory_space<vmem>>, vector<1x16xf32>,
        %get3A_2000 = vector.shape_cast %get3A_1999 : vector<1x16xf32> to vector<16xf32>
        %get3A_2001 = arith.index_cast %add3A_1983 : i32 to index
        %get3A_2002 = arith.constant 16 : index
        %get3A_2003 = tpu.vector_load %arg12[%get3A_2001, %get3A_2002] {strides = array<i32>} : memref<672x128xf32, #tpu.memory_space<vmem>>, vector<1x16xf32>,
        %get3A_2004 = vector.shape_cast %get3A_2003 : vector<1x16xf32> to vector<16xf32>
        %mul3A_2005 = arith.mulf %get3A_2000, %get3A_2004 : vector<16xf32>
        %add3A_2006 = arith.addf %mul3A_1996, %mul3A_2005 : vector<16xf32>
        %get3A_2007 = arith.index_cast %add3A_1987 : i32 to index
        %get3A_2008 = arith.constant 32 : index
        %get3A_2009 = tpu.vector_load %arg11[%get3A_2007, %get3A_2008] {strides = array<i32>} : memref<32x128xf32, #tpu.memory_space<vmem>>, vector<1x16xf32>,
        %get3A_2010 = vector.shape_cast %get3A_2009 : vector<1x16xf32> to vector<16xf32>
        %get3A_2011 = arith.index_cast %add3A_1983 : i32 to index
        %get3A_2012 = arith.constant 32 : index
        %get3A_2013 = tpu.vector_load %arg12[%get3A_2011, %get3A_2012] {strides = array<i32>} : memref<672x128xf32, #tpu.memory_space<vmem>>, vector<1x16xf32>,
        %get3A_2014 = vector.shape_cast %get3A_2013 : vector<1x16xf32> to vector<16xf32>
        %mul3A_2015 = arith.mulf %get3A_2010, %get3A_2014 : vector<16xf32>
        %add3A_2016 = arith.addf %add3A_2006, %mul3A_2015 : vector<16xf32>
        %get3A_2017 = arith.index_cast %add3A_1987 : i32 to index
        %get3A_2018 = arith.constant 48 : index
        %get3A_2019 = tpu.vector_load %arg11[%get3A_2017, %get3A_2018] {strides = array<i32>} : memref<32x128xf32, #tpu.memory_space<vmem>>, vector<1x16xf32>,
        %get3A_2020 = vector.shape_cast %get3A_2019 : vector<1x16xf32> to vector<16xf32>
        %get3A_2021 = arith.index_cast %add3A_1983 : i32 to index
        %get3A_2022 = arith.constant 48 : index
        %get3A_2023 = tpu.vector_load %arg12[%get3A_2021, %get3A_2022] {strides = array<i32>} : memref<672x128xf32, #tpu.memory_space<vmem>>, vector<1x16xf32>,
        %get3A_2024 = vector.shape_cast %get3A_2023 : vector<1x16xf32> to vector<16xf32>
        %mul3A_2025 = arith.mulf %get3A_2020, %get3A_2024 : vector<16xf32>
        %add3A_2026 = arith.addf %add3A_2016, %mul3A_2025 : vector<16xf32>
        %eq3A_2027 = arith.constant 7 : i32
        %eq3A_2028 = vector.broadcast %eq3A_2027 : i32 to vector<16xi32>
        %eq3A_2029 = arith.cmpi eq, %iota3A, %eq3A_2028 : vector<16xi32>
        %broadcast_in_dim3A_2030 = vector.shape_cast %xor3A_2 : vector<16xi32> to vector<16x1xi32>
        %gather3A_2031 = vector.shape_cast %broadcast_in_dim3A_2030 : vector<16x1xi32> to vector<16xi32>
        %gather3A_2032 = tpu.dynamic_gather %add3A_2026[%gather3A_2031] in [0] : vector<16xf32>, vector<16xi32> -> vector<16xf32>
        %add3A_2033 = arith.addf %add3A_2026, %gather3A_2032 : vector<16xf32>
        %broadcast_in_dim3A_2034 = vector.shape_cast %xor3A_5 : vector<16xi32> to vector<16x1xi32>
        %gather3A_2035 = vector.shape_cast %broadcast_in_dim3A_2034 : vector<16x1xi32> to vector<16xi32>
        %gather3A_2036 = tpu.dynamic_gather %add3A_2033[%gather3A_2035] in [0] : vector<16xf32>, vector<16xi32> -> vector<16xf32>
        %add3A_2037 = arith.addf %add3A_2033, %gather3A_2036 : vector<16xf32>
        %broadcast_in_dim3A_2038 = vector.shape_cast %xor3A_8 : vector<16xi32> to vector<16x1xi32>
        %gather3A_2039 = vector.shape_cast %broadcast_in_dim3A_2038 : vector<16x1xi32> to vector<16xi32>
        %gather3A_2040 = tpu.dynamic_gather %add3A_2037[%gather3A_2039] in [0] : vector<16xf32>, vector<16xi32> -> vector<16xf32>
        %add3A_2041 = arith.addf %add3A_2037, %gather3A_2040 : vector<16xf32>
        %broadcast_in_dim3A_2042 = vector.shape_cast %xor3A_11 : vector<16xi32> to vector<16x1xi32>
        %gather3A_2043 = vector.shape_cast %broadcast_in_dim3A_2042 : vector<16x1xi32> to vector<16xi32>
        %gather3A_2044 = tpu.dynamic_gather %add3A_2041[%gather3A_2043] in [0] : vector<16xf32>, vector<16xi32> -> vector<16xf32>
        %add3A_2045 = arith.addf %add3A_2041, %gather3A_2044 : vector<16xf32>
        %select_n3A_2046 = arith.select %eq3A_2029, %add3A_2045, %select_n3A_1977 : vector<16xi1>, vector<16xf32>
        %mul3A_2047 = arith.constant 16 : i32
        %mul3A_2048 = arith.muli %scan3A_1491, %mul3A_2047 : i32
        %add3A_2049 = arith.constant 0 : i32
        %add3A_2050 = arith.addi %add3A_2049, %mul3A_2048 : i32
        %add3A_2051 = arith.constant 8 : i32
        %add3A_2052 = arith.addi %add3A_2050, %add3A_2051 : i32
        %slice3A_2053 = vector.extract_strided_slice %get3A_1496 {offsets = [8], sizes = [1], strides = [1]} : vector<16xi32> to vector<1xi32>
        %squeeze3A_2054 = vector.extract %slice3A_2053[0] : i32 from vector<1xi32>
        %add3A_2055 = arith.constant 0 : i32
        %add3A_2056 = arith.addi %add3A_2055, %squeeze3A_2054 : i32
        %get3A_2057 = arith.index_cast %add3A_2056 : i32 to index
        %get3A_2058 = arith.constant 0 : index
        %get3A_2059 = tpu.vector_load %arg11[%get3A_2057, %get3A_2058] {strides = array<i32>} : memref<32x128xf32, #tpu.memory_space<vmem>>, vector<1x16xf32>,
        %get3A_2060 = vector.shape_cast %get3A_2059 : vector<1x16xf32> to vector<16xf32>
        %get3A_2061 = arith.index_cast %add3A_2052 : i32 to index
        %get3A_2062 = arith.constant 0 : index
        %get3A_2063 = tpu.vector_load %arg12[%get3A_2061, %get3A_2062] {strides = array<i32>} : memref<672x128xf32, #tpu.memory_space<vmem>>, vector<1x16xf32>,
        %get3A_2064 = vector.shape_cast %get3A_2063 : vector<1x16xf32> to vector<16xf32>
        %mul3A_2065 = arith.mulf %get3A_2060, %get3A_2064 : vector<16xf32>
        %get3A_2066 = arith.index_cast %add3A_2056 : i32 to index
        %get3A_2067 = arith.constant 16 : index
        %get3A_2068 = tpu.vector_load %arg11[%get3A_2066, %get3A_2067] {strides = array<i32>} : memref<32x128xf32, #tpu.memory_space<vmem>>, vector<1x16xf32>,
        %get3A_2069 = vector.shape_cast %get3A_2068 : vector<1x16xf32> to vector<16xf32>
        %get3A_2070 = arith.index_cast %add3A_2052 : i32 to index
        %get3A_2071 = arith.constant 16 : index
        %get3A_2072 = tpu.vector_load %arg12[%get3A_2070, %get3A_2071] {strides = array<i32>} : memref<672x128xf32, #tpu.memory_space<vmem>>, vector<1x16xf32>,
        %get3A_2073 = vector.shape_cast %get3A_2072 : vector<1x16xf32> to vector<16xf32>
        %mul3A_2074 = arith.mulf %get3A_2069, %get3A_2073 : vector<16xf32>
        %add3A_2075 = arith.addf %mul3A_2065, %mul3A_2074 : vector<16xf32>
        %get3A_2076 = arith.index_cast %add3A_2056 : i32 to index
        %get3A_2077 = arith.constant 32 : index
        %get3A_2078 = tpu.vector_load %arg11[%get3A_2076, %get3A_2077] {strides = array<i32>} : memref<32x128xf32, #tpu.memory_space<vmem>>, vector<1x16xf32>,
        %get3A_2079 = vector.shape_cast %get3A_2078 : vector<1x16xf32> to vector<16xf32>
        %get3A_2080 = arith.index_cast %add3A_2052 : i32 to index
        %get3A_2081 = arith.constant 32 : index
        %get3A_2082 = tpu.vector_load %arg12[%get3A_2080, %get3A_2081] {strides = array<i32>} : memref<672x128xf32, #tpu.memory_space<vmem>>, vector<1x16xf32>,
        %get3A_2083 = vector.shape_cast %get3A_2082 : vector<1x16xf32> to vector<16xf32>
        %mul3A_2084 = arith.mulf %get3A_2079, %get3A_2083 : vector<16xf32>
        %add3A_2085 = arith.addf %add3A_2075, %mul3A_2084 : vector<16xf32>
        %get3A_2086 = arith.index_cast %add3A_2056 : i32 to index
        %get3A_2087 = arith.constant 48 : index
        %get3A_2088 = tpu.vector_load %arg11[%get3A_2086, %get3A_2087] {strides = array<i32>} : memref<32x128xf32, #tpu.memory_space<vmem>>, vector<1x16xf32>,
        %get3A_2089 = vector.shape_cast %get3A_2088 : vector<1x16xf32> to vector<16xf32>
        %get3A_2090 = arith.index_cast %add3A_2052 : i32 to index
        %get3A_2091 = arith.constant 48 : index
        %get3A_2092 = tpu.vector_load %arg12[%get3A_2090, %get3A_2091] {strides = array<i32>} : memref<672x128xf32, #tpu.memory_space<vmem>>, vector<1x16xf32>,
        %get3A_2093 = vector.shape_cast %get3A_2092 : vector<1x16xf32> to vector<16xf32>
        %mul3A_2094 = arith.mulf %get3A_2089, %get3A_2093 : vector<16xf32>
        %add3A_2095 = arith.addf %add3A_2085, %mul3A_2094 : vector<16xf32>
        %eq3A_2096 = arith.constant 8 : i32
        %eq3A_2097 = vector.broadcast %eq3A_2096 : i32 to vector<16xi32>
        %eq3A_2098 = arith.cmpi eq, %iota3A, %eq3A_2097 : vector<16xi32>
        %broadcast_in_dim3A_2099 = vector.shape_cast %xor3A_2 : vector<16xi32> to vector<16x1xi32>
        %gather3A_2100 = vector.shape_cast %broadcast_in_dim3A_2099 : vector<16x1xi32> to vector<16xi32>
        %gather3A_2101 = tpu.dynamic_gather %add3A_2095[%gather3A_2100] in [0] : vector<16xf32>, vector<16xi32> -> vector<16xf32>
        %add3A_2102 = arith.addf %add3A_2095, %gather3A_2101 : vector<16xf32>
        %broadcast_in_dim3A_2103 = vector.shape_cast %xor3A_5 : vector<16xi32> to vector<16x1xi32>
        %gather3A_2104 = vector.shape_cast %broadcast_in_dim3A_2103 : vector<16x1xi32> to vector<16xi32>
        %gather3A_2105 = tpu.dynamic_gather %add3A_2102[%gather3A_2104] in [0] : vector<16xf32>, vector<16xi32> -> vector<16xf32>
        %add3A_2106 = arith.addf %add3A_2102, %gather3A_2105 : vector<16xf32>
        %broadcast_in_dim3A_2107 = vector.shape_cast %xor3A_8 : vector<16xi32> to vector<16x1xi32>
        %gather3A_2108 = vector.shape_cast %broadcast_in_dim3A_2107 : vector<16x1xi32> to vector<16xi32>
        %gather3A_2109 = tpu.dynamic_gather %add3A_2106[%gather3A_2108] in [0] : vector<16xf32>, vector<16xi32> -> vector<16xf32>
        %add3A_2110 = arith.addf %add3A_2106, %gather3A_2109 : vector<16xf32>
        %broadcast_in_dim3A_2111 = vector.shape_cast %xor3A_11 : vector<16xi32> to vector<16x1xi32>
        %gather3A_2112 = vector.shape_cast %broadcast_in_dim3A_2111 : vector<16x1xi32> to vector<16xi32>
        %gather3A_2113 = tpu.dynamic_gather %add3A_2110[%gather3A_2112] in [0] : vector<16xf32>, vector<16xi32> -> vector<16xf32>
        %add3A_2114 = arith.addf %add3A_2110, %gather3A_2113 : vector<16xf32>
        %select_n3A_2115 = arith.select %eq3A_2098, %add3A_2114, %select_n3A_2046 : vector<16xi1>, vector<16xf32>
        %mul3A_2116 = arith.constant 16 : i32
        %mul3A_2117 = arith.muli %scan3A_1491, %mul3A_2116 : i32
        %add3A_2118 = arith.constant 0 : i32
        %add3A_2119 = arith.addi %add3A_2118, %mul3A_2117 : i32
        %add3A_2120 = arith.constant 9 : i32
        %add3A_2121 = arith.addi %add3A_2119, %add3A_2120 : i32
        %slice3A_2122 = vector.extract_strided_slice %get3A_1496 {offsets = [9], sizes = [1], strides = [1]} : vector<16xi32> to vector<1xi32>
        %squeeze3A_2123 = vector.extract %slice3A_2122[0] : i32 from vector<1xi32>
        %add3A_2124 = arith.constant 0 : i32
        %add3A_2125 = arith.addi %add3A_2124, %squeeze3A_2123 : i32
        %get3A_2126 = arith.index_cast %add3A_2125 : i32 to index
        %get3A_2127 = arith.constant 0 : index
        %get3A_2128 = tpu.vector_load %arg11[%get3A_2126, %get3A_2127] {strides = array<i32>} : memref<32x128xf32, #tpu.memory_space<vmem>>, vector<1x16xf32>,
        %get3A_2129 = vector.shape_cast %get3A_2128 : vector<1x16xf32> to vector<16xf32>
        %get3A_2130 = arith.index_cast %add3A_2121 : i32 to index
        %get3A_2131 = arith.constant 0 : index
        %get3A_2132 = tpu.vector_load %arg12[%get3A_2130, %get3A_2131] {strides = array<i32>} : memref<672x128xf32, #tpu.memory_space<vmem>>, vector<1x16xf32>,
        %get3A_2133 = vector.shape_cast %get3A_2132 : vector<1x16xf32> to vector<16xf32>
        %mul3A_2134 = arith.mulf %get3A_2129, %get3A_2133 : vector<16xf32>
        %get3A_2135 = arith.index_cast %add3A_2125 : i32 to index
        %get3A_2136 = arith.constant 16 : index
        %get3A_2137 = tpu.vector_load %arg11[%get3A_2135, %get3A_2136] {strides = array<i32>} : memref<32x128xf32, #tpu.memory_space<vmem>>, vector<1x16xf32>,
        %get3A_2138 = vector.shape_cast %get3A_2137 : vector<1x16xf32> to vector<16xf32>
        %get3A_2139 = arith.index_cast %add3A_2121 : i32 to index
        %get3A_2140 = arith.constant 16 : index
        %get3A_2141 = tpu.vector_load %arg12[%get3A_2139, %get3A_2140] {strides = array<i32>} : memref<672x128xf32, #tpu.memory_space<vmem>>, vector<1x16xf32>,
        %get3A_2142 = vector.shape_cast %get3A_2141 : vector<1x16xf32> to vector<16xf32>
        %mul3A_2143 = arith.mulf %get3A_2138, %get3A_2142 : vector<16xf32>
        %add3A_2144 = arith.addf %mul3A_2134, %mul3A_2143 : vector<16xf32>
        %get3A_2145 = arith.index_cast %add3A_2125 : i32 to index
        %get3A_2146 = arith.constant 32 : index
        %get3A_2147 = tpu.vector_load %arg11[%get3A_2145, %get3A_2146] {strides = array<i32>} : memref<32x128xf32, #tpu.memory_space<vmem>>, vector<1x16xf32>,
        %get3A_2148 = vector.shape_cast %get3A_2147 : vector<1x16xf32> to vector<16xf32>
        %get3A_2149 = arith.index_cast %add3A_2121 : i32 to index
        %get3A_2150 = arith.constant 32 : index
        %get3A_2151 = tpu.vector_load %arg12[%get3A_2149, %get3A_2150] {strides = array<i32>} : memref<672x128xf32, #tpu.memory_space<vmem>>, vector<1x16xf32>,
        %get3A_2152 = vector.shape_cast %get3A_2151 : vector<1x16xf32> to vector<16xf32>
        %mul3A_2153 = arith.mulf %get3A_2148, %get3A_2152 : vector<16xf32>
        %add3A_2154 = arith.addf %add3A_2144, %mul3A_2153 : vector<16xf32>
        %get3A_2155 = arith.index_cast %add3A_2125 : i32 to index
        %get3A_2156 = arith.constant 48 : index
        %get3A_2157 = tpu.vector_load %arg11[%get3A_2155, %get3A_2156] {strides = array<i32>} : memref<32x128xf32, #tpu.memory_space<vmem>>, vector<1x16xf32>,
        %get3A_2158 = vector.shape_cast %get3A_2157 : vector<1x16xf32> to vector<16xf32>
        %get3A_2159 = arith.index_cast %add3A_2121 : i32 to index
        %get3A_2160 = arith.constant 48 : index
        %get3A_2161 = tpu.vector_load %arg12[%get3A_2159, %get3A_2160] {strides = array<i32>} : memref<672x128xf32, #tpu.memory_space<vmem>>, vector<1x16xf32>,
        %get3A_2162 = vector.shape_cast %get3A_2161 : vector<1x16xf32> to vector<16xf32>
        %mul3A_2163 = arith.mulf %get3A_2158, %get3A_2162 : vector<16xf32>
        %add3A_2164 = arith.addf %add3A_2154, %mul3A_2163 : vector<16xf32>
        %eq3A_2165 = arith.constant 9 : i32
        %eq3A_2166 = vector.broadcast %eq3A_2165 : i32 to vector<16xi32>
        %eq3A_2167 = arith.cmpi eq, %iota3A, %eq3A_2166 : vector<16xi32>
        %broadcast_in_dim3A_2168 = vector.shape_cast %xor3A_2 : vector<16xi32> to vector<16x1xi32>
        %gather3A_2169 = vector.shape_cast %broadcast_in_dim3A_2168 : vector<16x1xi32> to vector<16xi32>
        %gather3A_2170 = tpu.dynamic_gather %add3A_2164[%gather3A_2169] in [0] : vector<16xf32>, vector<16xi32> -> vector<16xf32>
        %add3A_2171 = arith.addf %add3A_2164, %gather3A_2170 : vector<16xf32>
        %broadcast_in_dim3A_2172 = vector.shape_cast %xor3A_5 : vector<16xi32> to vector<16x1xi32>
        %gather3A_2173 = vector.shape_cast %broadcast_in_dim3A_2172 : vector<16x1xi32> to vector<16xi32>
        %gather3A_2174 = tpu.dynamic_gather %add3A_2171[%gather3A_2173] in [0] : vector<16xf32>, vector<16xi32> -> vector<16xf32>
        %add3A_2175 = arith.addf %add3A_2171, %gather3A_2174 : vector<16xf32>
        %broadcast_in_dim3A_2176 = vector.shape_cast %xor3A_8 : vector<16xi32> to vector<16x1xi32>
        %gather3A_2177 = vector.shape_cast %broadcast_in_dim3A_2176 : vector<16x1xi32> to vector<16xi32>
        %gather3A_2178 = tpu.dynamic_gather %add3A_2175[%gather3A_2177] in [0] : vector<16xf32>, vector<16xi32> -> vector<16xf32>
        %add3A_2179 = arith.addf %add3A_2175, %gather3A_2178 : vector<16xf32>
        %broadcast_in_dim3A_2180 = vector.shape_cast %xor3A_11 : vector<16xi32> to vector<16x1xi32>
        %gather3A_2181 = vector.shape_cast %broadcast_in_dim3A_2180 : vector<16x1xi32> to vector<16xi32>
        %gather3A_2182 = tpu.dynamic_gather %add3A_2179[%gather3A_2181] in [0] : vector<16xf32>, vector<16xi32> -> vector<16xf32>
        %add3A_2183 = arith.addf %add3A_2179, %gather3A_2182 : vector<16xf32>
        %select_n3A_2184 = arith.select %eq3A_2167, %add3A_2183, %select_n3A_2115 : vector<16xi1>, vector<16xf32>
        %mul3A_2185 = arith.constant 16 : i32
        %mul3A_2186 = arith.muli %scan3A_1491, %mul3A_2185 : i32
        %add3A_2187 = arith.constant 0 : i32
        %add3A_2188 = arith.addi %add3A_2187, %mul3A_2186 : i32
        %add3A_2189 = arith.constant 10 : i32
        %add3A_2190 = arith.addi %add3A_2188, %add3A_2189 : i32
        %slice3A_2191 = vector.extract_strided_slice %get3A_1496 {offsets = [10], sizes = [1], strides = [1]} : vector<16xi32> to vector<1xi32>
        %squeeze3A_2192 = vector.extract %slice3A_2191[0] : i32 from vector<1xi32>
        %add3A_2193 = arith.constant 0 : i32
        %add3A_2194 = arith.addi %add3A_2193, %squeeze3A_2192 : i32
        %get3A_2195 = arith.index_cast %add3A_2194 : i32 to index
        %get3A_2196 = arith.constant 0 : index
        %get3A_2197 = tpu.vector_load %arg11[%get3A_2195, %get3A_2196] {strides = array<i32>} : memref<32x128xf32, #tpu.memory_space<vmem>>, vector<1x16xf32>,
        %get3A_2198 = vector.shape_cast %get3A_2197 : vector<1x16xf32> to vector<16xf32>
        %get3A_2199 = arith.index_cast %add3A_2190 : i32 to index
        %get3A_2200 = arith.constant 0 : index
        %get3A_2201 = tpu.vector_load %arg12[%get3A_2199, %get3A_2200] {strides = array<i32>} : memref<672x128xf32, #tpu.memory_space<vmem>>, vector<1x16xf32>,
        %get3A_2202 = vector.shape_cast %get3A_2201 : vector<1x16xf32> to vector<16xf32>
        %mul3A_2203 = arith.mulf %get3A_2198, %get3A_2202 : vector<16xf32>
        %get3A_2204 = arith.index_cast %add3A_2194 : i32 to index
        %get3A_2205 = arith.constant 16 : index
        %get3A_2206 = tpu.vector_load %arg11[%get3A_2204, %get3A_2205] {strides = array<i32>} : memref<32x128xf32, #tpu.memory_space<vmem>>, vector<1x16xf32>,
        %get3A_2207 = vector.shape_cast %get3A_2206 : vector<1x16xf32> to vector<16xf32>
        %get3A_2208 = arith.index_cast %add3A_2190 : i32 to index
        %get3A_2209 = arith.constant 16 : index
        %get3A_2210 = tpu.vector_load %arg12[%get3A_2208, %get3A_2209] {strides = array<i32>} : memref<672x128xf32, #tpu.memory_space<vmem>>, vector<1x16xf32>,
        %get3A_2211 = vector.shape_cast %get3A_2210 : vector<1x16xf32> to vector<16xf32>
        %mul3A_2212 = arith.mulf %get3A_2207, %get3A_2211 : vector<16xf32>
        %add3A_2213 = arith.addf %mul3A_2203, %mul3A_2212 : vector<16xf32>
        %get3A_2214 = arith.index_cast %add3A_2194 : i32 to index
        %get3A_2215 = arith.constant 32 : index
        %get3A_2216 = tpu.vector_load %arg11[%get3A_2214, %get3A_2215] {strides = array<i32>} : memref<32x128xf32, #tpu.memory_space<vmem>>, vector<1x16xf32>,
        %get3A_2217 = vector.shape_cast %get3A_2216 : vector<1x16xf32> to vector<16xf32>
        %get3A_2218 = arith.index_cast %add3A_2190 : i32 to index
        %get3A_2219 = arith.constant 32 : index
        %get3A_2220 = tpu.vector_load %arg12[%get3A_2218, %get3A_2219] {strides = array<i32>} : memref<672x128xf32, #tpu.memory_space<vmem>>, vector<1x16xf32>,
        %get3A_2221 = vector.shape_cast %get3A_2220 : vector<1x16xf32> to vector<16xf32>
        %mul3A_2222 = arith.mulf %get3A_2217, %get3A_2221 : vector<16xf32>
        %add3A_2223 = arith.addf %add3A_2213, %mul3A_2222 : vector<16xf32>
        %get3A_2224 = arith.index_cast %add3A_2194 : i32 to index
        %get3A_2225 = arith.constant 48 : index
        %get3A_2226 = tpu.vector_load %arg11[%get3A_2224, %get3A_2225] {strides = array<i32>} : memref<32x128xf32, #tpu.memory_space<vmem>>, vector<1x16xf32>,
        %get3A_2227 = vector.shape_cast %get3A_2226 : vector<1x16xf32> to vector<16xf32>
        %get3A_2228 = arith.index_cast %add3A_2190 : i32 to index
        %get3A_2229 = arith.constant 48 : index
        %get3A_2230 = tpu.vector_load %arg12[%get3A_2228, %get3A_2229] {strides = array<i32>} : memref<672x128xf32, #tpu.memory_space<vmem>>, vector<1x16xf32>,
        %get3A_2231 = vector.shape_cast %get3A_2230 : vector<1x16xf32> to vector<16xf32>
        %mul3A_2232 = arith.mulf %get3A_2227, %get3A_2231 : vector<16xf32>
        %add3A_2233 = arith.addf %add3A_2223, %mul3A_2232 : vector<16xf32>
        %eq3A_2234 = arith.constant 10 : i32
        %eq3A_2235 = vector.broadcast %eq3A_2234 : i32 to vector<16xi32>
        %eq3A_2236 = arith.cmpi eq, %iota3A, %eq3A_2235 : vector<16xi32>
        %broadcast_in_dim3A_2237 = vector.shape_cast %xor3A_2 : vector<16xi32> to vector<16x1xi32>
        %gather3A_2238 = vector.shape_cast %broadcast_in_dim3A_2237 : vector<16x1xi32> to vector<16xi32>
        %gather3A_2239 = tpu.dynamic_gather %add3A_2233[%gather3A_2238] in [0] : vector<16xf32>, vector<16xi32> -> vector<16xf32>
        %add3A_2240 = arith.addf %add3A_2233, %gather3A_2239 : vector<16xf32>
        %broadcast_in_dim3A_2241 = vector.shape_cast %xor3A_5 : vector<16xi32> to vector<16x1xi32>
        %gather3A_2242 = vector.shape_cast %broadcast_in_dim3A_2241 : vector<16x1xi32> to vector<16xi32>
        %gather3A_2243 = tpu.dynamic_gather %add3A_2240[%gather3A_2242] in [0] : vector<16xf32>, vector<16xi32> -> vector<16xf32>
        %add3A_2244 = arith.addf %add3A_2240, %gather3A_2243 : vector<16xf32>
        %broadcast_in_dim3A_2245 = vector.shape_cast %xor3A_8 : vector<16xi32> to vector<16x1xi32>
        %gather3A_2246 = vector.shape_cast %broadcast_in_dim3A_2245 : vector<16x1xi32> to vector<16xi32>
        %gather3A_2247 = tpu.dynamic_gather %add3A_2244[%gather3A_2246] in [0] : vector<16xf32>, vector<16xi32> -> vector<16xf32>
        %add3A_2248 = arith.addf %add3A_2244, %gather3A_2247 : vector<16xf32>
        %broadcast_in_dim3A_2249 = vector.shape_cast %xor3A_11 : vector<16xi32> to vector<16x1xi32>
        %gather3A_2250 = vector.shape_cast %broadcast_in_dim3A_2249 : vector<16x1xi32> to vector<16xi32>
        %gather3A_2251 = tpu.dynamic_gather %add3A_2248[%gather3A_2250] in [0] : vector<16xf32>, vector<16xi32> -> vector<16xf32>
        %add3A_2252 = arith.addf %add3A_2248, %gather3A_2251 : vector<16xf32>
        %select_n3A_2253 = arith.select %eq3A_2236, %add3A_2252, %select_n3A_2184 : vector<16xi1>, vector<16xf32>
        %mul3A_2254 = arith.constant 16 : i32
        %mul3A_2255 = arith.muli %scan3A_1491, %mul3A_2254 : i32
        %add3A_2256 = arith.constant 0 : i32
        %add3A_2257 = arith.addi %add3A_2256, %mul3A_2255 : i32
        %add3A_2258 = arith.constant 11 : i32
        %add3A_2259 = arith.addi %add3A_2257, %add3A_2258 : i32
        %slice3A_2260 = vector.extract_strided_slice %get3A_1496 {offsets = [11], sizes = [1], strides = [1]} : vector<16xi32> to vector<1xi32>
        %squeeze3A_2261 = vector.extract %slice3A_2260[0] : i32 from vector<1xi32>
        %add3A_2262 = arith.constant 0 : i32
        %add3A_2263 = arith.addi %add3A_2262, %squeeze3A_2261 : i32
        %get3A_2264 = arith.index_cast %add3A_2263 : i32 to index
        %get3A_2265 = arith.constant 0 : index
        %get3A_2266 = tpu.vector_load %arg11[%get3A_2264, %get3A_2265] {strides = array<i32>} : memref<32x128xf32, #tpu.memory_space<vmem>>, vector<1x16xf32>,
        %get3A_2267 = vector.shape_cast %get3A_2266 : vector<1x16xf32> to vector<16xf32>
        %get3A_2268 = arith.index_cast %add3A_2259 : i32 to index
        %get3A_2269 = arith.constant 0 : index
        %get3A_2270 = tpu.vector_load %arg12[%get3A_2268, %get3A_2269] {strides = array<i32>} : memref<672x128xf32, #tpu.memory_space<vmem>>, vector<1x16xf32>,
        %get3A_2271 = vector.shape_cast %get3A_2270 : vector<1x16xf32> to vector<16xf32>
        %mul3A_2272 = arith.mulf %get3A_2267, %get3A_2271 : vector<16xf32>
        %get3A_2273 = arith.index_cast %add3A_2263 : i32 to index
        %get3A_2274 = arith.constant 16 : index
        %get3A_2275 = tpu.vector_load %arg11[%get3A_2273, %get3A_2274] {strides = array<i32>} : memref<32x128xf32, #tpu.memory_space<vmem>>, vector<1x16xf32>,
        %get3A_2276 = vector.shape_cast %get3A_2275 : vector<1x16xf32> to vector<16xf32>
        %get3A_2277 = arith.index_cast %add3A_2259 : i32 to index
        %get3A_2278 = arith.constant 16 : index
        %get3A_2279 = tpu.vector_load %arg12[%get3A_2277, %get3A_2278] {strides = array<i32>} : memref<672x128xf32, #tpu.memory_space<vmem>>, vector<1x16xf32>,
        %get3A_2280 = vector.shape_cast %get3A_2279 : vector<1x16xf32> to vector<16xf32>
        %mul3A_2281 = arith.mulf %get3A_2276, %get3A_2280 : vector<16xf32>
        %add3A_2282 = arith.addf %mul3A_2272, %mul3A_2281 : vector<16xf32>
        %get3A_2283 = arith.index_cast %add3A_2263 : i32 to index
        %get3A_2284 = arith.constant 32 : index
        %get3A_2285 = tpu.vector_load %arg11[%get3A_2283, %get3A_2284] {strides = array<i32>} : memref<32x128xf32, #tpu.memory_space<vmem>>, vector<1x16xf32>,
        %get3A_2286 = vector.shape_cast %get3A_2285 : vector<1x16xf32> to vector<16xf32>
        %get3A_2287 = arith.index_cast %add3A_2259 : i32 to index
        %get3A_2288 = arith.constant 32 : index
        %get3A_2289 = tpu.vector_load %arg12[%get3A_2287, %get3A_2288] {strides = array<i32>} : memref<672x128xf32, #tpu.memory_space<vmem>>, vector<1x16xf32>,
        %get3A_2290 = vector.shape_cast %get3A_2289 : vector<1x16xf32> to vector<16xf32>
        %mul3A_2291 = arith.mulf %get3A_2286, %get3A_2290 : vector<16xf32>
        %add3A_2292 = arith.addf %add3A_2282, %mul3A_2291 : vector<16xf32>
        %get3A_2293 = arith.index_cast %add3A_2263 : i32 to index
        %get3A_2294 = arith.constant 48 : index
        %get3A_2295 = tpu.vector_load %arg11[%get3A_2293, %get3A_2294] {strides = array<i32>} : memref<32x128xf32, #tpu.memory_space<vmem>>, vector<1x16xf32>,
        %get3A_2296 = vector.shape_cast %get3A_2295 : vector<1x16xf32> to vector<16xf32>
        %get3A_2297 = arith.index_cast %add3A_2259 : i32 to index
        %get3A_2298 = arith.constant 48 : index
        %get3A_2299 = tpu.vector_load %arg12[%get3A_2297, %get3A_2298] {strides = array<i32>} : memref<672x128xf32, #tpu.memory_space<vmem>>, vector<1x16xf32>,
        %get3A_2300 = vector.shape_cast %get3A_2299 : vector<1x16xf32> to vector<16xf32>
        %mul3A_2301 = arith.mulf %get3A_2296, %get3A_2300 : vector<16xf32>
        %add3A_2302 = arith.addf %add3A_2292, %mul3A_2301 : vector<16xf32>
        %eq3A_2303 = arith.constant 11 : i32
        %eq3A_2304 = vector.broadcast %eq3A_2303 : i32 to vector<16xi32>
        %eq3A_2305 = arith.cmpi eq, %iota3A, %eq3A_2304 : vector<16xi32>
        %broadcast_in_dim3A_2306 = vector.shape_cast %xor3A_2 : vector<16xi32> to vector<16x1xi32>
        %gather3A_2307 = vector.shape_cast %broadcast_in_dim3A_2306 : vector<16x1xi32> to vector<16xi32>
        %gather3A_2308 = tpu.dynamic_gather %add3A_2302[%gather3A_2307] in [0] : vector<16xf32>, vector<16xi32> -> vector<16xf32>
        %add3A_2309 = arith.addf %add3A_2302, %gather3A_2308 : vector<16xf32>
        %broadcast_in_dim3A_2310 = vector.shape_cast %xor3A_5 : vector<16xi32> to vector<16x1xi32>
        %gather3A_2311 = vector.shape_cast %broadcast_in_dim3A_2310 : vector<16x1xi32> to vector<16xi32>
        %gather3A_2312 = tpu.dynamic_gather %add3A_2309[%gather3A_2311] in [0] : vector<16xf32>, vector<16xi32> -> vector<16xf32>
        %add3A_2313 = arith.addf %add3A_2309, %gather3A_2312 : vector<16xf32>
        %broadcast_in_dim3A_2314 = vector.shape_cast %xor3A_8 : vector<16xi32> to vector<16x1xi32>
        %gather3A_2315 = vector.shape_cast %broadcast_in_dim3A_2314 : vector<16x1xi32> to vector<16xi32>
        %gather3A_2316 = tpu.dynamic_gather %add3A_2313[%gather3A_2315] in [0] : vector<16xf32>, vector<16xi32> -> vector<16xf32>
        %add3A_2317 = arith.addf %add3A_2313, %gather3A_2316 : vector<16xf32>
        %broadcast_in_dim3A_2318 = vector.shape_cast %xor3A_11 : vector<16xi32> to vector<16x1xi32>
        %gather3A_2319 = vector.shape_cast %broadcast_in_dim3A_2318 : vector<16x1xi32> to vector<16xi32>
        %gather3A_2320 = tpu.dynamic_gather %add3A_2317[%gather3A_2319] in [0] : vector<16xf32>, vector<16xi32> -> vector<16xf32>
        %add3A_2321 = arith.addf %add3A_2317, %gather3A_2320 : vector<16xf32>
        %select_n3A_2322 = arith.select %eq3A_2305, %add3A_2321, %select_n3A_2253 : vector<16xi1>, vector<16xf32>
        %mul3A_2323 = arith.constant 16 : i32
        %mul3A_2324 = arith.muli %scan3A_1491, %mul3A_2323 : i32
        %add3A_2325 = arith.constant 0 : i32
        %add3A_2326 = arith.addi %add3A_2325, %mul3A_2324 : i32
        %add3A_2327 = arith.constant 12 : i32
        %add3A_2328 = arith.addi %add3A_2326, %add3A_2327 : i32
        %slice3A_2329 = vector.extract_strided_slice %get3A_1496 {offsets = [12], sizes = [1], strides = [1]} : vector<16xi32> to vector<1xi32>
        %squeeze3A_2330 = vector.extract %slice3A_2329[0] : i32 from vector<1xi32>
        %add3A_2331 = arith.constant 0 : i32
        %add3A_2332 = arith.addi %add3A_2331, %squeeze3A_2330 : i32
        %get3A_2333 = arith.index_cast %add3A_2332 : i32 to index
        %get3A_2334 = arith.constant 0 : index
        %get3A_2335 = tpu.vector_load %arg11[%get3A_2333, %get3A_2334] {strides = array<i32>} : memref<32x128xf32, #tpu.memory_space<vmem>>, vector<1x16xf32>,
        %get3A_2336 = vector.shape_cast %get3A_2335 : vector<1x16xf32> to vector<16xf32>
        %get3A_2337 = arith.index_cast %add3A_2328 : i32 to index
        %get3A_2338 = arith.constant 0 : index
        %get3A_2339 = tpu.vector_load %arg12[%get3A_2337, %get3A_2338] {strides = array<i32>} : memref<672x128xf32, #tpu.memory_space<vmem>>, vector<1x16xf32>,
        %get3A_2340 = vector.shape_cast %get3A_2339 : vector<1x16xf32> to vector<16xf32>
        %mul3A_2341 = arith.mulf %get3A_2336, %get3A_2340 : vector<16xf32>
        %get3A_2342 = arith.index_cast %add3A_2332 : i32 to index
        %get3A_2343 = arith.constant 16 : index
        %get3A_2344 = tpu.vector_load %arg11[%get3A_2342, %get3A_2343] {strides = array<i32>} : memref<32x128xf32, #tpu.memory_space<vmem>>, vector<1x16xf32>,
        %get3A_2345 = vector.shape_cast %get3A_2344 : vector<1x16xf32> to vector<16xf32>
        %get3A_2346 = arith.index_cast %add3A_2328 : i32 to index
        %get3A_2347 = arith.constant 16 : index
        %get3A_2348 = tpu.vector_load %arg12[%get3A_2346, %get3A_2347] {strides = array<i32>} : memref<672x128xf32, #tpu.memory_space<vmem>>, vector<1x16xf32>,
        %get3A_2349 = vector.shape_cast %get3A_2348 : vector<1x16xf32> to vector<16xf32>
        %mul3A_2350 = arith.mulf %get3A_2345, %get3A_2349 : vector<16xf32>
        %add3A_2351 = arith.addf %mul3A_2341, %mul3A_2350 : vector<16xf32>
        %get3A_2352 = arith.index_cast %add3A_2332 : i32 to index
        %get3A_2353 = arith.constant 32 : index
        %get3A_2354 = tpu.vector_load %arg11[%get3A_2352, %get3A_2353] {strides = array<i32>} : memref<32x128xf32, #tpu.memory_space<vmem>>, vector<1x16xf32>,
        %get3A_2355 = vector.shape_cast %get3A_2354 : vector<1x16xf32> to vector<16xf32>
        %get3A_2356 = arith.index_cast %add3A_2328 : i32 to index
        %get3A_2357 = arith.constant 32 : index
        %get3A_2358 = tpu.vector_load %arg12[%get3A_2356, %get3A_2357] {strides = array<i32>} : memref<672x128xf32, #tpu.memory_space<vmem>>, vector<1x16xf32>,
        %get3A_2359 = vector.shape_cast %get3A_2358 : vector<1x16xf32> to vector<16xf32>
        %mul3A_2360 = arith.mulf %get3A_2355, %get3A_2359 : vector<16xf32>
        %add3A_2361 = arith.addf %add3A_2351, %mul3A_2360 : vector<16xf32>
        %get3A_2362 = arith.index_cast %add3A_2332 : i32 to index
        %get3A_2363 = arith.constant 48 : index
        %get3A_2364 = tpu.vector_load %arg11[%get3A_2362, %get3A_2363] {strides = array<i32>} : memref<32x128xf32, #tpu.memory_space<vmem>>, vector<1x16xf32>,
        %get3A_2365 = vector.shape_cast %get3A_2364 : vector<1x16xf32> to vector<16xf32>
        %get3A_2366 = arith.index_cast %add3A_2328 : i32 to index
        %get3A_2367 = arith.constant 48 : index
        %get3A_2368 = tpu.vector_load %arg12[%get3A_2366, %get3A_2367] {strides = array<i32>} : memref<672x128xf32, #tpu.memory_space<vmem>>, vector<1x16xf32>,
        %get3A_2369 = vector.shape_cast %get3A_2368 : vector<1x16xf32> to vector<16xf32>
        %mul3A_2370 = arith.mulf %get3A_2365, %get3A_2369 : vector<16xf32>
        %add3A_2371 = arith.addf %add3A_2361, %mul3A_2370 : vector<16xf32>
        %eq3A_2372 = arith.constant 12 : i32
        %eq3A_2373 = vector.broadcast %eq3A_2372 : i32 to vector<16xi32>
        %eq3A_2374 = arith.cmpi eq, %iota3A, %eq3A_2373 : vector<16xi32>
        %broadcast_in_dim3A_2375 = vector.shape_cast %xor3A_2 : vector<16xi32> to vector<16x1xi32>
        %gather3A_2376 = vector.shape_cast %broadcast_in_dim3A_2375 : vector<16x1xi32> to vector<16xi32>
        %gather3A_2377 = tpu.dynamic_gather %add3A_2371[%gather3A_2376] in [0] : vector<16xf32>, vector<16xi32> -> vector<16xf32>
        %add3A_2378 = arith.addf %add3A_2371, %gather3A_2377 : vector<16xf32>
        %broadcast_in_dim3A_2379 = vector.shape_cast %xor3A_5 : vector<16xi32> to vector<16x1xi32>
        %gather3A_2380 = vector.shape_cast %broadcast_in_dim3A_2379 : vector<16x1xi32> to vector<16xi32>
        %gather3A_2381 = tpu.dynamic_gather %add3A_2378[%gather3A_2380] in [0] : vector<16xf32>, vector<16xi32> -> vector<16xf32>
        %add3A_2382 = arith.addf %add3A_2378, %gather3A_2381 : vector<16xf32>
        %broadcast_in_dim3A_2383 = vector.shape_cast %xor3A_8 : vector<16xi32> to vector<16x1xi32>
        %gather3A_2384 = vector.shape_cast %broadcast_in_dim3A_2383 : vector<16x1xi32> to vector<16xi32>
        %gather3A_2385 = tpu.dynamic_gather %add3A_2382[%gather3A_2384] in [0] : vector<16xf32>, vector<16xi32> -> vector<16xf32>
        %add3A_2386 = arith.addf %add3A_2382, %gather3A_2385 : vector<16xf32>
        %broadcast_in_dim3A_2387 = vector.shape_cast %xor3A_11 : vector<16xi32> to vector<16x1xi32>
        %gather3A_2388 = vector.shape_cast %broadcast_in_dim3A_2387 : vector<16x1xi32> to vector<16xi32>
        %gather3A_2389 = tpu.dynamic_gather %add3A_2386[%gather3A_2388] in [0] : vector<16xf32>, vector<16xi32> -> vector<16xf32>
        %add3A_2390 = arith.addf %add3A_2386, %gather3A_2389 : vector<16xf32>
        %select_n3A_2391 = arith.select %eq3A_2374, %add3A_2390, %select_n3A_2322 : vector<16xi1>, vector<16xf32>
        %mul3A_2392 = arith.constant 16 : i32
        %mul3A_2393 = arith.muli %scan3A_1491, %mul3A_2392 : i32
        %add3A_2394 = arith.constant 0 : i32
        %add3A_2395 = arith.addi %add3A_2394, %mul3A_2393 : i32
        %add3A_2396 = arith.constant 13 : i32
        %add3A_2397 = arith.addi %add3A_2395, %add3A_2396 : i32
        %slice3A_2398 = vector.extract_strided_slice %get3A_1496 {offsets = [13], sizes = [1], strides = [1]} : vector<16xi32> to vector<1xi32>
        %squeeze3A_2399 = vector.extract %slice3A_2398[0] : i32 from vector<1xi32>
        %add3A_2400 = arith.constant 0 : i32
        %add3A_2401 = arith.addi %add3A_2400, %squeeze3A_2399 : i32
        %get3A_2402 = arith.index_cast %add3A_2401 : i32 to index
        %get3A_2403 = arith.constant 0 : index
        %get3A_2404 = tpu.vector_load %arg11[%get3A_2402, %get3A_2403] {strides = array<i32>} : memref<32x128xf32, #tpu.memory_space<vmem>>, vector<1x16xf32>,
        %get3A_2405 = vector.shape_cast %get3A_2404 : vector<1x16xf32> to vector<16xf32>
        %get3A_2406 = arith.index_cast %add3A_2397 : i32 to index
        %get3A_2407 = arith.constant 0 : index
        %get3A_2408 = tpu.vector_load %arg12[%get3A_2406, %get3A_2407] {strides = array<i32>} : memref<672x128xf32, #tpu.memory_space<vmem>>, vector<1x16xf32>,
        %get3A_2409 = vector.shape_cast %get3A_2408 : vector<1x16xf32> to vector<16xf32>
        %mul3A_2410 = arith.mulf %get3A_2405, %get3A_2409 : vector<16xf32>
        %get3A_2411 = arith.index_cast %add3A_2401 : i32 to index
        %get3A_2412 = arith.constant 16 : index
        %get3A_2413 = tpu.vector_load %arg11[%get3A_2411, %get3A_2412] {strides = array<i32>} : memref<32x128xf32, #tpu.memory_space<vmem>>, vector<1x16xf32>,
        %get3A_2414 = vector.shape_cast %get3A_2413 : vector<1x16xf32> to vector<16xf32>
        %get3A_2415 = arith.index_cast %add3A_2397 : i32 to index
        %get3A_2416 = arith.constant 16 : index
        %get3A_2417 = tpu.vector_load %arg12[%get3A_2415, %get3A_2416] {strides = array<i32>} : memref<672x128xf32, #tpu.memory_space<vmem>>, vector<1x16xf32>,
        %get3A_2418 = vector.shape_cast %get3A_2417 : vector<1x16xf32> to vector<16xf32>
        %mul3A_2419 = arith.mulf %get3A_2414, %get3A_2418 : vector<16xf32>
        %add3A_2420 = arith.addf %mul3A_2410, %mul3A_2419 : vector<16xf32>
        %get3A_2421 = arith.index_cast %add3A_2401 : i32 to index
        %get3A_2422 = arith.constant 32 : index
        %get3A_2423 = tpu.vector_load %arg11[%get3A_2421, %get3A_2422] {strides = array<i32>} : memref<32x128xf32, #tpu.memory_space<vmem>>, vector<1x16xf32>,
        %get3A_2424 = vector.shape_cast %get3A_2423 : vector<1x16xf32> to vector<16xf32>
        %get3A_2425 = arith.index_cast %add3A_2397 : i32 to index
        %get3A_2426 = arith.constant 32 : index
        %get3A_2427 = tpu.vector_load %arg12[%get3A_2425, %get3A_2426] {strides = array<i32>} : memref<672x128xf32, #tpu.memory_space<vmem>>, vector<1x16xf32>,
        %get3A_2428 = vector.shape_cast %get3A_2427 : vector<1x16xf32> to vector<16xf32>
        %mul3A_2429 = arith.mulf %get3A_2424, %get3A_2428 : vector<16xf32>
        %add3A_2430 = arith.addf %add3A_2420, %mul3A_2429 : vector<16xf32>
        %get3A_2431 = arith.index_cast %add3A_2401 : i32 to index
        %get3A_2432 = arith.constant 48 : index
        %get3A_2433 = tpu.vector_load %arg11[%get3A_2431, %get3A_2432] {strides = array<i32>} : memref<32x128xf32, #tpu.memory_space<vmem>>, vector<1x16xf32>,
        %get3A_2434 = vector.shape_cast %get3A_2433 : vector<1x16xf32> to vector<16xf32>
        %get3A_2435 = arith.index_cast %add3A_2397 : i32 to index
        %get3A_2436 = arith.constant 48 : index
        %get3A_2437 = tpu.vector_load %arg12[%get3A_2435, %get3A_2436] {strides = array<i32>} : memref<672x128xf32, #tpu.memory_space<vmem>>, vector<1x16xf32>,
        %get3A_2438 = vector.shape_cast %get3A_2437 : vector<1x16xf32> to vector<16xf32>
        %mul3A_2439 = arith.mulf %get3A_2434, %get3A_2438 : vector<16xf32>
        %add3A_2440 = arith.addf %add3A_2430, %mul3A_2439 : vector<16xf32>
        %eq3A_2441 = arith.constant 13 : i32
        %eq3A_2442 = vector.broadcast %eq3A_2441 : i32 to vector<16xi32>
        %eq3A_2443 = arith.cmpi eq, %iota3A, %eq3A_2442 : vector<16xi32>
        %broadcast_in_dim3A_2444 = vector.shape_cast %xor3A_2 : vector<16xi32> to vector<16x1xi32>
        %gather3A_2445 = vector.shape_cast %broadcast_in_dim3A_2444 : vector<16x1xi32> to vector<16xi32>
        %gather3A_2446 = tpu.dynamic_gather %add3A_2440[%gather3A_2445] in [0] : vector<16xf32>, vector<16xi32> -> vector<16xf32>
        %add3A_2447 = arith.addf %add3A_2440, %gather3A_2446 : vector<16xf32>
        %broadcast_in_dim3A_2448 = vector.shape_cast %xor3A_5 : vector<16xi32> to vector<16x1xi32>
        %gather3A_2449 = vector.shape_cast %broadcast_in_dim3A_2448 : vector<16x1xi32> to vector<16xi32>
        %gather3A_2450 = tpu.dynamic_gather %add3A_2447[%gather3A_2449] in [0] : vector<16xf32>, vector<16xi32> -> vector<16xf32>
        %add3A_2451 = arith.addf %add3A_2447, %gather3A_2450 : vector<16xf32>
        %broadcast_in_dim3A_2452 = vector.shape_cast %xor3A_8 : vector<16xi32> to vector<16x1xi32>
        %gather3A_2453 = vector.shape_cast %broadcast_in_dim3A_2452 : vector<16x1xi32> to vector<16xi32>
        %gather3A_2454 = tpu.dynamic_gather %add3A_2451[%gather3A_2453] in [0] : vector<16xf32>, vector<16xi32> -> vector<16xf32>
        %add3A_2455 = arith.addf %add3A_2451, %gather3A_2454 : vector<16xf32>
        %broadcast_in_dim3A_2456 = vector.shape_cast %xor3A_11 : vector<16xi32> to vector<16x1xi32>
        %gather3A_2457 = vector.shape_cast %broadcast_in_dim3A_2456 : vector<16x1xi32> to vector<16xi32>
        %gather3A_2458 = tpu.dynamic_gather %add3A_2455[%gather3A_2457] in [0] : vector<16xf32>, vector<16xi32> -> vector<16xf32>
        %add3A_2459 = arith.addf %add3A_2455, %gather3A_2458 : vector<16xf32>
        %select_n3A_2460 = arith.select %eq3A_2443, %add3A_2459, %select_n3A_2391 : vector<16xi1>, vector<16xf32>
        %mul3A_2461 = arith.constant 16 : i32
        %mul3A_2462 = arith.muli %scan3A_1491, %mul3A_2461 : i32
        %add3A_2463 = arith.constant 0 : i32
        %add3A_2464 = arith.addi %add3A_2463, %mul3A_2462 : i32
        %add3A_2465 = arith.constant 14 : i32
        %add3A_2466 = arith.addi %add3A_2464, %add3A_2465 : i32
        %slice3A_2467 = vector.extract_strided_slice %get3A_1496 {offsets = [14], sizes = [1], strides = [1]} : vector<16xi32> to vector<1xi32>
        %squeeze3A_2468 = vector.extract %slice3A_2467[0] : i32 from vector<1xi32>
        %add3A_2469 = arith.constant 0 : i32
        %add3A_2470 = arith.addi %add3A_2469, %squeeze3A_2468 : i32
        %get3A_2471 = arith.index_cast %add3A_2470 : i32 to index
        %get3A_2472 = arith.constant 0 : index
        %get3A_2473 = tpu.vector_load %arg11[%get3A_2471, %get3A_2472] {strides = array<i32>} : memref<32x128xf32, #tpu.memory_space<vmem>>, vector<1x16xf32>,
        %get3A_2474 = vector.shape_cast %get3A_2473 : vector<1x16xf32> to vector<16xf32>
        %get3A_2475 = arith.index_cast %add3A_2466 : i32 to index
        %get3A_2476 = arith.constant 0 : index
        %get3A_2477 = tpu.vector_load %arg12[%get3A_2475, %get3A_2476] {strides = array<i32>} : memref<672x128xf32, #tpu.memory_space<vmem>>, vector<1x16xf32>,
        %get3A_2478 = vector.shape_cast %get3A_2477 : vector<1x16xf32> to vector<16xf32>
        %mul3A_2479 = arith.mulf %get3A_2474, %get3A_2478 : vector<16xf32>
        %get3A_2480 = arith.index_cast %add3A_2470 : i32 to index
        %get3A_2481 = arith.constant 16 : index
        %get3A_2482 = tpu.vector_load %arg11[%get3A_2480, %get3A_2481] {strides = array<i32>} : memref<32x128xf32, #tpu.memory_space<vmem>>, vector<1x16xf32>,
        %get3A_2483 = vector.shape_cast %get3A_2482 : vector<1x16xf32> to vector<16xf32>
        %get3A_2484 = arith.index_cast %add3A_2466 : i32 to index
        %get3A_2485 = arith.constant 16 : index
        %get3A_2486 = tpu.vector_load %arg12[%get3A_2484, %get3A_2485] {strides = array<i32>} : memref<672x128xf32, #tpu.memory_space<vmem>>, vector<1x16xf32>,
        %get3A_2487 = vector.shape_cast %get3A_2486 : vector<1x16xf32> to vector<16xf32>
        %mul3A_2488 = arith.mulf %get3A_2483, %get3A_2487 : vector<16xf32>
        %add3A_2489 = arith.addf %mul3A_2479, %mul3A_2488 : vector<16xf32>
        %get3A_2490 = arith.index_cast %add3A_2470 : i32 to index
        %get3A_2491 = arith.constant 32 : index
        %get3A_2492 = tpu.vector_load %arg11[%get3A_2490, %get3A_2491] {strides = array<i32>} : memref<32x128xf32, #tpu.memory_space<vmem>>, vector<1x16xf32>,
        %get3A_2493 = vector.shape_cast %get3A_2492 : vector<1x16xf32> to vector<16xf32>
        %get3A_2494 = arith.index_cast %add3A_2466 : i32 to index
        %get3A_2495 = arith.constant 32 : index
        %get3A_2496 = tpu.vector_load %arg12[%get3A_2494, %get3A_2495] {strides = array<i32>} : memref<672x128xf32, #tpu.memory_space<vmem>>, vector<1x16xf32>,
        %get3A_2497 = vector.shape_cast %get3A_2496 : vector<1x16xf32> to vector<16xf32>
        %mul3A_2498 = arith.mulf %get3A_2493, %get3A_2497 : vector<16xf32>
        %add3A_2499 = arith.addf %add3A_2489, %mul3A_2498 : vector<16xf32>
        %get3A_2500 = arith.index_cast %add3A_2470 : i32 to index
        %get3A_2501 = arith.constant 48 : index
        %get3A_2502 = tpu.vector_load %arg11[%get3A_2500, %get3A_2501] {strides = array<i32>} : memref<32x128xf32, #tpu.memory_space<vmem>>, vector<1x16xf32>,
        %get3A_2503 = vector.shape_cast %get3A_2502 : vector<1x16xf32> to vector<16xf32>
        %get3A_2504 = arith.index_cast %add3A_2466 : i32 to index
        %get3A_2505 = arith.constant 48 : index
        %get3A_2506 = tpu.vector_load %arg12[%get3A_2504, %get3A_2505] {strides = array<i32>} : memref<672x128xf32, #tpu.memory_space<vmem>>, vector<1x16xf32>,
        %get3A_2507 = vector.shape_cast %get3A_2506 : vector<1x16xf32> to vector<16xf32>
        %mul3A_2508 = arith.mulf %get3A_2503, %get3A_2507 : vector<16xf32>
        %add3A_2509 = arith.addf %add3A_2499, %mul3A_2508 : vector<16xf32>
        %eq3A_2510 = arith.constant 14 : i32
        %eq3A_2511 = vector.broadcast %eq3A_2510 : i32 to vector<16xi32>
        %eq3A_2512 = arith.cmpi eq, %iota3A, %eq3A_2511 : vector<16xi32>
        %broadcast_in_dim3A_2513 = vector.shape_cast %xor3A_2 : vector<16xi32> to vector<16x1xi32>
        %gather3A_2514 = vector.shape_cast %broadcast_in_dim3A_2513 : vector<16x1xi32> to vector<16xi32>
        %gather3A_2515 = tpu.dynamic_gather %add3A_2509[%gather3A_2514] in [0] : vector<16xf32>, vector<16xi32> -> vector<16xf32>
        %add3A_2516 = arith.addf %add3A_2509, %gather3A_2515 : vector<16xf32>
        %broadcast_in_dim3A_2517 = vector.shape_cast %xor3A_5 : vector<16xi32> to vector<16x1xi32>
        %gather3A_2518 = vector.shape_cast %broadcast_in_dim3A_2517 : vector<16x1xi32> to vector<16xi32>
        %gather3A_2519 = tpu.dynamic_gather %add3A_2516[%gather3A_2518] in [0] : vector<16xf32>, vector<16xi32> -> vector<16xf32>
        %add3A_2520 = arith.addf %add3A_2516, %gather3A_2519 : vector<16xf32>
        %broadcast_in_dim3A_2521 = vector.shape_cast %xor3A_8 : vector<16xi32> to vector<16x1xi32>
        %gather3A_2522 = vector.shape_cast %broadcast_in_dim3A_2521 : vector<16x1xi32> to vector<16xi32>
        %gather3A_2523 = tpu.dynamic_gather %add3A_2520[%gather3A_2522] in [0] : vector<16xf32>, vector<16xi32> -> vector<16xf32>
        %add3A_2524 = arith.addf %add3A_2520, %gather3A_2523 : vector<16xf32>
        %broadcast_in_dim3A_2525 = vector.shape_cast %xor3A_11 : vector<16xi32> to vector<16x1xi32>
        %gather3A_2526 = vector.shape_cast %broadcast_in_dim3A_2525 : vector<16x1xi32> to vector<16xi32>
        %gather3A_2527 = tpu.dynamic_gather %add3A_2524[%gather3A_2526] in [0] : vector<16xf32>, vector<16xi32> -> vector<16xf32>
        %add3A_2528 = arith.addf %add3A_2524, %gather3A_2527 : vector<16xf32>
        %select_n3A_2529 = arith.select %eq3A_2512, %add3A_2528, %select_n3A_2460 : vector<16xi1>, vector<16xf32>
        %mul3A_2530 = arith.constant 16 : i32
        %mul3A_2531 = arith.muli %scan3A_1491, %mul3A_2530 : i32
        %add3A_2532 = arith.constant 0 : i32
        %add3A_2533 = arith.addi %add3A_2532, %mul3A_2531 : i32
        %add3A_2534 = arith.constant 15 : i32
        %add3A_2535 = arith.addi %add3A_2533, %add3A_2534 : i32
        %slice3A_2536 = vector.extract_strided_slice %get3A_1496 {offsets = [15], sizes = [1], strides = [1]} : vector<16xi32> to vector<1xi32>
        %squeeze3A_2537 = vector.extract %slice3A_2536[0] : i32 from vector<1xi32>
        %add3A_2538 = arith.constant 0 : i32
        %add3A_2539 = arith.addi %add3A_2538, %squeeze3A_2537 : i32
        %get3A_2540 = arith.index_cast %add3A_2539 : i32 to index
        %get3A_2541 = arith.constant 0 : index
        %get3A_2542 = tpu.vector_load %arg11[%get3A_2540, %get3A_2541] {strides = array<i32>} : memref<32x128xf32, #tpu.memory_space<vmem>>, vector<1x16xf32>,
        %get3A_2543 = vector.shape_cast %get3A_2542 : vector<1x16xf32> to vector<16xf32>
        %get3A_2544 = arith.index_cast %add3A_2535 : i32 to index
        %get3A_2545 = arith.constant 0 : index
        %get3A_2546 = tpu.vector_load %arg12[%get3A_2544, %get3A_2545] {strides = array<i32>} : memref<672x128xf32, #tpu.memory_space<vmem>>, vector<1x16xf32>,
        %get3A_2547 = vector.shape_cast %get3A_2546 : vector<1x16xf32> to vector<16xf32>
        %mul3A_2548 = arith.mulf %get3A_2543, %get3A_2547 : vector<16xf32>
        %get3A_2549 = arith.index_cast %add3A_2539 : i32 to index
        %get3A_2550 = arith.constant 16 : index
        %get3A_2551 = tpu.vector_load %arg11[%get3A_2549, %get3A_2550] {strides = array<i32>} : memref<32x128xf32, #tpu.memory_space<vmem>>, vector<1x16xf32>,
        %get3A_2552 = vector.shape_cast %get3A_2551 : vector<1x16xf32> to vector<16xf32>
        %get3A_2553 = arith.index_cast %add3A_2535 : i32 to index
        %get3A_2554 = arith.constant 16 : index
        %get3A_2555 = tpu.vector_load %arg12[%get3A_2553, %get3A_2554] {strides = array<i32>} : memref<672x128xf32, #tpu.memory_space<vmem>>, vector<1x16xf32>,
        %get3A_2556 = vector.shape_cast %get3A_2555 : vector<1x16xf32> to vector<16xf32>
        %mul3A_2557 = arith.mulf %get3A_2552, %get3A_2556 : vector<16xf32>
        %add3A_2558 = arith.addf %mul3A_2548, %mul3A_2557 : vector<16xf32>
        %get3A_2559 = arith.index_cast %add3A_2539 : i32 to index
        %get3A_2560 = arith.constant 32 : index
        %get3A_2561 = tpu.vector_load %arg11[%get3A_2559, %get3A_2560] {strides = array<i32>} : memref<32x128xf32, #tpu.memory_space<vmem>>, vector<1x16xf32>,
        %get3A_2562 = vector.shape_cast %get3A_2561 : vector<1x16xf32> to vector<16xf32>
        %get3A_2563 = arith.index_cast %add3A_2535 : i32 to index
        %get3A_2564 = arith.constant 32 : index
        %get3A_2565 = tpu.vector_load %arg12[%get3A_2563, %get3A_2564] {strides = array<i32>} : memref<672x128xf32, #tpu.memory_space<vmem>>, vector<1x16xf32>,
        %get3A_2566 = vector.shape_cast %get3A_2565 : vector<1x16xf32> to vector<16xf32>
        %mul3A_2567 = arith.mulf %get3A_2562, %get3A_2566 : vector<16xf32>
        %add3A_2568 = arith.addf %add3A_2558, %mul3A_2567 : vector<16xf32>
        %get3A_2569 = arith.index_cast %add3A_2539 : i32 to index
        %get3A_2570 = arith.constant 48 : index
        %get3A_2571 = tpu.vector_load %arg11[%get3A_2569, %get3A_2570] {strides = array<i32>} : memref<32x128xf32, #tpu.memory_space<vmem>>, vector<1x16xf32>,
        %get3A_2572 = vector.shape_cast %get3A_2571 : vector<1x16xf32> to vector<16xf32>
        %get3A_2573 = arith.index_cast %add3A_2535 : i32 to index
        %get3A_2574 = arith.constant 48 : index
        %get3A_2575 = tpu.vector_load %arg12[%get3A_2573, %get3A_2574] {strides = array<i32>} : memref<672x128xf32, #tpu.memory_space<vmem>>, vector<1x16xf32>,
        %get3A_2576 = vector.shape_cast %get3A_2575 : vector<1x16xf32> to vector<16xf32>
        %mul3A_2577 = arith.mulf %get3A_2572, %get3A_2576 : vector<16xf32>
        %add3A_2578 = arith.addf %add3A_2568, %mul3A_2577 : vector<16xf32>
        %eq3A_2579 = arith.constant 15 : i32
        %eq3A_2580 = vector.broadcast %eq3A_2579 : i32 to vector<16xi32>
        %eq3A_2581 = arith.cmpi eq, %iota3A, %eq3A_2580 : vector<16xi32>
        %broadcast_in_dim3A_2582 = vector.shape_cast %xor3A_2 : vector<16xi32> to vector<16x1xi32>
        %gather3A_2583 = vector.shape_cast %broadcast_in_dim3A_2582 : vector<16x1xi32> to vector<16xi32>
        %gather3A_2584 = tpu.dynamic_gather %add3A_2578[%gather3A_2583] in [0] : vector<16xf32>, vector<16xi32> -> vector<16xf32>
        %add3A_2585 = arith.addf %add3A_2578, %gather3A_2584 : vector<16xf32>
        %broadcast_in_dim3A_2586 = vector.shape_cast %xor3A_5 : vector<16xi32> to vector<16x1xi32>
        %gather3A_2587 = vector.shape_cast %broadcast_in_dim3A_2586 : vector<16x1xi32> to vector<16xi32>
        %gather3A_2588 = tpu.dynamic_gather %add3A_2585[%gather3A_2587] in [0] : vector<16xf32>, vector<16xi32> -> vector<16xf32>
        %add3A_2589 = arith.addf %add3A_2585, %gather3A_2588 : vector<16xf32>
        %broadcast_in_dim3A_2590 = vector.shape_cast %xor3A_8 : vector<16xi32> to vector<16x1xi32>
        %gather3A_2591 = vector.shape_cast %broadcast_in_dim3A_2590 : vector<16x1xi32> to vector<16xi32>
        %gather3A_2592 = tpu.dynamic_gather %add3A_2589[%gather3A_2591] in [0] : vector<16xf32>, vector<16xi32> -> vector<16xf32>
        %add3A_2593 = arith.addf %add3A_2589, %gather3A_2592 : vector<16xf32>
        %broadcast_in_dim3A_2594 = vector.shape_cast %xor3A_11 : vector<16xi32> to vector<16x1xi32>
        %gather3A_2595 = vector.shape_cast %broadcast_in_dim3A_2594 : vector<16x1xi32> to vector<16xi32>
        %gather3A_2596 = tpu.dynamic_gather %add3A_2593[%gather3A_2595] in [0] : vector<16xf32>, vector<16xi32> -> vector<16xf32>
        %add3A_2597 = arith.addf %add3A_2593, %gather3A_2596 : vector<16xf32>
        %select_n3A_2598 = arith.select %eq3A_2581, %add3A_2597, %select_n3A_2529 : vector<16xi1>, vector<16xf32>
        %mul3A_2599 = arith.constant 16 : i32
        %mul3A_2600 = arith.muli %scan3A_1491, %mul3A_2599 : i32
        %add3A_2601 = arith.addi %mul3A_984, %mul3A_2600 : i32
        %swap3A = arith.index_cast %add3A_2601 : i32 to index
        %swap3A_2602 = tpu.vector_load %arg13[%swap3A] {strides = array<i32>} : memref<10752xf32, #tpu.memory_space<vmem>>, vector<16xf32>,
        %swap3A_2603 = vector.shape_cast %swap3A_2602 : vector<16xf32> to vector<16xf32>
        %swap3A_2604 = vector.shape_cast %select_n3A_2598 : vector<16xf32> to vector<16xf32>
        tpu.vector_store %arg13[%swap3A], %swap3A_2604 {strides = array<i32>} : memref<10752xf32, #tpu.memory_space<vmem>>, vector<16xf32>,
      }
      %scan3A_990 = arith.constant 21 : i32
      %mul3A_991 = arith.constant 2 : i32
      %mul3A_992 = arith.muli %scan3A_491, %mul3A_991 : i32
      %add3A_993 = arith.constant 1 : i32
      %add3A_994 = arith.addi %mul3A_992, %add3A_993 : i32
      %add3A_995 = arith.constant 1 : i32
      %add3A_996 = arith.addi %add3A_994, %add3A_995 : i32
      %min3A_997 = arith.constant 31 : i32
      %min3A_998 = arith.minsi %add3A_996, %min3A_997 : i32
      %mul3A_999 = arith.constant 512 : i32
      %mul3A_1000 = arith.muli %add3A, %mul3A_999 : i32
      %mul3A_1001 = arith.constant 16 : i32
      %mul3A_1002 = arith.muli %min3A_998, %mul3A_1001 : i32
      %add3A_1003 = arith.addi %mul3A_1000, %mul3A_1002 : i32
      %mul3A_1004 = arith.constant 21 : i32
      %mul3A_1005 = arith.muli %add3A_1003, %mul3A_1004 : i32
      "tpu.region"() ({
        %run_scoped3A = tpu.sem_alloc : memref<!tpu.dma_semaphore, #tpu.memory_space<semaphore_mem>>
        %dma_start3A_1491 = tpu.memref_slice %arg3[%add3A_1003] : memref<16384xi32, #tpu.memory_space<hbm>> -> memref<16xi32, #tpu.memory_space<hbm>>
        %dma_start3A_1492 = tpu.memref_slice %arg3[%add3A_1003] : memref<16384xi32, #tpu.memory_space<hbm>> -> memref<16xi32, #tpu.memory_space<hbm>>
        tpu.enqueue_dma source(%dma_start3A_1492 : memref<16xi32, #tpu.memory_space<hbm>>) target(%arg8 : memref<16xi32, #tpu.memory_space<vmem>>) target_semaphore(%run_scoped3A : memref<!tpu.dma_semaphore, #tpu.memory_space<semaphore_mem>>)
        %dma_wait3A_1493 = tpu.memref_slice %arg3[%add3A_1003] : memref<16384xi32, #tpu.memory_space<hbm>> -> memref<16xi32, #tpu.memory_space<hbm>>
        %dma_wait3A_1494 = tpu.memref_slice %arg3[%add3A_1003] : memref<16384xi32, #tpu.memory_space<hbm>> -> memref<16xi32, #tpu.memory_space<hbm>>
        tpu.wait_dma2 semaphore(%run_scoped3A : memref<!tpu.dma_semaphore, #tpu.memory_space<semaphore_mem>>) src(%dma_wait3A_1494 : memref<16xi32, #tpu.memory_space<hbm>>) dst(%arg8 : memref<16xi32, #tpu.memory_space<vmem>>)
        tpu.yield
      }) : () -> ()
      %mul3A_1006 = arith.constant 512 : i32
      %mul3A_1007 = arith.muli %add3A, %mul3A_1006 : i32
      %mul3A_1008 = arith.constant 16 : i32
      %mul3A_1009 = arith.muli %min3A_998, %mul3A_1008 : i32
      %add3A_1010 = arith.addi %mul3A_1007, %mul3A_1009 : i32
      %mul3A_1011 = arith.constant 21 : i32
      %mul3A_1012 = arith.muli %add3A_1010, %mul3A_1011 : i32
      "tpu.region"() ({
        %run_scoped3A = tpu.sem_alloc : memref<!tpu.dma_semaphore, #tpu.memory_space<semaphore_mem>>
        %dma_start3A_1491 = tpu.memref_slice %arg2[%mul3A_1012] : memref<344064xi32, #tpu.memory_space<hbm>> -> memref<336xi32, #tpu.memory_space<hbm>>
        %dma_start3A_1492 = tpu.memref_slice %arg2[%mul3A_1012] : memref<344064xi32, #tpu.memory_space<hbm>> -> memref<336xi32, #tpu.memory_space<hbm>>
        tpu.enqueue_dma source(%dma_start3A_1492 : memref<336xi32, #tpu.memory_space<hbm>>) target(%arg9 : memref<336xi32, #tpu.memory_space<vmem>>) target_semaphore(%run_scoped3A : memref<!tpu.dma_semaphore, #tpu.memory_space<semaphore_mem>>)
        %dma_wait3A_1493 = tpu.memref_slice %arg2[%mul3A_1012] : memref<344064xi32, #tpu.memory_space<hbm>> -> memref<336xi32, #tpu.memory_space<hbm>>
        %dma_wait3A_1494 = tpu.memref_slice %arg2[%mul3A_1012] : memref<344064xi32, #tpu.memory_space<hbm>> -> memref<336xi32, #tpu.memory_space<hbm>>
        tpu.wait_dma2 semaphore(%run_scoped3A : memref<!tpu.dma_semaphore, #tpu.memory_space<semaphore_mem>>) src(%dma_wait3A_1494 : memref<336xi32, #tpu.memory_space<hbm>>) dst(%arg9 : memref<336xi32, #tpu.memory_space<vmem>>)
        tpu.yield
      }) : () -> ()
      %dma_start3A_1013 = arith.constant 0 : i32
      %dma_start3A_1014 = arith.constant 0 : i32
      %dma_start3A_1015 = tpu.memref_slice %arg12[%dma_start3A_1013, %dma_start3A_1014] : memref<672x128xf32, #tpu.memory_space<vmem>> -> memref<336x128xf32, #tpu.memory_space<vmem>>
      %dma_start3A_1016 = arith.constant 0 : i32
      %dma_start3A_1017 = arith.constant 0 : i32
      %dma_start3A_1018 = tpu.memref_slice %arg6[%dma_start3A_1016, %dma_start3A_1017] : memref<1000000x128xf32, #tpu.memory_space<hbm>> -> memref<1000000x128xf32, #tpu.memory_space<hbm>>
      tpu.enqueue_indirect_dma source(%dma_start3A_1018 : memref<1000000x128xf32, #tpu.memory_space<hbm>>) target(%dma_start3A_1015 : memref<336x128xf32, #tpu.memory_space<vmem>>) offsets(%arg9 : memref<336xi32, #tpu.memory_space<vmem>>) semaphore(%arg15 : memref<!tpu.dma_semaphore, #tpu.memory_space<semaphore_mem>>)
      %get3A_1019 = arith.constant 0 : index
      %get3A_1020 = tpu.vector_load %arg8[%get3A_1019] {strides = array<i32>} : memref<16xi32, #tpu.memory_space<vmem>>, vector<16xi32>,
      %get3A_1021 = vector.shape_cast %get3A_1020 : vector<16xi32> to vector<16xi32>
      %slice3A_1022 = vector.extract_strided_slice %get3A_1021 {offsets = [0], sizes = [1], strides = [1]} : vector<16xi32> to vector<1xi32>
      %squeeze3A_1023 = vector.extract %slice3A_1022[0] : i32 from vector<1xi32>
      %dma_start3A_1024 = arith.constant 0 : i32
      %dma_start3A_1025 = arith.constant 0 : i32
      %dma_start3A_1026 = tpu.memref_slice %arg11[%dma_start3A_1024, %dma_start3A_1025] : memref<32x128xf32, #tpu.memory_space<vmem>> -> memref<1x64xf32, #tpu.memory_space<vmem>>
      %dma_start3A_1027 = tpu.memref_squeeze %dma_start3A_1026 : memref<1x64xf32, #tpu.memory_space<vmem>> -> memref<64xf32, #tpu.memory_space<vmem>>
      %dma_start3A_1028 = arith.constant 0 : i32
      %dma_start3A_1029 = tpu.memref_slice %arg5[%squeeze3A_1023, %dma_start3A_1028] : memref<1000000x64xf32, #tpu.memory_space<hbm>> -> memref<1x64xf32, #tpu.memory_space<hbm>>
      %dma_start3A_1030 = tpu.memref_squeeze %dma_start3A_1029 : memref<1x64xf32, #tpu.memory_space<hbm>> -> memref<64xf32, #tpu.memory_space<hbm>>
      %dma_start3A_1031 = arith.constant 0 : i32
      %dma_start3A_1032 = tpu.memref_slice %arg11[%dma_start3A_1024, %dma_start3A_1031] : memref<32x128xf32, #tpu.memory_space<vmem>> -> memref<1x64xf32, #tpu.memory_space<vmem>>
      %dma_start3A_1033 = tpu.memref_squeeze %dma_start3A_1032 : memref<1x64xf32, #tpu.memory_space<vmem>> -> memref<64xf32, #tpu.memory_space<vmem>>
      %dma_start3A_1034 = arith.constant 0 : i32
      %dma_start3A_1035 = tpu.memref_slice %arg5[%squeeze3A_1023, %dma_start3A_1034] : memref<1000000x64xf32, #tpu.memory_space<hbm>> -> memref<1x64xf32, #tpu.memory_space<hbm>>
      %dma_start3A_1036 = tpu.memref_squeeze %dma_start3A_1035 : memref<1x64xf32, #tpu.memory_space<hbm>> -> memref<64xf32, #tpu.memory_space<hbm>>
      tpu.enqueue_dma source(%dma_start3A_1036 : memref<64xf32, #tpu.memory_space<hbm>>) target(%dma_start3A_1033 : memref<64xf32, #tpu.memory_space<vmem>>) target_semaphore(%arg17 : memref<!tpu.dma_semaphore, #tpu.memory_space<semaphore_mem>>)
      %slice3A_1037 = vector.extract_strided_slice %get3A_1021 {offsets = [1], sizes = [1], strides = [1]} : vector<16xi32> to vector<1xi32>
      %squeeze3A_1038 = vector.extract %slice3A_1037[0] : i32 from vector<1xi32>
      %dma_start3A_1039 = arith.constant 1 : i32
      %dma_start3A_1040 = arith.constant 0 : i32
      %dma_start3A_1041 = tpu.memref_slice %arg11[%dma_start3A_1039, %dma_start3A_1040] : memref<32x128xf32, #tpu.memory_space<vmem>> -> memref<1x64xf32, #tpu.memory_space<vmem>>
      %dma_start3A_1042 = tpu.memref_squeeze %dma_start3A_1041 : memref<1x64xf32, #tpu.memory_space<vmem>> -> memref<64xf32, #tpu.memory_space<vmem>>
      %dma_start3A_1043 = arith.constant 0 : i32
      %dma_start3A_1044 = tpu.memref_slice %arg5[%squeeze3A_1038, %dma_start3A_1043] : memref<1000000x64xf32, #tpu.memory_space<hbm>> -> memref<1x64xf32, #tpu.memory_space<hbm>>
      %dma_start3A_1045 = tpu.memref_squeeze %dma_start3A_1044 : memref<1x64xf32, #tpu.memory_space<hbm>> -> memref<64xf32, #tpu.memory_space<hbm>>
      %dma_start3A_1046 = arith.constant 0 : i32
      %dma_start3A_1047 = tpu.memref_slice %arg11[%dma_start3A_1039, %dma_start3A_1046] : memref<32x128xf32, #tpu.memory_space<vmem>> -> memref<1x64xf32, #tpu.memory_space<vmem>>
      %dma_start3A_1048 = tpu.memref_squeeze %dma_start3A_1047 : memref<1x64xf32, #tpu.memory_space<vmem>> -> memref<64xf32, #tpu.memory_space<vmem>>
      %dma_start3A_1049 = arith.constant 0 : i32
      %dma_start3A_1050 = tpu.memref_slice %arg5[%squeeze3A_1038, %dma_start3A_1049] : memref<1000000x64xf32, #tpu.memory_space<hbm>> -> memref<1x64xf32, #tpu.memory_space<hbm>>
      %dma_start3A_1051 = tpu.memref_squeeze %dma_start3A_1050 : memref<1x64xf32, #tpu.memory_space<hbm>> -> memref<64xf32, #tpu.memory_space<hbm>>
      tpu.enqueue_dma source(%dma_start3A_1051 : memref<64xf32, #tpu.memory_space<hbm>>) target(%dma_start3A_1048 : memref<64xf32, #tpu.memory_space<vmem>>) target_semaphore(%arg17 : memref<!tpu.dma_semaphore, #tpu.memory_space<semaphore_mem>>)
      %slice3A_1052 = vector.extract_strided_slice %get3A_1021 {offsets = [2], sizes = [1], strides = [1]} : vector<16xi32> to vector<1xi32>
      %squeeze3A_1053 = vector.extract %slice3A_1052[0] : i32 from vector<1xi32>
      %dma_start3A_1054 = arith.constant 2 : i32
      %dma_start3A_1055 = arith.constant 0 : i32
      %dma_start3A_1056 = tpu.memref_slice %arg11[%dma_start3A_1054, %dma_start3A_1055] : memref<32x128xf32, #tpu.memory_space<vmem>> -> memref<1x64xf32, #tpu.memory_space<vmem>>
      %dma_start3A_1057 = tpu.memref_squeeze %dma_start3A_1056 : memref<1x64xf32, #tpu.memory_space<vmem>> -> memref<64xf32, #tpu.memory_space<vmem>>
      %dma_start3A_1058 = arith.constant 0 : i32
      %dma_start3A_1059 = tpu.memref_slice %arg5[%squeeze3A_1053, %dma_start3A_1058] : memref<1000000x64xf32, #tpu.memory_space<hbm>> -> memref<1x64xf32, #tpu.memory_space<hbm>>
      %dma_start3A_1060 = tpu.memref_squeeze %dma_start3A_1059 : memref<1x64xf32, #tpu.memory_space<hbm>> -> memref<64xf32, #tpu.memory_space<hbm>>
      %dma_start3A_1061 = arith.constant 0 : i32
      %dma_start3A_1062 = tpu.memref_slice %arg11[%dma_start3A_1054, %dma_start3A_1061] : memref<32x128xf32, #tpu.memory_space<vmem>> -> memref<1x64xf32, #tpu.memory_space<vmem>>
      %dma_start3A_1063 = tpu.memref_squeeze %dma_start3A_1062 : memref<1x64xf32, #tpu.memory_space<vmem>> -> memref<64xf32, #tpu.memory_space<vmem>>
      %dma_start3A_1064 = arith.constant 0 : i32
      %dma_start3A_1065 = tpu.memref_slice %arg5[%squeeze3A_1053, %dma_start3A_1064] : memref<1000000x64xf32, #tpu.memory_space<hbm>> -> memref<1x64xf32, #tpu.memory_space<hbm>>
      %dma_start3A_1066 = tpu.memref_squeeze %dma_start3A_1065 : memref<1x64xf32, #tpu.memory_space<hbm>> -> memref<64xf32, #tpu.memory_space<hbm>>
      tpu.enqueue_dma source(%dma_start3A_1066 : memref<64xf32, #tpu.memory_space<hbm>>) target(%dma_start3A_1063 : memref<64xf32, #tpu.memory_space<vmem>>) target_semaphore(%arg17 : memref<!tpu.dma_semaphore, #tpu.memory_space<semaphore_mem>>)
      %slice3A_1067 = vector.extract_strided_slice %get3A_1021 {offsets = [3], sizes = [1], strides = [1]} : vector<16xi32> to vector<1xi32>
      %squeeze3A_1068 = vector.extract %slice3A_1067[0] : i32 from vector<1xi32>
      %dma_start3A_1069 = arith.constant 3 : i32
      %dma_start3A_1070 = arith.constant 0 : i32
      %dma_start3A_1071 = tpu.memref_slice %arg11[%dma_start3A_1069, %dma_start3A_1070] : memref<32x128xf32, #tpu.memory_space<vmem>> -> memref<1x64xf32, #tpu.memory_space<vmem>>
      %dma_start3A_1072 = tpu.memref_squeeze %dma_start3A_1071 : memref<1x64xf32, #tpu.memory_space<vmem>> -> memref<64xf32, #tpu.memory_space<vmem>>
      %dma_start3A_1073 = arith.constant 0 : i32
      %dma_start3A_1074 = tpu.memref_slice %arg5[%squeeze3A_1068, %dma_start3A_1073] : memref<1000000x64xf32, #tpu.memory_space<hbm>> -> memref<1x64xf32, #tpu.memory_space<hbm>>
      %dma_start3A_1075 = tpu.memref_squeeze %dma_start3A_1074 : memref<1x64xf32, #tpu.memory_space<hbm>> -> memref<64xf32, #tpu.memory_space<hbm>>
      %dma_start3A_1076 = arith.constant 0 : i32
      %dma_start3A_1077 = tpu.memref_slice %arg11[%dma_start3A_1069, %dma_start3A_1076] : memref<32x128xf32, #tpu.memory_space<vmem>> -> memref<1x64xf32, #tpu.memory_space<vmem>>
      %dma_start3A_1078 = tpu.memref_squeeze %dma_start3A_1077 : memref<1x64xf32, #tpu.memory_space<vmem>> -> memref<64xf32, #tpu.memory_space<vmem>>
      %dma_start3A_1079 = arith.constant 0 : i32
      %dma_start3A_1080 = tpu.memref_slice %arg5[%squeeze3A_1068, %dma_start3A_1079] : memref<1000000x64xf32, #tpu.memory_space<hbm>> -> memref<1x64xf32, #tpu.memory_space<hbm>>
      %dma_start3A_1081 = tpu.memref_squeeze %dma_start3A_1080 : memref<1x64xf32, #tpu.memory_space<hbm>> -> memref<64xf32, #tpu.memory_space<hbm>>
      tpu.enqueue_dma source(%dma_start3A_1081 : memref<64xf32, #tpu.memory_space<hbm>>) target(%dma_start3A_1078 : memref<64xf32, #tpu.memory_space<vmem>>) target_semaphore(%arg17 : memref<!tpu.dma_semaphore, #tpu.memory_space<semaphore_mem>>)
      %slice3A_1082 = vector.extract_strided_slice %get3A_1021 {offsets = [4], sizes = [1], strides = [1]} : vector<16xi32> to vector<1xi32>
      %squeeze3A_1083 = vector.extract %slice3A_1082[0] : i32 from vector<1xi32>
      %dma_start3A_1084 = arith.constant 4 : i32
      %dma_start3A_1085 = arith.constant 0 : i32
      %dma_start3A_1086 = tpu.memref_slice %arg11[%dma_start3A_1084, %dma_start3A_1085] : memref<32x128xf32, #tpu.memory_space<vmem>> -> memref<1x64xf32, #tpu.memory_space<vmem>>
      %dma_start3A_1087 = tpu.memref_squeeze %dma_start3A_1086 : memref<1x64xf32, #tpu.memory_space<vmem>> -> memref<64xf32, #tpu.memory_space<vmem>>
      %dma_start3A_1088 = arith.constant 0 : i32
      %dma_start3A_1089 = tpu.memref_slice %arg5[%squeeze3A_1083, %dma_start3A_1088] : memref<1000000x64xf32, #tpu.memory_space<hbm>> -> memref<1x64xf32, #tpu.memory_space<hbm>>
      %dma_start3A_1090 = tpu.memref_squeeze %dma_start3A_1089 : memref<1x64xf32, #tpu.memory_space<hbm>> -> memref<64xf32, #tpu.memory_space<hbm>>
      %dma_start3A_1091 = arith.constant 0 : i32
      %dma_start3A_1092 = tpu.memref_slice %arg11[%dma_start3A_1084, %dma_start3A_1091] : memref<32x128xf32, #tpu.memory_space<vmem>> -> memref<1x64xf32, #tpu.memory_space<vmem>>
      %dma_start3A_1093 = tpu.memref_squeeze %dma_start3A_1092 : memref<1x64xf32, #tpu.memory_space<vmem>> -> memref<64xf32, #tpu.memory_space<vmem>>
      %dma_start3A_1094 = arith.constant 0 : i32
      %dma_start3A_1095 = tpu.memref_slice %arg5[%squeeze3A_1083, %dma_start3A_1094] : memref<1000000x64xf32, #tpu.memory_space<hbm>> -> memref<1x64xf32, #tpu.memory_space<hbm>>
      %dma_start3A_1096 = tpu.memref_squeeze %dma_start3A_1095 : memref<1x64xf32, #tpu.memory_space<hbm>> -> memref<64xf32, #tpu.memory_space<hbm>>
      tpu.enqueue_dma source(%dma_start3A_1096 : memref<64xf32, #tpu.memory_space<hbm>>) target(%dma_start3A_1093 : memref<64xf32, #tpu.memory_space<vmem>>) target_semaphore(%arg17 : memref<!tpu.dma_semaphore, #tpu.memory_space<semaphore_mem>>)
      %slice3A_1097 = vector.extract_strided_slice %get3A_1021 {offsets = [5], sizes = [1], strides = [1]} : vector<16xi32> to vector<1xi32>
      %squeeze3A_1098 = vector.extract %slice3A_1097[0] : i32 from vector<1xi32>
      %dma_start3A_1099 = arith.constant 5 : i32
      %dma_start3A_1100 = arith.constant 0 : i32
      %dma_start3A_1101 = tpu.memref_slice %arg11[%dma_start3A_1099, %dma_start3A_1100] : memref<32x128xf32, #tpu.memory_space<vmem>> -> memref<1x64xf32, #tpu.memory_space<vmem>>
      %dma_start3A_1102 = tpu.memref_squeeze %dma_start3A_1101 : memref<1x64xf32, #tpu.memory_space<vmem>> -> memref<64xf32, #tpu.memory_space<vmem>>
      %dma_start3A_1103 = arith.constant 0 : i32
      %dma_start3A_1104 = tpu.memref_slice %arg5[%squeeze3A_1098, %dma_start3A_1103] : memref<1000000x64xf32, #tpu.memory_space<hbm>> -> memref<1x64xf32, #tpu.memory_space<hbm>>
      %dma_start3A_1105 = tpu.memref_squeeze %dma_start3A_1104 : memref<1x64xf32, #tpu.memory_space<hbm>> -> memref<64xf32, #tpu.memory_space<hbm>>
      %dma_start3A_1106 = arith.constant 0 : i32
      %dma_start3A_1107 = tpu.memref_slice %arg11[%dma_start3A_1099, %dma_start3A_1106] : memref<32x128xf32, #tpu.memory_space<vmem>> -> memref<1x64xf32, #tpu.memory_space<vmem>>
      %dma_start3A_1108 = tpu.memref_squeeze %dma_start3A_1107 : memref<1x64xf32, #tpu.memory_space<vmem>> -> memref<64xf32, #tpu.memory_space<vmem>>
      %dma_start3A_1109 = arith.constant 0 : i32
      %dma_start3A_1110 = tpu.memref_slice %arg5[%squeeze3A_1098, %dma_start3A_1109] : memref<1000000x64xf32, #tpu.memory_space<hbm>> -> memref<1x64xf32, #tpu.memory_space<hbm>>
      %dma_start3A_1111 = tpu.memref_squeeze %dma_start3A_1110 : memref<1x64xf32, #tpu.memory_space<hbm>> -> memref<64xf32, #tpu.memory_space<hbm>>
      tpu.enqueue_dma source(%dma_start3A_1111 : memref<64xf32, #tpu.memory_space<hbm>>) target(%dma_start3A_1108 : memref<64xf32, #tpu.memory_space<vmem>>) target_semaphore(%arg17 : memref<!tpu.dma_semaphore, #tpu.memory_space<semaphore_mem>>)
      %slice3A_1112 = vector.extract_strided_slice %get3A_1021 {offsets = [6], sizes = [1], strides = [1]} : vector<16xi32> to vector<1xi32>
      %squeeze3A_1113 = vector.extract %slice3A_1112[0] : i32 from vector<1xi32>
      %dma_start3A_1114 = arith.constant 6 : i32
      %dma_start3A_1115 = arith.constant 0 : i32
      %dma_start3A_1116 = tpu.memref_slice %arg11[%dma_start3A_1114, %dma_start3A_1115] : memref<32x128xf32, #tpu.memory_space<vmem>> -> memref<1x64xf32, #tpu.memory_space<vmem>>
      %dma_start3A_1117 = tpu.memref_squeeze %dma_start3A_1116 : memref<1x64xf32, #tpu.memory_space<vmem>> -> memref<64xf32, #tpu.memory_space<vmem>>
      %dma_start3A_1118 = arith.constant 0 : i32
      %dma_start3A_1119 = tpu.memref_slice %arg5[%squeeze3A_1113, %dma_start3A_1118] : memref<1000000x64xf32, #tpu.memory_space<hbm>> -> memref<1x64xf32, #tpu.memory_space<hbm>>
      %dma_start3A_1120 = tpu.memref_squeeze %dma_start3A_1119 : memref<1x64xf32, #tpu.memory_space<hbm>> -> memref<64xf32, #tpu.memory_space<hbm>>
      %dma_start3A_1121 = arith.constant 0 : i32
      %dma_start3A_1122 = tpu.memref_slice %arg11[%dma_start3A_1114, %dma_start3A_1121] : memref<32x128xf32, #tpu.memory_space<vmem>> -> memref<1x64xf32, #tpu.memory_space<vmem>>
      %dma_start3A_1123 = tpu.memref_squeeze %dma_start3A_1122 : memref<1x64xf32, #tpu.memory_space<vmem>> -> memref<64xf32, #tpu.memory_space<vmem>>
      %dma_start3A_1124 = arith.constant 0 : i32
      %dma_start3A_1125 = tpu.memref_slice %arg5[%squeeze3A_1113, %dma_start3A_1124] : memref<1000000x64xf32, #tpu.memory_space<hbm>> -> memref<1x64xf32, #tpu.memory_space<hbm>>
      %dma_start3A_1126 = tpu.memref_squeeze %dma_start3A_1125 : memref<1x64xf32, #tpu.memory_space<hbm>> -> memref<64xf32, #tpu.memory_space<hbm>>
      tpu.enqueue_dma source(%dma_start3A_1126 : memref<64xf32, #tpu.memory_space<hbm>>) target(%dma_start3A_1123 : memref<64xf32, #tpu.memory_space<vmem>>) target_semaphore(%arg17 : memref<!tpu.dma_semaphore, #tpu.memory_space<semaphore_mem>>)
      %slice3A_1127 = vector.extract_strided_slice %get3A_1021 {offsets = [7], sizes = [1], strides = [1]} : vector<16xi32> to vector<1xi32>
      %squeeze3A_1128 = vector.extract %slice3A_1127[0] : i32 from vector<1xi32>
      %dma_start3A_1129 = arith.constant 7 : i32
      %dma_start3A_1130 = arith.constant 0 : i32
      %dma_start3A_1131 = tpu.memref_slice %arg11[%dma_start3A_1129, %dma_start3A_1130] : memref<32x128xf32, #tpu.memory_space<vmem>> -> memref<1x64xf32, #tpu.memory_space<vmem>>
      %dma_start3A_1132 = tpu.memref_squeeze %dma_start3A_1131 : memref<1x64xf32, #tpu.memory_space<vmem>> -> memref<64xf32, #tpu.memory_space<vmem>>
      %dma_start3A_1133 = arith.constant 0 : i32
      %dma_start3A_1134 = tpu.memref_slice %arg5[%squeeze3A_1128, %dma_start3A_1133] : memref<1000000x64xf32, #tpu.memory_space<hbm>> -> memref<1x64xf32, #tpu.memory_space<hbm>>
      %dma_start3A_1135 = tpu.memref_squeeze %dma_start3A_1134 : memref<1x64xf32, #tpu.memory_space<hbm>> -> memref<64xf32, #tpu.memory_space<hbm>>
      %dma_start3A_1136 = arith.constant 0 : i32
      %dma_start3A_1137 = tpu.memref_slice %arg11[%dma_start3A_1129, %dma_start3A_1136] : memref<32x128xf32, #tpu.memory_space<vmem>> -> memref<1x64xf32, #tpu.memory_space<vmem>>
      %dma_start3A_1138 = tpu.memref_squeeze %dma_start3A_1137 : memref<1x64xf32, #tpu.memory_space<vmem>> -> memref<64xf32, #tpu.memory_space<vmem>>
      %dma_start3A_1139 = arith.constant 0 : i32
      %dma_start3A_1140 = tpu.memref_slice %arg5[%squeeze3A_1128, %dma_start3A_1139] : memref<1000000x64xf32, #tpu.memory_space<hbm>> -> memref<1x64xf32, #tpu.memory_space<hbm>>
      %dma_start3A_1141 = tpu.memref_squeeze %dma_start3A_1140 : memref<1x64xf32, #tpu.memory_space<hbm>> -> memref<64xf32, #tpu.memory_space<hbm>>
      tpu.enqueue_dma source(%dma_start3A_1141 : memref<64xf32, #tpu.memory_space<hbm>>) target(%dma_start3A_1138 : memref<64xf32, #tpu.memory_space<vmem>>) target_semaphore(%arg17 : memref<!tpu.dma_semaphore, #tpu.memory_space<semaphore_mem>>)
      %slice3A_1142 = vector.extract_strided_slice %get3A_1021 {offsets = [8], sizes = [1], strides = [1]} : vector<16xi32> to vector<1xi32>
      %squeeze3A_1143 = vector.extract %slice3A_1142[0] : i32 from vector<1xi32>
      %dma_start3A_1144 = arith.constant 8 : i32
      %dma_start3A_1145 = arith.constant 0 : i32
      %dma_start3A_1146 = tpu.memref_slice %arg11[%dma_start3A_1144, %dma_start3A_1145] : memref<32x128xf32, #tpu.memory_space<vmem>> -> memref<1x64xf32, #tpu.memory_space<vmem>>
      %dma_start3A_1147 = tpu.memref_squeeze %dma_start3A_1146 : memref<1x64xf32, #tpu.memory_space<vmem>> -> memref<64xf32, #tpu.memory_space<vmem>>
      %dma_start3A_1148 = arith.constant 0 : i32
      %dma_start3A_1149 = tpu.memref_slice %arg5[%squeeze3A_1143, %dma_start3A_1148] : memref<1000000x64xf32, #tpu.memory_space<hbm>> -> memref<1x64xf32, #tpu.memory_space<hbm>>
      %dma_start3A_1150 = tpu.memref_squeeze %dma_start3A_1149 : memref<1x64xf32, #tpu.memory_space<hbm>> -> memref<64xf32, #tpu.memory_space<hbm>>
      %dma_start3A_1151 = arith.constant 0 : i32
      %dma_start3A_1152 = tpu.memref_slice %arg11[%dma_start3A_1144, %dma_start3A_1151] : memref<32x128xf32, #tpu.memory_space<vmem>> -> memref<1x64xf32, #tpu.memory_space<vmem>>
      %dma_start3A_1153 = tpu.memref_squeeze %dma_start3A_1152 : memref<1x64xf32, #tpu.memory_space<vmem>> -> memref<64xf32, #tpu.memory_space<vmem>>
      %dma_start3A_1154 = arith.constant 0 : i32
      %dma_start3A_1155 = tpu.memref_slice %arg5[%squeeze3A_1143, %dma_start3A_1154] : memref<1000000x64xf32, #tpu.memory_space<hbm>> -> memref<1x64xf32, #tpu.memory_space<hbm>>
      %dma_start3A_1156 = tpu.memref_squeeze %dma_start3A_1155 : memref<1x64xf32, #tpu.memory_space<hbm>> -> memref<64xf32, #tpu.memory_space<hbm>>
      tpu.enqueue_dma source(%dma_start3A_1156 : memref<64xf32, #tpu.memory_space<hbm>>) target(%dma_start3A_1153 : memref<64xf32, #tpu.memory_space<vmem>>) target_semaphore(%arg17 : memref<!tpu.dma_semaphore, #tpu.memory_space<semaphore_mem>>)
      %slice3A_1157 = vector.extract_strided_slice %get3A_1021 {offsets = [9], sizes = [1], strides = [1]} : vector<16xi32> to vector<1xi32>
      %squeeze3A_1158 = vector.extract %slice3A_1157[0] : i32 from vector<1xi32>
      %dma_start3A_1159 = arith.constant 9 : i32
      %dma_start3A_1160 = arith.constant 0 : i32
      %dma_start3A_1161 = tpu.memref_slice %arg11[%dma_start3A_1159, %dma_start3A_1160] : memref<32x128xf32, #tpu.memory_space<vmem>> -> memref<1x64xf32, #tpu.memory_space<vmem>>
      %dma_start3A_1162 = tpu.memref_squeeze %dma_start3A_1161 : memref<1x64xf32, #tpu.memory_space<vmem>> -> memref<64xf32, #tpu.memory_space<vmem>>
      %dma_start3A_1163 = arith.constant 0 : i32
      %dma_start3A_1164 = tpu.memref_slice %arg5[%squeeze3A_1158, %dma_start3A_1163] : memref<1000000x64xf32, #tpu.memory_space<hbm>> -> memref<1x64xf32, #tpu.memory_space<hbm>>
      %dma_start3A_1165 = tpu.memref_squeeze %dma_start3A_1164 : memref<1x64xf32, #tpu.memory_space<hbm>> -> memref<64xf32, #tpu.memory_space<hbm>>
      %dma_start3A_1166 = arith.constant 0 : i32
      %dma_start3A_1167 = tpu.memref_slice %arg11[%dma_start3A_1159, %dma_start3A_1166] : memref<32x128xf32, #tpu.memory_space<vmem>> -> memref<1x64xf32, #tpu.memory_space<vmem>>
      %dma_start3A_1168 = tpu.memref_squeeze %dma_start3A_1167 : memref<1x64xf32, #tpu.memory_space<vmem>> -> memref<64xf32, #tpu.memory_space<vmem>>
      %dma_start3A_1169 = arith.constant 0 : i32
      %dma_start3A_1170 = tpu.memref_slice %arg5[%squeeze3A_1158, %dma_start3A_1169] : memref<1000000x64xf32, #tpu.memory_space<hbm>> -> memref<1x64xf32, #tpu.memory_space<hbm>>
      %dma_start3A_1171 = tpu.memref_squeeze %dma_start3A_1170 : memref<1x64xf32, #tpu.memory_space<hbm>> -> memref<64xf32, #tpu.memory_space<hbm>>
      tpu.enqueue_dma source(%dma_start3A_1171 : memref<64xf32, #tpu.memory_space<hbm>>) target(%dma_start3A_1168 : memref<64xf32, #tpu.memory_space<vmem>>) target_semaphore(%arg17 : memref<!tpu.dma_semaphore, #tpu.memory_space<semaphore_mem>>)
      %slice3A_1172 = vector.extract_strided_slice %get3A_1021 {offsets = [10], sizes = [1], strides = [1]} : vector<16xi32> to vector<1xi32>
      %squeeze3A_1173 = vector.extract %slice3A_1172[0] : i32 from vector<1xi32>
      %dma_start3A_1174 = arith.constant 10 : i32
      %dma_start3A_1175 = arith.constant 0 : i32
      %dma_start3A_1176 = tpu.memref_slice %arg11[%dma_start3A_1174, %dma_start3A_1175] : memref<32x128xf32, #tpu.memory_space<vmem>> -> memref<1x64xf32, #tpu.memory_space<vmem>>
      %dma_start3A_1177 = tpu.memref_squeeze %dma_start3A_1176 : memref<1x64xf32, #tpu.memory_space<vmem>> -> memref<64xf32, #tpu.memory_space<vmem>>
      %dma_start3A_1178 = arith.constant 0 : i32
      %dma_start3A_1179 = tpu.memref_slice %arg5[%squeeze3A_1173, %dma_start3A_1178] : memref<1000000x64xf32, #tpu.memory_space<hbm>> -> memref<1x64xf32, #tpu.memory_space<hbm>>
      %dma_start3A_1180 = tpu.memref_squeeze %dma_start3A_1179 : memref<1x64xf32, #tpu.memory_space<hbm>> -> memref<64xf32, #tpu.memory_space<hbm>>
      %dma_start3A_1181 = arith.constant 0 : i32
      %dma_start3A_1182 = tpu.memref_slice %arg11[%dma_start3A_1174, %dma_start3A_1181] : memref<32x128xf32, #tpu.memory_space<vmem>> -> memref<1x64xf32, #tpu.memory_space<vmem>>
      %dma_start3A_1183 = tpu.memref_squeeze %dma_start3A_1182 : memref<1x64xf32, #tpu.memory_space<vmem>> -> memref<64xf32, #tpu.memory_space<vmem>>
      %dma_start3A_1184 = arith.constant 0 : i32
      %dma_start3A_1185 = tpu.memref_slice %arg5[%squeeze3A_1173, %dma_start3A_1184] : memref<1000000x64xf32, #tpu.memory_space<hbm>> -> memref<1x64xf32, #tpu.memory_space<hbm>>
      %dma_start3A_1186 = tpu.memref_squeeze %dma_start3A_1185 : memref<1x64xf32, #tpu.memory_space<hbm>> -> memref<64xf32, #tpu.memory_space<hbm>>
      tpu.enqueue_dma source(%dma_start3A_1186 : memref<64xf32, #tpu.memory_space<hbm>>) target(%dma_start3A_1183 : memref<64xf32, #tpu.memory_space<vmem>>) target_semaphore(%arg17 : memref<!tpu.dma_semaphore, #tpu.memory_space<semaphore_mem>>)
      %slice3A_1187 = vector.extract_strided_slice %get3A_1021 {offsets = [11], sizes = [1], strides = [1]} : vector<16xi32> to vector<1xi32>
      %squeeze3A_1188 = vector.extract %slice3A_1187[0] : i32 from vector<1xi32>
      %dma_start3A_1189 = arith.constant 11 : i32
      %dma_start3A_1190 = arith.constant 0 : i32
      %dma_start3A_1191 = tpu.memref_slice %arg11[%dma_start3A_1189, %dma_start3A_1190] : memref<32x128xf32, #tpu.memory_space<vmem>> -> memref<1x64xf32, #tpu.memory_space<vmem>>
      %dma_start3A_1192 = tpu.memref_squeeze %dma_start3A_1191 : memref<1x64xf32, #tpu.memory_space<vmem>> -> memref<64xf32, #tpu.memory_space<vmem>>
      %dma_start3A_1193 = arith.constant 0 : i32
      %dma_start3A_1194 = tpu.memref_slice %arg5[%squeeze3A_1188, %dma_start3A_1193] : memref<1000000x64xf32, #tpu.memory_space<hbm>> -> memref<1x64xf32, #tpu.memory_space<hbm>>
      %dma_start3A_1195 = tpu.memref_squeeze %dma_start3A_1194 : memref<1x64xf32, #tpu.memory_space<hbm>> -> memref<64xf32, #tpu.memory_space<hbm>>
      %dma_start3A_1196 = arith.constant 0 : i32
      %dma_start3A_1197 = tpu.memref_slice %arg11[%dma_start3A_1189, %dma_start3A_1196] : memref<32x128xf32, #tpu.memory_space<vmem>> -> memref<1x64xf32, #tpu.memory_space<vmem>>
      %dma_start3A_1198 = tpu.memref_squeeze %dma_start3A_1197 : memref<1x64xf32, #tpu.memory_space<vmem>> -> memref<64xf32, #tpu.memory_space<vmem>>
      %dma_start3A_1199 = arith.constant 0 : i32
      %dma_start3A_1200 = tpu.memref_slice %arg5[%squeeze3A_1188, %dma_start3A_1199] : memref<1000000x64xf32, #tpu.memory_space<hbm>> -> memref<1x64xf32, #tpu.memory_space<hbm>>
      %dma_start3A_1201 = tpu.memref_squeeze %dma_start3A_1200 : memref<1x64xf32, #tpu.memory_space<hbm>> -> memref<64xf32, #tpu.memory_space<hbm>>
      tpu.enqueue_dma source(%dma_start3A_1201 : memref<64xf32, #tpu.memory_space<hbm>>) target(%dma_start3A_1198 : memref<64xf32, #tpu.memory_space<vmem>>) target_semaphore(%arg17 : memref<!tpu.dma_semaphore, #tpu.memory_space<semaphore_mem>>)
      %slice3A_1202 = vector.extract_strided_slice %get3A_1021 {offsets = [12], sizes = [1], strides = [1]} : vector<16xi32> to vector<1xi32>
      %squeeze3A_1203 = vector.extract %slice3A_1202[0] : i32 from vector<1xi32>
      %dma_start3A_1204 = arith.constant 12 : i32
      %dma_start3A_1205 = arith.constant 0 : i32
      %dma_start3A_1206 = tpu.memref_slice %arg11[%dma_start3A_1204, %dma_start3A_1205] : memref<32x128xf32, #tpu.memory_space<vmem>> -> memref<1x64xf32, #tpu.memory_space<vmem>>
      %dma_start3A_1207 = tpu.memref_squeeze %dma_start3A_1206 : memref<1x64xf32, #tpu.memory_space<vmem>> -> memref<64xf32, #tpu.memory_space<vmem>>
      %dma_start3A_1208 = arith.constant 0 : i32
      %dma_start3A_1209 = tpu.memref_slice %arg5[%squeeze3A_1203, %dma_start3A_1208] : memref<1000000x64xf32, #tpu.memory_space<hbm>> -> memref<1x64xf32, #tpu.memory_space<hbm>>
      %dma_start3A_1210 = tpu.memref_squeeze %dma_start3A_1209 : memref<1x64xf32, #tpu.memory_space<hbm>> -> memref<64xf32, #tpu.memory_space<hbm>>
      %dma_start3A_1211 = arith.constant 0 : i32
      %dma_start3A_1212 = tpu.memref_slice %arg11[%dma_start3A_1204, %dma_start3A_1211] : memref<32x128xf32, #tpu.memory_space<vmem>> -> memref<1x64xf32, #tpu.memory_space<vmem>>
      %dma_start3A_1213 = tpu.memref_squeeze %dma_start3A_1212 : memref<1x64xf32, #tpu.memory_space<vmem>> -> memref<64xf32, #tpu.memory_space<vmem>>
      %dma_start3A_1214 = arith.constant 0 : i32
      %dma_start3A_1215 = tpu.memref_slice %arg5[%squeeze3A_1203, %dma_start3A_1214] : memref<1000000x64xf32, #tpu.memory_space<hbm>> -> memref<1x64xf32, #tpu.memory_space<hbm>>
      %dma_start3A_1216 = tpu.memref_squeeze %dma_start3A_1215 : memref<1x64xf32, #tpu.memory_space<hbm>> -> memref<64xf32, #tpu.memory_space<hbm>>
      tpu.enqueue_dma source(%dma_start3A_1216 : memref<64xf32, #tpu.memory_space<hbm>>) target(%dma_start3A_1213 : memref<64xf32, #tpu.memory_space<vmem>>) target_semaphore(%arg17 : memref<!tpu.dma_semaphore, #tpu.memory_space<semaphore_mem>>)
      %slice3A_1217 = vector.extract_strided_slice %get3A_1021 {offsets = [13], sizes = [1], strides = [1]} : vector<16xi32> to vector<1xi32>
      %squeeze3A_1218 = vector.extract %slice3A_1217[0] : i32 from vector<1xi32>
      %dma_start3A_1219 = arith.constant 13 : i32
      %dma_start3A_1220 = arith.constant 0 : i32
      %dma_start3A_1221 = tpu.memref_slice %arg11[%dma_start3A_1219, %dma_start3A_1220] : memref<32x128xf32, #tpu.memory_space<vmem>> -> memref<1x64xf32, #tpu.memory_space<vmem>>
      %dma_start3A_1222 = tpu.memref_squeeze %dma_start3A_1221 : memref<1x64xf32, #tpu.memory_space<vmem>> -> memref<64xf32, #tpu.memory_space<vmem>>
      %dma_start3A_1223 = arith.constant 0 : i32
      %dma_start3A_1224 = tpu.memref_slice %arg5[%squeeze3A_1218, %dma_start3A_1223] : memref<1000000x64xf32, #tpu.memory_space<hbm>> -> memref<1x64xf32, #tpu.memory_space<hbm>>
      %dma_start3A_1225 = tpu.memref_squeeze %dma_start3A_1224 : memref<1x64xf32, #tpu.memory_space<hbm>> -> memref<64xf32, #tpu.memory_space<hbm>>
      %dma_start3A_1226 = arith.constant 0 : i32
      %dma_start3A_1227 = tpu.memref_slice %arg11[%dma_start3A_1219, %dma_start3A_1226] : memref<32x128xf32, #tpu.memory_space<vmem>> -> memref<1x64xf32, #tpu.memory_space<vmem>>
      %dma_start3A_1228 = tpu.memref_squeeze %dma_start3A_1227 : memref<1x64xf32, #tpu.memory_space<vmem>> -> memref<64xf32, #tpu.memory_space<vmem>>
      %dma_start3A_1229 = arith.constant 0 : i32
      %dma_start3A_1230 = tpu.memref_slice %arg5[%squeeze3A_1218, %dma_start3A_1229] : memref<1000000x64xf32, #tpu.memory_space<hbm>> -> memref<1x64xf32, #tpu.memory_space<hbm>>
      %dma_start3A_1231 = tpu.memref_squeeze %dma_start3A_1230 : memref<1x64xf32, #tpu.memory_space<hbm>> -> memref<64xf32, #tpu.memory_space<hbm>>
      tpu.enqueue_dma source(%dma_start3A_1231 : memref<64xf32, #tpu.memory_space<hbm>>) target(%dma_start3A_1228 : memref<64xf32, #tpu.memory_space<vmem>>) target_semaphore(%arg17 : memref<!tpu.dma_semaphore, #tpu.memory_space<semaphore_mem>>)
      %slice3A_1232 = vector.extract_strided_slice %get3A_1021 {offsets = [14], sizes = [1], strides = [1]} : vector<16xi32> to vector<1xi32>
      %squeeze3A_1233 = vector.extract %slice3A_1232[0] : i32 from vector<1xi32>
      %dma_start3A_1234 = arith.constant 14 : i32
      %dma_start3A_1235 = arith.constant 0 : i32
      %dma_start3A_1236 = tpu.memref_slice %arg11[%dma_start3A_1234, %dma_start3A_1235] : memref<32x128xf32, #tpu.memory_space<vmem>> -> memref<1x64xf32, #tpu.memory_space<vmem>>
      %dma_start3A_1237 = tpu.memref_squeeze %dma_start3A_1236 : memref<1x64xf32, #tpu.memory_space<vmem>> -> memref<64xf32, #tpu.memory_space<vmem>>
      %dma_start3A_1238 = arith.constant 0 : i32
      %dma_start3A_1239 = tpu.memref_slice %arg5[%squeeze3A_1233, %dma_start3A_1238] : memref<1000000x64xf32, #tpu.memory_space<hbm>> -> memref<1x64xf32, #tpu.memory_space<hbm>>
      %dma_start3A_1240 = tpu.memref_squeeze %dma_start3A_1239 : memref<1x64xf32, #tpu.memory_space<hbm>> -> memref<64xf32, #tpu.memory_space<hbm>>
      %dma_start3A_1241 = arith.constant 0 : i32
      %dma_start3A_1242 = tpu.memref_slice %arg11[%dma_start3A_1234, %dma_start3A_1241] : memref<32x128xf32, #tpu.memory_space<vmem>> -> memref<1x64xf32, #tpu.memory_space<vmem>>
      %dma_start3A_1243 = tpu.memref_squeeze %dma_start3A_1242 : memref<1x64xf32, #tpu.memory_space<vmem>> -> memref<64xf32, #tpu.memory_space<vmem>>
      %dma_start3A_1244 = arith.constant 0 : i32
      %dma_start3A_1245 = tpu.memref_slice %arg5[%squeeze3A_1233, %dma_start3A_1244] : memref<1000000x64xf32, #tpu.memory_space<hbm>> -> memref<1x64xf32, #tpu.memory_space<hbm>>
      %dma_start3A_1246 = tpu.memref_squeeze %dma_start3A_1245 : memref<1x64xf32, #tpu.memory_space<hbm>> -> memref<64xf32, #tpu.memory_space<hbm>>
      tpu.enqueue_dma source(%dma_start3A_1246 : memref<64xf32, #tpu.memory_space<hbm>>) target(%dma_start3A_1243 : memref<64xf32, #tpu.memory_space<vmem>>) target_semaphore(%arg17 : memref<!tpu.dma_semaphore, #tpu.memory_space<semaphore_mem>>)
      %slice3A_1247 = vector.extract_strided_slice %get3A_1021 {offsets = [15], sizes = [1], strides = [1]} : vector<16xi32> to vector<1xi32>
      %squeeze3A_1248 = vector.extract %slice3A_1247[0] : i32 from vector<1xi32>
      %dma_start3A_1249 = arith.constant 15 : i32
      %dma_start3A_1250 = arith.constant 0 : i32
      %dma_start3A_1251 = tpu.memref_slice %arg11[%dma_start3A_1249, %dma_start3A_1250] : memref<32x128xf32, #tpu.memory_space<vmem>> -> memref<1x64xf32, #tpu.memory_space<vmem>>
      %dma_start3A_1252 = tpu.memref_squeeze %dma_start3A_1251 : memref<1x64xf32, #tpu.memory_space<vmem>> -> memref<64xf32, #tpu.memory_space<vmem>>
      %dma_start3A_1253 = arith.constant 0 : i32
      %dma_start3A_1254 = tpu.memref_slice %arg5[%squeeze3A_1248, %dma_start3A_1253] : memref<1000000x64xf32, #tpu.memory_space<hbm>> -> memref<1x64xf32, #tpu.memory_space<hbm>>
      %dma_start3A_1255 = tpu.memref_squeeze %dma_start3A_1254 : memref<1x64xf32, #tpu.memory_space<hbm>> -> memref<64xf32, #tpu.memory_space<hbm>>
      %dma_start3A_1256 = arith.constant 0 : i32
      %dma_start3A_1257 = tpu.memref_slice %arg11[%dma_start3A_1249, %dma_start3A_1256] : memref<32x128xf32, #tpu.memory_space<vmem>> -> memref<1x64xf32, #tpu.memory_space<vmem>>
      %dma_start3A_1258 = tpu.memref_squeeze %dma_start3A_1257 : memref<1x64xf32, #tpu.memory_space<vmem>> -> memref<64xf32, #tpu.memory_space<vmem>>
      %dma_start3A_1259 = arith.constant 0 : i32
      %dma_start3A_1260 = tpu.memref_slice %arg5[%squeeze3A_1248, %dma_start3A_1259] : memref<1000000x64xf32, #tpu.memory_space<hbm>> -> memref<1x64xf32, #tpu.memory_space<hbm>>
      %dma_start3A_1261 = tpu.memref_squeeze %dma_start3A_1260 : memref<1x64xf32, #tpu.memory_space<hbm>> -> memref<64xf32, #tpu.memory_space<hbm>>
      tpu.enqueue_dma source(%dma_start3A_1261 : memref<64xf32, #tpu.memory_space<hbm>>) target(%dma_start3A_1258 : memref<64xf32, #tpu.memory_space<vmem>>) target_semaphore(%arg17 : memref<!tpu.dma_semaphore, #tpu.memory_space<semaphore_mem>>)
      %dma_wait3A_1262 = arith.constant 0 : i32
      %dma_wait3A_1263 = arith.constant 0 : i32
      %dma_wait3A_1264 = tpu.memref_slice %arg11[%dma_wait3A_1262, %dma_wait3A_1263] : memref<32x128xf32, #tpu.memory_space<vmem>> -> memref<1x64xf32, #tpu.memory_space<vmem>>
      %dma_wait3A_1265 = tpu.memref_squeeze %dma_wait3A_1264 : memref<1x64xf32, #tpu.memory_space<vmem>> -> memref<64xf32, #tpu.memory_space<vmem>>
      %dma_wait3A_1266 = arith.constant 0 : i32
      %dma_wait3A_1267 = tpu.memref_slice %arg5[%squeeze3A_1023, %dma_wait3A_1266] : memref<1000000x64xf32, #tpu.memory_space<hbm>> -> memref<1x64xf32, #tpu.memory_space<hbm>>
      %dma_wait3A_1268 = tpu.memref_squeeze %dma_wait3A_1267 : memref<1x64xf32, #tpu.memory_space<hbm>> -> memref<64xf32, #tpu.memory_space<hbm>>
      %dma_wait3A_1269 = arith.constant 0 : i32
      %dma_wait3A_1270 = tpu.memref_slice %arg11[%dma_wait3A_1262, %dma_wait3A_1269] : memref<32x128xf32, #tpu.memory_space<vmem>> -> memref<1x64xf32, #tpu.memory_space<vmem>>
      %dma_wait3A_1271 = tpu.memref_squeeze %dma_wait3A_1270 : memref<1x64xf32, #tpu.memory_space<vmem>> -> memref<64xf32, #tpu.memory_space<vmem>>
      %dma_wait3A_1272 = arith.constant 0 : i32
      %dma_wait3A_1273 = tpu.memref_slice %arg5[%squeeze3A_1023, %dma_wait3A_1272] : memref<1000000x64xf32, #tpu.memory_space<hbm>> -> memref<1x64xf32, #tpu.memory_space<hbm>>
      %dma_wait3A_1274 = tpu.memref_squeeze %dma_wait3A_1273 : memref<1x64xf32, #tpu.memory_space<hbm>> -> memref<64xf32, #tpu.memory_space<hbm>>
      tpu.wait_dma2 semaphore(%arg17 : memref<!tpu.dma_semaphore, #tpu.memory_space<semaphore_mem>>) src(%dma_wait3A_1274 : memref<64xf32, #tpu.memory_space<hbm>>) dst(%dma_wait3A_1271 : memref<64xf32, #tpu.memory_space<vmem>>)
      %dma_wait3A_1275 = arith.constant 1 : i32
      %dma_wait3A_1276 = arith.constant 0 : i32
      %dma_wait3A_1277 = tpu.memref_slice %arg11[%dma_wait3A_1275, %dma_wait3A_1276] : memref<32x128xf32, #tpu.memory_space<vmem>> -> memref<1x64xf32, #tpu.memory_space<vmem>>
      %dma_wait3A_1278 = tpu.memref_squeeze %dma_wait3A_1277 : memref<1x64xf32, #tpu.memory_space<vmem>> -> memref<64xf32, #tpu.memory_space<vmem>>
      %dma_wait3A_1279 = arith.constant 0 : i32
      %dma_wait3A_1280 = tpu.memref_slice %arg5[%squeeze3A_1038, %dma_wait3A_1279] : memref<1000000x64xf32, #tpu.memory_space<hbm>> -> memref<1x64xf32, #tpu.memory_space<hbm>>
      %dma_wait3A_1281 = tpu.memref_squeeze %dma_wait3A_1280 : memref<1x64xf32, #tpu.memory_space<hbm>> -> memref<64xf32, #tpu.memory_space<hbm>>
      %dma_wait3A_1282 = arith.constant 0 : i32
      %dma_wait3A_1283 = tpu.memref_slice %arg11[%dma_wait3A_1275, %dma_wait3A_1282] : memref<32x128xf32, #tpu.memory_space<vmem>> -> memref<1x64xf32, #tpu.memory_space<vmem>>
      %dma_wait3A_1284 = tpu.memref_squeeze %dma_wait3A_1283 : memref<1x64xf32, #tpu.memory_space<vmem>> -> memref<64xf32, #tpu.memory_space<vmem>>
      %dma_wait3A_1285 = arith.constant 0 : i32
      %dma_wait3A_1286 = tpu.memref_slice %arg5[%squeeze3A_1038, %dma_wait3A_1285] : memref<1000000x64xf32, #tpu.memory_space<hbm>> -> memref<1x64xf32, #tpu.memory_space<hbm>>
      %dma_wait3A_1287 = tpu.memref_squeeze %dma_wait3A_1286 : memref<1x64xf32, #tpu.memory_space<hbm>> -> memref<64xf32, #tpu.memory_space<hbm>>
      tpu.wait_dma2 semaphore(%arg17 : memref<!tpu.dma_semaphore, #tpu.memory_space<semaphore_mem>>) src(%dma_wait3A_1287 : memref<64xf32, #tpu.memory_space<hbm>>) dst(%dma_wait3A_1284 : memref<64xf32, #tpu.memory_space<vmem>>)
      %dma_wait3A_1288 = arith.constant 2 : i32
      %dma_wait3A_1289 = arith.constant 0 : i32
      %dma_wait3A_1290 = tpu.memref_slice %arg11[%dma_wait3A_1288, %dma_wait3A_1289] : memref<32x128xf32, #tpu.memory_space<vmem>> -> memref<1x64xf32, #tpu.memory_space<vmem>>
      %dma_wait3A_1291 = tpu.memref_squeeze %dma_wait3A_1290 : memref<1x64xf32, #tpu.memory_space<vmem>> -> memref<64xf32, #tpu.memory_space<vmem>>
      %dma_wait3A_1292 = arith.constant 0 : i32
      %dma_wait3A_1293 = tpu.memref_slice %arg5[%squeeze3A_1053, %dma_wait3A_1292] : memref<1000000x64xf32, #tpu.memory_space<hbm>> -> memref<1x64xf32, #tpu.memory_space<hbm>>
      %dma_wait3A_1294 = tpu.memref_squeeze %dma_wait3A_1293 : memref<1x64xf32, #tpu.memory_space<hbm>> -> memref<64xf32, #tpu.memory_space<hbm>>
      %dma_wait3A_1295 = arith.constant 0 : i32
      %dma_wait3A_1296 = tpu.memref_slice %arg11[%dma_wait3A_1288, %dma_wait3A_1295] : memref<32x128xf32, #tpu.memory_space<vmem>> -> memref<1x64xf32, #tpu.memory_space<vmem>>
      %dma_wait3A_1297 = tpu.memref_squeeze %dma_wait3A_1296 : memref<1x64xf32, #tpu.memory_space<vmem>> -> memref<64xf32, #tpu.memory_space<vmem>>
      %dma_wait3A_1298 = arith.constant 0 : i32
      %dma_wait3A_1299 = tpu.memref_slice %arg5[%squeeze3A_1053, %dma_wait3A_1298] : memref<1000000x64xf32, #tpu.memory_space<hbm>> -> memref<1x64xf32, #tpu.memory_space<hbm>>
      %dma_wait3A_1300 = tpu.memref_squeeze %dma_wait3A_1299 : memref<1x64xf32, #tpu.memory_space<hbm>> -> memref<64xf32, #tpu.memory_space<hbm>>
      tpu.wait_dma2 semaphore(%arg17 : memref<!tpu.dma_semaphore, #tpu.memory_space<semaphore_mem>>) src(%dma_wait3A_1300 : memref<64xf32, #tpu.memory_space<hbm>>) dst(%dma_wait3A_1297 : memref<64xf32, #tpu.memory_space<vmem>>)
      %dma_wait3A_1301 = arith.constant 3 : i32
      %dma_wait3A_1302 = arith.constant 0 : i32
      %dma_wait3A_1303 = tpu.memref_slice %arg11[%dma_wait3A_1301, %dma_wait3A_1302] : memref<32x128xf32, #tpu.memory_space<vmem>> -> memref<1x64xf32, #tpu.memory_space<vmem>>
      %dma_wait3A_1304 = tpu.memref_squeeze %dma_wait3A_1303 : memref<1x64xf32, #tpu.memory_space<vmem>> -> memref<64xf32, #tpu.memory_space<vmem>>
      %dma_wait3A_1305 = arith.constant 0 : i32
      %dma_wait3A_1306 = tpu.memref_slice %arg5[%squeeze3A_1068, %dma_wait3A_1305] : memref<1000000x64xf32, #tpu.memory_space<hbm>> -> memref<1x64xf32, #tpu.memory_space<hbm>>
      %dma_wait3A_1307 = tpu.memref_squeeze %dma_wait3A_1306 : memref<1x64xf32, #tpu.memory_space<hbm>> -> memref<64xf32, #tpu.memory_space<hbm>>
      %dma_wait3A_1308 = arith.constant 0 : i32
      %dma_wait3A_1309 = tpu.memref_slice %arg11[%dma_wait3A_1301, %dma_wait3A_1308] : memref<32x128xf32, #tpu.memory_space<vmem>> -> memref<1x64xf32, #tpu.memory_space<vmem>>
      %dma_wait3A_1310 = tpu.memref_squeeze %dma_wait3A_1309 : memref<1x64xf32, #tpu.memory_space<vmem>> -> memref<64xf32, #tpu.memory_space<vmem>>
      %dma_wait3A_1311 = arith.constant 0 : i32
      %dma_wait3A_1312 = tpu.memref_slice %arg5[%squeeze3A_1068, %dma_wait3A_1311] : memref<1000000x64xf32, #tpu.memory_space<hbm>> -> memref<1x64xf32, #tpu.memory_space<hbm>>
      %dma_wait3A_1313 = tpu.memref_squeeze %dma_wait3A_1312 : memref<1x64xf32, #tpu.memory_space<hbm>> -> memref<64xf32, #tpu.memory_space<hbm>>
      tpu.wait_dma2 semaphore(%arg17 : memref<!tpu.dma_semaphore, #tpu.memory_space<semaphore_mem>>) src(%dma_wait3A_1313 : memref<64xf32, #tpu.memory_space<hbm>>) dst(%dma_wait3A_1310 : memref<64xf32, #tpu.memory_space<vmem>>)
      %dma_wait3A_1314 = arith.constant 4 : i32
      %dma_wait3A_1315 = arith.constant 0 : i32
      %dma_wait3A_1316 = tpu.memref_slice %arg11[%dma_wait3A_1314, %dma_wait3A_1315] : memref<32x128xf32, #tpu.memory_space<vmem>> -> memref<1x64xf32, #tpu.memory_space<vmem>>
      %dma_wait3A_1317 = tpu.memref_squeeze %dma_wait3A_1316 : memref<1x64xf32, #tpu.memory_space<vmem>> -> memref<64xf32, #tpu.memory_space<vmem>>
      %dma_wait3A_1318 = arith.constant 0 : i32
      %dma_wait3A_1319 = tpu.memref_slice %arg5[%squeeze3A_1083, %dma_wait3A_1318] : memref<1000000x64xf32, #tpu.memory_space<hbm>> -> memref<1x64xf32, #tpu.memory_space<hbm>>
      %dma_wait3A_1320 = tpu.memref_squeeze %dma_wait3A_1319 : memref<1x64xf32, #tpu.memory_space<hbm>> -> memref<64xf32, #tpu.memory_space<hbm>>
      %dma_wait3A_1321 = arith.constant 0 : i32
      %dma_wait3A_1322 = tpu.memref_slice %arg11[%dma_wait3A_1314, %dma_wait3A_1321] : memref<32x128xf32, #tpu.memory_space<vmem>> -> memref<1x64xf32, #tpu.memory_space<vmem>>
      %dma_wait3A_1323 = tpu.memref_squeeze %dma_wait3A_1322 : memref<1x64xf32, #tpu.memory_space<vmem>> -> memref<64xf32, #tpu.memory_space<vmem>>
      %dma_wait3A_1324 = arith.constant 0 : i32
      %dma_wait3A_1325 = tpu.memref_slice %arg5[%squeeze3A_1083, %dma_wait3A_1324] : memref<1000000x64xf32, #tpu.memory_space<hbm>> -> memref<1x64xf32, #tpu.memory_space<hbm>>
      %dma_wait3A_1326 = tpu.memref_squeeze %dma_wait3A_1325 : memref<1x64xf32, #tpu.memory_space<hbm>> -> memref<64xf32, #tpu.memory_space<hbm>>
      tpu.wait_dma2 semaphore(%arg17 : memref<!tpu.dma_semaphore, #tpu.memory_space<semaphore_mem>>) src(%dma_wait3A_1326 : memref<64xf32, #tpu.memory_space<hbm>>) dst(%dma_wait3A_1323 : memref<64xf32, #tpu.memory_space<vmem>>)
      %dma_wait3A_1327 = arith.constant 5 : i32
      %dma_wait3A_1328 = arith.constant 0 : i32
      %dma_wait3A_1329 = tpu.memref_slice %arg11[%dma_wait3A_1327, %dma_wait3A_1328] : memref<32x128xf32, #tpu.memory_space<vmem>> -> memref<1x64xf32, #tpu.memory_space<vmem>>
      %dma_wait3A_1330 = tpu.memref_squeeze %dma_wait3A_1329 : memref<1x64xf32, #tpu.memory_space<vmem>> -> memref<64xf32, #tpu.memory_space<vmem>>
      %dma_wait3A_1331 = arith.constant 0 : i32
      %dma_wait3A_1332 = tpu.memref_slice %arg5[%squeeze3A_1098, %dma_wait3A_1331] : memref<1000000x64xf32, #tpu.memory_space<hbm>> -> memref<1x64xf32, #tpu.memory_space<hbm>>
      %dma_wait3A_1333 = tpu.memref_squeeze %dma_wait3A_1332 : memref<1x64xf32, #tpu.memory_space<hbm>> -> memref<64xf32, #tpu.memory_space<hbm>>
      %dma_wait3A_1334 = arith.constant 0 : i32
      %dma_wait3A_1335 = tpu.memref_slice %arg11[%dma_wait3A_1327, %dma_wait3A_1334] : memref<32x128xf32, #tpu.memory_space<vmem>> -> memref<1x64xf32, #tpu.memory_space<vmem>>
      %dma_wait3A_1336 = tpu.memref_squeeze %dma_wait3A_1335 : memref<1x64xf32, #tpu.memory_space<vmem>> -> memref<64xf32, #tpu.memory_space<vmem>>
      %dma_wait3A_1337 = arith.constant 0 : i32
      %dma_wait3A_1338 = tpu.memref_slice %arg5[%squeeze3A_1098, %dma_wait3A_1337] : memref<1000000x64xf32, #tpu.memory_space<hbm>> -> memref<1x64xf32, #tpu.memory_space<hbm>>
      %dma_wait3A_1339 = tpu.memref_squeeze %dma_wait3A_1338 : memref<1x64xf32, #tpu.memory_space<hbm>> -> memref<64xf32, #tpu.memory_space<hbm>>
      tpu.wait_dma2 semaphore(%arg17 : memref<!tpu.dma_semaphore, #tpu.memory_space<semaphore_mem>>) src(%dma_wait3A_1339 : memref<64xf32, #tpu.memory_space<hbm>>) dst(%dma_wait3A_1336 : memref<64xf32, #tpu.memory_space<vmem>>)
      %dma_wait3A_1340 = arith.constant 6 : i32
      %dma_wait3A_1341 = arith.constant 0 : i32
      %dma_wait3A_1342 = tpu.memref_slice %arg11[%dma_wait3A_1340, %dma_wait3A_1341] : memref<32x128xf32, #tpu.memory_space<vmem>> -> memref<1x64xf32, #tpu.memory_space<vmem>>
      %dma_wait3A_1343 = tpu.memref_squeeze %dma_wait3A_1342 : memref<1x64xf32, #tpu.memory_space<vmem>> -> memref<64xf32, #tpu.memory_space<vmem>>
      %dma_wait3A_1344 = arith.constant 0 : i32
      %dma_wait3A_1345 = tpu.memref_slice %arg5[%squeeze3A_1113, %dma_wait3A_1344] : memref<1000000x64xf32, #tpu.memory_space<hbm>> -> memref<1x64xf32, #tpu.memory_space<hbm>>
      %dma_wait3A_1346 = tpu.memref_squeeze %dma_wait3A_1345 : memref<1x64xf32, #tpu.memory_space<hbm>> -> memref<64xf32, #tpu.memory_space<hbm>>
      %dma_wait3A_1347 = arith.constant 0 : i32
      %dma_wait3A_1348 = tpu.memref_slice %arg11[%dma_wait3A_1340, %dma_wait3A_1347] : memref<32x128xf32, #tpu.memory_space<vmem>> -> memref<1x64xf32, #tpu.memory_space<vmem>>
      %dma_wait3A_1349 = tpu.memref_squeeze %dma_wait3A_1348 : memref<1x64xf32, #tpu.memory_space<vmem>> -> memref<64xf32, #tpu.memory_space<vmem>>
      %dma_wait3A_1350 = arith.constant 0 : i32
      %dma_wait3A_1351 = tpu.memref_slice %arg5[%squeeze3A_1113, %dma_wait3A_1350] : memref<1000000x64xf32, #tpu.memory_space<hbm>> -> memref<1x64xf32, #tpu.memory_space<hbm>>
      %dma_wait3A_1352 = tpu.memref_squeeze %dma_wait3A_1351 : memref<1x64xf32, #tpu.memory_space<hbm>> -> memref<64xf32, #tpu.memory_space<hbm>>
      tpu.wait_dma2 semaphore(%arg17 : memref<!tpu.dma_semaphore, #tpu.memory_space<semaphore_mem>>) src(%dma_wait3A_1352 : memref<64xf32, #tpu.memory_space<hbm>>) dst(%dma_wait3A_1349 : memref<64xf32, #tpu.memory_space<vmem>>)
      %dma_wait3A_1353 = arith.constant 7 : i32
      %dma_wait3A_1354 = arith.constant 0 : i32
      %dma_wait3A_1355 = tpu.memref_slice %arg11[%dma_wait3A_1353, %dma_wait3A_1354] : memref<32x128xf32, #tpu.memory_space<vmem>> -> memref<1x64xf32, #tpu.memory_space<vmem>>
      %dma_wait3A_1356 = tpu.memref_squeeze %dma_wait3A_1355 : memref<1x64xf32, #tpu.memory_space<vmem>> -> memref<64xf32, #tpu.memory_space<vmem>>
      %dma_wait3A_1357 = arith.constant 0 : i32
      %dma_wait3A_1358 = tpu.memref_slice %arg5[%squeeze3A_1128, %dma_wait3A_1357] : memref<1000000x64xf32, #tpu.memory_space<hbm>> -> memref<1x64xf32, #tpu.memory_space<hbm>>
      %dma_wait3A_1359 = tpu.memref_squeeze %dma_wait3A_1358 : memref<1x64xf32, #tpu.memory_space<hbm>> -> memref<64xf32, #tpu.memory_space<hbm>>
      %dma_wait3A_1360 = arith.constant 0 : i32
      %dma_wait3A_1361 = tpu.memref_slice %arg11[%dma_wait3A_1353, %dma_wait3A_1360] : memref<32x128xf32, #tpu.memory_space<vmem>> -> memref<1x64xf32, #tpu.memory_space<vmem>>
      %dma_wait3A_1362 = tpu.memref_squeeze %dma_wait3A_1361 : memref<1x64xf32, #tpu.memory_space<vmem>> -> memref<64xf32, #tpu.memory_space<vmem>>
      %dma_wait3A_1363 = arith.constant 0 : i32
      %dma_wait3A_1364 = tpu.memref_slice %arg5[%squeeze3A_1128, %dma_wait3A_1363] : memref<1000000x64xf32, #tpu.memory_space<hbm>> -> memref<1x64xf32, #tpu.memory_space<hbm>>
      %dma_wait3A_1365 = tpu.memref_squeeze %dma_wait3A_1364 : memref<1x64xf32, #tpu.memory_space<hbm>> -> memref<64xf32, #tpu.memory_space<hbm>>
      tpu.wait_dma2 semaphore(%arg17 : memref<!tpu.dma_semaphore, #tpu.memory_space<semaphore_mem>>) src(%dma_wait3A_1365 : memref<64xf32, #tpu.memory_space<hbm>>) dst(%dma_wait3A_1362 : memref<64xf32, #tpu.memory_space<vmem>>)
      %dma_wait3A_1366 = arith.constant 8 : i32
      %dma_wait3A_1367 = arith.constant 0 : i32
      %dma_wait3A_1368 = tpu.memref_slice %arg11[%dma_wait3A_1366, %dma_wait3A_1367] : memref<32x128xf32, #tpu.memory_space<vmem>> -> memref<1x64xf32, #tpu.memory_space<vmem>>
      %dma_wait3A_1369 = tpu.memref_squeeze %dma_wait3A_1368 : memref<1x64xf32, #tpu.memory_space<vmem>> -> memref<64xf32, #tpu.memory_space<vmem>>
      %dma_wait3A_1370 = arith.constant 0 : i32
      %dma_wait3A_1371 = tpu.memref_slice %arg5[%squeeze3A_1143, %dma_wait3A_1370] : memref<1000000x64xf32, #tpu.memory_space<hbm>> -> memref<1x64xf32, #tpu.memory_space<hbm>>
      %dma_wait3A_1372 = tpu.memref_squeeze %dma_wait3A_1371 : memref<1x64xf32, #tpu.memory_space<hbm>> -> memref<64xf32, #tpu.memory_space<hbm>>
      %dma_wait3A_1373 = arith.constant 0 : i32
      %dma_wait3A_1374 = tpu.memref_slice %arg11[%dma_wait3A_1366, %dma_wait3A_1373] : memref<32x128xf32, #tpu.memory_space<vmem>> -> memref<1x64xf32, #tpu.memory_space<vmem>>
      %dma_wait3A_1375 = tpu.memref_squeeze %dma_wait3A_1374 : memref<1x64xf32, #tpu.memory_space<vmem>> -> memref<64xf32, #tpu.memory_space<vmem>>
      %dma_wait3A_1376 = arith.constant 0 : i32
      %dma_wait3A_1377 = tpu.memref_slice %arg5[%squeeze3A_1143, %dma_wait3A_1376] : memref<1000000x64xf32, #tpu.memory_space<hbm>> -> memref<1x64xf32, #tpu.memory_space<hbm>>
      %dma_wait3A_1378 = tpu.memref_squeeze %dma_wait3A_1377 : memref<1x64xf32, #tpu.memory_space<hbm>> -> memref<64xf32, #tpu.memory_space<hbm>>
      tpu.wait_dma2 semaphore(%arg17 : memref<!tpu.dma_semaphore, #tpu.memory_space<semaphore_mem>>) src(%dma_wait3A_1378 : memref<64xf32, #tpu.memory_space<hbm>>) dst(%dma_wait3A_1375 : memref<64xf32, #tpu.memory_space<vmem>>)
      %dma_wait3A_1379 = arith.constant 9 : i32
      %dma_wait3A_1380 = arith.constant 0 : i32
      %dma_wait3A_1381 = tpu.memref_slice %arg11[%dma_wait3A_1379, %dma_wait3A_1380] : memref<32x128xf32, #tpu.memory_space<vmem>> -> memref<1x64xf32, #tpu.memory_space<vmem>>
      %dma_wait3A_1382 = tpu.memref_squeeze %dma_wait3A_1381 : memref<1x64xf32, #tpu.memory_space<vmem>> -> memref<64xf32, #tpu.memory_space<vmem>>
      %dma_wait3A_1383 = arith.constant 0 : i32
      %dma_wait3A_1384 = tpu.memref_slice %arg5[%squeeze3A_1158, %dma_wait3A_1383] : memref<1000000x64xf32, #tpu.memory_space<hbm>> -> memref<1x64xf32, #tpu.memory_space<hbm>>
      %dma_wait3A_1385 = tpu.memref_squeeze %dma_wait3A_1384 : memref<1x64xf32, #tpu.memory_space<hbm>> -> memref<64xf32, #tpu.memory_space<hbm>>
      %dma_wait3A_1386 = arith.constant 0 : i32
      %dma_wait3A_1387 = tpu.memref_slice %arg11[%dma_wait3A_1379, %dma_wait3A_1386] : memref<32x128xf32, #tpu.memory_space<vmem>> -> memref<1x64xf32, #tpu.memory_space<vmem>>
      %dma_wait3A_1388 = tpu.memref_squeeze %dma_wait3A_1387 : memref<1x64xf32, #tpu.memory_space<vmem>> -> memref<64xf32, #tpu.memory_space<vmem>>
      %dma_wait3A_1389 = arith.constant 0 : i32
      %dma_wait3A_1390 = tpu.memref_slice %arg5[%squeeze3A_1158, %dma_wait3A_1389] : memref<1000000x64xf32, #tpu.memory_space<hbm>> -> memref<1x64xf32, #tpu.memory_space<hbm>>
      %dma_wait3A_1391 = tpu.memref_squeeze %dma_wait3A_1390 : memref<1x64xf32, #tpu.memory_space<hbm>> -> memref<64xf32, #tpu.memory_space<hbm>>
      tpu.wait_dma2 semaphore(%arg17 : memref<!tpu.dma_semaphore, #tpu.memory_space<semaphore_mem>>) src(%dma_wait3A_1391 : memref<64xf32, #tpu.memory_space<hbm>>) dst(%dma_wait3A_1388 : memref<64xf32, #tpu.memory_space<vmem>>)
      %dma_wait3A_1392 = arith.constant 10 : i32
      %dma_wait3A_1393 = arith.constant 0 : i32
      %dma_wait3A_1394 = tpu.memref_slice %arg11[%dma_wait3A_1392, %dma_wait3A_1393] : memref<32x128xf32, #tpu.memory_space<vmem>> -> memref<1x64xf32, #tpu.memory_space<vmem>>
      %dma_wait3A_1395 = tpu.memref_squeeze %dma_wait3A_1394 : memref<1x64xf32, #tpu.memory_space<vmem>> -> memref<64xf32, #tpu.memory_space<vmem>>
      %dma_wait3A_1396 = arith.constant 0 : i32
      %dma_wait3A_1397 = tpu.memref_slice %arg5[%squeeze3A_1173, %dma_wait3A_1396] : memref<1000000x64xf32, #tpu.memory_space<hbm>> -> memref<1x64xf32, #tpu.memory_space<hbm>>
      %dma_wait3A_1398 = tpu.memref_squeeze %dma_wait3A_1397 : memref<1x64xf32, #tpu.memory_space<hbm>> -> memref<64xf32, #tpu.memory_space<hbm>>
      %dma_wait3A_1399 = arith.constant 0 : i32
      %dma_wait3A_1400 = tpu.memref_slice %arg11[%dma_wait3A_1392, %dma_wait3A_1399] : memref<32x128xf32, #tpu.memory_space<vmem>> -> memref<1x64xf32, #tpu.memory_space<vmem>>
      %dma_wait3A_1401 = tpu.memref_squeeze %dma_wait3A_1400 : memref<1x64xf32, #tpu.memory_space<vmem>> -> memref<64xf32, #tpu.memory_space<vmem>>
      %dma_wait3A_1402 = arith.constant 0 : i32
      %dma_wait3A_1403 = tpu.memref_slice %arg5[%squeeze3A_1173, %dma_wait3A_1402] : memref<1000000x64xf32, #tpu.memory_space<hbm>> -> memref<1x64xf32, #tpu.memory_space<hbm>>
      %dma_wait3A_1404 = tpu.memref_squeeze %dma_wait3A_1403 : memref<1x64xf32, #tpu.memory_space<hbm>> -> memref<64xf32, #tpu.memory_space<hbm>>
      tpu.wait_dma2 semaphore(%arg17 : memref<!tpu.dma_semaphore, #tpu.memory_space<semaphore_mem>>) src(%dma_wait3A_1404 : memref<64xf32, #tpu.memory_space<hbm>>) dst(%dma_wait3A_1401 : memref<64xf32, #tpu.memory_space<vmem>>)
      %dma_wait3A_1405 = arith.constant 11 : i32
      %dma_wait3A_1406 = arith.constant 0 : i32
      %dma_wait3A_1407 = tpu.memref_slice %arg11[%dma_wait3A_1405, %dma_wait3A_1406] : memref<32x128xf32, #tpu.memory_space<vmem>> -> memref<1x64xf32, #tpu.memory_space<vmem>>
      %dma_wait3A_1408 = tpu.memref_squeeze %dma_wait3A_1407 : memref<1x64xf32, #tpu.memory_space<vmem>> -> memref<64xf32, #tpu.memory_space<vmem>>
      %dma_wait3A_1409 = arith.constant 0 : i32
      %dma_wait3A_1410 = tpu.memref_slice %arg5[%squeeze3A_1188, %dma_wait3A_1409] : memref<1000000x64xf32, #tpu.memory_space<hbm>> -> memref<1x64xf32, #tpu.memory_space<hbm>>
      %dma_wait3A_1411 = tpu.memref_squeeze %dma_wait3A_1410 : memref<1x64xf32, #tpu.memory_space<hbm>> -> memref<64xf32, #tpu.memory_space<hbm>>
      %dma_wait3A_1412 = arith.constant 0 : i32
      %dma_wait3A_1413 = tpu.memref_slice %arg11[%dma_wait3A_1405, %dma_wait3A_1412] : memref<32x128xf32, #tpu.memory_space<vmem>> -> memref<1x64xf32, #tpu.memory_space<vmem>>
      %dma_wait3A_1414 = tpu.memref_squeeze %dma_wait3A_1413 : memref<1x64xf32, #tpu.memory_space<vmem>> -> memref<64xf32, #tpu.memory_space<vmem>>
      %dma_wait3A_1415 = arith.constant 0 : i32
      %dma_wait3A_1416 = tpu.memref_slice %arg5[%squeeze3A_1188, %dma_wait3A_1415] : memref<1000000x64xf32, #tpu.memory_space<hbm>> -> memref<1x64xf32, #tpu.memory_space<hbm>>
      %dma_wait3A_1417 = tpu.memref_squeeze %dma_wait3A_1416 : memref<1x64xf32, #tpu.memory_space<hbm>> -> memref<64xf32, #tpu.memory_space<hbm>>
      tpu.wait_dma2 semaphore(%arg17 : memref<!tpu.dma_semaphore, #tpu.memory_space<semaphore_mem>>) src(%dma_wait3A_1417 : memref<64xf32, #tpu.memory_space<hbm>>) dst(%dma_wait3A_1414 : memref<64xf32, #tpu.memory_space<vmem>>)
      %dma_wait3A_1418 = arith.constant 12 : i32
      %dma_wait3A_1419 = arith.constant 0 : i32
      %dma_wait3A_1420 = tpu.memref_slice %arg11[%dma_wait3A_1418, %dma_wait3A_1419] : memref<32x128xf32, #tpu.memory_space<vmem>> -> memref<1x64xf32, #tpu.memory_space<vmem>>
      %dma_wait3A_1421 = tpu.memref_squeeze %dma_wait3A_1420 : memref<1x64xf32, #tpu.memory_space<vmem>> -> memref<64xf32, #tpu.memory_space<vmem>>
      %dma_wait3A_1422 = arith.constant 0 : i32
      %dma_wait3A_1423 = tpu.memref_slice %arg5[%squeeze3A_1203, %dma_wait3A_1422] : memref<1000000x64xf32, #tpu.memory_space<hbm>> -> memref<1x64xf32, #tpu.memory_space<hbm>>
      %dma_wait3A_1424 = tpu.memref_squeeze %dma_wait3A_1423 : memref<1x64xf32, #tpu.memory_space<hbm>> -> memref<64xf32, #tpu.memory_space<hbm>>
      %dma_wait3A_1425 = arith.constant 0 : i32
      %dma_wait3A_1426 = tpu.memref_slice %arg11[%dma_wait3A_1418, %dma_wait3A_1425] : memref<32x128xf32, #tpu.memory_space<vmem>> -> memref<1x64xf32, #tpu.memory_space<vmem>>
      %dma_wait3A_1427 = tpu.memref_squeeze %dma_wait3A_1426 : memref<1x64xf32, #tpu.memory_space<vmem>> -> memref<64xf32, #tpu.memory_space<vmem>>
      %dma_wait3A_1428 = arith.constant 0 : i32
      %dma_wait3A_1429 = tpu.memref_slice %arg5[%squeeze3A_1203, %dma_wait3A_1428] : memref<1000000x64xf32, #tpu.memory_space<hbm>> -> memref<1x64xf32, #tpu.memory_space<hbm>>
      %dma_wait3A_1430 = tpu.memref_squeeze %dma_wait3A_1429 : memref<1x64xf32, #tpu.memory_space<hbm>> -> memref<64xf32, #tpu.memory_space<hbm>>
      tpu.wait_dma2 semaphore(%arg17 : memref<!tpu.dma_semaphore, #tpu.memory_space<semaphore_mem>>) src(%dma_wait3A_1430 : memref<64xf32, #tpu.memory_space<hbm>>) dst(%dma_wait3A_1427 : memref<64xf32, #tpu.memory_space<vmem>>)
      %dma_wait3A_1431 = arith.constant 13 : i32
      %dma_wait3A_1432 = arith.constant 0 : i32
      %dma_wait3A_1433 = tpu.memref_slice %arg11[%dma_wait3A_1431, %dma_wait3A_1432] : memref<32x128xf32, #tpu.memory_space<vmem>> -> memref<1x64xf32, #tpu.memory_space<vmem>>
      %dma_wait3A_1434 = tpu.memref_squeeze %dma_wait3A_1433 : memref<1x64xf32, #tpu.memory_space<vmem>> -> memref<64xf32, #tpu.memory_space<vmem>>
      %dma_wait3A_1435 = arith.constant 0 : i32
      %dma_wait3A_1436 = tpu.memref_slice %arg5[%squeeze3A_1218, %dma_wait3A_1435] : memref<1000000x64xf32, #tpu.memory_space<hbm>> -> memref<1x64xf32, #tpu.memory_space<hbm>>
      %dma_wait3A_1437 = tpu.memref_squeeze %dma_wait3A_1436 : memref<1x64xf32, #tpu.memory_space<hbm>> -> memref<64xf32, #tpu.memory_space<hbm>>
      %dma_wait3A_1438 = arith.constant 0 : i32
      %dma_wait3A_1439 = tpu.memref_slice %arg11[%dma_wait3A_1431, %dma_wait3A_1438] : memref<32x128xf32, #tpu.memory_space<vmem>> -> memref<1x64xf32, #tpu.memory_space<vmem>>
      %dma_wait3A_1440 = tpu.memref_squeeze %dma_wait3A_1439 : memref<1x64xf32, #tpu.memory_space<vmem>> -> memref<64xf32, #tpu.memory_space<vmem>>
      %dma_wait3A_1441 = arith.constant 0 : i32
      %dma_wait3A_1442 = tpu.memref_slice %arg5[%squeeze3A_1218, %dma_wait3A_1441] : memref<1000000x64xf32, #tpu.memory_space<hbm>> -> memref<1x64xf32, #tpu.memory_space<hbm>>
      %dma_wait3A_1443 = tpu.memref_squeeze %dma_wait3A_1442 : memref<1x64xf32, #tpu.memory_space<hbm>> -> memref<64xf32, #tpu.memory_space<hbm>>
      tpu.wait_dma2 semaphore(%arg17 : memref<!tpu.dma_semaphore, #tpu.memory_space<semaphore_mem>>) src(%dma_wait3A_1443 : memref<64xf32, #tpu.memory_space<hbm>>) dst(%dma_wait3A_1440 : memref<64xf32, #tpu.memory_space<vmem>>)
      %dma_wait3A_1444 = arith.constant 14 : i32
      %dma_wait3A_1445 = arith.constant 0 : i32
      %dma_wait3A_1446 = tpu.memref_slice %arg11[%dma_wait3A_1444, %dma_wait3A_1445] : memref<32x128xf32, #tpu.memory_space<vmem>> -> memref<1x64xf32, #tpu.memory_space<vmem>>
      %dma_wait3A_1447 = tpu.memref_squeeze %dma_wait3A_1446 : memref<1x64xf32, #tpu.memory_space<vmem>> -> memref<64xf32, #tpu.memory_space<vmem>>
      %dma_wait3A_1448 = arith.constant 0 : i32
      %dma_wait3A_1449 = tpu.memref_slice %arg5[%squeeze3A_1233, %dma_wait3A_1448] : memref<1000000x64xf32, #tpu.memory_space<hbm>> -> memref<1x64xf32, #tpu.memory_space<hbm>>
      %dma_wait3A_1450 = tpu.memref_squeeze %dma_wait3A_1449 : memref<1x64xf32, #tpu.memory_space<hbm>> -> memref<64xf32, #tpu.memory_space<hbm>>
      %dma_wait3A_1451 = arith.constant 0 : i32
      %dma_wait3A_1452 = tpu.memref_slice %arg11[%dma_wait3A_1444, %dma_wait3A_1451] : memref<32x128xf32, #tpu.memory_space<vmem>> -> memref<1x64xf32, #tpu.memory_space<vmem>>
      %dma_wait3A_1453 = tpu.memref_squeeze %dma_wait3A_1452 : memref<1x64xf32, #tpu.memory_space<vmem>> -> memref<64xf32, #tpu.memory_space<vmem>>
      %dma_wait3A_1454 = arith.constant 0 : i32
      %dma_wait3A_1455 = tpu.memref_slice %arg5[%squeeze3A_1233, %dma_wait3A_1454] : memref<1000000x64xf32, #tpu.memory_space<hbm>> -> memref<1x64xf32, #tpu.memory_space<hbm>>
      %dma_wait3A_1456 = tpu.memref_squeeze %dma_wait3A_1455 : memref<1x64xf32, #tpu.memory_space<hbm>> -> memref<64xf32, #tpu.memory_space<hbm>>
      tpu.wait_dma2 semaphore(%arg17 : memref<!tpu.dma_semaphore, #tpu.memory_space<semaphore_mem>>) src(%dma_wait3A_1456 : memref<64xf32, #tpu.memory_space<hbm>>) dst(%dma_wait3A_1453 : memref<64xf32, #tpu.memory_space<vmem>>)
      %dma_wait3A_1457 = arith.constant 15 : i32
      %dma_wait3A_1458 = arith.constant 0 : i32
      %dma_wait3A_1459 = tpu.memref_slice %arg11[%dma_wait3A_1457, %dma_wait3A_1458] : memref<32x128xf32, #tpu.memory_space<vmem>> -> memref<1x64xf32, #tpu.memory_space<vmem>>
      %dma_wait3A_1460 = tpu.memref_squeeze %dma_wait3A_1459 : memref<1x64xf32, #tpu.memory_space<vmem>> -> memref<64xf32, #tpu.memory_space<vmem>>
      %dma_wait3A_1461 = arith.constant 0 : i32
      %dma_wait3A_1462 = tpu.memref_slice %arg5[%squeeze3A_1248, %dma_wait3A_1461] : memref<1000000x64xf32, #tpu.memory_space<hbm>> -> memref<1x64xf32, #tpu.memory_space<hbm>>
      %dma_wait3A_1463 = tpu.memref_squeeze %dma_wait3A_1462 : memref<1x64xf32, #tpu.memory_space<hbm>> -> memref<64xf32, #tpu.memory_space<hbm>>
      %dma_wait3A_1464 = arith.constant 0 : i32
      %dma_wait3A_1465 = tpu.memref_slice %arg11[%dma_wait3A_1457, %dma_wait3A_1464] : memref<32x128xf32, #tpu.memory_space<vmem>> -> memref<1x64xf32, #tpu.memory_space<vmem>>
      %dma_wait3A_1466 = tpu.memref_squeeze %dma_wait3A_1465 : memref<1x64xf32, #tpu.memory_space<vmem>> -> memref<64xf32, #tpu.memory_space<vmem>>
      %dma_wait3A_1467 = arith.constant 0 : i32
      %dma_wait3A_1468 = tpu.memref_slice %arg5[%squeeze3A_1248, %dma_wait3A_1467] : memref<1000000x64xf32, #tpu.memory_space<hbm>> -> memref<1x64xf32, #tpu.memory_space<hbm>>
      %dma_wait3A_1469 = tpu.memref_squeeze %dma_wait3A_1468 : memref<1x64xf32, #tpu.memory_space<hbm>> -> memref<64xf32, #tpu.memory_space<hbm>>
      tpu.wait_dma2 semaphore(%arg17 : memref<!tpu.dma_semaphore, #tpu.memory_space<semaphore_mem>>) src(%dma_wait3A_1469 : memref<64xf32, #tpu.memory_space<hbm>>) dst(%dma_wait3A_1466 : memref<64xf32, #tpu.memory_space<vmem>>)
      %dma_wait3A_1470 = arith.constant 336 : i32
      %dma_wait3A_1471 = arith.constant 0 : i32
      %dma_wait3A_1472 = tpu.memref_slice %arg12[%dma_wait3A_1470, %dma_wait3A_1471] : memref<672x128xf32, #tpu.memory_space<vmem>> -> memref<336x128xf32, #tpu.memory_space<vmem>>
      %dma_wait3A_1473 = arith.constant 0 : i32
      %dma_wait3A_1474 = arith.constant 0 : i32
      %dma_wait3A_1475 = tpu.memref_slice %arg6[%dma_wait3A_1473, %dma_wait3A_1474] : memref<1000000x128xf32, #tpu.memory_space<hbm>> -> memref<1000000x128xf32, #tpu.memory_space<hbm>>
      tpu.wait_indirect_dma semaphore(%arg16 : memref<!tpu.dma_semaphore, #tpu.memory_space<semaphore_mem>>) src(%dma_wait3A_1475 : memref<1000000x128xf32, #tpu.memory_space<hbm>>) dst(%dma_wait3A_1472 : memref<336x128xf32, #tpu.memory_space<vmem>>)
      %mul3A_1476 = arith.constant 512 : i32
      %mul3A_1477 = arith.muli %add3A, %mul3A_1476 : i32
      %mul3A_1478 = arith.constant 16 : i32
      %mul3A_1479 = arith.muli %add3A_994, %mul3A_1478 : i32
      %add3A_1480 = arith.addi %mul3A_1477, %mul3A_1479 : i32
      %mul3A_1481 = arith.constant 21 : i32
      %mul3A_1482 = arith.muli %add3A_1480, %mul3A_1481 : i32
      %mul3A_1483 = arith.constant 336 : i32
      %mul3A_1484 = arith.muli %add3A_994, %mul3A_1483 : i32
      %scan3A_1485 = arith.constant 0 : i32
      %scan3A_1486 = arith.constant 0 : i32
      %scan3A_1487 = arith.constant 21 : i32
      %scan3A_1488 = arith.addi %scan3A_1486, %scan3A_1487 : i32
      %scan3A_1489 = arith.constant 1 : i32
      scf.for %scan3A_1491 = %scan3A_1486 to %scan3A_1488 step %scan3A_1489  : i32 {
        %mul3A_1492 = arith.constant 16 : i32
        %mul3A_1493 = arith.muli %scan3A_1491, %mul3A_1492 : i32
        %get3A_1494 = arith.index_cast %mul3A_1493 : i32 to index
        %get3A_1495 = tpu.vector_load %arg14[%get3A_1494] {strides = array<i32>} : memref<336xi32, #tpu.memory_space<vmem>>, vector<16xi32>,
        %get3A_1496 = vector.shape_cast %get3A_1495 : vector<16xi32> to vector<16xi32>
        %broadcast_in_dim3A = arith.constant 0.000000e+00 : f32
        %broadcast_in_dim3A_1497 = vector.broadcast %broadcast_in_dim3A : f32 to vector<16xf32>
        %mul3A_1498 = arith.constant 16 : i32
        %mul3A_1499 = arith.muli %scan3A_1491, %mul3A_1498 : i32
        %add3A_1500 = arith.constant 336 : i32
        %add3A_1501 = arith.addi %add3A_1500, %mul3A_1499 : i32
        %add3A_1502 = arith.constant 0 : i32
        %add3A_1503 = arith.addi %add3A_1501, %add3A_1502 : i32
        %slice3A_1504 = vector.extract_strided_slice %get3A_1496 {offsets = [0], sizes = [1], strides = [1]} : vector<16xi32> to vector<1xi32>
        %squeeze3A_1505 = vector.extract %slice3A_1504[0] : i32 from vector<1xi32>
        %add3A_1506 = arith.constant 16 : i32
        %add3A_1507 = arith.addi %add3A_1506, %squeeze3A_1505 : i32
        %get3A_1508 = arith.index_cast %add3A_1507 : i32 to index
        %get3A_1509 = arith.constant 0 : index
        %get3A_1510 = tpu.vector_load %arg11[%get3A_1508, %get3A_1509] {strides = array<i32>} : memref<32x128xf32, #tpu.memory_space<vmem>>, vector<1x16xf32>,
        %get3A_1511 = vector.shape_cast %get3A_1510 : vector<1x16xf32> to vector<16xf32>
        %get3A_1512 = arith.index_cast %add3A_1503 : i32 to index
        %get3A_1513 = arith.constant 0 : index
        %get3A_1514 = tpu.vector_load %arg12[%get3A_1512, %get3A_1513] {strides = array<i32>} : memref<672x128xf32, #tpu.memory_space<vmem>>, vector<1x16xf32>,
        %get3A_1515 = vector.shape_cast %get3A_1514 : vector<1x16xf32> to vector<16xf32>
        %mul3A_1516 = arith.mulf %get3A_1511, %get3A_1515 : vector<16xf32>
        %get3A_1517 = arith.index_cast %add3A_1507 : i32 to index
        %get3A_1518 = arith.constant 16 : index
        %get3A_1519 = tpu.vector_load %arg11[%get3A_1517, %get3A_1518] {strides = array<i32>} : memref<32x128xf32, #tpu.memory_space<vmem>>, vector<1x16xf32>,
        %get3A_1520 = vector.shape_cast %get3A_1519 : vector<1x16xf32> to vector<16xf32>
        %get3A_1521 = arith.index_cast %add3A_1503 : i32 to index
        %get3A_1522 = arith.constant 16 : index
        %get3A_1523 = tpu.vector_load %arg12[%get3A_1521, %get3A_1522] {strides = array<i32>} : memref<672x128xf32, #tpu.memory_space<vmem>>, vector<1x16xf32>,
        %get3A_1524 = vector.shape_cast %get3A_1523 : vector<1x16xf32> to vector<16xf32>
        %mul3A_1525 = arith.mulf %get3A_1520, %get3A_1524 : vector<16xf32>
        %add3A_1526 = arith.addf %mul3A_1516, %mul3A_1525 : vector<16xf32>
        %get3A_1527 = arith.index_cast %add3A_1507 : i32 to index
        %get3A_1528 = arith.constant 32 : index
        %get3A_1529 = tpu.vector_load %arg11[%get3A_1527, %get3A_1528] {strides = array<i32>} : memref<32x128xf32, #tpu.memory_space<vmem>>, vector<1x16xf32>,
        %get3A_1530 = vector.shape_cast %get3A_1529 : vector<1x16xf32> to vector<16xf32>
        %get3A_1531 = arith.index_cast %add3A_1503 : i32 to index
        %get3A_1532 = arith.constant 32 : index
        %get3A_1533 = tpu.vector_load %arg12[%get3A_1531, %get3A_1532] {strides = array<i32>} : memref<672x128xf32, #tpu.memory_space<vmem>>, vector<1x16xf32>,
        %get3A_1534 = vector.shape_cast %get3A_1533 : vector<1x16xf32> to vector<16xf32>
        %mul3A_1535 = arith.mulf %get3A_1530, %get3A_1534 : vector<16xf32>
        %add3A_1536 = arith.addf %add3A_1526, %mul3A_1535 : vector<16xf32>
        %get3A_1537 = arith.index_cast %add3A_1507 : i32 to index
        %get3A_1538 = arith.constant 48 : index
        %get3A_1539 = tpu.vector_load %arg11[%get3A_1537, %get3A_1538] {strides = array<i32>} : memref<32x128xf32, #tpu.memory_space<vmem>>, vector<1x16xf32>,
        %get3A_1540 = vector.shape_cast %get3A_1539 : vector<1x16xf32> to vector<16xf32>
        %get3A_1541 = arith.index_cast %add3A_1503 : i32 to index
        %get3A_1542 = arith.constant 48 : index
        %get3A_1543 = tpu.vector_load %arg12[%get3A_1541, %get3A_1542] {strides = array<i32>} : memref<672x128xf32, #tpu.memory_space<vmem>>, vector<1x16xf32>,
        %get3A_1544 = vector.shape_cast %get3A_1543 : vector<1x16xf32> to vector<16xf32>
        %mul3A_1545 = arith.mulf %get3A_1540, %get3A_1544 : vector<16xf32>
        %add3A_1546 = arith.addf %add3A_1536, %mul3A_1545 : vector<16xf32>
        %eq3A = arith.constant 0 : i32
        %eq3A_1547 = vector.broadcast %eq3A : i32 to vector<16xi32>
        %eq3A_1548 = arith.cmpi eq, %iota3A, %eq3A_1547 : vector<16xi32>
        %broadcast_in_dim3A_1549 = vector.shape_cast %xor3A_2 : vector<16xi32> to vector<16x1xi32>
        %gather3A = vector.shape_cast %broadcast_in_dim3A_1549 : vector<16x1xi32> to vector<16xi32>
        %gather3A_1550 = tpu.dynamic_gather %add3A_1546[%gather3A] in [0] : vector<16xf32>, vector<16xi32> -> vector<16xf32>
        %add3A_1551 = arith.addf %add3A_1546, %gather3A_1550 : vector<16xf32>
        %broadcast_in_dim3A_1552 = vector.shape_cast %xor3A_5 : vector<16xi32> to vector<16x1xi32>
        %gather3A_1553 = vector.shape_cast %broadcast_in_dim3A_1552 : vector<16x1xi32> to vector<16xi32>
        %gather3A_1554 = tpu.dynamic_gather %add3A_1551[%gather3A_1553] in [0] : vector<16xf32>, vector<16xi32> -> vector<16xf32>
        %add3A_1555 = arith.addf %add3A_1551, %gather3A_1554 : vector<16xf32>
        %broadcast_in_dim3A_1556 = vector.shape_cast %xor3A_8 : vector<16xi32> to vector<16x1xi32>
        %gather3A_1557 = vector.shape_cast %broadcast_in_dim3A_1556 : vector<16x1xi32> to vector<16xi32>
        %gather3A_1558 = tpu.dynamic_gather %add3A_1555[%gather3A_1557] in [0] : vector<16xf32>, vector<16xi32> -> vector<16xf32>
        %add3A_1559 = arith.addf %add3A_1555, %gather3A_1558 : vector<16xf32>
        %broadcast_in_dim3A_1560 = vector.shape_cast %xor3A_11 : vector<16xi32> to vector<16x1xi32>
        %gather3A_1561 = vector.shape_cast %broadcast_in_dim3A_1560 : vector<16x1xi32> to vector<16xi32>
        %gather3A_1562 = tpu.dynamic_gather %add3A_1559[%gather3A_1561] in [0] : vector<16xf32>, vector<16xi32> -> vector<16xf32>
        %add3A_1563 = arith.addf %add3A_1559, %gather3A_1562 : vector<16xf32>
        %select_n3A = arith.select %eq3A_1548, %add3A_1563, %broadcast_in_dim3A_1497 : vector<16xi1>, vector<16xf32>
        %mul3A_1564 = arith.constant 16 : i32
        %mul3A_1565 = arith.muli %scan3A_1491, %mul3A_1564 : i32
        %add3A_1566 = arith.constant 336 : i32
        %add3A_1567 = arith.addi %add3A_1566, %mul3A_1565 : i32
        %add3A_1568 = arith.constant 1 : i32
        %add3A_1569 = arith.addi %add3A_1567, %add3A_1568 : i32
        %slice3A_1570 = vector.extract_strided_slice %get3A_1496 {offsets = [1], sizes = [1], strides = [1]} : vector<16xi32> to vector<1xi32>
        %squeeze3A_1571 = vector.extract %slice3A_1570[0] : i32 from vector<1xi32>
        %add3A_1572 = arith.constant 16 : i32
        %add3A_1573 = arith.addi %add3A_1572, %squeeze3A_1571 : i32
        %get3A_1574 = arith.index_cast %add3A_1573 : i32 to index
        %get3A_1575 = arith.constant 0 : index
        %get3A_1576 = tpu.vector_load %arg11[%get3A_1574, %get3A_1575] {strides = array<i32>} : memref<32x128xf32, #tpu.memory_space<vmem>>, vector<1x16xf32>,
        %get3A_1577 = vector.shape_cast %get3A_1576 : vector<1x16xf32> to vector<16xf32>
        %get3A_1578 = arith.index_cast %add3A_1569 : i32 to index
        %get3A_1579 = arith.constant 0 : index
        %get3A_1580 = tpu.vector_load %arg12[%get3A_1578, %get3A_1579] {strides = array<i32>} : memref<672x128xf32, #tpu.memory_space<vmem>>, vector<1x16xf32>,
        %get3A_1581 = vector.shape_cast %get3A_1580 : vector<1x16xf32> to vector<16xf32>
        %mul3A_1582 = arith.mulf %get3A_1577, %get3A_1581 : vector<16xf32>
        %get3A_1583 = arith.index_cast %add3A_1573 : i32 to index
        %get3A_1584 = arith.constant 16 : index
        %get3A_1585 = tpu.vector_load %arg11[%get3A_1583, %get3A_1584] {strides = array<i32>} : memref<32x128xf32, #tpu.memory_space<vmem>>, vector<1x16xf32>,
        %get3A_1586 = vector.shape_cast %get3A_1585 : vector<1x16xf32> to vector<16xf32>
        %get3A_1587 = arith.index_cast %add3A_1569 : i32 to index
        %get3A_1588 = arith.constant 16 : index
        %get3A_1589 = tpu.vector_load %arg12[%get3A_1587, %get3A_1588] {strides = array<i32>} : memref<672x128xf32, #tpu.memory_space<vmem>>, vector<1x16xf32>,
        %get3A_1590 = vector.shape_cast %get3A_1589 : vector<1x16xf32> to vector<16xf32>
        %mul3A_1591 = arith.mulf %get3A_1586, %get3A_1590 : vector<16xf32>
        %add3A_1592 = arith.addf %mul3A_1582, %mul3A_1591 : vector<16xf32>
        %get3A_1593 = arith.index_cast %add3A_1573 : i32 to index
        %get3A_1594 = arith.constant 32 : index
        %get3A_1595 = tpu.vector_load %arg11[%get3A_1593, %get3A_1594] {strides = array<i32>} : memref<32x128xf32, #tpu.memory_space<vmem>>, vector<1x16xf32>,
        %get3A_1596 = vector.shape_cast %get3A_1595 : vector<1x16xf32> to vector<16xf32>
        %get3A_1597 = arith.index_cast %add3A_1569 : i32 to index
        %get3A_1598 = arith.constant 32 : index
        %get3A_1599 = tpu.vector_load %arg12[%get3A_1597, %get3A_1598] {strides = array<i32>} : memref<672x128xf32, #tpu.memory_space<vmem>>, vector<1x16xf32>,
        %get3A_1600 = vector.shape_cast %get3A_1599 : vector<1x16xf32> to vector<16xf32>
        %mul3A_1601 = arith.mulf %get3A_1596, %get3A_1600 : vector<16xf32>
        %add3A_1602 = arith.addf %add3A_1592, %mul3A_1601 : vector<16xf32>
        %get3A_1603 = arith.index_cast %add3A_1573 : i32 to index
        %get3A_1604 = arith.constant 48 : index
        %get3A_1605 = tpu.vector_load %arg11[%get3A_1603, %get3A_1604] {strides = array<i32>} : memref<32x128xf32, #tpu.memory_space<vmem>>, vector<1x16xf32>,
        %get3A_1606 = vector.shape_cast %get3A_1605 : vector<1x16xf32> to vector<16xf32>
        %get3A_1607 = arith.index_cast %add3A_1569 : i32 to index
        %get3A_1608 = arith.constant 48 : index
        %get3A_1609 = tpu.vector_load %arg12[%get3A_1607, %get3A_1608] {strides = array<i32>} : memref<672x128xf32, #tpu.memory_space<vmem>>, vector<1x16xf32>,
        %get3A_1610 = vector.shape_cast %get3A_1609 : vector<1x16xf32> to vector<16xf32>
        %mul3A_1611 = arith.mulf %get3A_1606, %get3A_1610 : vector<16xf32>
        %add3A_1612 = arith.addf %add3A_1602, %mul3A_1611 : vector<16xf32>
        %eq3A_1613 = arith.constant 1 : i32
        %eq3A_1614 = vector.broadcast %eq3A_1613 : i32 to vector<16xi32>
        %eq3A_1615 = arith.cmpi eq, %iota3A, %eq3A_1614 : vector<16xi32>
        %broadcast_in_dim3A_1616 = vector.shape_cast %xor3A_2 : vector<16xi32> to vector<16x1xi32>
        %gather3A_1617 = vector.shape_cast %broadcast_in_dim3A_1616 : vector<16x1xi32> to vector<16xi32>
        %gather3A_1618 = tpu.dynamic_gather %add3A_1612[%gather3A_1617] in [0] : vector<16xf32>, vector<16xi32> -> vector<16xf32>
        %add3A_1619 = arith.addf %add3A_1612, %gather3A_1618 : vector<16xf32>
        %broadcast_in_dim3A_1620 = vector.shape_cast %xor3A_5 : vector<16xi32> to vector<16x1xi32>
        %gather3A_1621 = vector.shape_cast %broadcast_in_dim3A_1620 : vector<16x1xi32> to vector<16xi32>
        %gather3A_1622 = tpu.dynamic_gather %add3A_1619[%gather3A_1621] in [0] : vector<16xf32>, vector<16xi32> -> vector<16xf32>
        %add3A_1623 = arith.addf %add3A_1619, %gather3A_1622 : vector<16xf32>
        %broadcast_in_dim3A_1624 = vector.shape_cast %xor3A_8 : vector<16xi32> to vector<16x1xi32>
        %gather3A_1625 = vector.shape_cast %broadcast_in_dim3A_1624 : vector<16x1xi32> to vector<16xi32>
        %gather3A_1626 = tpu.dynamic_gather %add3A_1623[%gather3A_1625] in [0] : vector<16xf32>, vector<16xi32> -> vector<16xf32>
        %add3A_1627 = arith.addf %add3A_1623, %gather3A_1626 : vector<16xf32>
        %broadcast_in_dim3A_1628 = vector.shape_cast %xor3A_11 : vector<16xi32> to vector<16x1xi32>
        %gather3A_1629 = vector.shape_cast %broadcast_in_dim3A_1628 : vector<16x1xi32> to vector<16xi32>
        %gather3A_1630 = tpu.dynamic_gather %add3A_1627[%gather3A_1629] in [0] : vector<16xf32>, vector<16xi32> -> vector<16xf32>
        %add3A_1631 = arith.addf %add3A_1627, %gather3A_1630 : vector<16xf32>
        %select_n3A_1632 = arith.select %eq3A_1615, %add3A_1631, %select_n3A : vector<16xi1>, vector<16xf32>
        %mul3A_1633 = arith.constant 16 : i32
        %mul3A_1634 = arith.muli %scan3A_1491, %mul3A_1633 : i32
        %add3A_1635 = arith.constant 336 : i32
        %add3A_1636 = arith.addi %add3A_1635, %mul3A_1634 : i32
        %add3A_1637 = arith.constant 2 : i32
        %add3A_1638 = arith.addi %add3A_1636, %add3A_1637 : i32
        %slice3A_1639 = vector.extract_strided_slice %get3A_1496 {offsets = [2], sizes = [1], strides = [1]} : vector<16xi32> to vector<1xi32>
        %squeeze3A_1640 = vector.extract %slice3A_1639[0] : i32 from vector<1xi32>
        %add3A_1641 = arith.constant 16 : i32
        %add3A_1642 = arith.addi %add3A_1641, %squeeze3A_1640 : i32
        %get3A_1643 = arith.index_cast %add3A_1642 : i32 to index
        %get3A_1644 = arith.constant 0 : index
        %get3A_1645 = tpu.vector_load %arg11[%get3A_1643, %get3A_1644] {strides = array<i32>} : memref<32x128xf32, #tpu.memory_space<vmem>>, vector<1x16xf32>,
        %get3A_1646 = vector.shape_cast %get3A_1645 : vector<1x16xf32> to vector<16xf32>
        %get3A_1647 = arith.index_cast %add3A_1638 : i32 to index
        %get3A_1648 = arith.constant 0 : index
        %get3A_1649 = tpu.vector_load %arg12[%get3A_1647, %get3A_1648] {strides = array<i32>} : memref<672x128xf32, #tpu.memory_space<vmem>>, vector<1x16xf32>,
        %get3A_1650 = vector.shape_cast %get3A_1649 : vector<1x16xf32> to vector<16xf32>
        %mul3A_1651 = arith.mulf %get3A_1646, %get3A_1650 : vector<16xf32>
        %get3A_1652 = arith.index_cast %add3A_1642 : i32 to index
        %get3A_1653 = arith.constant 16 : index
        %get3A_1654 = tpu.vector_load %arg11[%get3A_1652, %get3A_1653] {strides = array<i32>} : memref<32x128xf32, #tpu.memory_space<vmem>>, vector<1x16xf32>,
        %get3A_1655 = vector.shape_cast %get3A_1654 : vector<1x16xf32> to vector<16xf32>
        %get3A_1656 = arith.index_cast %add3A_1638 : i32 to index
        %get3A_1657 = arith.constant 16 : index
        %get3A_1658 = tpu.vector_load %arg12[%get3A_1656, %get3A_1657] {strides = array<i32>} : memref<672x128xf32, #tpu.memory_space<vmem>>, vector<1x16xf32>,
        %get3A_1659 = vector.shape_cast %get3A_1658 : vector<1x16xf32> to vector<16xf32>
        %mul3A_1660 = arith.mulf %get3A_1655, %get3A_1659 : vector<16xf32>
        %add3A_1661 = arith.addf %mul3A_1651, %mul3A_1660 : vector<16xf32>
        %get3A_1662 = arith.index_cast %add3A_1642 : i32 to index
        %get3A_1663 = arith.constant 32 : index
        %get3A_1664 = tpu.vector_load %arg11[%get3A_1662, %get3A_1663] {strides = array<i32>} : memref<32x128xf32, #tpu.memory_space<vmem>>, vector<1x16xf32>,
        %get3A_1665 = vector.shape_cast %get3A_1664 : vector<1x16xf32> to vector<16xf32>
        %get3A_1666 = arith.index_cast %add3A_1638 : i32 to index
        %get3A_1667 = arith.constant 32 : index
        %get3A_1668 = tpu.vector_load %arg12[%get3A_1666, %get3A_1667] {strides = array<i32>} : memref<672x128xf32, #tpu.memory_space<vmem>>, vector<1x16xf32>,
        %get3A_1669 = vector.shape_cast %get3A_1668 : vector<1x16xf32> to vector<16xf32>
        %mul3A_1670 = arith.mulf %get3A_1665, %get3A_1669 : vector<16xf32>
        %add3A_1671 = arith.addf %add3A_1661, %mul3A_1670 : vector<16xf32>
        %get3A_1672 = arith.index_cast %add3A_1642 : i32 to index
        %get3A_1673 = arith.constant 48 : index
        %get3A_1674 = tpu.vector_load %arg11[%get3A_1672, %get3A_1673] {strides = array<i32>} : memref<32x128xf32, #tpu.memory_space<vmem>>, vector<1x16xf32>,
        %get3A_1675 = vector.shape_cast %get3A_1674 : vector<1x16xf32> to vector<16xf32>
        %get3A_1676 = arith.index_cast %add3A_1638 : i32 to index
        %get3A_1677 = arith.constant 48 : index
        %get3A_1678 = tpu.vector_load %arg12[%get3A_1676, %get3A_1677] {strides = array<i32>} : memref<672x128xf32, #tpu.memory_space<vmem>>, vector<1x16xf32>,
        %get3A_1679 = vector.shape_cast %get3A_1678 : vector<1x16xf32> to vector<16xf32>
        %mul3A_1680 = arith.mulf %get3A_1675, %get3A_1679 : vector<16xf32>
        %add3A_1681 = arith.addf %add3A_1671, %mul3A_1680 : vector<16xf32>
        %eq3A_1682 = arith.constant 2 : i32
        %eq3A_1683 = vector.broadcast %eq3A_1682 : i32 to vector<16xi32>
        %eq3A_1684 = arith.cmpi eq, %iota3A, %eq3A_1683 : vector<16xi32>
        %broadcast_in_dim3A_1685 = vector.shape_cast %xor3A_2 : vector<16xi32> to vector<16x1xi32>
        %gather3A_1686 = vector.shape_cast %broadcast_in_dim3A_1685 : vector<16x1xi32> to vector<16xi32>
        %gather3A_1687 = tpu.dynamic_gather %add3A_1681[%gather3A_1686] in [0] : vector<16xf32>, vector<16xi32> -> vector<16xf32>
        %add3A_1688 = arith.addf %add3A_1681, %gather3A_1687 : vector<16xf32>
        %broadcast_in_dim3A_1689 = vector.shape_cast %xor3A_5 : vector<16xi32> to vector<16x1xi32>
        %gather3A_1690 = vector.shape_cast %broadcast_in_dim3A_1689 : vector<16x1xi32> to vector<16xi32>
        %gather3A_1691 = tpu.dynamic_gather %add3A_1688[%gather3A_1690] in [0] : vector<16xf32>, vector<16xi32> -> vector<16xf32>
        %add3A_1692 = arith.addf %add3A_1688, %gather3A_1691 : vector<16xf32>
        %broadcast_in_dim3A_1693 = vector.shape_cast %xor3A_8 : vector<16xi32> to vector<16x1xi32>
        %gather3A_1694 = vector.shape_cast %broadcast_in_dim3A_1693 : vector<16x1xi32> to vector<16xi32>
        %gather3A_1695 = tpu.dynamic_gather %add3A_1692[%gather3A_1694] in [0] : vector<16xf32>, vector<16xi32> -> vector<16xf32>
        %add3A_1696 = arith.addf %add3A_1692, %gather3A_1695 : vector<16xf32>
        %broadcast_in_dim3A_1697 = vector.shape_cast %xor3A_11 : vector<16xi32> to vector<16x1xi32>
        %gather3A_1698 = vector.shape_cast %broadcast_in_dim3A_1697 : vector<16x1xi32> to vector<16xi32>
        %gather3A_1699 = tpu.dynamic_gather %add3A_1696[%gather3A_1698] in [0] : vector<16xf32>, vector<16xi32> -> vector<16xf32>
        %add3A_1700 = arith.addf %add3A_1696, %gather3A_1699 : vector<16xf32>
        %select_n3A_1701 = arith.select %eq3A_1684, %add3A_1700, %select_n3A_1632 : vector<16xi1>, vector<16xf32>
        %mul3A_1702 = arith.constant 16 : i32
        %mul3A_1703 = arith.muli %scan3A_1491, %mul3A_1702 : i32
        %add3A_1704 = arith.constant 336 : i32
        %add3A_1705 = arith.addi %add3A_1704, %mul3A_1703 : i32
        %add3A_1706 = arith.constant 3 : i32
        %add3A_1707 = arith.addi %add3A_1705, %add3A_1706 : i32
        %slice3A_1708 = vector.extract_strided_slice %get3A_1496 {offsets = [3], sizes = [1], strides = [1]} : vector<16xi32> to vector<1xi32>
        %squeeze3A_1709 = vector.extract %slice3A_1708[0] : i32 from vector<1xi32>
        %add3A_1710 = arith.constant 16 : i32
        %add3A_1711 = arith.addi %add3A_1710, %squeeze3A_1709 : i32
        %get3A_1712 = arith.index_cast %add3A_1711 : i32 to index
        %get3A_1713 = arith.constant 0 : index
        %get3A_1714 = tpu.vector_load %arg11[%get3A_1712, %get3A_1713] {strides = array<i32>} : memref<32x128xf32, #tpu.memory_space<vmem>>, vector<1x16xf32>,
        %get3A_1715 = vector.shape_cast %get3A_1714 : vector<1x16xf32> to vector<16xf32>
        %get3A_1716 = arith.index_cast %add3A_1707 : i32 to index
        %get3A_1717 = arith.constant 0 : index
        %get3A_1718 = tpu.vector_load %arg12[%get3A_1716, %get3A_1717] {strides = array<i32>} : memref<672x128xf32, #tpu.memory_space<vmem>>, vector<1x16xf32>,
        %get3A_1719 = vector.shape_cast %get3A_1718 : vector<1x16xf32> to vector<16xf32>
        %mul3A_1720 = arith.mulf %get3A_1715, %get3A_1719 : vector<16xf32>
        %get3A_1721 = arith.index_cast %add3A_1711 : i32 to index
        %get3A_1722 = arith.constant 16 : index
        %get3A_1723 = tpu.vector_load %arg11[%get3A_1721, %get3A_1722] {strides = array<i32>} : memref<32x128xf32, #tpu.memory_space<vmem>>, vector<1x16xf32>,
        %get3A_1724 = vector.shape_cast %get3A_1723 : vector<1x16xf32> to vector<16xf32>
        %get3A_1725 = arith.index_cast %add3A_1707 : i32 to index
        %get3A_1726 = arith.constant 16 : index
        %get3A_1727 = tpu.vector_load %arg12[%get3A_1725, %get3A_1726] {strides = array<i32>} : memref<672x128xf32, #tpu.memory_space<vmem>>, vector<1x16xf32>,
        %get3A_1728 = vector.shape_cast %get3A_1727 : vector<1x16xf32> to vector<16xf32>
        %mul3A_1729 = arith.mulf %get3A_1724, %get3A_1728 : vector<16xf32>
        %add3A_1730 = arith.addf %mul3A_1720, %mul3A_1729 : vector<16xf32>
        %get3A_1731 = arith.index_cast %add3A_1711 : i32 to index
        %get3A_1732 = arith.constant 32 : index
        %get3A_1733 = tpu.vector_load %arg11[%get3A_1731, %get3A_1732] {strides = array<i32>} : memref<32x128xf32, #tpu.memory_space<vmem>>, vector<1x16xf32>,
        %get3A_1734 = vector.shape_cast %get3A_1733 : vector<1x16xf32> to vector<16xf32>
        %get3A_1735 = arith.index_cast %add3A_1707 : i32 to index
        %get3A_1736 = arith.constant 32 : index
        %get3A_1737 = tpu.vector_load %arg12[%get3A_1735, %get3A_1736] {strides = array<i32>} : memref<672x128xf32, #tpu.memory_space<vmem>>, vector<1x16xf32>,
        %get3A_1738 = vector.shape_cast %get3A_1737 : vector<1x16xf32> to vector<16xf32>
        %mul3A_1739 = arith.mulf %get3A_1734, %get3A_1738 : vector<16xf32>
        %add3A_1740 = arith.addf %add3A_1730, %mul3A_1739 : vector<16xf32>
        %get3A_1741 = arith.index_cast %add3A_1711 : i32 to index
        %get3A_1742 = arith.constant 48 : index
        %get3A_1743 = tpu.vector_load %arg11[%get3A_1741, %get3A_1742] {strides = array<i32>} : memref<32x128xf32, #tpu.memory_space<vmem>>, vector<1x16xf32>,
        %get3A_1744 = vector.shape_cast %get3A_1743 : vector<1x16xf32> to vector<16xf32>
        %get3A_1745 = arith.index_cast %add3A_1707 : i32 to index
        %get3A_1746 = arith.constant 48 : index
        %get3A_1747 = tpu.vector_load %arg12[%get3A_1745, %get3A_1746] {strides = array<i32>} : memref<672x128xf32, #tpu.memory_space<vmem>>, vector<1x16xf32>,
        %get3A_1748 = vector.shape_cast %get3A_1747 : vector<1x16xf32> to vector<16xf32>
        %mul3A_1749 = arith.mulf %get3A_1744, %get3A_1748 : vector<16xf32>
        %add3A_1750 = arith.addf %add3A_1740, %mul3A_1749 : vector<16xf32>
        %eq3A_1751 = arith.constant 3 : i32
        %eq3A_1752 = vector.broadcast %eq3A_1751 : i32 to vector<16xi32>
        %eq3A_1753 = arith.cmpi eq, %iota3A, %eq3A_1752 : vector<16xi32>
        %broadcast_in_dim3A_1754 = vector.shape_cast %xor3A_2 : vector<16xi32> to vector<16x1xi32>
        %gather3A_1755 = vector.shape_cast %broadcast_in_dim3A_1754 : vector<16x1xi32> to vector<16xi32>
        %gather3A_1756 = tpu.dynamic_gather %add3A_1750[%gather3A_1755] in [0] : vector<16xf32>, vector<16xi32> -> vector<16xf32>
        %add3A_1757 = arith.addf %add3A_1750, %gather3A_1756 : vector<16xf32>
        %broadcast_in_dim3A_1758 = vector.shape_cast %xor3A_5 : vector<16xi32> to vector<16x1xi32>
        %gather3A_1759 = vector.shape_cast %broadcast_in_dim3A_1758 : vector<16x1xi32> to vector<16xi32>
        %gather3A_1760 = tpu.dynamic_gather %add3A_1757[%gather3A_1759] in [0] : vector<16xf32>, vector<16xi32> -> vector<16xf32>
        %add3A_1761 = arith.addf %add3A_1757, %gather3A_1760 : vector<16xf32>
        %broadcast_in_dim3A_1762 = vector.shape_cast %xor3A_8 : vector<16xi32> to vector<16x1xi32>
        %gather3A_1763 = vector.shape_cast %broadcast_in_dim3A_1762 : vector<16x1xi32> to vector<16xi32>
        %gather3A_1764 = tpu.dynamic_gather %add3A_1761[%gather3A_1763] in [0] : vector<16xf32>, vector<16xi32> -> vector<16xf32>
        %add3A_1765 = arith.addf %add3A_1761, %gather3A_1764 : vector<16xf32>
        %broadcast_in_dim3A_1766 = vector.shape_cast %xor3A_11 : vector<16xi32> to vector<16x1xi32>
        %gather3A_1767 = vector.shape_cast %broadcast_in_dim3A_1766 : vector<16x1xi32> to vector<16xi32>
        %gather3A_1768 = tpu.dynamic_gather %add3A_1765[%gather3A_1767] in [0] : vector<16xf32>, vector<16xi32> -> vector<16xf32>
        %add3A_1769 = arith.addf %add3A_1765, %gather3A_1768 : vector<16xf32>
        %select_n3A_1770 = arith.select %eq3A_1753, %add3A_1769, %select_n3A_1701 : vector<16xi1>, vector<16xf32>
        %mul3A_1771 = arith.constant 16 : i32
        %mul3A_1772 = arith.muli %scan3A_1491, %mul3A_1771 : i32
        %add3A_1773 = arith.constant 336 : i32
        %add3A_1774 = arith.addi %add3A_1773, %mul3A_1772 : i32
        %add3A_1775 = arith.constant 4 : i32
        %add3A_1776 = arith.addi %add3A_1774, %add3A_1775 : i32
        %slice3A_1777 = vector.extract_strided_slice %get3A_1496 {offsets = [4], sizes = [1], strides = [1]} : vector<16xi32> to vector<1xi32>
        %squeeze3A_1778 = vector.extract %slice3A_1777[0] : i32 from vector<1xi32>
        %add3A_1779 = arith.constant 16 : i32
        %add3A_1780 = arith.addi %add3A_1779, %squeeze3A_1778 : i32
        %get3A_1781 = arith.index_cast %add3A_1780 : i32 to index
        %get3A_1782 = arith.constant 0 : index
        %get3A_1783 = tpu.vector_load %arg11[%get3A_1781, %get3A_1782] {strides = array<i32>} : memref<32x128xf32, #tpu.memory_space<vmem>>, vector<1x16xf32>,
        %get3A_1784 = vector.shape_cast %get3A_1783 : vector<1x16xf32> to vector<16xf32>
        %get3A_1785 = arith.index_cast %add3A_1776 : i32 to index
        %get3A_1786 = arith.constant 0 : index
        %get3A_1787 = tpu.vector_load %arg12[%get3A_1785, %get3A_1786] {strides = array<i32>} : memref<672x128xf32, #tpu.memory_space<vmem>>, vector<1x16xf32>,
        %get3A_1788 = vector.shape_cast %get3A_1787 : vector<1x16xf32> to vector<16xf32>
        %mul3A_1789 = arith.mulf %get3A_1784, %get3A_1788 : vector<16xf32>
        %get3A_1790 = arith.index_cast %add3A_1780 : i32 to index
        %get3A_1791 = arith.constant 16 : index
        %get3A_1792 = tpu.vector_load %arg11[%get3A_1790, %get3A_1791] {strides = array<i32>} : memref<32x128xf32, #tpu.memory_space<vmem>>, vector<1x16xf32>,
        %get3A_1793 = vector.shape_cast %get3A_1792 : vector<1x16xf32> to vector<16xf32>
        %get3A_1794 = arith.index_cast %add3A_1776 : i32 to index
        %get3A_1795 = arith.constant 16 : index
        %get3A_1796 = tpu.vector_load %arg12[%get3A_1794, %get3A_1795] {strides = array<i32>} : memref<672x128xf32, #tpu.memory_space<vmem>>, vector<1x16xf32>,
        %get3A_1797 = vector.shape_cast %get3A_1796 : vector<1x16xf32> to vector<16xf32>
        %mul3A_1798 = arith.mulf %get3A_1793, %get3A_1797 : vector<16xf32>
        %add3A_1799 = arith.addf %mul3A_1789, %mul3A_1798 : vector<16xf32>
        %get3A_1800 = arith.index_cast %add3A_1780 : i32 to index
        %get3A_1801 = arith.constant 32 : index
        %get3A_1802 = tpu.vector_load %arg11[%get3A_1800, %get3A_1801] {strides = array<i32>} : memref<32x128xf32, #tpu.memory_space<vmem>>, vector<1x16xf32>,
        %get3A_1803 = vector.shape_cast %get3A_1802 : vector<1x16xf32> to vector<16xf32>
        %get3A_1804 = arith.index_cast %add3A_1776 : i32 to index
        %get3A_1805 = arith.constant 32 : index
        %get3A_1806 = tpu.vector_load %arg12[%get3A_1804, %get3A_1805] {strides = array<i32>} : memref<672x128xf32, #tpu.memory_space<vmem>>, vector<1x16xf32>,
        %get3A_1807 = vector.shape_cast %get3A_1806 : vector<1x16xf32> to vector<16xf32>
        %mul3A_1808 = arith.mulf %get3A_1803, %get3A_1807 : vector<16xf32>
        %add3A_1809 = arith.addf %add3A_1799, %mul3A_1808 : vector<16xf32>
        %get3A_1810 = arith.index_cast %add3A_1780 : i32 to index
        %get3A_1811 = arith.constant 48 : index
        %get3A_1812 = tpu.vector_load %arg11[%get3A_1810, %get3A_1811] {strides = array<i32>} : memref<32x128xf32, #tpu.memory_space<vmem>>, vector<1x16xf32>,
        %get3A_1813 = vector.shape_cast %get3A_1812 : vector<1x16xf32> to vector<16xf32>
        %get3A_1814 = arith.index_cast %add3A_1776 : i32 to index
        %get3A_1815 = arith.constant 48 : index
        %get3A_1816 = tpu.vector_load %arg12[%get3A_1814, %get3A_1815] {strides = array<i32>} : memref<672x128xf32, #tpu.memory_space<vmem>>, vector<1x16xf32>,
        %get3A_1817 = vector.shape_cast %get3A_1816 : vector<1x16xf32> to vector<16xf32>
        %mul3A_1818 = arith.mulf %get3A_1813, %get3A_1817 : vector<16xf32>
        %add3A_1819 = arith.addf %add3A_1809, %mul3A_1818 : vector<16xf32>
        %eq3A_1820 = arith.constant 4 : i32
        %eq3A_1821 = vector.broadcast %eq3A_1820 : i32 to vector<16xi32>
        %eq3A_1822 = arith.cmpi eq, %iota3A, %eq3A_1821 : vector<16xi32>
        %broadcast_in_dim3A_1823 = vector.shape_cast %xor3A_2 : vector<16xi32> to vector<16x1xi32>
        %gather3A_1824 = vector.shape_cast %broadcast_in_dim3A_1823 : vector<16x1xi32> to vector<16xi32>
        %gather3A_1825 = tpu.dynamic_gather %add3A_1819[%gather3A_1824] in [0] : vector<16xf32>, vector<16xi32> -> vector<16xf32>
        %add3A_1826 = arith.addf %add3A_1819, %gather3A_1825 : vector<16xf32>
        %broadcast_in_dim3A_1827 = vector.shape_cast %xor3A_5 : vector<16xi32> to vector<16x1xi32>
        %gather3A_1828 = vector.shape_cast %broadcast_in_dim3A_1827 : vector<16x1xi32> to vector<16xi32>
        %gather3A_1829 = tpu.dynamic_gather %add3A_1826[%gather3A_1828] in [0] : vector<16xf32>, vector<16xi32> -> vector<16xf32>
        %add3A_1830 = arith.addf %add3A_1826, %gather3A_1829 : vector<16xf32>
        %broadcast_in_dim3A_1831 = vector.shape_cast %xor3A_8 : vector<16xi32> to vector<16x1xi32>
        %gather3A_1832 = vector.shape_cast %broadcast_in_dim3A_1831 : vector<16x1xi32> to vector<16xi32>
        %gather3A_1833 = tpu.dynamic_gather %add3A_1830[%gather3A_1832] in [0] : vector<16xf32>, vector<16xi32> -> vector<16xf32>
        %add3A_1834 = arith.addf %add3A_1830, %gather3A_1833 : vector<16xf32>
        %broadcast_in_dim3A_1835 = vector.shape_cast %xor3A_11 : vector<16xi32> to vector<16x1xi32>
        %gather3A_1836 = vector.shape_cast %broadcast_in_dim3A_1835 : vector<16x1xi32> to vector<16xi32>
        %gather3A_1837 = tpu.dynamic_gather %add3A_1834[%gather3A_1836] in [0] : vector<16xf32>, vector<16xi32> -> vector<16xf32>
        %add3A_1838 = arith.addf %add3A_1834, %gather3A_1837 : vector<16xf32>
        %select_n3A_1839 = arith.select %eq3A_1822, %add3A_1838, %select_n3A_1770 : vector<16xi1>, vector<16xf32>
        %mul3A_1840 = arith.constant 16 : i32
        %mul3A_1841 = arith.muli %scan3A_1491, %mul3A_1840 : i32
        %add3A_1842 = arith.constant 336 : i32
        %add3A_1843 = arith.addi %add3A_1842, %mul3A_1841 : i32
        %add3A_1844 = arith.constant 5 : i32
        %add3A_1845 = arith.addi %add3A_1843, %add3A_1844 : i32
        %slice3A_1846 = vector.extract_strided_slice %get3A_1496 {offsets = [5], sizes = [1], strides = [1]} : vector<16xi32> to vector<1xi32>
        %squeeze3A_1847 = vector.extract %slice3A_1846[0] : i32 from vector<1xi32>
        %add3A_1848 = arith.constant 16 : i32
        %add3A_1849 = arith.addi %add3A_1848, %squeeze3A_1847 : i32
        %get3A_1850 = arith.index_cast %add3A_1849 : i32 to index
        %get3A_1851 = arith.constant 0 : index
        %get3A_1852 = tpu.vector_load %arg11[%get3A_1850, %get3A_1851] {strides = array<i32>} : memref<32x128xf32, #tpu.memory_space<vmem>>, vector<1x16xf32>,
        %get3A_1853 = vector.shape_cast %get3A_1852 : vector<1x16xf32> to vector<16xf32>
        %get3A_1854 = arith.index_cast %add3A_1845 : i32 to index
        %get3A_1855 = arith.constant 0 : index
        %get3A_1856 = tpu.vector_load %arg12[%get3A_1854, %get3A_1855] {strides = array<i32>} : memref<672x128xf32, #tpu.memory_space<vmem>>, vector<1x16xf32>,
        %get3A_1857 = vector.shape_cast %get3A_1856 : vector<1x16xf32> to vector<16xf32>
        %mul3A_1858 = arith.mulf %get3A_1853, %get3A_1857 : vector<16xf32>
        %get3A_1859 = arith.index_cast %add3A_1849 : i32 to index
        %get3A_1860 = arith.constant 16 : index
        %get3A_1861 = tpu.vector_load %arg11[%get3A_1859, %get3A_1860] {strides = array<i32>} : memref<32x128xf32, #tpu.memory_space<vmem>>, vector<1x16xf32>,
        %get3A_1862 = vector.shape_cast %get3A_1861 : vector<1x16xf32> to vector<16xf32>
        %get3A_1863 = arith.index_cast %add3A_1845 : i32 to index
        %get3A_1864 = arith.constant 16 : index
        %get3A_1865 = tpu.vector_load %arg12[%get3A_1863, %get3A_1864] {strides = array<i32>} : memref<672x128xf32, #tpu.memory_space<vmem>>, vector<1x16xf32>,
        %get3A_1866 = vector.shape_cast %get3A_1865 : vector<1x16xf32> to vector<16xf32>
        %mul3A_1867 = arith.mulf %get3A_1862, %get3A_1866 : vector<16xf32>
        %add3A_1868 = arith.addf %mul3A_1858, %mul3A_1867 : vector<16xf32>
        %get3A_1869 = arith.index_cast %add3A_1849 : i32 to index
        %get3A_1870 = arith.constant 32 : index
        %get3A_1871 = tpu.vector_load %arg11[%get3A_1869, %get3A_1870] {strides = array<i32>} : memref<32x128xf32, #tpu.memory_space<vmem>>, vector<1x16xf32>,
        %get3A_1872 = vector.shape_cast %get3A_1871 : vector<1x16xf32> to vector<16xf32>
        %get3A_1873 = arith.index_cast %add3A_1845 : i32 to index
        %get3A_1874 = arith.constant 32 : index
        %get3A_1875 = tpu.vector_load %arg12[%get3A_1873, %get3A_1874] {strides = array<i32>} : memref<672x128xf32, #tpu.memory_space<vmem>>, vector<1x16xf32>,
        %get3A_1876 = vector.shape_cast %get3A_1875 : vector<1x16xf32> to vector<16xf32>
        %mul3A_1877 = arith.mulf %get3A_1872, %get3A_1876 : vector<16xf32>
        %add3A_1878 = arith.addf %add3A_1868, %mul3A_1877 : vector<16xf32>
        %get3A_1879 = arith.index_cast %add3A_1849 : i32 to index
        %get3A_1880 = arith.constant 48 : index
        %get3A_1881 = tpu.vector_load %arg11[%get3A_1879, %get3A_1880] {strides = array<i32>} : memref<32x128xf32, #tpu.memory_space<vmem>>, vector<1x16xf32>,
        %get3A_1882 = vector.shape_cast %get3A_1881 : vector<1x16xf32> to vector<16xf32>
        %get3A_1883 = arith.index_cast %add3A_1845 : i32 to index
        %get3A_1884 = arith.constant 48 : index
        %get3A_1885 = tpu.vector_load %arg12[%get3A_1883, %get3A_1884] {strides = array<i32>} : memref<672x128xf32, #tpu.memory_space<vmem>>, vector<1x16xf32>,
        %get3A_1886 = vector.shape_cast %get3A_1885 : vector<1x16xf32> to vector<16xf32>
        %mul3A_1887 = arith.mulf %get3A_1882, %get3A_1886 : vector<16xf32>
        %add3A_1888 = arith.addf %add3A_1878, %mul3A_1887 : vector<16xf32>
        %eq3A_1889 = arith.constant 5 : i32
        %eq3A_1890 = vector.broadcast %eq3A_1889 : i32 to vector<16xi32>
        %eq3A_1891 = arith.cmpi eq, %iota3A, %eq3A_1890 : vector<16xi32>
        %broadcast_in_dim3A_1892 = vector.shape_cast %xor3A_2 : vector<16xi32> to vector<16x1xi32>
        %gather3A_1893 = vector.shape_cast %broadcast_in_dim3A_1892 : vector<16x1xi32> to vector<16xi32>
        %gather3A_1894 = tpu.dynamic_gather %add3A_1888[%gather3A_1893] in [0] : vector<16xf32>, vector<16xi32> -> vector<16xf32>
        %add3A_1895 = arith.addf %add3A_1888, %gather3A_1894 : vector<16xf32>
        %broadcast_in_dim3A_1896 = vector.shape_cast %xor3A_5 : vector<16xi32> to vector<16x1xi32>
        %gather3A_1897 = vector.shape_cast %broadcast_in_dim3A_1896 : vector<16x1xi32> to vector<16xi32>
        %gather3A_1898 = tpu.dynamic_gather %add3A_1895[%gather3A_1897] in [0] : vector<16xf32>, vector<16xi32> -> vector<16xf32>
        %add3A_1899 = arith.addf %add3A_1895, %gather3A_1898 : vector<16xf32>
        %broadcast_in_dim3A_1900 = vector.shape_cast %xor3A_8 : vector<16xi32> to vector<16x1xi32>
        %gather3A_1901 = vector.shape_cast %broadcast_in_dim3A_1900 : vector<16x1xi32> to vector<16xi32>
        %gather3A_1902 = tpu.dynamic_gather %add3A_1899[%gather3A_1901] in [0] : vector<16xf32>, vector<16xi32> -> vector<16xf32>
        %add3A_1903 = arith.addf %add3A_1899, %gather3A_1902 : vector<16xf32>
        %broadcast_in_dim3A_1904 = vector.shape_cast %xor3A_11 : vector<16xi32> to vector<16x1xi32>
        %gather3A_1905 = vector.shape_cast %broadcast_in_dim3A_1904 : vector<16x1xi32> to vector<16xi32>
        %gather3A_1906 = tpu.dynamic_gather %add3A_1903[%gather3A_1905] in [0] : vector<16xf32>, vector<16xi32> -> vector<16xf32>
        %add3A_1907 = arith.addf %add3A_1903, %gather3A_1906 : vector<16xf32>
        %select_n3A_1908 = arith.select %eq3A_1891, %add3A_1907, %select_n3A_1839 : vector<16xi1>, vector<16xf32>
        %mul3A_1909 = arith.constant 16 : i32
        %mul3A_1910 = arith.muli %scan3A_1491, %mul3A_1909 : i32
        %add3A_1911 = arith.constant 336 : i32
        %add3A_1912 = arith.addi %add3A_1911, %mul3A_1910 : i32
        %add3A_1913 = arith.constant 6 : i32
        %add3A_1914 = arith.addi %add3A_1912, %add3A_1913 : i32
        %slice3A_1915 = vector.extract_strided_slice %get3A_1496 {offsets = [6], sizes = [1], strides = [1]} : vector<16xi32> to vector<1xi32>
        %squeeze3A_1916 = vector.extract %slice3A_1915[0] : i32 from vector<1xi32>
        %add3A_1917 = arith.constant 16 : i32
        %add3A_1918 = arith.addi %add3A_1917, %squeeze3A_1916 : i32
        %get3A_1919 = arith.index_cast %add3A_1918 : i32 to index
        %get3A_1920 = arith.constant 0 : index
        %get3A_1921 = tpu.vector_load %arg11[%get3A_1919, %get3A_1920] {strides = array<i32>} : memref<32x128xf32, #tpu.memory_space<vmem>>, vector<1x16xf32>,
        %get3A_1922 = vector.shape_cast %get3A_1921 : vector<1x16xf32> to vector<16xf32>
        %get3A_1923 = arith.index_cast %add3A_1914 : i32 to index
        %get3A_1924 = arith.constant 0 : index
        %get3A_1925 = tpu.vector_load %arg12[%get3A_1923, %get3A_1924] {strides = array<i32>} : memref<672x128xf32, #tpu.memory_space<vmem>>, vector<1x16xf32>,
        %get3A_1926 = vector.shape_cast %get3A_1925 : vector<1x16xf32> to vector<16xf32>
        %mul3A_1927 = arith.mulf %get3A_1922, %get3A_1926 : vector<16xf32>
        %get3A_1928 = arith.index_cast %add3A_1918 : i32 to index
        %get3A_1929 = arith.constant 16 : index
        %get3A_1930 = tpu.vector_load %arg11[%get3A_1928, %get3A_1929] {strides = array<i32>} : memref<32x128xf32, #tpu.memory_space<vmem>>, vector<1x16xf32>,
        %get3A_1931 = vector.shape_cast %get3A_1930 : vector<1x16xf32> to vector<16xf32>
        %get3A_1932 = arith.index_cast %add3A_1914 : i32 to index
        %get3A_1933 = arith.constant 16 : index
        %get3A_1934 = tpu.vector_load %arg12[%get3A_1932, %get3A_1933] {strides = array<i32>} : memref<672x128xf32, #tpu.memory_space<vmem>>, vector<1x16xf32>,
        %get3A_1935 = vector.shape_cast %get3A_1934 : vector<1x16xf32> to vector<16xf32>
        %mul3A_1936 = arith.mulf %get3A_1931, %get3A_1935 : vector<16xf32>
        %add3A_1937 = arith.addf %mul3A_1927, %mul3A_1936 : vector<16xf32>
        %get3A_1938 = arith.index_cast %add3A_1918 : i32 to index
        %get3A_1939 = arith.constant 32 : index
        %get3A_1940 = tpu.vector_load %arg11[%get3A_1938, %get3A_1939] {strides = array<i32>} : memref<32x128xf32, #tpu.memory_space<vmem>>, vector<1x16xf32>,
        %get3A_1941 = vector.shape_cast %get3A_1940 : vector<1x16xf32> to vector<16xf32>
        %get3A_1942 = arith.index_cast %add3A_1914 : i32 to index
        %get3A_1943 = arith.constant 32 : index
        %get3A_1944 = tpu.vector_load %arg12[%get3A_1942, %get3A_1943] {strides = array<i32>} : memref<672x128xf32, #tpu.memory_space<vmem>>, vector<1x16xf32>,
        %get3A_1945 = vector.shape_cast %get3A_1944 : vector<1x16xf32> to vector<16xf32>
        %mul3A_1946 = arith.mulf %get3A_1941, %get3A_1945 : vector<16xf32>
        %add3A_1947 = arith.addf %add3A_1937, %mul3A_1946 : vector<16xf32>
        %get3A_1948 = arith.index_cast %add3A_1918 : i32 to index
        %get3A_1949 = arith.constant 48 : index
        %get3A_1950 = tpu.vector_load %arg11[%get3A_1948, %get3A_1949] {strides = array<i32>} : memref<32x128xf32, #tpu.memory_space<vmem>>, vector<1x16xf32>,
        %get3A_1951 = vector.shape_cast %get3A_1950 : vector<1x16xf32> to vector<16xf32>
        %get3A_1952 = arith.index_cast %add3A_1914 : i32 to index
        %get3A_1953 = arith.constant 48 : index
        %get3A_1954 = tpu.vector_load %arg12[%get3A_1952, %get3A_1953] {strides = array<i32>} : memref<672x128xf32, #tpu.memory_space<vmem>>, vector<1x16xf32>,
        %get3A_1955 = vector.shape_cast %get3A_1954 : vector<1x16xf32> to vector<16xf32>
        %mul3A_1956 = arith.mulf %get3A_1951, %get3A_1955 : vector<16xf32>
        %add3A_1957 = arith.addf %add3A_1947, %mul3A_1956 : vector<16xf32>
        %eq3A_1958 = arith.constant 6 : i32
        %eq3A_1959 = vector.broadcast %eq3A_1958 : i32 to vector<16xi32>
        %eq3A_1960 = arith.cmpi eq, %iota3A, %eq3A_1959 : vector<16xi32>
        %broadcast_in_dim3A_1961 = vector.shape_cast %xor3A_2 : vector<16xi32> to vector<16x1xi32>
        %gather3A_1962 = vector.shape_cast %broadcast_in_dim3A_1961 : vector<16x1xi32> to vector<16xi32>
        %gather3A_1963 = tpu.dynamic_gather %add3A_1957[%gather3A_1962] in [0] : vector<16xf32>, vector<16xi32> -> vector<16xf32>
        %add3A_1964 = arith.addf %add3A_1957, %gather3A_1963 : vector<16xf32>
        %broadcast_in_dim3A_1965 = vector.shape_cast %xor3A_5 : vector<16xi32> to vector<16x1xi32>
        %gather3A_1966 = vector.shape_cast %broadcast_in_dim3A_1965 : vector<16x1xi32> to vector<16xi32>
        %gather3A_1967 = tpu.dynamic_gather %add3A_1964[%gather3A_1966] in [0] : vector<16xf32>, vector<16xi32> -> vector<16xf32>
        %add3A_1968 = arith.addf %add3A_1964, %gather3A_1967 : vector<16xf32>
        %broadcast_in_dim3A_1969 = vector.shape_cast %xor3A_8 : vector<16xi32> to vector<16x1xi32>
        %gather3A_1970 = vector.shape_cast %broadcast_in_dim3A_1969 : vector<16x1xi32> to vector<16xi32>
        %gather3A_1971 = tpu.dynamic_gather %add3A_1968[%gather3A_1970] in [0] : vector<16xf32>, vector<16xi32> -> vector<16xf32>
        %add3A_1972 = arith.addf %add3A_1968, %gather3A_1971 : vector<16xf32>
        %broadcast_in_dim3A_1973 = vector.shape_cast %xor3A_11 : vector<16xi32> to vector<16x1xi32>
        %gather3A_1974 = vector.shape_cast %broadcast_in_dim3A_1973 : vector<16x1xi32> to vector<16xi32>
        %gather3A_1975 = tpu.dynamic_gather %add3A_1972[%gather3A_1974] in [0] : vector<16xf32>, vector<16xi32> -> vector<16xf32>
        %add3A_1976 = arith.addf %add3A_1972, %gather3A_1975 : vector<16xf32>
        %select_n3A_1977 = arith.select %eq3A_1960, %add3A_1976, %select_n3A_1908 : vector<16xi1>, vector<16xf32>
        %mul3A_1978 = arith.constant 16 : i32
        %mul3A_1979 = arith.muli %scan3A_1491, %mul3A_1978 : i32
        %add3A_1980 = arith.constant 336 : i32
        %add3A_1981 = arith.addi %add3A_1980, %mul3A_1979 : i32
        %add3A_1982 = arith.constant 7 : i32
        %add3A_1983 = arith.addi %add3A_1981, %add3A_1982 : i32
        %slice3A_1984 = vector.extract_strided_slice %get3A_1496 {offsets = [7], sizes = [1], strides = [1]} : vector<16xi32> to vector<1xi32>
        %squeeze3A_1985 = vector.extract %slice3A_1984[0] : i32 from vector<1xi32>
        %add3A_1986 = arith.constant 16 : i32
        %add3A_1987 = arith.addi %add3A_1986, %squeeze3A_1985 : i32
        %get3A_1988 = arith.index_cast %add3A_1987 : i32 to index
        %get3A_1989 = arith.constant 0 : index
        %get3A_1990 = tpu.vector_load %arg11[%get3A_1988, %get3A_1989] {strides = array<i32>} : memref<32x128xf32, #tpu.memory_space<vmem>>, vector<1x16xf32>,
        %get3A_1991 = vector.shape_cast %get3A_1990 : vector<1x16xf32> to vector<16xf32>
        %get3A_1992 = arith.index_cast %add3A_1983 : i32 to index
        %get3A_1993 = arith.constant 0 : index
        %get3A_1994 = tpu.vector_load %arg12[%get3A_1992, %get3A_1993] {strides = array<i32>} : memref<672x128xf32, #tpu.memory_space<vmem>>, vector<1x16xf32>,
        %get3A_1995 = vector.shape_cast %get3A_1994 : vector<1x16xf32> to vector<16xf32>
        %mul3A_1996 = arith.mulf %get3A_1991, %get3A_1995 : vector<16xf32>
        %get3A_1997 = arith.index_cast %add3A_1987 : i32 to index
        %get3A_1998 = arith.constant 16 : index
        %get3A_1999 = tpu.vector_load %arg11[%get3A_1997, %get3A_1998] {strides = array<i32>} : memref<32x128xf32, #tpu.memory_space<vmem>>, vector<1x16xf32>,
        %get3A_2000 = vector.shape_cast %get3A_1999 : vector<1x16xf32> to vector<16xf32>
        %get3A_2001 = arith.index_cast %add3A_1983 : i32 to index
        %get3A_2002 = arith.constant 16 : index
        %get3A_2003 = tpu.vector_load %arg12[%get3A_2001, %get3A_2002] {strides = array<i32>} : memref<672x128xf32, #tpu.memory_space<vmem>>, vector<1x16xf32>,
        %get3A_2004 = vector.shape_cast %get3A_2003 : vector<1x16xf32> to vector<16xf32>
        %mul3A_2005 = arith.mulf %get3A_2000, %get3A_2004 : vector<16xf32>
        %add3A_2006 = arith.addf %mul3A_1996, %mul3A_2005 : vector<16xf32>
        %get3A_2007 = arith.index_cast %add3A_1987 : i32 to index
        %get3A_2008 = arith.constant 32 : index
        %get3A_2009 = tpu.vector_load %arg11[%get3A_2007, %get3A_2008] {strides = array<i32>} : memref<32x128xf32, #tpu.memory_space<vmem>>, vector<1x16xf32>,
        %get3A_2010 = vector.shape_cast %get3A_2009 : vector<1x16xf32> to vector<16xf32>
        %get3A_2011 = arith.index_cast %add3A_1983 : i32 to index
        %get3A_2012 = arith.constant 32 : index
        %get3A_2013 = tpu.vector_load %arg12[%get3A_2011, %get3A_2012] {strides = array<i32>} : memref<672x128xf32, #tpu.memory_space<vmem>>, vector<1x16xf32>,
        %get3A_2014 = vector.shape_cast %get3A_2013 : vector<1x16xf32> to vector<16xf32>
        %mul3A_2015 = arith.mulf %get3A_2010, %get3A_2014 : vector<16xf32>
        %add3A_2016 = arith.addf %add3A_2006, %mul3A_2015 : vector<16xf32>
        %get3A_2017 = arith.index_cast %add3A_1987 : i32 to index
        %get3A_2018 = arith.constant 48 : index
        %get3A_2019 = tpu.vector_load %arg11[%get3A_2017, %get3A_2018] {strides = array<i32>} : memref<32x128xf32, #tpu.memory_space<vmem>>, vector<1x16xf32>,
        %get3A_2020 = vector.shape_cast %get3A_2019 : vector<1x16xf32> to vector<16xf32>
        %get3A_2021 = arith.index_cast %add3A_1983 : i32 to index
        %get3A_2022 = arith.constant 48 : index
        %get3A_2023 = tpu.vector_load %arg12[%get3A_2021, %get3A_2022] {strides = array<i32>} : memref<672x128xf32, #tpu.memory_space<vmem>>, vector<1x16xf32>,
        %get3A_2024 = vector.shape_cast %get3A_2023 : vector<1x16xf32> to vector<16xf32>
        %mul3A_2025 = arith.mulf %get3A_2020, %get3A_2024 : vector<16xf32>
        %add3A_2026 = arith.addf %add3A_2016, %mul3A_2025 : vector<16xf32>
        %eq3A_2027 = arith.constant 7 : i32
        %eq3A_2028 = vector.broadcast %eq3A_2027 : i32 to vector<16xi32>
        %eq3A_2029 = arith.cmpi eq, %iota3A, %eq3A_2028 : vector<16xi32>
        %broadcast_in_dim3A_2030 = vector.shape_cast %xor3A_2 : vector<16xi32> to vector<16x1xi32>
        %gather3A_2031 = vector.shape_cast %broadcast_in_dim3A_2030 : vector<16x1xi32> to vector<16xi32>
        %gather3A_2032 = tpu.dynamic_gather %add3A_2026[%gather3A_2031] in [0] : vector<16xf32>, vector<16xi32> -> vector<16xf32>
        %add3A_2033 = arith.addf %add3A_2026, %gather3A_2032 : vector<16xf32>
        %broadcast_in_dim3A_2034 = vector.shape_cast %xor3A_5 : vector<16xi32> to vector<16x1xi32>
        %gather3A_2035 = vector.shape_cast %broadcast_in_dim3A_2034 : vector<16x1xi32> to vector<16xi32>
        %gather3A_2036 = tpu.dynamic_gather %add3A_2033[%gather3A_2035] in [0] : vector<16xf32>, vector<16xi32> -> vector<16xf32>
        %add3A_2037 = arith.addf %add3A_2033, %gather3A_2036 : vector<16xf32>
        %broadcast_in_dim3A_2038 = vector.shape_cast %xor3A_8 : vector<16xi32> to vector<16x1xi32>
        %gather3A_2039 = vector.shape_cast %broadcast_in_dim3A_2038 : vector<16x1xi32> to vector<16xi32>
        %gather3A_2040 = tpu.dynamic_gather %add3A_2037[%gather3A_2039] in [0] : vector<16xf32>, vector<16xi32> -> vector<16xf32>
        %add3A_2041 = arith.addf %add3A_2037, %gather3A_2040 : vector<16xf32>
        %broadcast_in_dim3A_2042 = vector.shape_cast %xor3A_11 : vector<16xi32> to vector<16x1xi32>
        %gather3A_2043 = vector.shape_cast %broadcast_in_dim3A_2042 : vector<16x1xi32> to vector<16xi32>
        %gather3A_2044 = tpu.dynamic_gather %add3A_2041[%gather3A_2043] in [0] : vector<16xf32>, vector<16xi32> -> vector<16xf32>
        %add3A_2045 = arith.addf %add3A_2041, %gather3A_2044 : vector<16xf32>
        %select_n3A_2046 = arith.select %eq3A_2029, %add3A_2045, %select_n3A_1977 : vector<16xi1>, vector<16xf32>
        %mul3A_2047 = arith.constant 16 : i32
        %mul3A_2048 = arith.muli %scan3A_1491, %mul3A_2047 : i32
        %add3A_2049 = arith.constant 336 : i32
        %add3A_2050 = arith.addi %add3A_2049, %mul3A_2048 : i32
        %add3A_2051 = arith.constant 8 : i32
        %add3A_2052 = arith.addi %add3A_2050, %add3A_2051 : i32
        %slice3A_2053 = vector.extract_strided_slice %get3A_1496 {offsets = [8], sizes = [1], strides = [1]} : vector<16xi32> to vector<1xi32>
        %squeeze3A_2054 = vector.extract %slice3A_2053[0] : i32 from vector<1xi32>
        %add3A_2055 = arith.constant 16 : i32
        %add3A_2056 = arith.addi %add3A_2055, %squeeze3A_2054 : i32
        %get3A_2057 = arith.index_cast %add3A_2056 : i32 to index
        %get3A_2058 = arith.constant 0 : index
        %get3A_2059 = tpu.vector_load %arg11[%get3A_2057, %get3A_2058] {strides = array<i32>} : memref<32x128xf32, #tpu.memory_space<vmem>>, vector<1x16xf32>,
        %get3A_2060 = vector.shape_cast %get3A_2059 : vector<1x16xf32> to vector<16xf32>
        %get3A_2061 = arith.index_cast %add3A_2052 : i32 to index
        %get3A_2062 = arith.constant 0 : index
        %get3A_2063 = tpu.vector_load %arg12[%get3A_2061, %get3A_2062] {strides = array<i32>} : memref<672x128xf32, #tpu.memory_space<vmem>>, vector<1x16xf32>,
        %get3A_2064 = vector.shape_cast %get3A_2063 : vector<1x16xf32> to vector<16xf32>
        %mul3A_2065 = arith.mulf %get3A_2060, %get3A_2064 : vector<16xf32>
        %get3A_2066 = arith.index_cast %add3A_2056 : i32 to index
        %get3A_2067 = arith.constant 16 : index
        %get3A_2068 = tpu.vector_load %arg11[%get3A_2066, %get3A_2067] {strides = array<i32>} : memref<32x128xf32, #tpu.memory_space<vmem>>, vector<1x16xf32>,
        %get3A_2069 = vector.shape_cast %get3A_2068 : vector<1x16xf32> to vector<16xf32>
        %get3A_2070 = arith.index_cast %add3A_2052 : i32 to index
        %get3A_2071 = arith.constant 16 : index
        %get3A_2072 = tpu.vector_load %arg12[%get3A_2070, %get3A_2071] {strides = array<i32>} : memref<672x128xf32, #tpu.memory_space<vmem>>, vector<1x16xf32>,
        %get3A_2073 = vector.shape_cast %get3A_2072 : vector<1x16xf32> to vector<16xf32>
        %mul3A_2074 = arith.mulf %get3A_2069, %get3A_2073 : vector<16xf32>
        %add3A_2075 = arith.addf %mul3A_2065, %mul3A_2074 : vector<16xf32>
        %get3A_2076 = arith.index_cast %add3A_2056 : i32 to index
        %get3A_2077 = arith.constant 32 : index
        %get3A_2078 = tpu.vector_load %arg11[%get3A_2076, %get3A_2077] {strides = array<i32>} : memref<32x128xf32, #tpu.memory_space<vmem>>, vector<1x16xf32>,
        %get3A_2079 = vector.shape_cast %get3A_2078 : vector<1x16xf32> to vector<16xf32>
        %get3A_2080 = arith.index_cast %add3A_2052 : i32 to index
        %get3A_2081 = arith.constant 32 : index
        %get3A_2082 = tpu.vector_load %arg12[%get3A_2080, %get3A_2081] {strides = array<i32>} : memref<672x128xf32, #tpu.memory_space<vmem>>, vector<1x16xf32>,
        %get3A_2083 = vector.shape_cast %get3A_2082 : vector<1x16xf32> to vector<16xf32>
        %mul3A_2084 = arith.mulf %get3A_2079, %get3A_2083 : vector<16xf32>
        %add3A_2085 = arith.addf %add3A_2075, %mul3A_2084 : vector<16xf32>
        %get3A_2086 = arith.index_cast %add3A_2056 : i32 to index
        %get3A_2087 = arith.constant 48 : index
        %get3A_2088 = tpu.vector_load %arg11[%get3A_2086, %get3A_2087] {strides = array<i32>} : memref<32x128xf32, #tpu.memory_space<vmem>>, vector<1x16xf32>,
        %get3A_2089 = vector.shape_cast %get3A_2088 : vector<1x16xf32> to vector<16xf32>
        %get3A_2090 = arith.index_cast %add3A_2052 : i32 to index
        %get3A_2091 = arith.constant 48 : index
        %get3A_2092 = tpu.vector_load %arg12[%get3A_2090, %get3A_2091] {strides = array<i32>} : memref<672x128xf32, #tpu.memory_space<vmem>>, vector<1x16xf32>,
        %get3A_2093 = vector.shape_cast %get3A_2092 : vector<1x16xf32> to vector<16xf32>
        %mul3A_2094 = arith.mulf %get3A_2089, %get3A_2093 : vector<16xf32>
        %add3A_2095 = arith.addf %add3A_2085, %mul3A_2094 : vector<16xf32>
        %eq3A_2096 = arith.constant 8 : i32
        %eq3A_2097 = vector.broadcast %eq3A_2096 : i32 to vector<16xi32>
        %eq3A_2098 = arith.cmpi eq, %iota3A, %eq3A_2097 : vector<16xi32>
        %broadcast_in_dim3A_2099 = vector.shape_cast %xor3A_2 : vector<16xi32> to vector<16x1xi32>
        %gather3A_2100 = vector.shape_cast %broadcast_in_dim3A_2099 : vector<16x1xi32> to vector<16xi32>
        %gather3A_2101 = tpu.dynamic_gather %add3A_2095[%gather3A_2100] in [0] : vector<16xf32>, vector<16xi32> -> vector<16xf32>
        %add3A_2102 = arith.addf %add3A_2095, %gather3A_2101 : vector<16xf32>
        %broadcast_in_dim3A_2103 = vector.shape_cast %xor3A_5 : vector<16xi32> to vector<16x1xi32>
        %gather3A_2104 = vector.shape_cast %broadcast_in_dim3A_2103 : vector<16x1xi32> to vector<16xi32>
        %gather3A_2105 = tpu.dynamic_gather %add3A_2102[%gather3A_2104] in [0] : vector<16xf32>, vector<16xi32> -> vector<16xf32>
        %add3A_2106 = arith.addf %add3A_2102, %gather3A_2105 : vector<16xf32>
        %broadcast_in_dim3A_2107 = vector.shape_cast %xor3A_8 : vector<16xi32> to vector<16x1xi32>
        %gather3A_2108 = vector.shape_cast %broadcast_in_dim3A_2107 : vector<16x1xi32> to vector<16xi32>
        %gather3A_2109 = tpu.dynamic_gather %add3A_2106[%gather3A_2108] in [0] : vector<16xf32>, vector<16xi32> -> vector<16xf32>
        %add3A_2110 = arith.addf %add3A_2106, %gather3A_2109 : vector<16xf32>
        %broadcast_in_dim3A_2111 = vector.shape_cast %xor3A_11 : vector<16xi32> to vector<16x1xi32>
        %gather3A_2112 = vector.shape_cast %broadcast_in_dim3A_2111 : vector<16x1xi32> to vector<16xi32>
        %gather3A_2113 = tpu.dynamic_gather %add3A_2110[%gather3A_2112] in [0] : vector<16xf32>, vector<16xi32> -> vector<16xf32>
        %add3A_2114 = arith.addf %add3A_2110, %gather3A_2113 : vector<16xf32>
        %select_n3A_2115 = arith.select %eq3A_2098, %add3A_2114, %select_n3A_2046 : vector<16xi1>, vector<16xf32>
        %mul3A_2116 = arith.constant 16 : i32
        %mul3A_2117 = arith.muli %scan3A_1491, %mul3A_2116 : i32
        %add3A_2118 = arith.constant 336 : i32
        %add3A_2119 = arith.addi %add3A_2118, %mul3A_2117 : i32
        %add3A_2120 = arith.constant 9 : i32
        %add3A_2121 = arith.addi %add3A_2119, %add3A_2120 : i32
        %slice3A_2122 = vector.extract_strided_slice %get3A_1496 {offsets = [9], sizes = [1], strides = [1]} : vector<16xi32> to vector<1xi32>
        %squeeze3A_2123 = vector.extract %slice3A_2122[0] : i32 from vector<1xi32>
        %add3A_2124 = arith.constant 16 : i32
        %add3A_2125 = arith.addi %add3A_2124, %squeeze3A_2123 : i32
        %get3A_2126 = arith.index_cast %add3A_2125 : i32 to index
        %get3A_2127 = arith.constant 0 : index
        %get3A_2128 = tpu.vector_load %arg11[%get3A_2126, %get3A_2127] {strides = array<i32>} : memref<32x128xf32, #tpu.memory_space<vmem>>, vector<1x16xf32>,
        %get3A_2129 = vector.shape_cast %get3A_2128 : vector<1x16xf32> to vector<16xf32>
        %get3A_2130 = arith.index_cast %add3A_2121 : i32 to index
        %get3A_2131 = arith.constant 0 : index
        %get3A_2132 = tpu.vector_load %arg12[%get3A_2130, %get3A_2131] {strides = array<i32>} : memref<672x128xf32, #tpu.memory_space<vmem>>, vector<1x16xf32>,
        %get3A_2133 = vector.shape_cast %get3A_2132 : vector<1x16xf32> to vector<16xf32>
        %mul3A_2134 = arith.mulf %get3A_2129, %get3A_2133 : vector<16xf32>
        %get3A_2135 = arith.index_cast %add3A_2125 : i32 to index
        %get3A_2136 = arith.constant 16 : index
        %get3A_2137 = tpu.vector_load %arg11[%get3A_2135, %get3A_2136] {strides = array<i32>} : memref<32x128xf32, #tpu.memory_space<vmem>>, vector<1x16xf32>,
        %get3A_2138 = vector.shape_cast %get3A_2137 : vector<1x16xf32> to vector<16xf32>
        %get3A_2139 = arith.index_cast %add3A_2121 : i32 to index
        %get3A_2140 = arith.constant 16 : index
        %get3A_2141 = tpu.vector_load %arg12[%get3A_2139, %get3A_2140] {strides = array<i32>} : memref<672x128xf32, #tpu.memory_space<vmem>>, vector<1x16xf32>,
        %get3A_2142 = vector.shape_cast %get3A_2141 : vector<1x16xf32> to vector<16xf32>
        %mul3A_2143 = arith.mulf %get3A_2138, %get3A_2142 : vector<16xf32>
        %add3A_2144 = arith.addf %mul3A_2134, %mul3A_2143 : vector<16xf32>
        %get3A_2145 = arith.index_cast %add3A_2125 : i32 to index
        %get3A_2146 = arith.constant 32 : index
        %get3A_2147 = tpu.vector_load %arg11[%get3A_2145, %get3A_2146] {strides = array<i32>} : memref<32x128xf32, #tpu.memory_space<vmem>>, vector<1x16xf32>,
        %get3A_2148 = vector.shape_cast %get3A_2147 : vector<1x16xf32> to vector<16xf32>
        %get3A_2149 = arith.index_cast %add3A_2121 : i32 to index
        %get3A_2150 = arith.constant 32 : index
        %get3A_2151 = tpu.vector_load %arg12[%get3A_2149, %get3A_2150] {strides = array<i32>} : memref<672x128xf32, #tpu.memory_space<vmem>>, vector<1x16xf32>,
        %get3A_2152 = vector.shape_cast %get3A_2151 : vector<1x16xf32> to vector<16xf32>
        %mul3A_2153 = arith.mulf %get3A_2148, %get3A_2152 : vector<16xf32>
        %add3A_2154 = arith.addf %add3A_2144, %mul3A_2153 : vector<16xf32>
        %get3A_2155 = arith.index_cast %add3A_2125 : i32 to index
        %get3A_2156 = arith.constant 48 : index
        %get3A_2157 = tpu.vector_load %arg11[%get3A_2155, %get3A_2156] {strides = array<i32>} : memref<32x128xf32, #tpu.memory_space<vmem>>, vector<1x16xf32>,
        %get3A_2158 = vector.shape_cast %get3A_2157 : vector<1x16xf32> to vector<16xf32>
        %get3A_2159 = arith.index_cast %add3A_2121 : i32 to index
        %get3A_2160 = arith.constant 48 : index
        %get3A_2161 = tpu.vector_load %arg12[%get3A_2159, %get3A_2160] {strides = array<i32>} : memref<672x128xf32, #tpu.memory_space<vmem>>, vector<1x16xf32>,
        %get3A_2162 = vector.shape_cast %get3A_2161 : vector<1x16xf32> to vector<16xf32>
        %mul3A_2163 = arith.mulf %get3A_2158, %get3A_2162 : vector<16xf32>
        %add3A_2164 = arith.addf %add3A_2154, %mul3A_2163 : vector<16xf32>
        %eq3A_2165 = arith.constant 9 : i32
        %eq3A_2166 = vector.broadcast %eq3A_2165 : i32 to vector<16xi32>
        %eq3A_2167 = arith.cmpi eq, %iota3A, %eq3A_2166 : vector<16xi32>
        %broadcast_in_dim3A_2168 = vector.shape_cast %xor3A_2 : vector<16xi32> to vector<16x1xi32>
        %gather3A_2169 = vector.shape_cast %broadcast_in_dim3A_2168 : vector<16x1xi32> to vector<16xi32>
        %gather3A_2170 = tpu.dynamic_gather %add3A_2164[%gather3A_2169] in [0] : vector<16xf32>, vector<16xi32> -> vector<16xf32>
        %add3A_2171 = arith.addf %add3A_2164, %gather3A_2170 : vector<16xf32>
        %broadcast_in_dim3A_2172 = vector.shape_cast %xor3A_5 : vector<16xi32> to vector<16x1xi32>
        %gather3A_2173 = vector.shape_cast %broadcast_in_dim3A_2172 : vector<16x1xi32> to vector<16xi32>
        %gather3A_2174 = tpu.dynamic_gather %add3A_2171[%gather3A_2173] in [0] : vector<16xf32>, vector<16xi32> -> vector<16xf32>
        %add3A_2175 = arith.addf %add3A_2171, %gather3A_2174 : vector<16xf32>
        %broadcast_in_dim3A_2176 = vector.shape_cast %xor3A_8 : vector<16xi32> to vector<16x1xi32>
        %gather3A_2177 = vector.shape_cast %broadcast_in_dim3A_2176 : vector<16x1xi32> to vector<16xi32>
        %gather3A_2178 = tpu.dynamic_gather %add3A_2175[%gather3A_2177] in [0] : vector<16xf32>, vector<16xi32> -> vector<16xf32>
        %add3A_2179 = arith.addf %add3A_2175, %gather3A_2178 : vector<16xf32>
        %broadcast_in_dim3A_2180 = vector.shape_cast %xor3A_11 : vector<16xi32> to vector<16x1xi32>
        %gather3A_2181 = vector.shape_cast %broadcast_in_dim3A_2180 : vector<16x1xi32> to vector<16xi32>
        %gather3A_2182 = tpu.dynamic_gather %add3A_2179[%gather3A_2181] in [0] : vector<16xf32>, vector<16xi32> -> vector<16xf32>
        %add3A_2183 = arith.addf %add3A_2179, %gather3A_2182 : vector<16xf32>
        %select_n3A_2184 = arith.select %eq3A_2167, %add3A_2183, %select_n3A_2115 : vector<16xi1>, vector<16xf32>
        %mul3A_2185 = arith.constant 16 : i32
        %mul3A_2186 = arith.muli %scan3A_1491, %mul3A_2185 : i32
        %add3A_2187 = arith.constant 336 : i32
        %add3A_2188 = arith.addi %add3A_2187, %mul3A_2186 : i32
        %add3A_2189 = arith.constant 10 : i32
        %add3A_2190 = arith.addi %add3A_2188, %add3A_2189 : i32
        %slice3A_2191 = vector.extract_strided_slice %get3A_1496 {offsets = [10], sizes = [1], strides = [1]} : vector<16xi32> to vector<1xi32>
        %squeeze3A_2192 = vector.extract %slice3A_2191[0] : i32 from vector<1xi32>
        %add3A_2193 = arith.constant 16 : i32
        %add3A_2194 = arith.addi %add3A_2193, %squeeze3A_2192 : i32
        %get3A_2195 = arith.index_cast %add3A_2194 : i32 to index
        %get3A_2196 = arith.constant 0 : index
        %get3A_2197 = tpu.vector_load %arg11[%get3A_2195, %get3A_2196] {strides = array<i32>} : memref<32x128xf32, #tpu.memory_space<vmem>>, vector<1x16xf32>,
        %get3A_2198 = vector.shape_cast %get3A_2197 : vector<1x16xf32> to vector<16xf32>
        %get3A_2199 = arith.index_cast %add3A_2190 : i32 to index
        %get3A_2200 = arith.constant 0 : index
        %get3A_2201 = tpu.vector_load %arg12[%get3A_2199, %get3A_2200] {strides = array<i32>} : memref<672x128xf32, #tpu.memory_space<vmem>>, vector<1x16xf32>,
        %get3A_2202 = vector.shape_cast %get3A_2201 : vector<1x16xf32> to vector<16xf32>
        %mul3A_2203 = arith.mulf %get3A_2198, %get3A_2202 : vector<16xf32>
        %get3A_2204 = arith.index_cast %add3A_2194 : i32 to index
        %get3A_2205 = arith.constant 16 : index
        %get3A_2206 = tpu.vector_load %arg11[%get3A_2204, %get3A_2205] {strides = array<i32>} : memref<32x128xf32, #tpu.memory_space<vmem>>, vector<1x16xf32>,
        %get3A_2207 = vector.shape_cast %get3A_2206 : vector<1x16xf32> to vector<16xf32>
        %get3A_2208 = arith.index_cast %add3A_2190 : i32 to index
        %get3A_2209 = arith.constant 16 : index
        %get3A_2210 = tpu.vector_load %arg12[%get3A_2208, %get3A_2209] {strides = array<i32>} : memref<672x128xf32, #tpu.memory_space<vmem>>, vector<1x16xf32>,
        %get3A_2211 = vector.shape_cast %get3A_2210 : vector<1x16xf32> to vector<16xf32>
        %mul3A_2212 = arith.mulf %get3A_2207, %get3A_2211 : vector<16xf32>
        %add3A_2213 = arith.addf %mul3A_2203, %mul3A_2212 : vector<16xf32>
        %get3A_2214 = arith.index_cast %add3A_2194 : i32 to index
        %get3A_2215 = arith.constant 32 : index
        %get3A_2216 = tpu.vector_load %arg11[%get3A_2214, %get3A_2215] {strides = array<i32>} : memref<32x128xf32, #tpu.memory_space<vmem>>, vector<1x16xf32>,
        %get3A_2217 = vector.shape_cast %get3A_2216 : vector<1x16xf32> to vector<16xf32>
        %get3A_2218 = arith.index_cast %add3A_2190 : i32 to index
        %get3A_2219 = arith.constant 32 : index
        %get3A_2220 = tpu.vector_load %arg12[%get3A_2218, %get3A_2219] {strides = array<i32>} : memref<672x128xf32, #tpu.memory_space<vmem>>, vector<1x16xf32>,
        %get3A_2221 = vector.shape_cast %get3A_2220 : vector<1x16xf32> to vector<16xf32>
        %mul3A_2222 = arith.mulf %get3A_2217, %get3A_2221 : vector<16xf32>
        %add3A_2223 = arith.addf %add3A_2213, %mul3A_2222 : vector<16xf32>
        %get3A_2224 = arith.index_cast %add3A_2194 : i32 to index
        %get3A_2225 = arith.constant 48 : index
        %get3A_2226 = tpu.vector_load %arg11[%get3A_2224, %get3A_2225] {strides = array<i32>} : memref<32x128xf32, #tpu.memory_space<vmem>>, vector<1x16xf32>,
        %get3A_2227 = vector.shape_cast %get3A_2226 : vector<1x16xf32> to vector<16xf32>
        %get3A_2228 = arith.index_cast %add3A_2190 : i32 to index
        %get3A_2229 = arith.constant 48 : index
        %get3A_2230 = tpu.vector_load %arg12[%get3A_2228, %get3A_2229] {strides = array<i32>} : memref<672x128xf32, #tpu.memory_space<vmem>>, vector<1x16xf32>,
        %get3A_2231 = vector.shape_cast %get3A_2230 : vector<1x16xf32> to vector<16xf32>
        %mul3A_2232 = arith.mulf %get3A_2227, %get3A_2231 : vector<16xf32>
        %add3A_2233 = arith.addf %add3A_2223, %mul3A_2232 : vector<16xf32>
        %eq3A_2234 = arith.constant 10 : i32
        %eq3A_2235 = vector.broadcast %eq3A_2234 : i32 to vector<16xi32>
        %eq3A_2236 = arith.cmpi eq, %iota3A, %eq3A_2235 : vector<16xi32>
        %broadcast_in_dim3A_2237 = vector.shape_cast %xor3A_2 : vector<16xi32> to vector<16x1xi32>
        %gather3A_2238 = vector.shape_cast %broadcast_in_dim3A_2237 : vector<16x1xi32> to vector<16xi32>
        %gather3A_2239 = tpu.dynamic_gather %add3A_2233[%gather3A_2238] in [0] : vector<16xf32>, vector<16xi32> -> vector<16xf32>
        %add3A_2240 = arith.addf %add3A_2233, %gather3A_2239 : vector<16xf32>
        %broadcast_in_dim3A_2241 = vector.shape_cast %xor3A_5 : vector<16xi32> to vector<16x1xi32>
        %gather3A_2242 = vector.shape_cast %broadcast_in_dim3A_2241 : vector<16x1xi32> to vector<16xi32>
        %gather3A_2243 = tpu.dynamic_gather %add3A_2240[%gather3A_2242] in [0] : vector<16xf32>, vector<16xi32> -> vector<16xf32>
        %add3A_2244 = arith.addf %add3A_2240, %gather3A_2243 : vector<16xf32>
        %broadcast_in_dim3A_2245 = vector.shape_cast %xor3A_8 : vector<16xi32> to vector<16x1xi32>
        %gather3A_2246 = vector.shape_cast %broadcast_in_dim3A_2245 : vector<16x1xi32> to vector<16xi32>
        %gather3A_2247 = tpu.dynamic_gather %add3A_2244[%gather3A_2246] in [0] : vector<16xf32>, vector<16xi32> -> vector<16xf32>
        %add3A_2248 = arith.addf %add3A_2244, %gather3A_2247 : vector<16xf32>
        %broadcast_in_dim3A_2249 = vector.shape_cast %xor3A_11 : vector<16xi32> to vector<16x1xi32>
        %gather3A_2250 = vector.shape_cast %broadcast_in_dim3A_2249 : vector<16x1xi32> to vector<16xi32>
        %gather3A_2251 = tpu.dynamic_gather %add3A_2248[%gather3A_2250] in [0] : vector<16xf32>, vector<16xi32> -> vector<16xf32>
        %add3A_2252 = arith.addf %add3A_2248, %gather3A_2251 : vector<16xf32>
        %select_n3A_2253 = arith.select %eq3A_2236, %add3A_2252, %select_n3A_2184 : vector<16xi1>, vector<16xf32>
        %mul3A_2254 = arith.constant 16 : i32
        %mul3A_2255 = arith.muli %scan3A_1491, %mul3A_2254 : i32
        %add3A_2256 = arith.constant 336 : i32
        %add3A_2257 = arith.addi %add3A_2256, %mul3A_2255 : i32
        %add3A_2258 = arith.constant 11 : i32
        %add3A_2259 = arith.addi %add3A_2257, %add3A_2258 : i32
        %slice3A_2260 = vector.extract_strided_slice %get3A_1496 {offsets = [11], sizes = [1], strides = [1]} : vector<16xi32> to vector<1xi32>
        %squeeze3A_2261 = vector.extract %slice3A_2260[0] : i32 from vector<1xi32>
        %add3A_2262 = arith.constant 16 : i32
        %add3A_2263 = arith.addi %add3A_2262, %squeeze3A_2261 : i32
        %get3A_2264 = arith.index_cast %add3A_2263 : i32 to index
        %get3A_2265 = arith.constant 0 : index
        %get3A_2266 = tpu.vector_load %arg11[%get3A_2264, %get3A_2265] {strides = array<i32>} : memref<32x128xf32, #tpu.memory_space<vmem>>, vector<1x16xf32>,
        %get3A_2267 = vector.shape_cast %get3A_2266 : vector<1x16xf32> to vector<16xf32>
        %get3A_2268 = arith.index_cast %add3A_2259 : i32 to index
        %get3A_2269 = arith.constant 0 : index
        %get3A_2270 = tpu.vector_load %arg12[%get3A_2268, %get3A_2269] {strides = array<i32>} : memref<672x128xf32, #tpu.memory_space<vmem>>, vector<1x16xf32>,
        %get3A_2271 = vector.shape_cast %get3A_2270 : vector<1x16xf32> to vector<16xf32>
        %mul3A_2272 = arith.mulf %get3A_2267, %get3A_2271 : vector<16xf32>
        %get3A_2273 = arith.index_cast %add3A_2263 : i32 to index
        %get3A_2274 = arith.constant 16 : index
        %get3A_2275 = tpu.vector_load %arg11[%get3A_2273, %get3A_2274] {strides = array<i32>} : memref<32x128xf32, #tpu.memory_space<vmem>>, vector<1x16xf32>,
        %get3A_2276 = vector.shape_cast %get3A_2275 : vector<1x16xf32> to vector<16xf32>
        %get3A_2277 = arith.index_cast %add3A_2259 : i32 to index
        %get3A_2278 = arith.constant 16 : index
        %get3A_2279 = tpu.vector_load %arg12[%get3A_2277, %get3A_2278] {strides = array<i32>} : memref<672x128xf32, #tpu.memory_space<vmem>>, vector<1x16xf32>,
        %get3A_2280 = vector.shape_cast %get3A_2279 : vector<1x16xf32> to vector<16xf32>
        %mul3A_2281 = arith.mulf %get3A_2276, %get3A_2280 : vector<16xf32>
        %add3A_2282 = arith.addf %mul3A_2272, %mul3A_2281 : vector<16xf32>
        %get3A_2283 = arith.index_cast %add3A_2263 : i32 to index
        %get3A_2284 = arith.constant 32 : index
        %get3A_2285 = tpu.vector_load %arg11[%get3A_2283, %get3A_2284] {strides = array<i32>} : memref<32x128xf32, #tpu.memory_space<vmem>>, vector<1x16xf32>,
        %get3A_2286 = vector.shape_cast %get3A_2285 : vector<1x16xf32> to vector<16xf32>
        %get3A_2287 = arith.index_cast %add3A_2259 : i32 to index
        %get3A_2288 = arith.constant 32 : index
        %get3A_2289 = tpu.vector_load %arg12[%get3A_2287, %get3A_2288] {strides = array<i32>} : memref<672x128xf32, #tpu.memory_space<vmem>>, vector<1x16xf32>,
        %get3A_2290 = vector.shape_cast %get3A_2289 : vector<1x16xf32> to vector<16xf32>
        %mul3A_2291 = arith.mulf %get3A_2286, %get3A_2290 : vector<16xf32>
        %add3A_2292 = arith.addf %add3A_2282, %mul3A_2291 : vector<16xf32>
        %get3A_2293 = arith.index_cast %add3A_2263 : i32 to index
        %get3A_2294 = arith.constant 48 : index
        %get3A_2295 = tpu.vector_load %arg11[%get3A_2293, %get3A_2294] {strides = array<i32>} : memref<32x128xf32, #tpu.memory_space<vmem>>, vector<1x16xf32>,
        %get3A_2296 = vector.shape_cast %get3A_2295 : vector<1x16xf32> to vector<16xf32>
        %get3A_2297 = arith.index_cast %add3A_2259 : i32 to index
        %get3A_2298 = arith.constant 48 : index
        %get3A_2299 = tpu.vector_load %arg12[%get3A_2297, %get3A_2298] {strides = array<i32>} : memref<672x128xf32, #tpu.memory_space<vmem>>, vector<1x16xf32>,
        %get3A_2300 = vector.shape_cast %get3A_2299 : vector<1x16xf32> to vector<16xf32>
        %mul3A_2301 = arith.mulf %get3A_2296, %get3A_2300 : vector<16xf32>
        %add3A_2302 = arith.addf %add3A_2292, %mul3A_2301 : vector<16xf32>
        %eq3A_2303 = arith.constant 11 : i32
        %eq3A_2304 = vector.broadcast %eq3A_2303 : i32 to vector<16xi32>
        %eq3A_2305 = arith.cmpi eq, %iota3A, %eq3A_2304 : vector<16xi32>
        %broadcast_in_dim3A_2306 = vector.shape_cast %xor3A_2 : vector<16xi32> to vector<16x1xi32>
        %gather3A_2307 = vector.shape_cast %broadcast_in_dim3A_2306 : vector<16x1xi32> to vector<16xi32>
        %gather3A_2308 = tpu.dynamic_gather %add3A_2302[%gather3A_2307] in [0] : vector<16xf32>, vector<16xi32> -> vector<16xf32>
        %add3A_2309 = arith.addf %add3A_2302, %gather3A_2308 : vector<16xf32>
        %broadcast_in_dim3A_2310 = vector.shape_cast %xor3A_5 : vector<16xi32> to vector<16x1xi32>
        %gather3A_2311 = vector.shape_cast %broadcast_in_dim3A_2310 : vector<16x1xi32> to vector<16xi32>
        %gather3A_2312 = tpu.dynamic_gather %add3A_2309[%gather3A_2311] in [0] : vector<16xf32>, vector<16xi32> -> vector<16xf32>
        %add3A_2313 = arith.addf %add3A_2309, %gather3A_2312 : vector<16xf32>
        %broadcast_in_dim3A_2314 = vector.shape_cast %xor3A_8 : vector<16xi32> to vector<16x1xi32>
        %gather3A_2315 = vector.shape_cast %broadcast_in_dim3A_2314 : vector<16x1xi32> to vector<16xi32>
        %gather3A_2316 = tpu.dynamic_gather %add3A_2313[%gather3A_2315] in [0] : vector<16xf32>, vector<16xi32> -> vector<16xf32>
        %add3A_2317 = arith.addf %add3A_2313, %gather3A_2316 : vector<16xf32>
        %broadcast_in_dim3A_2318 = vector.shape_cast %xor3A_11 : vector<16xi32> to vector<16x1xi32>
        %gather3A_2319 = vector.shape_cast %broadcast_in_dim3A_2318 : vector<16x1xi32> to vector<16xi32>
        %gather3A_2320 = tpu.dynamic_gather %add3A_2317[%gather3A_2319] in [0] : vector<16xf32>, vector<16xi32> -> vector<16xf32>
        %add3A_2321 = arith.addf %add3A_2317, %gather3A_2320 : vector<16xf32>
        %select_n3A_2322 = arith.select %eq3A_2305, %add3A_2321, %select_n3A_2253 : vector<16xi1>, vector<16xf32>
        %mul3A_2323 = arith.constant 16 : i32
        %mul3A_2324 = arith.muli %scan3A_1491, %mul3A_2323 : i32
        %add3A_2325 = arith.constant 336 : i32
        %add3A_2326 = arith.addi %add3A_2325, %mul3A_2324 : i32
        %add3A_2327 = arith.constant 12 : i32
        %add3A_2328 = arith.addi %add3A_2326, %add3A_2327 : i32
        %slice3A_2329 = vector.extract_strided_slice %get3A_1496 {offsets = [12], sizes = [1], strides = [1]} : vector<16xi32> to vector<1xi32>
        %squeeze3A_2330 = vector.extract %slice3A_2329[0] : i32 from vector<1xi32>
        %add3A_2331 = arith.constant 16 : i32
        %add3A_2332 = arith.addi %add3A_2331, %squeeze3A_2330 : i32
        %get3A_2333 = arith.index_cast %add3A_2332 : i32 to index
        %get3A_2334 = arith.constant 0 : index
        %get3A_2335 = tpu.vector_load %arg11[%get3A_2333, %get3A_2334] {strides = array<i32>} : memref<32x128xf32, #tpu.memory_space<vmem>>, vector<1x16xf32>,
        %get3A_2336 = vector.shape_cast %get3A_2335 : vector<1x16xf32> to vector<16xf32>
        %get3A_2337 = arith.index_cast %add3A_2328 : i32 to index
        %get3A_2338 = arith.constant 0 : index
        %get3A_2339 = tpu.vector_load %arg12[%get3A_2337, %get3A_2338] {strides = array<i32>} : memref<672x128xf32, #tpu.memory_space<vmem>>, vector<1x16xf32>,
        %get3A_2340 = vector.shape_cast %get3A_2339 : vector<1x16xf32> to vector<16xf32>
        %mul3A_2341 = arith.mulf %get3A_2336, %get3A_2340 : vector<16xf32>
        %get3A_2342 = arith.index_cast %add3A_2332 : i32 to index
        %get3A_2343 = arith.constant 16 : index
        %get3A_2344 = tpu.vector_load %arg11[%get3A_2342, %get3A_2343] {strides = array<i32>} : memref<32x128xf32, #tpu.memory_space<vmem>>, vector<1x16xf32>,
        %get3A_2345 = vector.shape_cast %get3A_2344 : vector<1x16xf32> to vector<16xf32>
        %get3A_2346 = arith.index_cast %add3A_2328 : i32 to index
        %get3A_2347 = arith.constant 16 : index
        %get3A_2348 = tpu.vector_load %arg12[%get3A_2346, %get3A_2347] {strides = array<i32>} : memref<672x128xf32, #tpu.memory_space<vmem>>, vector<1x16xf32>,
        %get3A_2349 = vector.shape_cast %get3A_2348 : vector<1x16xf32> to vector<16xf32>
        %mul3A_2350 = arith.mulf %get3A_2345, %get3A_2349 : vector<16xf32>
        %add3A_2351 = arith.addf %mul3A_2341, %mul3A_2350 : vector<16xf32>
        %get3A_2352 = arith.index_cast %add3A_2332 : i32 to index
        %get3A_2353 = arith.constant 32 : index
        %get3A_2354 = tpu.vector_load %arg11[%get3A_2352, %get3A_2353] {strides = array<i32>} : memref<32x128xf32, #tpu.memory_space<vmem>>, vector<1x16xf32>,
        %get3A_2355 = vector.shape_cast %get3A_2354 : vector<1x16xf32> to vector<16xf32>
        %get3A_2356 = arith.index_cast %add3A_2328 : i32 to index
        %get3A_2357 = arith.constant 32 : index
        %get3A_2358 = tpu.vector_load %arg12[%get3A_2356, %get3A_2357] {strides = array<i32>} : memref<672x128xf32, #tpu.memory_space<vmem>>, vector<1x16xf32>,
        %get3A_2359 = vector.shape_cast %get3A_2358 : vector<1x16xf32> to vector<16xf32>
        %mul3A_2360 = arith.mulf %get3A_2355, %get3A_2359 : vector<16xf32>
        %add3A_2361 = arith.addf %add3A_2351, %mul3A_2360 : vector<16xf32>
        %get3A_2362 = arith.index_cast %add3A_2332 : i32 to index
        %get3A_2363 = arith.constant 48 : index
        %get3A_2364 = tpu.vector_load %arg11[%get3A_2362, %get3A_2363] {strides = array<i32>} : memref<32x128xf32, #tpu.memory_space<vmem>>, vector<1x16xf32>,
        %get3A_2365 = vector.shape_cast %get3A_2364 : vector<1x16xf32> to vector<16xf32>
        %get3A_2366 = arith.index_cast %add3A_2328 : i32 to index
        %get3A_2367 = arith.constant 48 : index
        %get3A_2368 = tpu.vector_load %arg12[%get3A_2366, %get3A_2367] {strides = array<i32>} : memref<672x128xf32, #tpu.memory_space<vmem>>, vector<1x16xf32>,
        %get3A_2369 = vector.shape_cast %get3A_2368 : vector<1x16xf32> to vector<16xf32>
        %mul3A_2370 = arith.mulf %get3A_2365, %get3A_2369 : vector<16xf32>
        %add3A_2371 = arith.addf %add3A_2361, %mul3A_2370 : vector<16xf32>
        %eq3A_2372 = arith.constant 12 : i32
        %eq3A_2373 = vector.broadcast %eq3A_2372 : i32 to vector<16xi32>
        %eq3A_2374 = arith.cmpi eq, %iota3A, %eq3A_2373 : vector<16xi32>
        %broadcast_in_dim3A_2375 = vector.shape_cast %xor3A_2 : vector<16xi32> to vector<16x1xi32>
        %gather3A_2376 = vector.shape_cast %broadcast_in_dim3A_2375 : vector<16x1xi32> to vector<16xi32>
        %gather3A_2377 = tpu.dynamic_gather %add3A_2371[%gather3A_2376] in [0] : vector<16xf32>, vector<16xi32> -> vector<16xf32>
        %add3A_2378 = arith.addf %add3A_2371, %gather3A_2377 : vector<16xf32>
        %broadcast_in_dim3A_2379 = vector.shape_cast %xor3A_5 : vector<16xi32> to vector<16x1xi32>
        %gather3A_2380 = vector.shape_cast %broadcast_in_dim3A_2379 : vector<16x1xi32> to vector<16xi32>
        %gather3A_2381 = tpu.dynamic_gather %add3A_2378[%gather3A_2380] in [0] : vector<16xf32>, vector<16xi32> -> vector<16xf32>
        %add3A_2382 = arith.addf %add3A_2378, %gather3A_2381 : vector<16xf32>
        %broadcast_in_dim3A_2383 = vector.shape_cast %xor3A_8 : vector<16xi32> to vector<16x1xi32>
        %gather3A_2384 = vector.shape_cast %broadcast_in_dim3A_2383 : vector<16x1xi32> to vector<16xi32>
        %gather3A_2385 = tpu.dynamic_gather %add3A_2382[%gather3A_2384] in [0] : vector<16xf32>, vector<16xi32> -> vector<16xf32>
        %add3A_2386 = arith.addf %add3A_2382, %gather3A_2385 : vector<16xf32>
        %broadcast_in_dim3A_2387 = vector.shape_cast %xor3A_11 : vector<16xi32> to vector<16x1xi32>
        %gather3A_2388 = vector.shape_cast %broadcast_in_dim3A_2387 : vector<16x1xi32> to vector<16xi32>
        %gather3A_2389 = tpu.dynamic_gather %add3A_2386[%gather3A_2388] in [0] : vector<16xf32>, vector<16xi32> -> vector<16xf32>
        %add3A_2390 = arith.addf %add3A_2386, %gather3A_2389 : vector<16xf32>
        %select_n3A_2391 = arith.select %eq3A_2374, %add3A_2390, %select_n3A_2322 : vector<16xi1>, vector<16xf32>
        %mul3A_2392 = arith.constant 16 : i32
        %mul3A_2393 = arith.muli %scan3A_1491, %mul3A_2392 : i32
        %add3A_2394 = arith.constant 336 : i32
        %add3A_2395 = arith.addi %add3A_2394, %mul3A_2393 : i32
        %add3A_2396 = arith.constant 13 : i32
        %add3A_2397 = arith.addi %add3A_2395, %add3A_2396 : i32
        %slice3A_2398 = vector.extract_strided_slice %get3A_1496 {offsets = [13], sizes = [1], strides = [1]} : vector<16xi32> to vector<1xi32>
        %squeeze3A_2399 = vector.extract %slice3A_2398[0] : i32 from vector<1xi32>
        %add3A_2400 = arith.constant 16 : i32
        %add3A_2401 = arith.addi %add3A_2400, %squeeze3A_2399 : i32
        %get3A_2402 = arith.index_cast %add3A_2401 : i32 to index
        %get3A_2403 = arith.constant 0 : index
        %get3A_2404 = tpu.vector_load %arg11[%get3A_2402, %get3A_2403] {strides = array<i32>} : memref<32x128xf32, #tpu.memory_space<vmem>>, vector<1x16xf32>,
        %get3A_2405 = vector.shape_cast %get3A_2404 : vector<1x16xf32> to vector<16xf32>
        %get3A_2406 = arith.index_cast %add3A_2397 : i32 to index
        %get3A_2407 = arith.constant 0 : index
        %get3A_2408 = tpu.vector_load %arg12[%get3A_2406, %get3A_2407] {strides = array<i32>} : memref<672x128xf32, #tpu.memory_space<vmem>>, vector<1x16xf32>,
        %get3A_2409 = vector.shape_cast %get3A_2408 : vector<1x16xf32> to vector<16xf32>
        %mul3A_2410 = arith.mulf %get3A_2405, %get3A_2409 : vector<16xf32>
        %get3A_2411 = arith.index_cast %add3A_2401 : i32 to index
        %get3A_2412 = arith.constant 16 : index
        %get3A_2413 = tpu.vector_load %arg11[%get3A_2411, %get3A_2412] {strides = array<i32>} : memref<32x128xf32, #tpu.memory_space<vmem>>, vector<1x16xf32>,
        %get3A_2414 = vector.shape_cast %get3A_2413 : vector<1x16xf32> to vector<16xf32>
        %get3A_2415 = arith.index_cast %add3A_2397 : i32 to index
        %get3A_2416 = arith.constant 16 : index
        %get3A_2417 = tpu.vector_load %arg12[%get3A_2415, %get3A_2416] {strides = array<i32>} : memref<672x128xf32, #tpu.memory_space<vmem>>, vector<1x16xf32>,
        %get3A_2418 = vector.shape_cast %get3A_2417 : vector<1x16xf32> to vector<16xf32>
        %mul3A_2419 = arith.mulf %get3A_2414, %get3A_2418 : vector<16xf32>
        %add3A_2420 = arith.addf %mul3A_2410, %mul3A_2419 : vector<16xf32>
        %get3A_2421 = arith.index_cast %add3A_2401 : i32 to index
        %get3A_2422 = arith.constant 32 : index
        %get3A_2423 = tpu.vector_load %arg11[%get3A_2421, %get3A_2422] {strides = array<i32>} : memref<32x128xf32, #tpu.memory_space<vmem>>, vector<1x16xf32>,
        %get3A_2424 = vector.shape_cast %get3A_2423 : vector<1x16xf32> to vector<16xf32>
        %get3A_2425 = arith.index_cast %add3A_2397 : i32 to index
        %get3A_2426 = arith.constant 32 : index
        %get3A_2427 = tpu.vector_load %arg12[%get3A_2425, %get3A_2426] {strides = array<i32>} : memref<672x128xf32, #tpu.memory_space<vmem>>, vector<1x16xf32>,
        %get3A_2428 = vector.shape_cast %get3A_2427 : vector<1x16xf32> to vector<16xf32>
        %mul3A_2429 = arith.mulf %get3A_2424, %get3A_2428 : vector<16xf32>
        %add3A_2430 = arith.addf %add3A_2420, %mul3A_2429 : vector<16xf32>
        %get3A_2431 = arith.index_cast %add3A_2401 : i32 to index
        %get3A_2432 = arith.constant 48 : index
        %get3A_2433 = tpu.vector_load %arg11[%get3A_2431, %get3A_2432] {strides = array<i32>} : memref<32x128xf32, #tpu.memory_space<vmem>>, vector<1x16xf32>,
        %get3A_2434 = vector.shape_cast %get3A_2433 : vector<1x16xf32> to vector<16xf32>
        %get3A_2435 = arith.index_cast %add3A_2397 : i32 to index
        %get3A_2436 = arith.constant 48 : index
        %get3A_2437 = tpu.vector_load %arg12[%get3A_2435, %get3A_2436] {strides = array<i32>} : memref<672x128xf32, #tpu.memory_space<vmem>>, vector<1x16xf32>,
        %get3A_2438 = vector.shape_cast %get3A_2437 : vector<1x16xf32> to vector<16xf32>
        %mul3A_2439 = arith.mulf %get3A_2434, %get3A_2438 : vector<16xf32>
        %add3A_2440 = arith.addf %add3A_2430, %mul3A_2439 : vector<16xf32>
        %eq3A_2441 = arith.constant 13 : i32
        %eq3A_2442 = vector.broadcast %eq3A_2441 : i32 to vector<16xi32>
        %eq3A_2443 = arith.cmpi eq, %iota3A, %eq3A_2442 : vector<16xi32>
        %broadcast_in_dim3A_2444 = vector.shape_cast %xor3A_2 : vector<16xi32> to vector<16x1xi32>
        %gather3A_2445 = vector.shape_cast %broadcast_in_dim3A_2444 : vector<16x1xi32> to vector<16xi32>
        %gather3A_2446 = tpu.dynamic_gather %add3A_2440[%gather3A_2445] in [0] : vector<16xf32>, vector<16xi32> -> vector<16xf32>
        %add3A_2447 = arith.addf %add3A_2440, %gather3A_2446 : vector<16xf32>
        %broadcast_in_dim3A_2448 = vector.shape_cast %xor3A_5 : vector<16xi32> to vector<16x1xi32>
        %gather3A_2449 = vector.shape_cast %broadcast_in_dim3A_2448 : vector<16x1xi32> to vector<16xi32>
        %gather3A_2450 = tpu.dynamic_gather %add3A_2447[%gather3A_2449] in [0] : vector<16xf32>, vector<16xi32> -> vector<16xf32>
        %add3A_2451 = arith.addf %add3A_2447, %gather3A_2450 : vector<16xf32>
        %broadcast_in_dim3A_2452 = vector.shape_cast %xor3A_8 : vector<16xi32> to vector<16x1xi32>
        %gather3A_2453 = vector.shape_cast %broadcast_in_dim3A_2452 : vector<16x1xi32> to vector<16xi32>
        %gather3A_2454 = tpu.dynamic_gather %add3A_2451[%gather3A_2453] in [0] : vector<16xf32>, vector<16xi32> -> vector<16xf32>
        %add3A_2455 = arith.addf %add3A_2451, %gather3A_2454 : vector<16xf32>
        %broadcast_in_dim3A_2456 = vector.shape_cast %xor3A_11 : vector<16xi32> to vector<16x1xi32>
        %gather3A_2457 = vector.shape_cast %broadcast_in_dim3A_2456 : vector<16x1xi32> to vector<16xi32>
        %gather3A_2458 = tpu.dynamic_gather %add3A_2455[%gather3A_2457] in [0] : vector<16xf32>, vector<16xi32> -> vector<16xf32>
        %add3A_2459 = arith.addf %add3A_2455, %gather3A_2458 : vector<16xf32>
        %select_n3A_2460 = arith.select %eq3A_2443, %add3A_2459, %select_n3A_2391 : vector<16xi1>, vector<16xf32>
        %mul3A_2461 = arith.constant 16 : i32
        %mul3A_2462 = arith.muli %scan3A_1491, %mul3A_2461 : i32
        %add3A_2463 = arith.constant 336 : i32
        %add3A_2464 = arith.addi %add3A_2463, %mul3A_2462 : i32
        %add3A_2465 = arith.constant 14 : i32
        %add3A_2466 = arith.addi %add3A_2464, %add3A_2465 : i32
        %slice3A_2467 = vector.extract_strided_slice %get3A_1496 {offsets = [14], sizes = [1], strides = [1]} : vector<16xi32> to vector<1xi32>
        %squeeze3A_2468 = vector.extract %slice3A_2467[0] : i32 from vector<1xi32>
        %add3A_2469 = arith.constant 16 : i32
        %add3A_2470 = arith.addi %add3A_2469, %squeeze3A_2468 : i32
        %get3A_2471 = arith.index_cast %add3A_2470 : i32 to index
        %get3A_2472 = arith.constant 0 : index
        %get3A_2473 = tpu.vector_load %arg11[%get3A_2471, %get3A_2472] {strides = array<i32>} : memref<32x128xf32, #tpu.memory_space<vmem>>, vector<1x16xf32>,
        %get3A_2474 = vector.shape_cast %get3A_2473 : vector<1x16xf32> to vector<16xf32>
        %get3A_2475 = arith.index_cast %add3A_2466 : i32 to index
        %get3A_2476 = arith.constant 0 : index
        %get3A_2477 = tpu.vector_load %arg12[%get3A_2475, %get3A_2476] {strides = array<i32>} : memref<672x128xf32, #tpu.memory_space<vmem>>, vector<1x16xf32>,
        %get3A_2478 = vector.shape_cast %get3A_2477 : vector<1x16xf32> to vector<16xf32>
        %mul3A_2479 = arith.mulf %get3A_2474, %get3A_2478 : vector<16xf32>
        %get3A_2480 = arith.index_cast %add3A_2470 : i32 to index
        %get3A_2481 = arith.constant 16 : index
        %get3A_2482 = tpu.vector_load %arg11[%get3A_2480, %get3A_2481] {strides = array<i32>} : memref<32x128xf32, #tpu.memory_space<vmem>>, vector<1x16xf32>,
        %get3A_2483 = vector.shape_cast %get3A_2482 : vector<1x16xf32> to vector<16xf32>
        %get3A_2484 = arith.index_cast %add3A_2466 : i32 to index
        %get3A_2485 = arith.constant 16 : index
        %get3A_2486 = tpu.vector_load %arg12[%get3A_2484, %get3A_2485] {strides = array<i32>} : memref<672x128xf32, #tpu.memory_space<vmem>>, vector<1x16xf32>,
        %get3A_2487 = vector.shape_cast %get3A_2486 : vector<1x16xf32> to vector<16xf32>
        %mul3A_2488 = arith.mulf %get3A_2483, %get3A_2487 : vector<16xf32>
        %add3A_2489 = arith.addf %mul3A_2479, %mul3A_2488 : vector<16xf32>
        %get3A_2490 = arith.index_cast %add3A_2470 : i32 to index
        %get3A_2491 = arith.constant 32 : index
        %get3A_2492 = tpu.vector_load %arg11[%get3A_2490, %get3A_2491] {strides = array<i32>} : memref<32x128xf32, #tpu.memory_space<vmem>>, vector<1x16xf32>,
        %get3A_2493 = vector.shape_cast %get3A_2492 : vector<1x16xf32> to vector<16xf32>
        %get3A_2494 = arith.index_cast %add3A_2466 : i32 to index
        %get3A_2495 = arith.constant 32 : index
        %get3A_2496 = tpu.vector_load %arg12[%get3A_2494, %get3A_2495] {strides = array<i32>} : memref<672x128xf32, #tpu.memory_space<vmem>>, vector<1x16xf32>,
        %get3A_2497 = vector.shape_cast %get3A_2496 : vector<1x16xf32> to vector<16xf32>
        %mul3A_2498 = arith.mulf %get3A_2493, %get3A_2497 : vector<16xf32>
        %add3A_2499 = arith.addf %add3A_2489, %mul3A_2498 : vector<16xf32>
        %get3A_2500 = arith.index_cast %add3A_2470 : i32 to index
        %get3A_2501 = arith.constant 48 : index
        %get3A_2502 = tpu.vector_load %arg11[%get3A_2500, %get3A_2501] {strides = array<i32>} : memref<32x128xf32, #tpu.memory_space<vmem>>, vector<1x16xf32>,
        %get3A_2503 = vector.shape_cast %get3A_2502 : vector<1x16xf32> to vector<16xf32>
        %get3A_2504 = arith.index_cast %add3A_2466 : i32 to index
        %get3A_2505 = arith.constant 48 : index
        %get3A_2506 = tpu.vector_load %arg12[%get3A_2504, %get3A_2505] {strides = array<i32>} : memref<672x128xf32, #tpu.memory_space<vmem>>, vector<1x16xf32>,
        %get3A_2507 = vector.shape_cast %get3A_2506 : vector<1x16xf32> to vector<16xf32>
        %mul3A_2508 = arith.mulf %get3A_2503, %get3A_2507 : vector<16xf32>
        %add3A_2509 = arith.addf %add3A_2499, %mul3A_2508 : vector<16xf32>
        %eq3A_2510 = arith.constant 14 : i32
        %eq3A_2511 = vector.broadcast %eq3A_2510 : i32 to vector<16xi32>
        %eq3A_2512 = arith.cmpi eq, %iota3A, %eq3A_2511 : vector<16xi32>
        %broadcast_in_dim3A_2513 = vector.shape_cast %xor3A_2 : vector<16xi32> to vector<16x1xi32>
        %gather3A_2514 = vector.shape_cast %broadcast_in_dim3A_2513 : vector<16x1xi32> to vector<16xi32>
        %gather3A_2515 = tpu.dynamic_gather %add3A_2509[%gather3A_2514] in [0] : vector<16xf32>, vector<16xi32> -> vector<16xf32>
        %add3A_2516 = arith.addf %add3A_2509, %gather3A_2515 : vector<16xf32>
        %broadcast_in_dim3A_2517 = vector.shape_cast %xor3A_5 : vector<16xi32> to vector<16x1xi32>
        %gather3A_2518 = vector.shape_cast %broadcast_in_dim3A_2517 : vector<16x1xi32> to vector<16xi32>
        %gather3A_2519 = tpu.dynamic_gather %add3A_2516[%gather3A_2518] in [0] : vector<16xf32>, vector<16xi32> -> vector<16xf32>
        %add3A_2520 = arith.addf %add3A_2516, %gather3A_2519 : vector<16xf32>
        %broadcast_in_dim3A_2521 = vector.shape_cast %xor3A_8 : vector<16xi32> to vector<16x1xi32>
        %gather3A_2522 = vector.shape_cast %broadcast_in_dim3A_2521 : vector<16x1xi32> to vector<16xi32>
        %gather3A_2523 = tpu.dynamic_gather %add3A_2520[%gather3A_2522] in [0] : vector<16xf32>, vector<16xi32> -> vector<16xf32>
        %add3A_2524 = arith.addf %add3A_2520, %gather3A_2523 : vector<16xf32>
        %broadcast_in_dim3A_2525 = vector.shape_cast %xor3A_11 : vector<16xi32> to vector<16x1xi32>
        %gather3A_2526 = vector.shape_cast %broadcast_in_dim3A_2525 : vector<16x1xi32> to vector<16xi32>
        %gather3A_2527 = tpu.dynamic_gather %add3A_2524[%gather3A_2526] in [0] : vector<16xf32>, vector<16xi32> -> vector<16xf32>
        %add3A_2528 = arith.addf %add3A_2524, %gather3A_2527 : vector<16xf32>
        %select_n3A_2529 = arith.select %eq3A_2512, %add3A_2528, %select_n3A_2460 : vector<16xi1>, vector<16xf32>
        %mul3A_2530 = arith.constant 16 : i32
        %mul3A_2531 = arith.muli %scan3A_1491, %mul3A_2530 : i32
        %add3A_2532 = arith.constant 336 : i32
        %add3A_2533 = arith.addi %add3A_2532, %mul3A_2531 : i32
        %add3A_2534 = arith.constant 15 : i32
        %add3A_2535 = arith.addi %add3A_2533, %add3A_2534 : i32
        %slice3A_2536 = vector.extract_strided_slice %get3A_1496 {offsets = [15], sizes = [1], strides = [1]} : vector<16xi32> to vector<1xi32>
        %squeeze3A_2537 = vector.extract %slice3A_2536[0] : i32 from vector<1xi32>
        %add3A_2538 = arith.constant 16 : i32
        %add3A_2539 = arith.addi %add3A_2538, %squeeze3A_2537 : i32
        %get3A_2540 = arith.index_cast %add3A_2539 : i32 to index
        %get3A_2541 = arith.constant 0 : index
        %get3A_2542 = tpu.vector_load %arg11[%get3A_2540, %get3A_2541] {strides = array<i32>} : memref<32x128xf32, #tpu.memory_space<vmem>>, vector<1x16xf32>,
        %get3A_2543 = vector.shape_cast %get3A_2542 : vector<1x16xf32> to vector<16xf32>
        %get3A_2544 = arith.index_cast %add3A_2535 : i32 to index
        %get3A_2545 = arith.constant 0 : index
        %get3A_2546 = tpu.vector_load %arg12[%get3A_2544, %get3A_2545] {strides = array<i32>} : memref<672x128xf32, #tpu.memory_space<vmem>>, vector<1x16xf32>,
        %get3A_2547 = vector.shape_cast %get3A_2546 : vector<1x16xf32> to vector<16xf32>
        %mul3A_2548 = arith.mulf %get3A_2543, %get3A_2547 : vector<16xf32>
        %get3A_2549 = arith.index_cast %add3A_2539 : i32 to index
        %get3A_2550 = arith.constant 16 : index
        %get3A_2551 = tpu.vector_load %arg11[%get3A_2549, %get3A_2550] {strides = array<i32>} : memref<32x128xf32, #tpu.memory_space<vmem>>, vector<1x16xf32>,
        %get3A_2552 = vector.shape_cast %get3A_2551 : vector<1x16xf32> to vector<16xf32>
        %get3A_2553 = arith.index_cast %add3A_2535 : i32 to index
        %get3A_2554 = arith.constant 16 : index
        %get3A_2555 = tpu.vector_load %arg12[%get3A_2553, %get3A_2554] {strides = array<i32>} : memref<672x128xf32, #tpu.memory_space<vmem>>, vector<1x16xf32>,
        %get3A_2556 = vector.shape_cast %get3A_2555 : vector<1x16xf32> to vector<16xf32>
        %mul3A_2557 = arith.mulf %get3A_2552, %get3A_2556 : vector<16xf32>
        %add3A_2558 = arith.addf %mul3A_2548, %mul3A_2557 : vector<16xf32>
        %get3A_2559 = arith.index_cast %add3A_2539 : i32 to index
        %get3A_2560 = arith.constant 32 : index
        %get3A_2561 = tpu.vector_load %arg11[%get3A_2559, %get3A_2560] {strides = array<i32>} : memref<32x128xf32, #tpu.memory_space<vmem>>, vector<1x16xf32>,
        %get3A_2562 = vector.shape_cast %get3A_2561 : vector<1x16xf32> to vector<16xf32>
        %get3A_2563 = arith.index_cast %add3A_2535 : i32 to index
        %get3A_2564 = arith.constant 32 : index
        %get3A_2565 = tpu.vector_load %arg12[%get3A_2563, %get3A_2564] {strides = array<i32>} : memref<672x128xf32, #tpu.memory_space<vmem>>, vector<1x16xf32>,
        %get3A_2566 = vector.shape_cast %get3A_2565 : vector<1x16xf32> to vector<16xf32>
        %mul3A_2567 = arith.mulf %get3A_2562, %get3A_2566 : vector<16xf32>
        %add3A_2568 = arith.addf %add3A_2558, %mul3A_2567 : vector<16xf32>
        %get3A_2569 = arith.index_cast %add3A_2539 : i32 to index
        %get3A_2570 = arith.constant 48 : index
        %get3A_2571 = tpu.vector_load %arg11[%get3A_2569, %get3A_2570] {strides = array<i32>} : memref<32x128xf32, #tpu.memory_space<vmem>>, vector<1x16xf32>,
        %get3A_2572 = vector.shape_cast %get3A_2571 : vector<1x16xf32> to vector<16xf32>
        %get3A_2573 = arith.index_cast %add3A_2535 : i32 to index
        %get3A_2574 = arith.constant 48 : index
        %get3A_2575 = tpu.vector_load %arg12[%get3A_2573, %get3A_2574] {strides = array<i32>} : memref<672x128xf32, #tpu.memory_space<vmem>>, vector<1x16xf32>,
        %get3A_2576 = vector.shape_cast %get3A_2575 : vector<1x16xf32> to vector<16xf32>
        %mul3A_2577 = arith.mulf %get3A_2572, %get3A_2576 : vector<16xf32>
        %add3A_2578 = arith.addf %add3A_2568, %mul3A_2577 : vector<16xf32>
        %eq3A_2579 = arith.constant 15 : i32
        %eq3A_2580 = vector.broadcast %eq3A_2579 : i32 to vector<16xi32>
        %eq3A_2581 = arith.cmpi eq, %iota3A, %eq3A_2580 : vector<16xi32>
        %broadcast_in_dim3A_2582 = vector.shape_cast %xor3A_2 : vector<16xi32> to vector<16x1xi32>
        %gather3A_2583 = vector.shape_cast %broadcast_in_dim3A_2582 : vector<16x1xi32> to vector<16xi32>
        %gather3A_2584 = tpu.dynamic_gather %add3A_2578[%gather3A_2583] in [0] : vector<16xf32>, vector<16xi32> -> vector<16xf32>
        %add3A_2585 = arith.addf %add3A_2578, %gather3A_2584 : vector<16xf32>
        %broadcast_in_dim3A_2586 = vector.shape_cast %xor3A_5 : vector<16xi32> to vector<16x1xi32>
        %gather3A_2587 = vector.shape_cast %broadcast_in_dim3A_2586 : vector<16x1xi32> to vector<16xi32>
        %gather3A_2588 = tpu.dynamic_gather %add3A_2585[%gather3A_2587] in [0] : vector<16xf32>, vector<16xi32> -> vector<16xf32>
        %add3A_2589 = arith.addf %add3A_2585, %gather3A_2588 : vector<16xf32>
        %broadcast_in_dim3A_2590 = vector.shape_cast %xor3A_8 : vector<16xi32> to vector<16x1xi32>
        %gather3A_2591 = vector.shape_cast %broadcast_in_dim3A_2590 : vector<16x1xi32> to vector<16xi32>
        %gather3A_2592 = tpu.dynamic_gather %add3A_2589[%gather3A_2591] in [0] : vector<16xf32>, vector<16xi32> -> vector<16xf32>
        %add3A_2593 = arith.addf %add3A_2589, %gather3A_2592 : vector<16xf32>
        %broadcast_in_dim3A_2594 = vector.shape_cast %xor3A_11 : vector<16xi32> to vector<16x1xi32>
        %gather3A_2595 = vector.shape_cast %broadcast_in_dim3A_2594 : vector<16x1xi32> to vector<16xi32>
        %gather3A_2596 = tpu.dynamic_gather %add3A_2593[%gather3A_2595] in [0] : vector<16xf32>, vector<16xi32> -> vector<16xf32>
        %add3A_2597 = arith.addf %add3A_2593, %gather3A_2596 : vector<16xf32>
        %select_n3A_2598 = arith.select %eq3A_2581, %add3A_2597, %select_n3A_2529 : vector<16xi1>, vector<16xf32>
        %mul3A_2599 = arith.constant 16 : i32
        %mul3A_2600 = arith.muli %scan3A_1491, %mul3A_2599 : i32
        %add3A_2601 = arith.addi %mul3A_1484, %mul3A_2600 : i32
        %swap3A = arith.index_cast %add3A_2601 : i32 to index
        %swap3A_2602 = tpu.vector_load %arg13[%swap3A] {strides = array<i32>} : memref<10752xf32, #tpu.memory_space<vmem>>, vector<16xf32>,
        %swap3A_2603 = vector.shape_cast %swap3A_2602 : vector<16xf32> to vector<16xf32>
        %swap3A_2604 = vector.shape_cast %select_n3A_2598 : vector<16xf32> to vector<16xf32>
        tpu.vector_store %arg13[%swap3A], %swap3A_2604 {strides = array<i32>} : memref<10752xf32, #tpu.memory_space<vmem>>, vector<16xf32>,
      }
      %scan3A_1490 = arith.constant 21 : i32
    }
    %scan3A_480 = arith.constant 16 : i32
    %dma_wait3A_481 = arith.constant 0 : i32
    %dma_wait3A_482 = arith.constant 0 : i32
    %dma_wait3A_483 = tpu.memref_slice %arg12[%dma_wait3A_481, %dma_wait3A_482] : memref<672x128xf32, #tpu.memory_space<vmem>> -> memref<336x128xf32, #tpu.memory_space<vmem>>
    %dma_wait3A_484 = arith.constant 0 : i32
    %dma_wait3A_485 = arith.constant 0 : i32
    %dma_wait3A_486 = tpu.memref_slice %arg6[%dma_wait3A_484, %dma_wait3A_485] : memref<1000000x128xf32, #tpu.memory_space<hbm>> -> memref<1000000x128xf32, #tpu.memory_space<hbm>>
    tpu.wait_indirect_dma semaphore(%arg15 : memref<!tpu.dma_semaphore, #tpu.memory_space<semaphore_mem>>) src(%dma_wait3A_486 : memref<1000000x128xf32, #tpu.memory_space<hbm>>) dst(%dma_wait3A_483 : memref<336x128xf32, #tpu.memory_space<vmem>>)
    %mul3A_487 = arith.constant 512 : i32
    %mul3A_488 = arith.muli %add3A, %mul3A_487 : i32
    %mul3A_489 = arith.constant 21 : i32
    %mul3A_490 = arith.muli %mul3A_488, %mul3A_489 : i32
    "tpu.region"() ({
      %run_scoped3A = tpu.sem_alloc : memref<!tpu.dma_semaphore, #tpu.memory_space<semaphore_mem>>
      %dma_start3A_491 = tpu.memref_slice %arg7[%mul3A_490] : memref<344064xf32, #tpu.memory_space<hbm>> -> memref<10752xf32, #tpu.memory_space<hbm>>
      %dma_start3A_492 = tpu.memref_slice %arg7[%mul3A_490] : memref<344064xf32, #tpu.memory_space<hbm>> -> memref<10752xf32, #tpu.memory_space<hbm>>
      tpu.enqueue_dma source(%arg13 : memref<10752xf32, #tpu.memory_space<vmem>>) target(%dma_start3A_492 : memref<10752xf32, #tpu.memory_space<hbm>>) target_semaphore(%run_scoped3A : memref<!tpu.dma_semaphore, #tpu.memory_space<semaphore_mem>>)
      %dma_wait3A_493 = tpu.memref_slice %arg7[%mul3A_490] : memref<344064xf32, #tpu.memory_space<hbm>> -> memref<10752xf32, #tpu.memory_space<hbm>>
      %dma_wait3A_494 = tpu.memref_slice %arg7[%mul3A_490] : memref<344064xf32, #tpu.memory_space<hbm>> -> memref<10752xf32, #tpu.memory_space<hbm>>
      tpu.wait_dma2 semaphore(%run_scoped3A : memref<!tpu.dma_semaphore, #tpu.memory_space<semaphore_mem>>) src(%arg13 : memref<10752xf32, #tpu.memory_space<vmem>>) dst(%dma_wait3A_494 : memref<10752xf32, #tpu.memory_space<hbm>>)
      tpu.yield
    }) : () -> ()
    return
  }
}

module attributes {stable_mosaic.version = 14 : i64} {
  func.func @_tr_body(%arg0: i32, %arg1: memref<64x4096xf32, #tpu.memory_space<vmem>>, %arg2: memref<4096x128xf32, #tpu.memory_space<vmem>>) attributes {dimension_semantics = [#tpu.dimension_semantics<arbitrary>], iteration_bounds = array<i64: 245>, scalar_prefetch = 0 : i64, scratch_operands = 0 : i64, tpu.core_type = #tpu.core_type<tc>, window_params = [{transform_indices = @transform_0, window_bounds = array<i64: 64, 4096>}, {transform_indices = @transform_1, window_bounds = array<i64: 4096, 128>}]} {
    %get3A = arith.constant 0 : index
    %get3A_0 = arith.constant 0 : index
    %get3A_1 = vector.load %arg1[%get3A, %get3A_0] : memref<64x4096xf32, #tpu.memory_space<vmem>>, vector<64x4096xf32>
    %iota3A = tpu.iota {dimensions = array<i32: 0>} : vector<64x64xi32>
    %iota3A_2 = tpu.iota {dimensions = array<i32: 1>} : vector<64x64xi32>
    %eq3A = arith.cmpi eq, %iota3A, %iota3A_2 : vector<64x64xi32>
    %convert_element_type3A = arith.extui %eq3A : vector<64x64xi1> to vector<64x64xi32>
    %convert_element_type3A_3 = arith.sitofp %convert_element_type3A : vector<64x64xi32> to vector<64x64xf32>
    %convert_element_type3A_4 = arith.truncf %convert_element_type3A_3 : vector<64x64xf32> to vector<64x64xbf16>
    %convert_element_type3A_5 = arith.truncf %get3A_1 : vector<64x4096xf32> to vector<64x4096xbf16>
    %dot_general3A = arith.constant dense<0.000000e+00> : vector<4096x64xf32>
    %dot_general3A_6 = tpu.matmul %convert_element_type3A_5, %convert_element_type3A_4, %dot_general3A {dimension_numbers = #tpu.dot_dimension_numbers<[0], [0], [1], [1], [0, 1, 1, 1], [], []>, transpose_lhs_hint = false} : vector<64x4096xbf16>, vector<64x64xbf16>, vector<4096x64xf32> -> vector<4096x64xf32>
    %broadcast_in_dim3A = arith.constant 0.000000e+00 : f32
    %broadcast_in_dim3A_7 = vector.broadcast %broadcast_in_dim3A : f32 to vector<4096x64xf32>
    %concatenate3A = tpu.concatenate %dot_general3A_6, %broadcast_in_dim3A_7 in 1 : vector<4096x64xf32>, vector<4096x64xf32> -> vector<4096x128xf32>
    %swap3A = arith.constant 0 : index
    %swap3A_8 = arith.constant 0 : index
    %swap3A_9 = vector.load %arg2[%swap3A, %swap3A_8] : memref<4096x128xf32, #tpu.memory_space<vmem>>, vector<4096x128xf32>
    tpu.vector_store %arg2[%swap3A, %swap3A_8], %concatenate3A {strides = array<i32>} : memref<4096x128xf32, #tpu.memory_space<vmem>>, vector<4096x128xf32>,
    return
  }
  func.func @transform_0(%arg0: i32) -> (i32, i32) {
    %c0_i32 = arith.constant 0 : i32
    %c0_i32_0 = arith.constant 0 : i32
    return %c0_i32, %arg0 : i32, i32
  }
  func.func @transform_1(%arg0: i32) -> (i32, i32) {
    %c0_i32 = arith.constant 0 : i32
    %c0_i32_0 = arith.constant 0 : i32
    return %arg0, %c0_i32 : i32, i32
  }
}

</mosaic_0001>

<sc_bundles>
// kernel: kernel.4.cloned.1.call-start
scs
__scs_entry_jumppad:
0x0: {  	(pc) =	sbr.rel $0x88, $3  }
0x1: {  	(tag) =	ssettag $0x0;
	lr =	simm.s32 $0x1  }
0x2: {  	[smem:$0x3F9C] =	sst lr;
	_ =	strace $0xD0000000  }
0x3: {  	_ = 	snop  }
0x4: {  	_ = 	snop  }
0x5: {  	_ = 	snop  }
0x6: {  	_ = 	snop  }
0x7: {  	_ = 	snop  }
__scs_overlays_trampoline_lowered:
0x8: {  	[smem:$0x3FAB] =	sst s0  }
0x9: {  	[smem:$0x3FAC] =	sst s1  }
0xa: {  	[smem:$0x3FAD] =	sst s2  }
0xb: {  	[smem:$0x3FAE] =	sst s3  }
0xc: {  	[smem:$0x3FAF] =	sst s4  }
0xd: {  	[smem:$0x3FB0] =	sst s5  }
0xe: {  	[smem:$0x3FB1] =	sst s6  }
0xf: {  	[smem:$0x3FB2] =	sst s7  }
0x10: {  	[smem:$0x3FB3] =	sst s8  }
0x11: {  	[smem:$0x3FB4] =	sst s9;
	s0 =	simm.s32 @!p0 $0x0  }
0x12: {  	s1 =	sld [smem:$0x3F9A];
	s0 =	simm.s32 @p0 $0x1  }
0x13: {  	[smem:$0x3FB5] =	sst s0;
	s0 =	simm.s32 @!p1 $0x0  }
0x14: {  	s2 =	sld [smem:$0x3F99];
	s0 =	simm.s32 @p1 $0x1  }
0x15: {  	[smem:$0x3FB6] =	sst s0;
	s0 =	simm.s32 @!p2 $0x0  }
0x16: {  	s3 =	sld [smem:$0x3FDB];
	s0 =	simm.s32 @p2 $0x1  }
0x17: {  	s4 =	simm.s32 $0x1BF5;
	[smem:$0x3FB8] =	sst s0  }
0x18: {  	s0 =	sld [smem:$0x3F9B];
	_ =	swait.ge [sflag:s4], $0x0  }
0x19: {  	s7 =	sld [smem:$0x3F9C]  }
0x1a: {  	s8 =	sadd.s32 $0xFFFFE003, lr  }
0x1b: {  	s9 =	sadd.s32 $0xFFFFFEF7, lr;
	s5 =	simm.s32 $0xFFFFFFFF;
	p2 =	slt.u32 s8, $0xFFFFF086  }
0x1c: {  	p1 =	slt.u32 s9, $0xF7A;
	s5 =	simm.s32 @!p2 $0x0  }
0x1d: {  	s5 =	simm.s32 @p1 $0x1;
	p0 =	seq.s32 s7, s2  }
0x1e: {  	s7 =	smul.u32 @!p0 $0xF7A, s2;
	p2 =	seq.s32 @!p0 s5, $0x0  }
0x1f: {  	s9 =	smul.u32 $0xF7A, s1;
	s8 =	simm.s32 @!p0 $0x1BF5;
	p2 =	por !p2, p0  }
0x20: {  	[sflag:s8] =	ssyncset.s32 @!p0 $0xFFFFF086;
	s6 =	sadd.s32 @!p0 s3, s7;
	s7 =	simm.s32 @!p0 $0x108  }
0x21: {  	s3 =	sadd.s32 s3, s9;
	s6 =	sadd.s32 @!p0 $0x88, s6;
	s7 =	simm.s32 @p2 $0x1082  }
0x22: {  	[simem:s7], [sflag:s8] =	dma.local @!p0 [hbm:s6], $0xF7A  }
0x23: {  	s9 =	sor.u32 $0xD0000000, s2;
	s6 =	simm.s32 $0x108;
	_ =	swait.ge @!p0 [sflag:s8], $0x0  }
0x24: {  	s3 =	sadd.s32 $0x88, s3;
	s6 =	simm.s32 @!p1 $0x1082;
	[sflag:s4] =	ssyncset.s32 $0xFFFFF086  }
0x25: {  	[simem:s6], [sflag:s4] =	dma.local [hbm:s3], $0xF7A  }
0x26: {  	[smem:$0x3F9C] =	sst s1;
	(tag) =	ssettag s2;
	_ =	strace s9  }
0x27: {  	s1 =	sld [smem:$0x3FAC]  }
0x28: {  	s2 =	sld [smem:$0x3FAD]  }
0x29: {  	s4 =	sld [smem:$0x3FAF]  }
0x2a: {  	p0 =	seq.s32 s5, $0x0;
	s5 =	sld [smem:$0x3FB0]  }
0x2b: {  	s6 =	sld [smem:$0x3FB1]  }
0x2c: {  	s7 =	sld [smem:$0x3FB2]  }
0x2d: {  	s3 =	simm.s32 $0x108;
	s8 =	sld [smem:$0x3FB3]  }
0x2e: {  	s3 =	simm.s32 @!p0 $0x1082;
	s9 =	sld [smem:$0x3FB4]  }
0x2f: {  	lr =	sadd.s32 s0, s3;
	s0 =	sld [smem:$0x3FAB]  }
0x30: {  	s3 =	sld [smem:$0x3FAE]  }
0x31: {  	[smem:$0x3FB7] =	sst s10  }
0x32: {  	s10 =	sld [smem:$0x3FB5];
	_ =	sdelay $0x3  }
0x33: {  	p0 =	seq.s32 s10, $0x1;
	s10 =	sld [smem:$0x3FB7];
	_ =	sdelay $0x3  }
0x34: {  	[smem:$0x3FB7] =	sst s10  }
0x35: {  	s10 =	sld [smem:$0x3FB6];
	_ =	sdelay $0x3  }
0x36: {  	p1 =	seq.s32 s10, $0x1;
	s10 =	sld [smem:$0x3FB7];
	_ =	sdelay $0x3  }
0x37: {  	[smem:$0x3FB7] =	sst s10  }
0x38: {  	s10 =	sld [smem:$0x3FB8]  }
0x39: {  	_ = 	snop;
	(pc) =	sbr.ind lr, $3  }
0x3a: {  	_ = 	snop  }
0x3b: {  	_ = 	snop  }
0x3c: {  	p2 =	seq.s32 s10, $0x1;
	s10 =	sld [smem:$0x3FB7]  }
0x3d: {  	_ =	shalt  }
0x3e: {  	_ =	shalt  }
0x3f: {  	_ =	shalt  }
0x40: {  	_ =	shalt  }
0x41: {  	_ =	shalt  }
0x42: {  	_ =	shalt  }
0x43: {  	_ =	shalt  }
0x44: {  	_ =	shalt  }
0x45: {  	_ =	shalt  }
0x46: {  	_ =	shalt  }
0x47: {  	_ =	shalt  }
0x48: {  	_ =	shalt  }
0x49: {  	_ =	shalt  }
0x4a: {  	_ =	shalt  }
0x4b: {  	_ =	shalt  }
0x4c: {  	_ =	shalt  }
0x4d: {  	_ =	shalt  }
0x4e: {  	_ =	shalt  }
0x4f: {  	_ =	shalt  }
0x50: {  	_ =	shalt  }
0x51: {  	_ =	shalt  }
0x52: {  	_ =	shalt  }
0x53: {  	_ =	shalt  }
0x54: {  	_ =	shalt  }
0x55: {  	_ =	shalt  }
0x56: {  	_ =	shalt  }
0x57: {  	_ =	shalt  }
0x58: {  	_ =	shalt  }
0x59: {  	_ =	shalt  }
0x5a: {  	_ =	shalt  }
0x5b: {  	_ =	shalt  }
0x5c: {  	_ =	shalt  }
0x5d: {  	_ =	shalt  }
0x5e: {  	_ =	shalt  }
0x5f: {  	_ =	shalt  }
0x60: {  	_ =	shalt  }
0x61: {  	_ =	shalt  }
0x62: {  	_ =	shalt  }
0x63: {  	_ =	shalt  }
0x64: {  	_ =	shalt  }
0x65: {  	_ =	shalt  }
0x66: {  	_ =	shalt  }
0x67: {  	_ =	shalt  }
0x68: {  	_ =	shalt  }
0x69: {  	_ =	shalt  }
0x6a: {  	_ =	shalt  }
0x6b: {  	_ =	shalt  }
0x6c: {  	_ =	shalt  }
0x6d: {  	_ =	shalt  }
0x6e: {  	_ =	shalt  }
0x6f: {  	_ =	shalt  }
0x70: {  	_ =	shalt  }
0x71: {  	_ =	shalt  }
0x72: {  	_ =	shalt  }
0x73: {  	_ =	shalt  }
0x74: {  	_ =	shalt  }
0x75: {  	_ =	shalt  }
0x76: {  	_ =	shalt  }
0x77: {  	_ =	shalt  }
0x78: {  	_ =	shalt  }
0x79: {  	_ =	shalt  }
0x7a: {  	_ =	shalt  }
0x7b: {  	_ =	shalt  }
0x7c: {  	_ =	shalt  }
0x7d: {  	_ =	shalt  }
0x7e: {  	_ =	shalt  }
0x7f: {  	_ =	shalt  }
0x80: {  	_ =	shalt  }
0x81: {  	_ =	shalt  }
0x82: {  	_ =	shalt  }
0x83: {  	_ =	shalt  }
0x84: {  	_ =	shalt  }
0x85: {  	_ =	shalt  }
0x86: {  	_ =	shalt  }
0x87: {  	_ =	shalt  }
.Lfunc_end0:
.L_simem_size_0:
called_computation_lowered:
.L_overlay_start_0:
0x88: {  	s2 =	sld [smem:$0x3FD9]  }
0x89: {  	s3 =	sld [smem:$0x3FFE];
	_ =	sdelay $0x1  }
0x8a: {  	s1 =	srdreg.scid  }
0x8b: {  	s0 =	sand.u32 $0x1, s1  }
0x8c: {  	s14 =	sshll.u32 s0, $0xA;
	s2 =	sadd.s32 s3, s2  }
0x8d: {  	s2 =	sadd.s32 s2, s14  }
0x8e: {  	[smem:$0x3FC3] =	sst s2  }
0x8f: {  	_ = 	snop  }
0x90: {  	s2 =	sld [smem:$0x3FD0];
	_ =	sdelay $0x2  }
0x91: {  	s4 =	simm.s32 $0xA;
	s5 =	simm.s32 $0x10;
	s15 =	sld [smem:$0x3FC9]  }
0x92: {  	[smem:s5], [sflag:s4] =	dma.local [hbm:s2], $0x1  }
0x93: {  	_ =	swait.eq [sflag:s4], $0x1  }
0x94: {  	[sflag:s4] =	ssyncset.done $0x0  }
0x95: {  	s16 =	sld [smem:$0x10];
	[sflag:s4] =	ssyncadd.s32 $0xFFFFFFFF  }
0x96: {  	s17 =	sld [smem:$0x11];
	(tm) =	ssettm $0x1  }
0x97: {  	s18 =	sld [smem:$0x3FFB];
	_ =	sdelay $0x3  }
0x98: {  	_ =	strace s18  }
0x99: {  	s5 =	sld [smem:$0x3FFC];
	_ =	sdelay $0x3  }
0x9a: {  	_ =	strace s5  }
0x9b: {  	s5 =	sld [smem:$0x3FFD];
	_ =	sdelay $0x3  }
0x9c: {  	_ =	strace s5  }
0x9d: {  	_ =	strace $0x8FFFFFFF  }
0x9e: {  	s19 =	sld [smem:$0x3FDB];
	_ =	sdelay $0x1  }
0x9f: {  	s6 =	simm.s32 $_scs_section_size  }
0xa0: {  	s7 =	simm.s32 $_size__tile_overlayer_lowered;
	s8 =	simm.s32 $_tile_overlayer_lowered  }
0xa1: {  	s22 =	simm.s32 $0x1BFF;
	s21 =	sshll.u32 s8, $0x1;
	s5 =	sadd.s32 s6, s19  }
0xa2: {  	s9 =	simm.s32 $0x0;
	s20 =	sshll.u32 s7, $0x1;
	s7 =	sadd.s32 s21, s5  }
0xa3: {  	[timem:s9], [sflag:s22] =	dma.local [hbm:s7], s20  }
0xa4: {  	_ =	swait.ge [sflag:s22], s20  }
0xa5: {  	s6 =	ssub.s32 $0x0, s20;
	[sflag:s22] =	ssyncset.done $0x0  }
0xa6: {  	[sflag:s22] =	ssyncadd.s32 s6;
	_ =	sdelay $0x1  }
0xa7: {  	s23 =	simm.s32 $0x1B8B  }
0xa8: {  	_ =	swait.ge [sflag:s23], $0x1  }
0xa9: {  	[sflag:s23] =	ssyncset.done $0x0  }
0xaa: {  	s25 =	simm.s32 $0x1B8E;
	s24 =	sld [smem:$0x3FFE];
	[sflag:s23] =	ssyncadd.s32 $0xFFFFFFFF  }
0xab: {  	s26 =	simm.s32 $execute0_lowered;
	[smem:$0x3FD2] =	sst s25  }
0xac: {  	s7 =	sshll.u32 s26, $0x1;
	_ =	strace $0x80000046;
	[dreg:$0x1] =	wrdreg $0xFFFFFFFF  }
0xad: {  	s28 =	simm.s32 $_size_execute0_lowered;
	s5 =	sadd.s32 s5, s7;
	[dreg:$0x0] =	wrdreg $0x0  }
0xae: {  	s7 =	sshll.u32 s28, $0x1;
	[dreg:$0x2] =	wrdreg s5  }
0xaf: {  	[dreg:$0x3] =	wrdreg s7  }
0xb0: {  	[dreg:$0x4] =	wrdreg $0xC0  }
0xb1: {  	_ =	task [dreg:s9], $0x5FFFF  }
0xb2: {  	[dreg:$0x1] =	wrdreg $0xFFFFFFFF  }
0xb3: {  	[dreg:$0x0] =	wrdreg $0x60  }
0xb4: {  	[dreg:$0x2] =	wrdreg s17  }
0xb5: {  	[dreg:$0x3] =	wrdreg s15  }
0xb6: {  	[dreg:$0x4] =	wrdreg s16  }
0xb7: {  	[dreg:$0x5] =	wrdreg s24  }
0xb8: {  	[dreg:$0x6] =	wrdreg $0x9  }
0xb9: {  	_ =	task.clear_ibuf [dreg:s9], $0x7FFFF;
	_ =	strace $0x90000046  }
0xba: {  	s29 =	simm.s32 $0x9;
	_ =	strace $0x80000048  }
0xbb: {  	_ =	swait.ge [sflag:s29], $0x1  }
0xbc: {  	[sflag:s29] =	ssyncadd.s32 $0xFFFFFFFF  }
0xbd: {  	_ =	strace $0x90000048  }
0xbe: {  	_ =	sfence  }
0xbf: {  	s30 =	sld [smem:$0x0];
	_ =	sdelay $0x2  }
0xc0: {  	s31 =	sshll.u32 s1, $0xD;
	s1 =	sshrl.u32 s1, $0x2  }
0xc1: {  	s3 =	sand.u32 $0x4000, s31;
	s1 =	sadd.s32 s1, s30  }
0xc2: {  	s0 =	sor.u32 s3, s0;
	s1 =	sshll.u32 s1, $0x11  }
0xc3: {  	s0 =	sor.u32 s1, s0  }
0xc4: {  	s0 =	sadd.s32 $0x8F2B, s0  }
0xc5: {  	[sflag:s0] =	ssyncadd.remote.s32 $0x1  }
0xc6: {  	_ =	sfence.sel $0xFFFF  }
0xc7: {  	[dreg:$0x0] =	wrdreg $0xFFFFFFFF;
	(pc) =	sbr.abs _section_cstart, $3  }
0xc8: {  	[dreg:$0x1] =	wrdreg $0xFFFFFFFF  }
0xc9: {  	_ =	task.clear_ibuf [dreg:s9], $0x2FFFF;
	_ =	strace $0x9FFFFFFF  }
0xca: {  	(tm) =	ssettm $0x7FFFFFFF  }
0xcb: {  	_ =	shalt  }
tec
execute0_lowered:
.L_overlay_start_1:
0x0: {  	(tag) =	ssettag $0x1  }
0x1: {  	s8 =	rddreg [dreg:$0x0]  }
0x2: {  	s9 =	rddreg [dreg:$0x1]  }
0x3: {  	s0 =	srdreg.scid;
	s1 =	stileid.u32;
	v0 =	vimm.s32 $0xEFCDAB89;
	v1 =	vimm.s32 $0x67452301  }
0x4: {  	s5 =	rddreg [dreg:$0x3];
	s11 =	simm.s32 $0x0;
	v2 =	vimm.s32 $0xDCFE98BA;
	s15 =	simm.s32 $0x4;
	v3 =	vimm.s32 $0x54761032;
	v4 =	vimm.s32 $0xBA98FEDC  }
0x5: {  	s18 =	simm.s32 $0x400;
	s19 =	simm.s32 $0x80;
	v5 =	vimm.s32 $0x32107654;
	v6 =	vimm.s32 $0xFEDCBA98;
	s28 =	simm.s32 $0x780  }
0x6: {  	v7 =	vimm.s32 $0x76543210;
	s29 =	simm.s32 $0x800;
	s30 =	simm.s32 $0x880;
	s31 =	simm.s32 $0x900  }
0x7: {  	s14 =	simm.s32 $0xB00;
	vm0 =	vmmov $0x1;
	vm1 =	vmmov $0x3;
	vm2 =	vmmov $0x7;
	s13 =	simm.s32 $0x1080;
	s12 =	simm.s32 $0x1180  }
0x8: {  	vm3 =	vmmov $0xf;
	vm4 =	vmmov $0x1f;
	vm5 =	vmmov $0x3f;
	s17 =	simm.s32 $0x1200;
	s20 =	simm.s32 $0x1300;
	s21 =	simm.s32 $0x1  }
0x9: {  	vm6 =	vmmov $0x7f;
	vm7 =	vmmov $0xff;
	vm8 =	vmmov $0x1ff;
	s10 =	simm.s32 $0x0;
	s0 =	sand.u32 $0x1, s0;
	s1 =	sshll.u32 s1, $0x1  }
0xa: {  	vm9 =	vmmov $0x3ff;
	vm10 =	vmmov $0x7ff;
	vm11 =	vmmov $0xfff;
	[smem:$0x7FF] =	sst s11;
	s7 =	sadd.s32 $0xF42400, s5;
	s1 =	sor.u32 s0, s1  }
0xb: {  	vm12 =	vmmov $0x1fff;
	v0 =	vunpack.c.l.s4.s8 v0;
	v1 =	vunpack.c.l.s4.s8 v1;
	_ =	strace $0x80000047;
	s0 =	ssub.s32 $0x2, s0;
	s2 =	smul.u32 $0x540, s1  }
0xc: {  	v2 =	vunpack.c.l.s4.s8 v2;
	v3 =	vunpack.c.l.s4.s8 v3;
	v4 =	vunpack.c.l.s4.s8 v4;
	s4 =	sshrl.u32 s0, $0x1;
	s6 =	sshll.u32 s1, $0x6;
	s1 =	sshll.u32 s1, $0x9  }
0xd: {  	v5 =	vunpack.c.l.s4.s8 v5;
	v6 =	vunpack.c.l.s4.s8 v6;
	v7 =	vunpack.c.l.s4.s8 v7;
	s0 =	ssub.s32 s0, s4;
	s25 =	sadd.s32 s9, s6;
	[dreg:$0x5] =	wrdreg s1  }
0xe: {  	v0 =	vunpack.c.0.s8.s32 v0;
	v1 =	vunpack.c.0.s8.s32 v1;
	v2 =	vunpack.c.0.s8.s32 v2;
	s1 =	sor.u32 $0x20, s1;
	s4 =	simm.s32 $0xA80;
	s9 =	simm.s32 $0x3  }
0xf: {  	v3 =	vunpack.c.0.s8.s32 v3;
	v4 =	vunpack.c.0.s8.s32 v4;
	v5 =	vunpack.c.0.s8.s32 v5;
	s6 =	simm.s32 $0x1100;
	s3 =	sadd.s32 s2, s5;
	[dreg:$0x6] =	wrdreg s25  }
0x10: {  	vm13 =	vmmov $0x3fff;
	s2 =	sadd.s32 s8, s2;
	[dreg:$0x8] =	wrdreg s1;
	s0 =	smax.u32 s0, $0x1;
	v0 =	vcombine.low v1, v0;
	v1 =	vunpack.c.0.s8.s32 v6  }
0x11: {  	v2 =	vcombine.low v3, v2;
	v3 =	vcombine.low v5, v4;
	v4 =	vunpack.c.0.s8.s32 v7;
	s1 =	simm.s32 $0x1280;
	[dreg:$0x7] =	wrdreg s2;
	s26 =	sadd.s32 $0x1E84800, s3  }
0x12: {  	vm14 =	vmmov $0x7fff;
	[dreg:$0xa] =	wrdreg s0;
	s3 =	simm.s32 $0x980;
	s0 =	simm.s32 $0xA00;
	v0 =	vand.u32 $0xF, v0;
	v5 =	vand.u32 $0xF, v1  }
0x13: {  	s2 =	simm.s32 $0x2;
	[dreg:$0x9] =	wrdreg s26;
	s26 =	simm.s32 $0x700;
	v1 =	vand.u32 $0xF, v2;
	v2 =	vand.u32 $0xF, v3;
	v3 =	vcombine.low v5, v4  }
.LBB2_1:
0x14: {  	[dreg:$0xb] =	wrdreg s10  }
0x15: {  	s8 =	rddreg [dreg:$0x2];
	s25 =	simm.s32 $0x18D80  }
0x16: {  	[tilespmem:s25], [sflag:$0x4] =	stream.linear.gather [hbm4b:s8+s11], $0x180, $0x38;
	[tilespmem:$0x18F00] =	vst v63  }
0x17: {  	_ =	swait.ge [sflag:s15], $0x180  }
0x18: {  	[sflag:s15] =	ssyncset.done $0x0  }
0x19: {  	s10 =	rddreg [dreg:$0x6];
	[sflag:s15] =	ssyncadd.s32 $0xFFFFFE80  }
0x1a: {  	[tilespmem:s11], [sflag:$0x4] =	stream.linear.gather [hbm4b:s10+s11], $0x10, $0x38;
	[tilespmem:$0x18F00] =	vst v63  }
0x1b: {  	_ =	swait.ge [sflag:s15], $0x10  }
0x1c: {  	[sflag:s15] =	ssyncset.done $0x0  }
0x1d: {  	s16 =	rddreg [dreg:$0x7];
	[sflag:s15] =	ssyncadd.s32 $0xFFFFFFF0  }
0x1e: {  	[tilespmem:s19], [sflag:$0x4] =	stream.linear.gather [hbm4b:s16+s11], $0x150, $0x38;
	[tilespmem:$0x18F00] =	vst v63  }
0x1f: {  	_ =	swait.ge [sflag:s15], $0x150  }
0x20: {  	[sflag:s15] =	ssyncset.done $0x0  }
0x21: {  	s22 =	simm.s32 $0x150;
	s23 =	simm.s32 $0x1380;
	[sflag:s15] =	ssyncadd.s32 $0xFFFFFEB0  }
0x22: {  	[tilespmem:s23], [sflag:$0x1] =	stream.indirect.gather [hbm4b:s7+s22], $0x80, s19, s22, $0xb8;
	[tilespmem:$0x18F00] =	vst v63  }
0x23: {  	v4 =	vld [tilespmem:$0x0];
	_ =	sdelay $0x4  }
0x24: {  	v4 =	vshll.u32 v4, $0x4  }
0x25: {  	(v2sf) =	vpush v4, $0x0;
	_ =	sdelay $0x2  }
0x26: {  	(v2sf) =	vpush v4, $0x1;
	_ =	sdelay $0x3  }
0x27: {  	(v2sf) =	vpush v4, $0x2;
	_ =	sdelay $0x7  }
0x28: {  	s24 =	spop (v2sf);
	(v2sf) =	vpush v4, $0x3;
	_ =	sdelay $0x1  }
0x29: {  	s8 =	sand.u32 $0x1FFFFFF0, s24  }
0x2a: {  	s25 =	simm.s32 $0x380;
	s16 =	spop (v2sf);
	(v2sf) =	vpush v4, $0x4;
	s8 =	sadd.s32 s5, s8  }
0x2b: {  	[tilespmem:s25], [sflag:$0x3] =	stream.strided.gather [hbm4b:s8+s19], $0x0, s18, s19, $0x38;
	[tilespmem:$0x18F00] =	vst v63  }
0x2c: {  	_ = 	snop  }
0x2d: {  	[tilespmem:s25], [sflag:$0x3] =	stream.linear.gather [hbm4b:s8+s11], $0x40, $0x38;
	[tilespmem:$0x18F00] =	vst v63  }
0x2e: {  	s22 =	spop (v2sf);
	(v2sf) =	vpush v4, $0x5;
	s8 =	sand.u32 $0x1FFFFFF0, s16  }
0x2f: {  	s8 =	sadd.s32 s5, s8  }
0x30: {  	[tilespmem:s18], [sflag:$0x3] =	stream.strided.gather [hbm4b:s8+s19], $0x0, s18, s19, $0x38;
	[tilespmem:$0x18F00] =	vst v63  }
0x31: {  	_ = 	snop  }
0x32: {  	[tilespmem:s18], [sflag:$0x3] =	stream.linear.gather [hbm4b:s8+s11], $0x40, $0x38;
	[tilespmem:$0x18F00] =	vst v63  }
0x33: {  	s8 =	sand.u32 $0x1FFFFFF0, s22  }
0x34: {  	s23 =	simm.s32 $0x480;
	s8 =	sadd.s32 s5, s8  }
0x35: {  	[tilespmem:s23], [sflag:$0x3] =	stream.strided.gather [hbm4b:s8+s19], $0x0, s18, s19, $0x38;
	[tilespmem:$0x18F00] =	vst v63  }
0x36: {  	s24 =	spop (v2sf);
	(v2sf) =	vpush v4, $0x6  }
0x37: {  	[tilespmem:s23], [sflag:$0x3] =	stream.linear.gather [hbm4b:s8+s11], $0x40, $0x38;
	[tilespmem:$0x18F00] =	vst v63  }
0x38: {  	s8 =	sand.u32 $0x1FFFFFF0, s24  }
0x39: {  	s25 =	simm.s32 $0x500;
	s10 =	spop (v2sf);
	(v2sf) =	vpush v4, $0x7;
	s8 =	sadd.s32 s5, s8  }
0x3a: {  	[tilespmem:s25], [sflag:$0x3] =	stream.strided.gather [hbm4b:s8+s19], $0x0, s18, s19, $0x38;
	[tilespmem:$0x18F00] =	vst v63  }
0x3b: {  	_ = 	snop  }
0x3c: {  	[tilespmem:s25], [sflag:$0x3] =	stream.linear.gather [hbm4b:s8+s11], $0x40, $0x38;
	[tilespmem:$0x18F00] =	vst v63  }
0x3d: {  	s22 =	spop (v2sf);
	(v2sf) =	vpush v4, $0x8;
	s8 =	sand.u32 $0x1FFFFFF0, s10  }
0x3e: {  	s16 =	simm.s32 $0x580;
	s8 =	sadd.s32 s5, s8  }
0x3f: {  	[tilespmem:s16], [sflag:$0x3] =	stream.strided.gather [hbm4b:s8+s19], $0x0, s18, s19, $0x38;
	[tilespmem:$0x18F00] =	vst v63  }
0x40: {  	_ = 	snop  }
0x41: {  	[tilespmem:s16], [sflag:$0x3] =	stream.linear.gather [hbm4b:s8+s11], $0x40, $0x38;
	[tilespmem:$0x18F00] =	vst v63  }
0x42: {  	s8 =	sand.u32 $0x1FFFFFF0, s22  }
0x43: {  	s23 =	simm.s32 $0x600;
	s8 =	sadd.s32 s5, s8  }
0x44: {  	[tilespmem:s23], [sflag:$0x3] =	stream.strided.gather [hbm4b:s8+s19], $0x0, s18, s19, $0x38;
	[tilespmem:$0x18F00] =	vst v63  }
0x45: {  	s24 =	spop (v2sf);
	(v2sf) =	vpush v4, $0x9  }
0x46: {  	[tilespmem:s23], [sflag:$0x3] =	stream.linear.gather [hbm4b:s8+s11], $0x40, $0x38;
	[tilespmem:$0x18F00] =	vst v63  }
0x47: {  	s8 =	sand.u32 $0x1FFFFFF0, s24  }
0x48: {  	s25 =	simm.s32 $0x680;
	s16 =	spop (v2sf);
	(v2sf) =	vpush v4, $0xA;
	s8 =	sadd.s32 s5, s8  }
0x49: {  	[tilespmem:s25], [sflag:$0x3] =	stream.strided.gather [hbm4b:s8+s19], $0x0, s18, s19, $0x38;
	[tilespmem:$0x18F00] =	vst v63  }
0x4a: {  	_ = 	snop  }
0x4b: {  	[tilespmem:s25], [sflag:$0x3] =	stream.linear.gather [hbm4b:s8+s11], $0x40, $0x38;
	[tilespmem:$0x18F00] =	vst v63  }
0x4c: {  	s22 =	spop (v2sf);
	(v2sf) =	vpush v4, $0xB;
	s8 =	sand.u32 $0x1FFFFFF0, s16  }
0x4d: {  	s8 =	sadd.s32 s5, s8  }
0x4e: {  	[tilespmem:s26], [sflag:$0x3] =	stream.strided.gather [hbm4b:s8+s19], $0x0, s18, s19, $0x38;
	[tilespmem:$0x18F00] =	vst v63  }
0x4f: {  	_ = 	snop  }
0x50: {  	[tilespmem:s26], [sflag:$0x3] =	stream.linear.gather [hbm4b:s8+s11], $0x40, $0x38;
	[tilespmem:$0x18F00] =	vst v63  }
0x51: {  	s8 =	sand.u32 $0x1FFFFFF0, s22  }
0x52: {  	s8 =	sadd.s32 s5, s8  }
0x53: {  	[tilespmem:s28], [sflag:$0x3] =	stream.strided.gather [hbm4b:s8+s19], $0x0, s18, s19, $0x38;
	[tilespmem:$0x18F00] =	vst v63  }
0x54: {  	s23 =	spop (v2sf);
	(v2sf) =	vpush v4, $0xC  }
0x55: {  	[tilespmem:s28], [sflag:$0x3] =	stream.linear.gather [hbm4b:s8+s11], $0x40, $0x38;
	[tilespmem:$0x18F00] =	vst v63  }
0x56: {  	s8 =	sand.u32 $0x1FFFFFF0, s23  }
0x57: {  	s24 =	spop (v2sf);
	(v2sf) =	vpush v4, $0xD;
	s8 =	sadd.s32 s5, s8  }
0x58: {  	[tilespmem:s29], [sflag:$0x3] =	stream.strided.gather [hbm4b:s8+s19], $0x0, s18, s19, $0x38;
	[tilespmem:$0x18F00] =	vst v63  }
0x59: {  	_ = 	snop  }
0x5a: {  	[tilespmem:s29], [sflag:$0x3] =	stream.linear.gather [hbm4b:s8+s11], $0x40, $0x38;
	[tilespmem:$0x18F00] =	vst v63  }
0x5b: {  	s25 =	spop (v2sf);
	(v2sf) =	vpush v4, $0xE;
	s8 =	sand.u32 $0x1FFFFFF0, s24  }
0x5c: {  	s8 =	sadd.s32 s5, s8  }
0x5d: {  	[tilespmem:s30], [sflag:$0x3] =	stream.strided.gather [hbm4b:s8+s19], $0x0, s18, s19, $0x38;
	[tilespmem:$0x18F00] =	vst v63  }
0x5e: {  	_ = 	snop  }
0x5f: {  	[tilespmem:s30], [sflag:$0x3] =	stream.linear.gather [hbm4b:s8+s11], $0x40, $0x38;
	[tilespmem:$0x18F00] =	vst v63  }
0x60: {  	s8 =	sand.u32 $0x1FFFFFF0, s25  }
0x61: {  	s8 =	sadd.s32 s5, s8  }
0x62: {  	[tilespmem:s31], [sflag:$0x3] =	stream.strided.gather [hbm4b:s8+s19], $0x0, s18, s19, $0x38;
	[tilespmem:$0x18F00] =	vst v63  }
0x63: {  	s10 =	spop (v2sf);
	(v2sf) =	vpush v4, $0xF  }
0x64: {  	[tilespmem:s31], [sflag:$0x3] =	stream.linear.gather [hbm4b:s8+s11], $0x40, $0x38;
	[tilespmem:$0x18F00] =	vst v63  }
0x65: {  	s8 =	sand.u32 $0x1FFFFFF0, s10  }
0x66: {  	s16 =	spop (v2sf);
	s8 =	sadd.s32 s5, s8  }
0x67: {  	[tilespmem:s3], [sflag:$0x3] =	stream.strided.gather [hbm4b:s8+s19], $0x0, s18, s19, $0x38;
	[tilespmem:$0x18F00] =	vst v63  }
0x68: {  	s22 =	sand.u32 $0x1FFFFFF0, s16  }
0x69: {  	[tilespmem:s3], [sflag:$0x3] =	stream.linear.gather [hbm4b:s8+s11], $0x40, $0x38;
	[tilespmem:$0x18F00] =	vst v63  }
0x6a: {  	s23 =	spop (v2sf);
	s8 =	sadd.s32 s5, s22  }
0x6b: {  	[tilespmem:s0], [sflag:$0x3] =	stream.strided.gather [hbm4b:s8+s19], $0x0, s18, s19, $0x38;
	[tilespmem:$0x18F00] =	vst v63  }
0x6c: {  	s24 =	sand.u32 $0x1FFFFFF0, s23  }
0x6d: {  	[tilespmem:s0], [sflag:$0x3] =	stream.linear.gather [hbm4b:s8+s11], $0x40, $0x38;
	[tilespmem:$0x18F00] =	vst v63  }
0x6e: {  	s8 =	sadd.s32 s5, s24  }
0x6f: {  	[tilespmem:s4], [sflag:$0x3] =	stream.strided.gather [hbm4b:s8+s19], $0x0, s18, s19, $0x38;
	[tilespmem:$0x18F00] =	vst v63  }
0x70: {  	_ = 	snop  }
0x71: {  	[tilespmem:s4], [sflag:$0x3] =	stream.linear.gather [hbm4b:s8+s11], $0x40, $0x38;
	[tilespmem:$0x18F00] =	vst v63  }
0x72: {  	s25 =	spop (v2sf)  }
0x73: {  	s8 =	sand.u32 $0x1FFFFFF0, s25  }
0x74: {  	s8 =	sadd.s32 s5, s8  }
0x75: {  	[tilespmem:s14], [sflag:$0x3] =	stream.strided.gather [hbm4b:s8+s19], $0x0, s18, s19, $0x38;
	[tilespmem:$0x18F00] =	vst v63  }
0x76: {  	_ = 	snop  }
0x77: {  	[tilespmem:s14], [sflag:$0x3] =	stream.linear.gather [hbm4b:s8+s11], $0x40, $0x38;
	[tilespmem:$0x18F00] =	vst v63  }
0x78: {  	_ =	swait.ge [sflag:s9], $0x40  }
0x79: {  	[sflag:s9] =	ssyncset.done $0x0  }
0x7a: {  	[sflag:s9] =	ssyncadd.s32 $0xFFFFFFC0  }
0x7b: {  	_ =	swait.ge [sflag:s9], $0x40  }
0x7c: {  	[sflag:s9] =	ssyncset.done $0x0  }
0x7d: {  	[sflag:s9] =	ssyncadd.s32 $0xFFFFFFC0  }
0x7e: {  	_ =	swait.ge [sflag:s9], $0x40  }
0x7f: {  	[sflag:s9] =	ssyncset.done $0x0  }
0x80: {  	[sflag:s9] =	ssyncadd.s32 $0xFFFFFFC0  }
0x81: {  	_ =	swait.ge [sflag:s9], $0x40  }
0x82: {  	[sflag:s9] =	ssyncset.done $0x0  }
0x83: {  	[sflag:s9] =	ssyncadd.s32 $0xFFFFFFC0  }
0x84: {  	_ =	swait.ge [sflag:s9], $0x40  }
0x85: {  	[sflag:s9] =	ssyncset.done $0x0  }
0x86: {  	[sflag:s9] =	ssyncadd.s32 $0xFFFFFFC0  }
0x87: {  	_ =	swait.ge [sflag:s9], $0x40  }
0x88: {  	[sflag:s9] =	ssyncset.done $0x0  }
0x89: {  	[sflag:s9] =	ssyncadd.s32 $0xFFFFFFC0  }
0x8a: {  	_ =	swait.ge [sflag:s9], $0x40  }
0x8b: {  	[sflag:s9] =	ssyncset.done $0x0  }
0x8c: {  	[sflag:s9] =	ssyncadd.s32 $0xFFFFFFC0  }
0x8d: {  	_ =	swait.ge [sflag:s9], $0x40  }
0x8e: {  	[sflag:s9] =	ssyncset.done $0x0  }
0x8f: {  	[sflag:s9] =	ssyncadd.s32 $0xFFFFFFC0  }
0x90: {  	_ =	swait.ge [sflag:s9], $0x40  }
0x91: {  	[sflag:s9] =	ssyncset.done $0x0  }
0x92: {  	[sflag:s9] =	ssyncadd.s32 $0xFFFFFFC0  }
0x93: {  	_ =	swait.ge [sflag:s9], $0x40  }
0x94: {  	[sflag:s9] =	ssyncset.done $0x0  }
0x95: {  	[sflag:s9] =	ssyncadd.s32 $0xFFFFFFC0  }
0x96: {  	_ =	swait.ge [sflag:s9], $0x40  }
0x97: {  	[sflag:s9] =	ssyncset.done $0x0  }
0x98: {  	[sflag:s9] =	ssyncadd.s32 $0xFFFFFFC0  }
0x99: {  	_ =	swait.ge [sflag:s9], $0x40  }
0x9a: {  	[sflag:s9] =	ssyncset.done $0x0  }
0x9b: {  	[sflag:s9] =	ssyncadd.s32 $0xFFFFFFC0  }
0x9c: {  	_ =	swait.ge [sflag:s9], $0x40  }
0x9d: {  	[sflag:s9] =	ssyncset.done $0x0  }
0x9e: {  	[sflag:s9] =	ssyncadd.s32 $0xFFFFFFC0  }
0x9f: {  	_ =	swait.ge [sflag:s9], $0x40  }
0xa0: {  	[sflag:s9] =	ssyncset.done $0x0  }
0xa1: {  	[sflag:s9] =	ssyncadd.s32 $0xFFFFFFC0  }
0xa2: {  	_ =	swait.ge [sflag:s9], $0x40  }
0xa3: {  	[sflag:s9] =	ssyncset.done $0x0  }
0xa4: {  	[sflag:s9] =	ssyncadd.s32 $0xFFFFFFC0  }
0xa5: {  	_ =	swait.ge [sflag:s9], $0x40  }
0xa6: {  	s22 =	simm.s32 $0x16380;
	[sflag:s9] =	ssyncset.done $0x0  }
0xa7: {  	s8 =	simm.s32 $0x164D0;
	s11 =	simm.s32 $0x0;
	[sflag:s9] =	ssyncadd.s32 $0xFFFFFFC0  }
.LBB2_2:
0xa8: {  	s10 =	sshll.u32 s11, $0x5;
	s16 =	rddreg [dreg:$0x5]  }
0xa9: {  	s10 =	sadd.s32 s10, s16  }
0xaa: {  	s10 =	sadd.s32 $0x10, s10  }
0xab: {  	s23 =	rddreg [dreg:$0x1];
	s25 =	sshrl.u32 s10, $0x3  }
0xac: {  	s16 =	sadd.s32 s23, s25;
	s23 =	simm.s32 $0x0  }
0xad: {  	[tilespmem:s23], [sflag:$0x4] =	stream.linear.gather [hbm4b:s16+s23], $0x10, $0x38;
	[tilespmem:$0x18F00] =	vst v63  }
0xae: {  	_ =	swait.ge [sflag:s15], $0x10  }
0xaf: {  	s10 =	smul.u32 $0x15, s10;
	[sflag:s15] =	ssyncset.done $0x0  }
0xb0: {  	[sflag:s15] =	ssyncadd.s32 $0xFFFFFFF0  }
0xb1: {  	s10 =	sshrl.u32 s10, $0x3;
	s24 =	rddreg [dreg:$0x0]  }
0xb2: {  	s16 =	simm.s32 $0x200;
	s10 =	sadd.s32 s24, s10  }
0xb3: {  	[tilespmem:s16], [sflag:$0x4] =	stream.linear.gather [hbm4b:s10+s23], $0x150, $0x38;
	[tilespmem:$0x18F00] =	vst v63  }
0xb4: {  	_ =	swait.ge [sflag:s15], $0x150  }
0xb5: {  	[sflag:s15] =	ssyncset.done $0x0  }
0xb6: {  	s25 =	simm.s32 $0x150;
	s24 =	simm.s32 $0xBB80;
	[sflag:s15] =	ssyncadd.s32 $0xFFFFFEB0  }
0xb7: {  	[tilespmem:s24], [sflag:$0x2] =	stream.indirect.gather [hbm4b:s7+s25], $0x80, s16, s25, $0xb8;
	[tilespmem:$0x18F00] =	vst v63  }
0xb8: {  	v4 =	vld [tilespmem:$0x0];
	_ =	sdelay $0x4  }
0xb9: {  	v4 =	vshll.u32 v4, $0x4  }
0xba: {  	(v2sf) =	vpush v4, $0x0;
	_ =	sdelay $0x2  }
0xbb: {  	(v2sf) =	vpush v4, $0x1;
	_ =	sdelay $0x3  }
0xbc: {  	(v2sf) =	vpush v4, $0x2;
	_ =	sdelay $0x7  }
0xbd: {  	s24 =	spop (v2sf);
	(v2sf) =	vpush v4, $0x3;
	_ =	sdelay $0x1  }
0xbe: {  	s10 =	sand.u32 $0x1FFFFFF0, s24  }
0xbf: {  	s25 =	simm.s32 $0xB80;
	s24 =	spop (v2sf);
	(v2sf) =	vpush v4, $0x4;
	s10 =	sadd.s32 s5, s10  }
0xc0: {  	[tilespmem:s25], [sflag:$0x3] =	stream.strided.gather [hbm4b:s10+s19], $0x0, s18, s19, $0x38;
	[tilespmem:$0x18F00] =	vst v63  }
0xc1: {  	_ = 	snop  }
0xc2: {  	[tilespmem:s25], [sflag:$0x3] =	stream.linear.gather [hbm4b:s10+s23], $0x40, $0x38;
	[tilespmem:$0x18F00] =	vst v63  }
0xc3: {  	s10 =	sand.u32 $0x1FFFFFF0, s24;
	s24 =	spop (v2sf);
	(v2sf) =	vpush v4, $0x5  }
0xc4: {  	s25 =	simm.s32 $0xC00;
	s10 =	sadd.s32 s5, s10  }
0xc5: {  	[tilespmem:s25], [sflag:$0x3] =	stream.strided.gather [hbm4b:s10+s19], $0x0, s18, s19, $0x38;
	[tilespmem:$0x18F00] =	vst v63  }
0xc6: {  	_ = 	snop  }
0xc7: {  	[tilespmem:s25], [sflag:$0x3] =	stream.linear.gather [hbm4b:s10+s23], $0x40, $0x38;
	[tilespmem:$0x18F00] =	vst v63  }
0xc8: {  	s10 =	sand.u32 $0x1FFFFFF0, s24  }
0xc9: {  	s25 =	simm.s32 $0xC80;
	s10 =	sadd.s32 s5, s10  }
0xca: {  	[tilespmem:s25], [sflag:$0x3] =	stream.strided.gather [hbm4b:s10+s19], $0x0, s18, s19, $0x38;
	[tilespmem:$0x18F00] =	vst v63  }
0xcb: {  	s24 =	spop (v2sf);
	(v2sf) =	vpush v4, $0x6  }
0xcc: {  	[tilespmem:s25], [sflag:$0x3] =	stream.linear.gather [hbm4b:s10+s23], $0x40, $0x38;
	[tilespmem:$0x18F00] =	vst v63  }
0xcd: {  	s10 =	sand.u32 $0x1FFFFFF0, s24  }
0xce: {  	s25 =	simm.s32 $0xD00;
	s24 =	spop (v2sf);
	(v2sf) =	vpush v4, $0x7;
	s10 =	sadd.s32 s5, s10  }
0xcf: {  	[tilespmem:s25], [sflag:$0x3] =	stream.strided.gather [hbm4b:s10+s19], $0x0, s18, s19, $0x38;
	[tilespmem:$0x18F00] =	vst v63  }
0xd0: {  	_ = 	snop  }
0xd1: {  	[tilespmem:s25], [sflag:$0x3] =	stream.linear.gather [hbm4b:s10+s23], $0x40, $0x38;
	[tilespmem:$0x18F00] =	vst v63  }
0xd2: {  	s10 =	sand.u32 $0x1FFFFFF0, s24;
	s24 =	spop (v2sf);
	(v2sf) =	vpush v4, $0x8  }
0xd3: {  	s25 =	simm.s32 $0xD80;
	s10 =	sadd.s32 s5, s10  }
0xd4: {  	[tilespmem:s25], [sflag:$0x3] =	stream.strided.gather [hbm4b:s10+s19], $0x0, s18, s19, $0x38;
	[tilespmem:$0x18F00] =	vst v63  }
0xd5: {  	_ = 	snop  }
0xd6: {  	[tilespmem:s25], [sflag:$0x3] =	stream.linear.gather [hbm4b:s10+s23], $0x40, $0x38;
	[tilespmem:$0x18F00] =	vst v63  }
0xd7: {  	s10 =	sand.u32 $0x1FFFFFF0, s24  }
0xd8: {  	s25 =	simm.s32 $0xE00;
	s10 =	sadd.s32 s5, s10  }
0xd9: {  	[tilespmem:s25], [sflag:$0x3] =	stream.strided.gather [hbm4b:s10+s19], $0x0, s18, s19, $0x38;
	[tilespmem:$0x18F00] =	vst v63  }
0xda: {  	s24 =	spop (v2sf);
	(v2sf) =	vpush v4, $0x9  }
0xdb: {  	[tilespmem:s25], [sflag:$0x3] =	stream.linear.gather [hbm4b:s10+s23], $0x40, $0x38;
	[tilespmem:$0x18F00] =	vst v63  }
0xdc: {  	s10 =	sand.u32 $0x1FFFFFF0, s24  }
0xdd: {  	s25 =	simm.s32 $0xE80;
	s24 =	spop (v2sf);
	(v2sf) =	vpush v4, $0xA;
	s10 =	sadd.s32 s5, s10  }
0xde: {  	[tilespmem:s25], [sflag:$0x3] =	stream.strided.gather [hbm4b:s10+s19], $0x0, s18, s19, $0x38;
	[tilespmem:$0x18F00] =	vst v63  }
0xdf: {  	_ = 	snop  }
0xe0: {  	[tilespmem:s25], [sflag:$0x3] =	stream.linear.gather [hbm4b:s10+s23], $0x40, $0x38;
	[tilespmem:$0x18F00] =	vst v63  }
0xe1: {  	s10 =	sand.u32 $0x1FFFFFF0, s24;
	s24 =	spop (v2sf);
	(v2sf) =	vpush v4, $0xB  }
0xe2: {  	s25 =	simm.s32 $0xF00;
	s10 =	sadd.s32 s5, s10  }
0xe3: {  	[tilespmem:s25], [sflag:$0x3] =	stream.strided.gather [hbm4b:s10+s19], $0x0, s18, s19, $0x38;
	[tilespmem:$0x18F00] =	vst v63  }
0xe4: {  	_ = 	snop  }
0xe5: {  	[tilespmem:s25], [sflag:$0x3] =	stream.linear.gather [hbm4b:s10+s23], $0x40, $0x38;
	[tilespmem:$0x18F00] =	vst v63  }
0xe6: {  	s10 =	sand.u32 $0x1FFFFFF0, s24  }
0xe7: {  	s25 =	simm.s32 $0xF80;
	s10 =	sadd.s32 s5, s10  }
0xe8: {  	[tilespmem:s25], [sflag:$0x3] =	stream.strided.gather [hbm4b:s10+s19], $0x0, s18, s19, $0x38;
	[tilespmem:$0x18F00] =	vst v63  }
0xe9: {  	s16 =	spop (v2sf);
	(v2sf) =	vpush v4, $0xC  }
0xea: {  	[tilespmem:s25], [sflag:$0x3] =	stream.linear.gather [hbm4b:s10+s23], $0x40, $0x38;
	[tilespmem:$0x18F00] =	vst v63  }
0xeb: {  	s10 =	sand.u32 $0x1FFFFFF0, s16  }
0xec: {  	s24 =	simm.s32 $0x1000;
	s25 =	spop (v2sf);
	(v2sf) =	vpush v4, $0xD;
	s10 =	sadd.s32 s5, s10  }
0xed: {  	[tilespmem:s24], [sflag:$0x3] =	stream.strided.gather [hbm4b:s10+s19], $0x0, s18, s19, $0x38;
	[tilespmem:$0x18F00] =	vst v63  }
0xee: {  	_ = 	snop  }
0xef: {  	[tilespmem:s24], [sflag:$0x3] =	stream.linear.gather [hbm4b:s10+s23], $0x40, $0x38;
	[tilespmem:$0x18F00] =	vst v63  }
0xf0: {  	s10 =	sand.u32 $0x1FFFFFF0, s25;
	s16 =	spop (v2sf);
	(v2sf) =	vpush v4, $0xE  }
0xf1: {  	s10 =	sadd.s32 s5, s10  }
0xf2: {  	[tilespmem:s13], [sflag:$0x3] =	stream.strided.gather [hbm4b:s10+s19], $0x0, s18, s19, $0x38;
	[tilespmem:$0x18F00] =	vst v63  }
0xf3: {  	_ = 	snop  }
0xf4: {  	[tilespmem:s13], [sflag:$0x3] =	stream.linear.gather [hbm4b:s10+s23], $0x40, $0x38;
	[tilespmem:$0x18F00] =	vst v63  }
0xf5: {  	s10 =	sand.u32 $0x1FFFFFF0, s16  }
0xf6: {  	s10 =	sadd.s32 s5, s10  }
0xf7: {  	[tilespmem:s6], [sflag:$0x3] =	stream.strided.gather [hbm4b:s10+s19], $0x0, s18, s19, $0x38;
	[tilespmem:$0x18F00] =	vst v63  }
0xf8: {  	s24 =	spop (v2sf);
	(v2sf) =	vpush v4, $0xF  }
0xf9: {  	[tilespmem:s6], [sflag:$0x3] =	stream.linear.gather [hbm4b:s10+s23], $0x40, $0x38;
	[tilespmem:$0x18F00] =	vst v63  }
0xfa: {  	s10 =	sand.u32 $0x1FFFFFF0, s24  }
0xfb: {  	s25 =	spop (v2sf);
	s10 =	sadd.s32 s5, s10  }
0xfc: {  	[tilespmem:s12], [sflag:$0x3] =	stream.strided.gather [hbm4b:s10+s19], $0x0, s18, s19, $0x38;
	[tilespmem:$0x18F00] =	vst v63  }
0xfd: {  	s24 =	sand.u32 $0x1FFFFFF0, s25  }
0xfe: {  	[tilespmem:s12], [sflag:$0x3] =	stream.linear.gather [hbm4b:s10+s23], $0x40, $0x38;
	[tilespmem:$0x18F00] =	vst v63  }
0xff: {  	s10 =	sadd.s32 s5, s24;
	s25 =	spop (v2sf)  }
0x100: {  	[tilespmem:s17], [sflag:$0x3] =	stream.strided.gather [hbm4b:s10+s19], $0x0, s18, s19, $0x38;
	[tilespmem:$0x18F00] =	vst v63  }
0x101: {  	s24 =	sand.u32 $0x1FFFFFF0, s25  }
0x102: {  	[tilespmem:s17], [sflag:$0x3] =	stream.linear.gather [hbm4b:s10+s23], $0x40, $0x38;
	[tilespmem:$0x18F00] =	vst v63  }
0x103: {  	s10 =	sadd.s32 s5, s24  }
0x104: {  	[tilespmem:s1], [sflag:$0x3] =	stream.strided.gather [hbm4b:s10+s19], $0x0, s18, s19, $0x38;
	[tilespmem:$0x18F00] =	vst v63  }
0x105: {  	_ = 	snop  }
0x106: {  	[tilespmem:s1], [sflag:$0x3] =	stream.linear.gather [hbm4b:s10+s23], $0x40, $0x38;
	[tilespmem:$0x18F00] =	vst v63  }
0x107: {  	s25 =	spop (v2sf)  }
0x108: {  	s10 =	sand.u32 $0x1FFFFFF0, s25  }
0x109: {  	s10 =	sadd.s32 s5, s10  }
0x10a: {  	[tilespmem:s20], [sflag:$0x3] =	stream.strided.gather [hbm4b:s10+s19], $0x0, s18, s19, $0x38;
	[tilespmem:$0x18F00] =	vst v63  }
0x10b: {  	_ = 	snop  }
0x10c: {  	[tilespmem:s20], [sflag:$0x3] =	stream.linear.gather [hbm4b:s10+s23], $0x40, $0x38;
	[tilespmem:$0x18F00] =	vst v63  }
0x10d: {  	_ =	swait.ge [sflag:s9], $0x40  }
0x10e: {  	[sflag:s9] =	ssyncset.done $0x0  }
0x10f: {  	[sflag:s9] =	ssyncadd.s32 $0xFFFFFFC0  }
0x110: {  	_ =	swait.ge [sflag:s9], $0x40  }
0x111: {  	[sflag:s9] =	ssyncset.done $0x0  }
0x112: {  	[sflag:s9] =	ssyncadd.s32 $0xFFFFFFC0  }
0x113: {  	_ =	swait.ge [sflag:s9], $0x40  }
0x114: {  	[sflag:s9] =	ssyncset.done $0x0  }
0x115: {  	[sflag:s9] =	ssyncadd.s32 $0xFFFFFFC0  }
0x116: {  	_ =	swait.ge [sflag:s9], $0x40  }
0x117: {  	[sflag:s9] =	ssyncset.done $0x0  }
0x118: {  	[sflag:s9] =	ssyncadd.s32 $0xFFFFFFC0  }
0x119: {  	_ =	swait.ge [sflag:s9], $0x40  }
0x11a: {  	[sflag:s9] =	ssyncset.done $0x0  }
0x11b: {  	[sflag:s9] =	ssyncadd.s32 $0xFFFFFFC0  }
0x11c: {  	_ =	swait.ge [sflag:s9], $0x40  }
0x11d: {  	[sflag:s9] =	ssyncset.done $0x0  }
0x11e: {  	[sflag:s9] =	ssyncadd.s32 $0xFFFFFFC0  }
0x11f: {  	_ =	swait.ge [sflag:s9], $0x40  }
0x120: {  	[sflag:s9] =	ssyncset.done $0x0  }
0x121: {  	[sflag:s9] =	ssyncadd.s32 $0xFFFFFFC0  }
0x122: {  	_ =	swait.ge [sflag:s9], $0x40  }
0x123: {  	[sflag:s9] =	ssyncset.done $0x0  }
0x124: {  	[sflag:s9] =	ssyncadd.s32 $0xFFFFFFC0  }
0x125: {  	_ =	swait.ge [sflag:s9], $0x40  }
0x126: {  	[sflag:s9] =	ssyncset.done $0x0  }
0x127: {  	[sflag:s9] =	ssyncadd.s32 $0xFFFFFFC0  }
0x128: {  	_ =	swait.ge [sflag:s9], $0x40  }
0x129: {  	[sflag:s9] =	ssyncset.done $0x0  }
0x12a: {  	[sflag:s9] =	ssyncadd.s32 $0xFFFFFFC0  }
0x12b: {  	_ =	swait.ge [sflag:s9], $0x40  }
0x12c: {  	[sflag:s9] =	ssyncset.done $0x0  }
0x12d: {  	[sflag:s9] =	ssyncadd.s32 $0xFFFFFFC0  }
0x12e: {  	_ =	swait.ge [sflag:s9], $0x40  }
0x12f: {  	[sflag:s9] =	ssyncset.done $0x0  }
0x130: {  	[sflag:s9] =	ssyncadd.s32 $0xFFFFFFC0  }
0x131: {  	_ =	swait.ge [sflag:s9], $0x40  }
0x132: {  	[sflag:s9] =	ssyncset.done $0x0  }
0x133: {  	[sflag:s9] =	ssyncadd.s32 $0xFFFFFFC0  }
0x134: {  	_ =	swait.ge [sflag:s9], $0x40  }
0x135: {  	[sflag:s9] =	ssyncset.done $0x0  }
0x136: {  	[sflag:s9] =	ssyncadd.s32 $0xFFFFFFC0  }
0x137: {  	_ =	swait.ge [sflag:s9], $0x40  }
0x138: {  	[sflag:s9] =	ssyncset.done $0x0  }
0x139: {  	[sflag:s9] =	ssyncadd.s32 $0xFFFFFFC0  }
0x13a: {  	_ =	swait.ge [sflag:s9], $0x40  }
0x13b: {  	[sflag:s9] =	ssyncset.done $0x0  }
0x13c: {  	[sflag:s9] =	ssyncadd.s32 $0xFFFFFFC0  }
0x13d: {  	_ =	swait.ge [sflag:s21], $0xA800  }
0x13e: {  	v4 =	vmov s22;
	[sflag:s21] =	ssyncset.done $0x0  }
0x13f: {  	s16 =	simm.s32 $0x1780;
	s24 =	sshll.u32 s11, $0x1;
	[tilespmem:$0x1FFF0] =	vst v4;
	[sflag:s21] =	ssyncadd.s32 $0xFFFF5800  }
.LBB2_3:
0x140: {  	s10 =	sshra.s32 s23, $0x2  }
0x141: {  	v5 =	vld [tilespmem:s10+$0x18D80];
	_ =	sdelay $0x4  }
0x142: {  	v5 =	vshll.u32 v5, $0x9  }
0x143: {  	v5 =	vshra.s32 v5, $0x2  }
0x144: {  	(v2sf) =	vpush v5, $0x0;
	_ =	sdelay $0x2  }
0x145: {  	v9 =	vld [tilespmem:s16+$0xFFFFFC00]  }
0x146: {  	v11 =	vld [tilespmem:s16+$0xFFFFFC10];
	(v2sf) =	vpush v5, $0x1  }
0x147: {  	v13 =	vld [tilespmem:s16+$0xFFFFFC20]  }
0x148: {  	v15 =	vld [tilespmem:s16+$0xFFFFFC30]  }
0x149: {  	v24 =	vld [tilespmem:s16+$0xFFFFFC80]  }
0x14a: {  	v26 =	vld [tilespmem:s16+$0xFFFFFC90]  }
0x14b: {  	v28 =	vld [tilespmem:s16+$0xFFFFFCA0]  }
0x14c: {  	v30 =	vld [tilespmem:s16+$0xFFFFFCB0]  }
0x14d: {  	v32 =	vld [tilespmem:s16+$0xFFFFFD00]  }
0x14e: {  	v34 =	vld [tilespmem:s16+$0xFFFFFD10]  }
0x14f: {  	v36 =	vld [tilespmem:s16+$0xFFFFFD20]  }
0x150: {  	v38 =	vld [tilespmem:s16+$0xFFFFFD30]  }
0x151: {  	v40 =	vld [tilespmem:s16+$0xFFFFFD80];
	s25 =	spop (v2sf);
	(v2sf) =	vpush v5, $0x2  }
0x152: {  	v6 =	vld [tilespmem:s25+$0x380]  }
0x153: {  	v10 =	vld [tilespmem:s25+$0x390]  }
0x154: {  	v12 =	vld [tilespmem:s25+$0x3A0]  }
0x155: {  	v14 =	vld [tilespmem:s25+$0x3B0];
	s25 =	spop (v2sf);
	(v2sf) =	vpush v5, $0x3  }
0x156: {  	v42 =	vld [tilespmem:s16+$0xFFFFFD90]  }
0x157: {  	v44 =	vld [tilespmem:s16+$0xFFFFFDA0]  }
0x158: {  	v46 =	vld [tilespmem:s16+$0xFFFFFDB0]  }
0x159: {  	v48 =	vld [tilespmem:s16+$0xFFFFFE00]  }
0x15a: {  	v50 =	vld [tilespmem:s16+$0xFFFFFE10]  }
0x15b: {  	v52 =	vld [tilespmem:s16+$0xFFFFFE20]  }
0x15c: {  	v54 =	vld [tilespmem:s16+$0xFFFFFE30]  }
0x15d: {  	v23 =	vld [tilespmem:s25+$0x380]  }
0x15e: {  	v25 =	vld [tilespmem:s25+$0x390]  }
0x15f: {  	v27 =	vld [tilespmem:s25+$0x3A0]  }
0x160: {  	v29 =	vld [tilespmem:s25+$0x3B0];
	s25 =	spop (v2sf);
	(v2sf) =	vpush v5, $0x4  }
0x161: {  	v31 =	vld [tilespmem:s25+$0x380]  }
0x162: {  	v33 =	vld [tilespmem:s25+$0x390]  }
0x163: {  	v35 =	vld [tilespmem:s25+$0x3A0]  }
0x164: {  	v37 =	vld [tilespmem:s25+$0x3B0];
	s25 =	spop (v2sf);
	(v2sf) =	vpush v5, $0x5  }
0x165: {  	v56 =	vld [tilespmem:s16+$0xFFFFFE80]  }
0x166: {  	v58 =	vld [tilespmem:s16+$0xFFFFFE90]  }
0x167: {  	v60 =	vld [tilespmem:s16+$0xFFFFFEA0]  }
0x168: {  	v62 =	vld [tilespmem:s16+$0xFFFFFEB0]  }
0x169: {  	v63 =	vld [tilespmem:s16+$0xFFFFFF00]  }
0x16a: {  	v22 =	vld [tilespmem:s16+$0xFFFFFF10]  }
0x16b: {  	v17 =	vld [tilespmem:s16+$0xFFFFFF20]  }
0x16c: {  	v39 =	vld [tilespmem:s25+$0x380]  }
0x16d: {  	v41 =	vld [tilespmem:s25+$0x390]  }
0x16e: {  	v43 =	vld [tilespmem:s25+$0x3A0]  }
0x16f: {  	v45 =	vld [tilespmem:s25+$0x3B0];
	s25 =	spop (v2sf);
	(v2sf) =	vpush v5, $0x6  }
0x170: {  	v47 =	vld [tilespmem:s25+$0x380]  }
0x171: {  	v49 =	vld [tilespmem:s25+$0x390]  }
0x172: {  	v51 =	vld [tilespmem:s25+$0x3A0]  }
0x173: {  	v6 =	vmul.f32 v9, v6;
	v20 =	vmul.f32 v11, v10;
	v53 =	vld [tilespmem:s25+$0x3B0];
	s25 =	spop (v2sf);
	(v2sf) =	vpush v5, $0x7  }
0x174: {  	v8 =	vld [tilespmem:s16+$0xFFFFFF30]  }
0x175: {  	v4 =	vld [tilespmem:s16+$0xFFFFFF80];
	v9 =	vmul.f32 v13, v12;
	v6 =	vadd.f32 v20, v6  }
0x176: {  	v11 =	vld [tilespmem:s16+$0xFFFFFF90];
	v12 =	vmul.f32 v24, v23;
	v13 =	vmul.f32 v26, v25  }
0x177: {  	v25 =	vld [tilespmem:s16+$0xFFFFFFA0];
	v23 =	vmul.f32 v15, v14;
	v6 =	vadd.f32 v9, v6  }
0x178: {  	v12 =	vadd.f32 v13, v12;
	v13 =	vmul.f32 v28, v27;
	v27 =	vld [tilespmem:s16+$0xFFFFFFB0]  }
0x179: {  	v6 =	vadd.f32 v23, v6;
	v23 =	vmul.f32 v30, v29;
	v29 =	vld [tilespmem:s16+$0x0]  }
0x17a: {  	v24 =	vmul.f32 v32, v31;
	v31 =	vld [tilespmem:s16+$0x10]  }
0x17b: {  	v12 =	vadd.f32 v13, v12;
	v34 =	vmul.f32 v34, v33;
	v55 =	vld [tilespmem:s25+$0x380]  }
0x17c: {  	v57 =	vld [tilespmem:s25+$0x390]  }
0x17d: {  	v9 =	vadd.f32 v23, v12;
	v13 =	vmul.f32 v36, v35;
	v12 =	vadd.f32 v34, v24;
	v59 =	vld [tilespmem:s25+$0x3A0]  }
0x17e: {  	v15 =	vperm.xlane v6, v0;
	v14 =	vmul.f32 v40, v39;
	v61 =	vld [tilespmem:s25+$0x3B0];
	s25 =	spop (v2sf);
	(v2sf) =	vpush v5, $0x8  }
0x17f: {  	v36 =	vmul.f32 v42, v41;
	v40 =	vmul.f32 v38, v37;
	v12 =	vadd.f32 v13, v12;
	v21 =	vld [tilespmem:s25+$0x380]  }
0x180: {  	v6 =	vadd.f32 v6, v15;
	v18 =	vld [tilespmem:s25+$0x390]  }
0x181: {  	v41 =	vmul.f32 v44, v43;
	v14 =	vadd.f32 v36, v14;
	v12 =	vadd.f32 v40, v12;
	v16 =	vld [tilespmem:s25+$0x3A0]  }
0x182: {  	v44 =	vperm.xlane v6, v1;
	v7 =	vld [tilespmem:s25+$0x3B0];
	s25 =	spop (v2sf);
	(v2sf) =	vpush v5, $0x9  }
0x183: {  	v33 =	vld [tilespmem:s16+$0x20];
	v43 =	vmul.f32 v46, v45;
	v42 =	vadd.f32 v41, v14;
	v46 =	vperm.xlane v12, v0  }
0x184: {  	v35 =	vld [tilespmem:s16+$0x30];
	v39 =	vperm.xlane v9, v0;
	v6 =	vadd.f32 v6, v44  }
0x185: {  	v37 =	vld [tilespmem:s16+$0x80];
	v13 =	vadd.f32 v43, v42;
	v12 =	vadd.f32 v12, v46  }
0x186: {  	v9 =	vadd.f32 v9, v39;
	v39 =	vld [tilespmem:s16+$0x90];
	v15 =	vperm.xlane v6, v2  }
0x187: {  	v44 =	vld [tilespmem:s16+$0xB0];
	v14 =	vperm.xlane v13, v0;
	v24 =	vperm.xlane v12, v1  }
0x188: {  	v41 =	vld [tilespmem:s16+$0xA0];
	v48 =	vmul.f32 v48, v47;
	v49 =	vmul.f32 v50, v49  }
0x189: {  	v45 =	vperm.xlane v9, v1;
	v13 =	vadd.f32 v13, v14;
	v12 =	vadd.f32 v12, v24;
	v24 =	vld [tilespmem:s16+$0x100]  }
0x18a: {  	v14 =	vadd.f32 v6, v15;
	v51 =	vmul.f32 v52, v51;
	v15 =	vadd.f32 v49, v48;
	v19 =	vld [tilespmem:s25+$0x380]  }
0x18b: {  	v9 =	vadd.f32 v9, v45;
	v10 =	vld [tilespmem:s25+$0x390]  }
0x18c: {  	v46 =	vmul.f32 v54, v53;
	v43 =	vadd.f32 v51, v15;
	v20 =	vld [tilespmem:s25+$0x3A0]  }
0x18d: {  	v23 =	vperm.xlane v9, v2;
	v26 =	vld [tilespmem:s25+$0x3B0];
	s25 =	spop (v2sf);
	(v2sf) =	vpush v5, $0xA  }
0x18e: {  	v52 =	vperm.xlane v14, v3;
	v43 =	vadd.f32 v46, v43;
	v28 =	vld [tilespmem:s25+$0x380]  }
0x18f: {  	v9 =	vadd.f32 v9, v23;
	v48 =	vmul.f32 v56, v55;
	v55 =	vmul.f32 v58, v57;
	v30 =	vld [tilespmem:s25+$0x390]  }
0x190: {  	v58 =	vmul.f32 v60, v59;
	v60 =	vperm.xlane v43, v0;
	v32 =	vld [tilespmem:s25+$0x3A0]  }
0x191: {  	v54 =	vperm.xlane v9, v3;
	v47 =	vperm.xlane v12, v2;
	v34 =	vld [tilespmem:s25+$0x3B0];
	s25 =	spop (v2sf);
	(v2sf) =	vpush v5, $0xB  }
0x192: {  	v49 =	vadd.f32 v14, v52;
	v14 =	vld [tilespmem:s16+$0x120];
	v43 =	vadd.f32 v43, v60  }
0x193: {  	v57 =	vadd.f32 v9, v54;
	v47 =	vadd.f32 v12, v47;
	v12 =	vld [tilespmem:s16+$0x130]  }
0x194: {  	v15 =	vld [tilespmem:s16+$0x110];
	v52 =	vperm.xlane v43, v1  }
0x195: {  	v46 =	vsel vm0, v49, v57;
	v49 =	vld [tilespmem:s16+$0x180]  }
0x196: {  	v48 =	vadd.f32 v55, v48;
	v55 =	vadd.f32 v43, v52;
	v43 =	vld [tilespmem:s16+$0x300]  }
0x197: {  	v18 =	vmul.f32 v22, v18;
	v22 =	vld [tilespmem:s16+$0x190]  }
0x198: {  	v50 =	vperm.xlane v13, v1;
	v10 =	vmul.f32 v11, v10;
	v11 =	vld [tilespmem:s16+$0x1A0]  }
0x199: {  	v36 =	vld [tilespmem:s25+$0x380]  }
0x19a: {  	v45 =	vadd.f32 v13, v50;
	v38 =	vld [tilespmem:s25+$0x390]  }
0x19b: {  	v40 =	vld [tilespmem:s25+$0x3A0]  }
0x19c: {  	v56 =	vperm.xlane v45, v2;
	v42 =	vld [tilespmem:s25+$0x3B0];
	s25 =	spop (v2sf);
	(v2sf) =	vpush v5, $0xC  }
0x19d: {  	v61 =	vmul.f32 v62, v61;
	v59 =	vperm.xlane v47, v3;
	v48 =	vadd.f32 v58, v48;
	v6 =	vld [tilespmem:s25+$0x380]  }
0x19e: {  	v45 =	vadd.f32 v45, v56;
	v13 =	vld [tilespmem:s25+$0x390]  }
0x19f: {  	v47 =	vadd.f32 v47, v59;
	v48 =	vadd.f32 v61, v48;
	v21 =	vmul.f32 v63, v21;
	v23 =	vld [tilespmem:s25+$0x3A0]  }
0x1a0: {  	v62 =	vperm.xlane v45, v3;
	v16 =	vmul.f32 v17, v16;
	v9 =	vld [tilespmem:s25+$0x3B0];
	s25 =	spop (v2sf);
	(v2sf) =	vpush v5, $0xD  }
0x1a1: {  	v4 =	vmul.f32 v4, v19;
	v58 =	vmul.f32 v27, v26;
	v26 =	vld [tilespmem:s16+$0x200];
	v18 =	vadd.f32 v18, v21  }
0x1a2: {  	v46 =	vsel vm1, v46, v47;
	v54 =	vperm.xlane v48, v0;
	v57 =	vmul.f32 v25, v20;
	v25 =	vld [tilespmem:s16+$0x210]  }
0x1a3: {  	v7 =	vmul.f32 v8, v7;
	v4 =	vadd.f32 v10, v4;
	v10 =	vld [tilespmem:s16+$0x230];
	v16 =	vadd.f32 v16, v18  }
0x1a4: {  	v45 =	vadd.f32 v45, v62;
	v18 =	vld [tilespmem:s16+$0x1B0];
	v61 =	vmul.f32 v37, v36;
	v62 =	vmul.f32 v39, v38  }
0x1a5: {  	v4 =	vadd.f32 v57, v4;
	v7 =	vadd.f32 v7, v16;
	v36 =	vmul.f32 v33, v32;
	v32 =	vld [tilespmem:s16+$0x220]  }
0x1a6: {  	v38 =	vmul.f32 v41, v40;
	v40 =	vmul.f32 v35, v34;
	v35 =	vld [tilespmem:s16+$0x280];
	v16 =	vadd.f32 v62, v61  }
0x1a7: {  	v56 =	vadd.f32 v48, v54;
	v19 =	vsel vm2, v46, v45;
	v37 =	vperm.xlane v7, v0;
	v33 =	vld [tilespmem:s16+$0x290]  }
0x1a8: {  	v4 =	vadd.f32 v58, v4;
	v41 =	vmul.f32 v44, v42;
	v16 =	vadd.f32 v38, v16;
	v53 =	vld [tilespmem:s25+$0x380]  }
0x1a9: {  	v59 =	vmul.f32 v29, v28;
	v60 =	vmul.f32 v31, v30;
	v7 =	vadd.f32 v7, v37;
	v51 =	vld [tilespmem:s25+$0x390]  }
0x1aa: {  	v48 =	vperm.xlane v55, v2;
	v39 =	vperm.xlane v4, v0;
	v16 =	vadd.f32 v41, v16;
	v17 =	vld [tilespmem:s25+$0x3A0]  }
0x1ab: {  	v63 =	vadd.f32 v60, v59;
	v44 =	vperm.xlane v7, v1;
	v45 =	vld [tilespmem:s25+$0x3B0];
	s25 =	spop (v2sf);
	(v2sf) =	vpush v5, $0xE  }
0x1ac: {  	v21 =	vadd.f32 v55, v48;
	v4 =	vadd.f32 v4, v39;
	v50 =	vperm.xlane v16, v0;
	v20 =	vld [tilespmem:s25+$0x380]  }
0x1ad: {  	v8 =	vadd.f32 v36, v63;
	v7 =	vadd.f32 v7, v44;
	v28 =	vld [tilespmem:s25+$0x390]  }
0x1ae: {  	v57 =	vperm.xlane v21, v3;
	v46 =	vperm.xlane v4, v1;
	v16 =	vadd.f32 v16, v50;
	v30 =	vld [tilespmem:s25+$0x3A0]  }
0x1af: {  	v8 =	vadd.f32 v40, v8;
	v54 =	vperm.xlane v7, v2;
	v29 =	vld [tilespmem:s25+$0x3B0];
	s25 =	spop (v2sf);
	(v2sf) =	vpush v5, $0xF  }
0x1b0: {  	v39 =	vld [tilespmem:s16+$0x2A0];
	v4 =	vadd.f32 v4, v46;
	v58 =	vperm.xlane v16, v1  }
0x1b1: {  	v21 =	vadd.f32 v21, v57;
	v36 =	vld [tilespmem:s16+$0x2B0];
	v47 =	vperm.xlane v8, v0;
	v7 =	vadd.f32 v7, v54  }
0x1b2: {  	v42 =	vperm.xlane v56, v1;
	v46 =	vld [tilespmem:s16+$0x310];
	v55 =	vperm.xlane v4, v2;
	v16 =	vadd.f32 v16, v58  }
0x1b3: {  	v19 =	vsel vm3, v19, v21;
	v8 =	vadd.f32 v8, v47;
	v50 =	vld [tilespmem:s16+$0x320];
	v60 =	vperm.xlane v7, v3  }
0x1b4: {  	v4 =	vadd.f32 v4, v55;
	v54 =	vld [tilespmem:s16+$0x330];
	v63 =	vperm.xlane v16, v2;
	v5 =	vadd.f32 v56, v42  }
0x1b5: {  	v7 =	vadd.f32 v7, v60;
	v6 =	vmul.f32 v24, v6;
	v13 =	vmul.f32 v15, v13;
	v58 =	vld [tilespmem:s16+$0x380]  }
0x1b6: {  	v16 =	vadd.f32 v16, v63;
	v63 =	vld [tilespmem:s16+$0x390];
	v56 =	vperm.xlane v8, v1;
	v52 =	vperm.xlane v5, v2  }
0x1b7: {  	v49 =	vmul.f32 v49, v53;
	v53 =	vmul.f32 v14, v23;
	v6 =	vadd.f32 v13, v6;
	v27 =	vld [tilespmem:s25+$0x380]  }
0x1b8: {  	v61 =	vperm.xlane v4, v3;
	v37 =	vld [tilespmem:s25+$0x390];
	v8 =	vadd.f32 v8, v56;
	v5 =	vadd.f32 v5, v52  }
0x1b9: {  	v57 =	vmul.f32 v12, v9;
	v22 =	vmul.f32 v22, v51;
	v6 =	vadd.f32 v53, v6;
	v31 =	vld [tilespmem:s25+$0x3A0]  }
0x1ba: {  	v4 =	vadd.f32 v4, v61;
	v41 =	vld [tilespmem:s25+$0x3B0];
	v62 =	vperm.xlane v8, v2;
	v59 =	vperm.xlane v5, v3;
	s25 =	spop (v2sf)  }
0x1bb: {  	v11 =	vmul.f32 v11, v17;
	v6 =	vadd.f32 v57, v6;
	v61 =	vmul.f32 v26, v20;
	v34 =	vld [tilespmem:s25+$0x380]  }
0x1bc: {  	v8 =	vadd.f32 v8, v62;
	v62 =	vmul.f32 v25, v28;
	v5 =	vadd.f32 v5, v59;
	v44 =	vld [tilespmem:s25+$0x390]  }
0x1bd: {  	v55 =	vadd.f32 v22, v49;
	v25 =	vmul.f32 v35, v27;
	v26 =	vmul.f32 v33, v37;
	v47 =	vld [tilespmem:s25+$0x3A0]  }
0x1be: {  	v40 =	vperm.xlane v6, v0;
	v31 =	vmul.f32 v39, v31;
	v5 =	vsel vm4, v19, v5;
	v52 =	vld [tilespmem:s25+$0x3B0];
	s25 =	spop (v2sf)  }
0x1bf: {  	v48 =	vperm.xlane v8, v3;
	v9 =	vadd.f32 v26, v25;
	v5 =	vsel vm5, v5, v7;
	v56 =	vld [tilespmem:s25+$0x380]  }
0x1c0: {  	v28 =	vmul.f32 v32, v30;
	v4 =	vsel vm6, v5, v4;
	v5 =	vperm.xlane v16, v3;
	v60 =	vld [tilespmem:s25+$0x390]  }
0x1c1: {  	v30 =	vld [tilespmem:s16+$0x3A0];
	v32 =	vmul.f32 v36, v41;
	v9 =	vadd.f32 v31, v9;
	v7 =	vadd.f32 v8, v48  }
0x1c2: {  	v10 =	vmul.f32 v10, v29;
	v59 =	vmul.f32 v18, v45;
	v5 =	vadd.f32 v16, v5;
	v27 =	vld [tilespmem:s25+$0x3A0]  }
0x1c3: {  	v35 =	vld [tilespmem:s16+$0x3B0];
	v9 =	vadd.f32 v32, v9;
	v4 =	vsel vm7, v4, v7;
	v7 =	vadd.f32 v62, v61  }
0x1c4: {  	v4 =	vsel vm8, v4, v5;
	v33 =	vld [tilespmem:s25+$0x3B0];
	v34 =	vmul.f32 v43, v34;
	v19 =	vmul.f32 v46, v44  }
0x1c5: {  	v5 =	vadd.f32 v11, v55;
	v8 =	vmul.f32 v58, v56;
	v11 =	vmul.f32 v63, v60  }
0x1c6: {  	v7 =	vadd.f32 v28, v7;
	v37 =	vmul.f32 v50, v47;
	v36 =	vadd.f32 v19, v34  }
0x1c7: {  	v5 =	vadd.f32 v59, v5;
	v38 =	vmul.f32 v30, v27;
	v8 =	vadd.f32 v11, v8  }
0x1c8: {  	v7 =	vadd.f32 v10, v7;
	v39 =	vmul.f32 v54, v52;
	v10 =	vadd.f32 v37, v36  }
0x1c9: {  	v42 =	vperm.xlane v5, v0;
	v41 =	vmul.f32 v35, v33;
	v8 =	vadd.f32 v38, v8  }
0x1ca: {  	v6 =	vadd.f32 v6, v40;
	v43 =	vperm.xlane v7, v0;
	v10 =	vadd.f32 v39, v10  }
0x1cb: {  	v44 =	vperm.xlane v9, v0;
	v5 =	vadd.f32 v5, v42;
	v8 =	vadd.f32 v41, v8  }
0x1cc: {  	v45 =	vperm.xlane v6, v1;
	v7 =	vadd.f32 v7, v43;
	v46 =	vperm.xlane v10, v0  }
0x1cd: {  	v9 =	vadd.f32 v9, v44;
	v14 =	vperm.xlane v5, v1;
	v47 =	vperm.xlane v8, v0  }
0x1ce: {  	v6 =	vadd.f32 v6, v45;
	v48 =	vperm.xlane v7, v1;
	v10 =	vadd.f32 v10, v46  }
0x1cf: {  	v49 =	vperm.xlane v9, v1;
	v5 =	vadd.f32 v5, v14;
	v8 =	vadd.f32 v8, v47  }
0x1d0: {  	v50 =	vperm.xlane v6, v2;
	v7 =	vadd.f32 v7, v48;
	v51 =	vperm.xlane v10, v1  }
0x1d1: {  	v9 =	vadd.f32 v9, v49;
	v14 =	vperm.xlane v5, v2;
	v52 =	vperm.xlane v8, v1  }
0x1d2: {  	v6 =	vadd.f32 v6, v50;
	v53 =	vperm.xlane v7, v2;
	v10 =	vadd.f32 v10, v51  }
0x1d3: {  	v54 =	vperm.xlane v9, v2;
	v5 =	vadd.f32 v5, v14;
	v8 =	vadd.f32 v8, v52  }
0x1d4: {  	v55 =	vperm.xlane v6, v3;
	v7 =	vadd.f32 v7, v53;
	v56 =	vperm.xlane v10, v2  }
0x1d5: {  	v9 =	vadd.f32 v9, v54;
	v14 =	vperm.xlane v5, v3;
	v57 =	vperm.xlane v8, v2  }
0x1d6: {  	v6 =	vadd.f32 v6, v55;
	v58 =	vperm.xlane v7, v3;
	v10 =	vadd.f32 v10, v56  }
0x1d7: {  	v59 =	vperm.xlane v9, v3;
	v5 =	vadd.f32 v5, v14;
	v8 =	vadd.f32 v8, v57  }
0x1d8: {  	v4 =	vsel vm9, v4, v6;
	v60 =	vadd.f32 v7, v58;
	v61 =	vperm.xlane v10, v3  }
0x1d9: {  	v4 =	vsel vm10, v4, v5;
	v5 =	vadd.f32 v9, v59;
	v62 =	vperm.xlane v8, v3  }
0x1da: {  	v4 =	vsel vm11, v4, v60;
	v63 =	vadd.f32 v10, v61  }
0x1db: {  	v4 =	vsel vm12, v4, v5;
	v5 =	vadd.f32 v8, v62  }
0x1dc: {  	v4 =	vsel vm13, v4, v63  }
0x1dd: {  	v4 =	vsel vm14, v4, v5;
	v5 =	vld [tilespmem:$0x1FFF0];
	_ =	sdelay $0x2  }
0x1de: {  	p0 =	sne.s32 s23, $0x500  }
.Ltmp0:
0x1df: {  	_ = 	snop;
	(pc) =	sbr.rel @p0 .LBB2_3-.Ltmp0, $2  }
0x1e0: {  	_ =	sdelay $0x2  }
0x1e1: {  	s23 =	sadd.s32 $0x40, s23;
	s16 =	sadd.s32 $0x800, s16;
	[tilespmem:v5+s10+$0x0 ss:$0x1] =	vst.idx.msk $0xffff, v4  }
0x1e2: {  	s10 =	smin.u32 s24, $0x1D  }
0x1e3: {  	s16 =	rddreg [dreg:$0x8];
	s10 =	sshll.u32 s10, $0x4  }
0x1e4: {  	s10 =	sadd.s32 s10, s16  }
0x1e5: {  	s23 =	rddreg [dreg:$0x1];
	s16 =	sshrl.u32 s10, $0x3  }
0x1e6: {  	s16 =	sadd.s32 s23, s16;
	s23 =	simm.s32 $0x0  }
0x1e7: {  	[tilespmem:s23], [sflag:$0x4] =	stream.linear.gather [hbm4b:s16+s23], $0x10, $0x38;
	[tilespmem:$0x18F00] =	vst v63  }
0x1e8: {  	_ =	swait.ge [sflag:s15], $0x10  }
0x1e9: {  	s10 =	smul.u32 $0x15, s10;
	[sflag:s15] =	ssyncset.done $0x0  }
0x1ea: {  	[sflag:s15] =	ssyncadd.s32 $0xFFFFFFF0  }
0x1eb: {  	s10 =	sshrl.u32 s10, $0x3;
	s25 =	rddreg [dreg:$0x0]  }
0x1ec: {  	s10 =	sadd.s32 s25, s10  }
0x1ed: {  	[tilespmem:s19], [sflag:$0x4] =	stream.linear.gather [hbm4b:s10+s23], $0x150, $0x38;
	[tilespmem:$0x18F00] =	vst v63  }
0x1ee: {  	_ =	swait.ge [sflag:s15], $0x150  }
0x1ef: {  	[sflag:s15] =	ssyncset.done $0x0  }
0x1f0: {  	s24 =	simm.s32 $0x150;
	s25 =	simm.s32 $0x1380;
	[sflag:s15] =	ssyncadd.s32 $0xFFFFFEB0  }
0x1f1: {  	[tilespmem:s25], [sflag:$0x1] =	stream.indirect.gather [hbm4b:s7+s24], $0x80, s19, s24, $0xb8;
	[tilespmem:$0x18F00] =	vst v63  }
0x1f2: {  	v4 =	vld [tilespmem:$0x0];
	_ =	sdelay $0x4  }
0x1f3: {  	v4 =	vshll.u32 v4, $0x4  }
0x1f4: {  	(v2sf) =	vpush v4, $0x0;
	_ =	sdelay $0x2  }
0x1f5: {  	(v2sf) =	vpush v4, $0x1;
	_ =	sdelay $0x3  }
0x1f6: {  	(v2sf) =	vpush v4, $0x2;
	_ =	sdelay $0x7  }
0x1f7: {  	s24 =	spop (v2sf);
	(v2sf) =	vpush v4, $0x3;
	_ =	sdelay $0x1  }
0x1f8: {  	s10 =	sand.u32 $0x1FFFFFF0, s24  }
0x1f9: {  	s25 =	simm.s32 $0x380;
	s16 =	spop (v2sf);
	(v2sf) =	vpush v4, $0x4;
	s10 =	sadd.s32 s5, s10  }
0x1fa: {  	[tilespmem:s25], [sflag:$0x3] =	stream.strided.gather [hbm4b:s10+s19], $0x0, s18, s19, $0x38;
	[tilespmem:$0x18F00] =	vst v63  }
0x1fb: {  	_ = 	snop  }
0x1fc: {  	[tilespmem:s25], [sflag:$0x3] =	stream.linear.gather [hbm4b:s10+s23], $0x40, $0x38;
	[tilespmem:$0x18F00] =	vst v63  }
0x1fd: {  	s24 =	spop (v2sf);
	(v2sf) =	vpush v4, $0x5;
	s10 =	sand.u32 $0x1FFFFFF0, s16  }
0x1fe: {  	s10 =	sadd.s32 s5, s10  }
0x1ff: {  	[tilespmem:s18], [sflag:$0x3] =	stream.strided.gather [hbm4b:s10+s19], $0x0, s18, s19, $0x38;
	[tilespmem:$0x18F00] =	vst v63  }
0x200: {  	_ = 	snop  }
0x201: {  	[tilespmem:s18], [sflag:$0x3] =	stream.linear.gather [hbm4b:s10+s23], $0x40, $0x38;
	[tilespmem:$0x18F00] =	vst v63  }
0x202: {  	s10 =	sand.u32 $0x1FFFFFF0, s24  }
0x203: {  	s25 =	simm.s32 $0x480;
	s10 =	sadd.s32 s5, s10  }
0x204: {  	[tilespmem:s25], [sflag:$0x3] =	stream.strided.gather [hbm4b:s10+s19], $0x0, s18, s19, $0x38;
	[tilespmem:$0x18F00] =	vst v63  }
0x205: {  	s24 =	spop (v2sf);
	(v2sf) =	vpush v4, $0x6  }
0x206: {  	[tilespmem:s25], [sflag:$0x3] =	stream.linear.gather [hbm4b:s10+s23], $0x40, $0x38;
	[tilespmem:$0x18F00] =	vst v63  }
0x207: {  	s10 =	sand.u32 $0x1FFFFFF0, s24  }
0x208: {  	s25 =	simm.s32 $0x500;
	s24 =	spop (v2sf);
	(v2sf) =	vpush v4, $0x7;
	s10 =	sadd.s32 s5, s10  }
0x209: {  	[tilespmem:s25], [sflag:$0x3] =	stream.strided.gather [hbm4b:s10+s19], $0x0, s18, s19, $0x38;
	[tilespmem:$0x18F00] =	vst v63  }
0x20a: {  	_ = 	snop  }
0x20b: {  	[tilespmem:s25], [sflag:$0x3] =	stream.linear.gather [hbm4b:s10+s23], $0x40, $0x38;
	[tilespmem:$0x18F00] =	vst v63  }
0x20c: {  	s10 =	sand.u32 $0x1FFFFFF0, s24;
	s24 =	spop (v2sf);
	(v2sf) =	vpush v4, $0x8  }
0x20d: {  	s25 =	simm.s32 $0x580;
	s10 =	sadd.s32 s5, s10  }
0x20e: {  	[tilespmem:s25], [sflag:$0x3] =	stream.strided.gather [hbm4b:s10+s19], $0x0, s18, s19, $0x38;
	[tilespmem:$0x18F00] =	vst v63  }
0x20f: {  	_ = 	snop  }
0x210: {  	[tilespmem:s25], [sflag:$0x3] =	stream.linear.gather [hbm4b:s10+s23], $0x40, $0x38;
	[tilespmem:$0x18F00] =	vst v63  }
0x211: {  	s10 =	sand.u32 $0x1FFFFFF0, s24  }
0x212: {  	s25 =	simm.s32 $0x600;
	s10 =	sadd.s32 s5, s10  }
0x213: {  	[tilespmem:s25], [sflag:$0x3] =	stream.strided.gather [hbm4b:s10+s19], $0x0, s18, s19, $0x38;
	[tilespmem:$0x18F00] =	vst v63  }
0x214: {  	s16 =	spop (v2sf);
	(v2sf) =	vpush v4, $0x9  }
0x215: {  	[tilespmem:s25], [sflag:$0x3] =	stream.linear.gather [hbm4b:s10+s23], $0x40, $0x38;
	[tilespmem:$0x18F00] =	vst v63  }
0x216: {  	s10 =	sand.u32 $0x1FFFFFF0, s16  }
0x217: {  	s24 =	simm.s32 $0x680;
	s25 =	spop (v2sf);
	(v2sf) =	vpush v4, $0xA;
	s10 =	sadd.s32 s5, s10  }
0x218: {  	[tilespmem:s24], [sflag:$0x3] =	stream.strided.gather [hbm4b:s10+s19], $0x0, s18, s19, $0x38;
	[tilespmem:$0x18F00] =	vst v63  }
0x219: {  	_ = 	snop  }
0x21a: {  	[tilespmem:s24], [sflag:$0x3] =	stream.linear.gather [hbm4b:s10+s23], $0x40, $0x38;
	[tilespmem:$0x18F00] =	vst v63  }
0x21b: {  	s10 =	sand.u32 $0x1FFFFFF0, s25;
	s16 =	spop (v2sf);
	(v2sf) =	vpush v4, $0xB  }
0x21c: {  	s10 =	sadd.s32 s5, s10  }
0x21d: {  	[tilespmem:s26], [sflag:$0x3] =	stream.strided.gather [hbm4b:s10+s19], $0x0, s18, s19, $0x38;
	[tilespmem:$0x18F00] =	vst v63  }
0x21e: {  	_ = 	snop  }
0x21f: {  	[tilespmem:s26], [sflag:$0x3] =	stream.linear.gather [hbm4b:s10+s23], $0x40, $0x38;
	[tilespmem:$0x18F00] =	vst v63  }
0x220: {  	s10 =	sand.u32 $0x1FFFFFF0, s16  }
0x221: {  	s10 =	sadd.s32 s5, s10  }
0x222: {  	[tilespmem:s28], [sflag:$0x3] =	stream.strided.gather [hbm4b:s10+s19], $0x0, s18, s19, $0x38;
	[tilespmem:$0x18F00] =	vst v63  }
0x223: {  	s24 =	spop (v2sf);
	(v2sf) =	vpush v4, $0xC  }
0x224: {  	[tilespmem:s28], [sflag:$0x3] =	stream.linear.gather [hbm4b:s10+s23], $0x40, $0x38;
	[tilespmem:$0x18F00] =	vst v63  }
0x225: {  	s10 =	sand.u32 $0x1FFFFFF0, s24  }
0x226: {  	s25 =	spop (v2sf);
	(v2sf) =	vpush v4, $0xD;
	s10 =	sadd.s32 s5, s10  }
0x227: {  	[tilespmem:s29], [sflag:$0x3] =	stream.strided.gather [hbm4b:s10+s19], $0x0, s18, s19, $0x38;
	[tilespmem:$0x18F00] =	vst v63  }
0x228: {  	_ = 	snop  }
0x229: {  	[tilespmem:s29], [sflag:$0x3] =	stream.linear.gather [hbm4b:s10+s23], $0x40, $0x38;
	[tilespmem:$0x18F00] =	vst v63  }
0x22a: {  	s10 =	sand.u32 $0x1FFFFFF0, s25;
	s16 =	spop (v2sf);
	(v2sf) =	vpush v4, $0xE  }
0x22b: {  	s10 =	sadd.s32 s5, s10  }
0x22c: {  	[tilespmem:s30], [sflag:$0x3] =	stream.strided.gather [hbm4b:s10+s19], $0x0, s18, s19, $0x38;
	[tilespmem:$0x18F00] =	vst v63  }
0x22d: {  	_ = 	snop  }
0x22e: {  	[tilespmem:s30], [sflag:$0x3] =	stream.linear.gather [hbm4b:s10+s23], $0x40, $0x38;
	[tilespmem:$0x18F00] =	vst v63  }
0x22f: {  	s10 =	sand.u32 $0x1FFFFFF0, s16  }
0x230: {  	s10 =	sadd.s32 s5, s10  }
0x231: {  	[tilespmem:s31], [sflag:$0x3] =	stream.strided.gather [hbm4b:s10+s19], $0x0, s18, s19, $0x38;
	[tilespmem:$0x18F00] =	vst v63  }
0x232: {  	s24 =	spop (v2sf);
	(v2sf) =	vpush v4, $0xF  }
0x233: {  	[tilespmem:s31], [sflag:$0x3] =	stream.linear.gather [hbm4b:s10+s23], $0x40, $0x38;
	[tilespmem:$0x18F00] =	vst v63  }
0x234: {  	s10 =	sand.u32 $0x1FFFFFF0, s24  }
0x235: {  	s25 =	spop (v2sf);
	s10 =	sadd.s32 s5, s10  }
0x236: {  	[tilespmem:s3], [sflag:$0x3] =	stream.strided.gather [hbm4b:s10+s19], $0x0, s18, s19, $0x38;
	[tilespmem:$0x18F00] =	vst v63  }
0x237: {  	s24 =	sand.u32 $0x1FFFFFF0, s25  }
0x238: {  	[tilespmem:s3], [sflag:$0x3] =	stream.linear.gather [hbm4b:s10+s23], $0x40, $0x38;
	[tilespmem:$0x18F00] =	vst v63  }
0x239: {  	s10 =	sadd.s32 s5, s24;
	s25 =	spop (v2sf)  }
0x23a: {  	[tilespmem:s0], [sflag:$0x3] =	stream.strided.gather [hbm4b:s10+s19], $0x0, s18, s19, $0x38;
	[tilespmem:$0x18F00] =	vst v63  }
0x23b: {  	s24 =	sand.u32 $0x1FFFFFF0, s25  }
0x23c: {  	[tilespmem:s0], [sflag:$0x3] =	stream.linear.gather [hbm4b:s10+s23], $0x40, $0x38;
	[tilespmem:$0x18F00] =	vst v63  }
0x23d: {  	s10 =	sadd.s32 s5, s24  }
0x23e: {  	[tilespmem:s4], [sflag:$0x3] =	stream.strided.gather [hbm4b:s10+s19], $0x0, s18, s19, $0x38;
	[tilespmem:$0x18F00] =	vst v63  }
0x23f: {  	_ = 	snop  }
0x240: {  	[tilespmem:s4], [sflag:$0x3] =	stream.linear.gather [hbm4b:s10+s23], $0x40, $0x38;
	[tilespmem:$0x18F00] =	vst v63  }
0x241: {  	s25 =	spop (v2sf)  }
0x242: {  	s10 =	sand.u32 $0x1FFFFFF0, s25  }
0x243: {  	s10 =	sadd.s32 s5, s10  }
0x244: {  	[tilespmem:s14], [sflag:$0x3] =	stream.strided.gather [hbm4b:s10+s19], $0x0, s18, s19, $0x38;
	[tilespmem:$0x18F00] =	vst v63  }
0x245: {  	_ = 	snop  }
0x246: {  	[tilespmem:s14], [sflag:$0x3] =	stream.linear.gather [hbm4b:s10+s23], $0x40, $0x38;
	[tilespmem:$0x18F00] =	vst v63  }
0x247: {  	_ =	swait.ge [sflag:s9], $0x40  }
0x248: {  	[sflag:s9] =	ssyncset.done $0x0  }
0x249: {  	[sflag:s9] =	ssyncadd.s32 $0xFFFFFFC0  }
0x24a: {  	_ =	swait.ge [sflag:s9], $0x40  }
0x24b: {  	[sflag:s9] =	ssyncset.done $0x0  }
0x24c: {  	[sflag:s9] =	ssyncadd.s32 $0xFFFFFFC0  }
0x24d: {  	_ =	swait.ge [sflag:s9], $0x40  }
0x24e: {  	[sflag:s9] =	ssyncset.done $0x0  }
0x24f: {  	[sflag:s9] =	ssyncadd.s32 $0xFFFFFFC0  }
0x250: {  	_ =	swait.ge [sflag:s9], $0x40  }
0x251: {  	[sflag:s9] =	ssyncset.done $0x0  }
0x252: {  	[sflag:s9] =	ssyncadd.s32 $0xFFFFFFC0  }
0x253: {  	_ =	swait.ge [sflag:s9], $0x40  }
0x254: {  	[sflag:s9] =	ssyncset.done $0x0  }
0x255: {  	[sflag:s9] =	ssyncadd.s32 $0xFFFFFFC0  }
0x256: {  	_ =	swait.ge [sflag:s9], $0x40  }
0x257: {  	[sflag:s9] =	ssyncset.done $0x0  }
0x258: {  	[sflag:s9] =	ssyncadd.s32 $0xFFFFFFC0  }
0x259: {  	_ =	swait.ge [sflag:s9], $0x40  }
0x25a: {  	[sflag:s9] =	ssyncset.done $0x0  }
0x25b: {  	[sflag:s9] =	ssyncadd.s32 $0xFFFFFFC0  }
0x25c: {  	_ =	swait.ge [sflag:s9], $0x40  }
0x25d: {  	[sflag:s9] =	ssyncset.done $0x0  }
0x25e: {  	[sflag:s9] =	ssyncadd.s32 $0xFFFFFFC0  }
0x25f: {  	_ =	swait.ge [sflag:s9], $0x40  }
0x260: {  	[sflag:s9] =	ssyncset.done $0x0  }
0x261: {  	[sflag:s9] =	ssyncadd.s32 $0xFFFFFFC0  }
0x262: {  	_ =	swait.ge [sflag:s9], $0x40  }
0x263: {  	[sflag:s9] =	ssyncset.done $0x0  }
0x264: {  	[sflag:s9] =	ssyncadd.s32 $0xFFFFFFC0  }
0x265: {  	_ =	swait.ge [sflag:s9], $0x40  }
0x266: {  	[sflag:s9] =	ssyncset.done $0x0  }
0x267: {  	[sflag:s9] =	ssyncadd.s32 $0xFFFFFFC0  }
0x268: {  	_ =	swait.ge [sflag:s9], $0x40  }
0x269: {  	[sflag:s9] =	ssyncset.done $0x0  }
0x26a: {  	[sflag:s9] =	ssyncadd.s32 $0xFFFFFFC0  }
0x26b: {  	_ =	swait.ge [sflag:s9], $0x40  }
0x26c: {  	[sflag:s9] =	ssyncset.done $0x0  }
0x26d: {  	[sflag:s9] =	ssyncadd.s32 $0xFFFFFFC0  }
0x26e: {  	_ =	swait.ge [sflag:s9], $0x40  }
0x26f: {  	[sflag:s9] =	ssyncset.done $0x0  }
0x270: {  	[sflag:s9] =	ssyncadd.s32 $0xFFFFFFC0  }
0x271: {  	_ =	swait.ge [sflag:s9], $0x40  }
0x272: {  	[sflag:s9] =	ssyncset.done $0x0  }
0x273: {  	[sflag:s9] =	ssyncadd.s32 $0xFFFFFFC0  }
0x274: {  	_ =	swait.ge [sflag:s9], $0x40  }
0x275: {  	[sflag:s9] =	ssyncset.done $0x0  }
0x276: {  	[sflag:s9] =	ssyncadd.s32 $0xFFFFFFC0  }
0x277: {  	_ =	swait.ge [sflag:s2], $0xA800  }
0x278: {  	[sflag:s2] =	ssyncset.done $0x0  }
0x279: {  	s16 =	smov.u32 s8;
	s24 =	simm.s32 $0x18D80;
	[sflag:s2] =	ssyncadd.s32 $0xFFFF5800  }
.LBB2_5:
0x27a: {  	v4 =	vld [tilespmem:s24+$0x0];
	_ =	sdelay $0x4  }
0x27b: {  	v4 =	vshll.u32 v4, $0x9  }
0x27c: {  	v4 =	vshra.s32 v4, $0x2  }
0x27d: {  	(v2sf) =	vpush v4, $0x0  }
0x27e: {  	s10 =	sshra.s32 s23, $0x2  }
0x27f: {  	v8 =	vld [tilespmem:s10+$0xBB80]  }
0x280: {  	v10 =	vld [tilespmem:s10+$0xBB90]  }
0x281: {  	v12 =	vld [tilespmem:s10+$0xBBA0];
	(v2sf) =	vpush v4, $0x1  }
0x282: {  	v14 =	vld [tilespmem:s10+$0xBBB0]  }
0x283: {  	v23 =	vld [tilespmem:s10+$0xBC00]  }
0x284: {  	v25 =	vld [tilespmem:s10+$0xBC10]  }
0x285: {  	v27 =	vld [tilespmem:s10+$0xBC20]  }
0x286: {  	v29 =	vld [tilespmem:s10+$0xBC30]  }
0x287: {  	v31 =	vld [tilespmem:s10+$0xBC80]  }
0x288: {  	v33 =	vld [tilespmem:s10+$0xBC90]  }
0x289: {  	v35 =	vld [tilespmem:s10+$0xBCA0]  }
0x28a: {  	v37 =	vld [tilespmem:s10+$0xBCB0]  }
0x28b: {  	v39 =	vld [tilespmem:s10+$0xBD00]  }
0x28c: {  	v41 =	vld [tilespmem:s10+$0xBD10];
	s25 =	spop (v2sf);
	(v2sf) =	vpush v4, $0x2  }
0x28d: {  	v5 =	vld [tilespmem:s25+$0xB80]  }
0x28e: {  	v9 =	vld [tilespmem:s25+$0xB90]  }
0x28f: {  	v11 =	vld [tilespmem:s25+$0xBA0]  }
0x290: {  	v13 =	vld [tilespmem:s25+$0xBB0];
	s25 =	spop (v2sf);
	(v2sf) =	vpush v4, $0x3  }
0x291: {  	v43 =	vld [tilespmem:s10+$0xBD20]  }
0x292: {  	v45 =	vld [tilespmem:s10+$0xBD30]  }
0x293: {  	v47 =	vld [tilespmem:s10+$0xBD80]  }
0x294: {  	v49 =	vld [tilespmem:s10+$0xBD90]  }
0x295: {  	v51 =	vld [tilespmem:s10+$0xBDA0]  }
0x296: {  	v53 =	vld [tilespmem:s10+$0xBDB0]  }
0x297: {  	v55 =	vld [tilespmem:s10+$0xBE00]  }
0x298: {  	v22 =	vld [tilespmem:s25+$0xB80]  }
0x299: {  	v24 =	vld [tilespmem:s25+$0xB90]  }
0x29a: {  	v26 =	vld [tilespmem:s25+$0xBA0]  }
0x29b: {  	v28 =	vld [tilespmem:s25+$0xBB0];
	s25 =	spop (v2sf);
	(v2sf) =	vpush v4, $0x4  }
0x29c: {  	v30 =	vld [tilespmem:s25+$0xB80]  }
0x29d: {  	v32 =	vld [tilespmem:s25+$0xB90]  }
0x29e: {  	v34 =	vld [tilespmem:s25+$0xBA0]  }
0x29f: {  	v36 =	vld [tilespmem:s25+$0xBB0];
	s25 =	spop (v2sf);
	(v2sf) =	vpush v4, $0x5  }
0x2a0: {  	v57 =	vld [tilespmem:s10+$0xBE10]  }
0x2a1: {  	v59 =	vld [tilespmem:s10+$0xBE20]  }
0x2a2: {  	v61 =	vld [tilespmem:s10+$0xBE30]  }
0x2a3: {  	v62 =	vld [tilespmem:s10+$0xBE80]  }
0x2a4: {  	v21 =	vld [tilespmem:s10+$0xBE90]  }
0x2a5: {  	v16 =	vld [tilespmem:s10+$0xBEA0]  }
0x2a6: {  	v7 =	vld [tilespmem:s10+$0xBEB0]  }
0x2a7: {  	v38 =	vld [tilespmem:s25+$0xB80]  }
0x2a8: {  	v40 =	vld [tilespmem:s25+$0xB90]  }
0x2a9: {  	v42 =	vld [tilespmem:s25+$0xBA0]  }
0x2aa: {  	v44 =	vld [tilespmem:s25+$0xBB0];
	s25 =	spop (v2sf);
	(v2sf) =	vpush v4, $0x6  }
0x2ab: {  	v46 =	vld [tilespmem:s25+$0xB80]  }
0x2ac: {  	v48 =	vld [tilespmem:s25+$0xB90]  }
0x2ad: {  	v50 =	vld [tilespmem:s25+$0xBA0]  }
0x2ae: {  	v52 =	vld [tilespmem:s25+$0xBB0];
	s25 =	spop (v2sf);
	(v2sf) =	vpush v4, $0x7  }
0x2af: {  	v63 =	vld [tilespmem:s10+$0xBF00];
	v5 =	vmul.f32 v8, v5  }
0x2b0: {  	v19 =	vmul.f32 v10, v9;
	v9 =	vld [tilespmem:s10+$0xBF10];
	v8 =	vmul.f32 v12, v11  }
0x2b1: {  	v10 =	vmul.f32 v23, v22;
	v12 =	vmul.f32 v25, v24;
	v23 =	vld [tilespmem:s10+$0xBF20]  }
0x2b2: {  	v25 =	vld [tilespmem:s10+$0xBF30];
	v5 =	vadd.f32 v19, v5  }
0x2b3: {  	v13 =	vmul.f32 v14, v13;
	v14 =	vmul.f32 v27, v26;
	v27 =	vld [tilespmem:s10+$0xBF80];
	v10 =	vadd.f32 v12, v10  }
0x2b4: {  	v5 =	vadd.f32 v8, v5;
	v8 =	vmul.f32 v29, v28;
	v29 =	vld [tilespmem:s10+$0xBF90]  }
0x2b5: {  	v10 =	vadd.f32 v14, v10;
	v22 =	vmul.f32 v31, v30;
	v31 =	vld [tilespmem:s10+$0xBFA0]  }
0x2b6: {  	v32 =	vmul.f32 v33, v32;
	v54 =	vld [tilespmem:s25+$0xB80]  }
0x2b7: {  	v8 =	vadd.f32 v8, v10;
	v56 =	vld [tilespmem:s25+$0xB90]  }
0x2b8: {  	v5 =	vadd.f32 v13, v5;
	v33 =	vmul.f32 v35, v34;
	v10 =	vadd.f32 v32, v22;
	v58 =	vld [tilespmem:s25+$0xBA0]  }
0x2b9: {  	v34 =	vmul.f32 v39, v38;
	v38 =	vperm.xlane v8, v0;
	v60 =	vld [tilespmem:s25+$0xBB0];
	s25 =	spop (v2sf);
	(v2sf) =	vpush v4, $0x8  }
0x2ba: {  	v39 =	vmul.f32 v37, v36;
	v10 =	vadd.f32 v33, v10;
	v20 =	vld [tilespmem:s25+$0xB80]  }
0x2bb: {  	v13 =	vperm.xlane v5, v0;
	v8 =	vadd.f32 v8, v38;
	v17 =	vld [tilespmem:s25+$0xB90]  }
0x2bc: {  	v35 =	vmul.f32 v41, v40;
	v40 =	vmul.f32 v43, v42;
	v10 =	vadd.f32 v39, v10;
	v15 =	vld [tilespmem:s25+$0xBA0]  }
0x2bd: {  	v42 =	vmul.f32 v45, v44;
	v44 =	vperm.xlane v8, v1;
	v6 =	vld [tilespmem:s25+$0xBB0];
	s25 =	spop (v2sf);
	(v2sf) =	vpush v4, $0x9  }
0x2be: {  	v37 =	vld [tilespmem:s10+$0xC010];
	v12 =	vadd.f32 v35, v34;
	v45 =	vperm.xlane v10, v0  }
0x2bf: {  	v5 =	vadd.f32 v5, v13;
	v35 =	vld [tilespmem:s10+$0xC000];
	v8 =	vadd.f32 v8, v44  }
0x2c0: {  	v33 =	vld [tilespmem:s10+$0xBFB0];
	v41 =	vadd.f32 v40, v12;
	v10 =	vadd.f32 v10, v45  }
0x2c1: {  	v43 =	vperm.xlane v5, v1;
	v39 =	vld [tilespmem:s10+$0xC020];
	v14 =	vperm.xlane v8, v2  }
0x2c2: {  	v11 =	vadd.f32 v42, v41;
	v42 =	vld [tilespmem:s10+$0xC030];
	v22 =	vperm.xlane v10, v1  }
0x2c3: {  	v5 =	vadd.f32 v5, v43;
	v8 =	vadd.f32 v8, v14;
	v14 =	vld [tilespmem:s10+$0xC090]  }
0x2c4: {  	v12 =	vperm.xlane v11, v0;
	v43 =	vadd.f32 v10, v22;
	v10 =	vld [tilespmem:s10+$0xC080]  }
0x2c5: {  	v13 =	vperm.xlane v5, v2;
	v18 =	vld [tilespmem:s25+$0xB80]  }
0x2c6: {  	v11 =	vadd.f32 v11, v12;
	v19 =	vld [tilespmem:s25+$0xBA0]  }
0x2c7: {  	v13 =	vadd.f32 v5, v13;
	v46 =	vmul.f32 v47, v46;
	v24 =	vld [tilespmem:s25+$0xBB0]  }
0x2c8: {  	v47 =	vmul.f32 v49, v48;
	v48 =	vperm.xlane v11, v1;
	[tilespmem:$0x1FFE0] =	vst v6;
	v6 =	vld [tilespmem:s25+$0xB90];
	s25 =	spop (v2sf);
	(v2sf) =	vpush v4, $0xA  }
0x2c9: {  	v50 =	vmul.f32 v51, v50;
	v51 =	vperm.xlane v13, v3;
	v26 =	vld [tilespmem:s25+$0xB80]  }
0x2ca: {  	v45 =	vmul.f32 v53, v52;
	v49 =	vadd.f32 v47, v46;
	v11 =	vadd.f32 v11, v48;
	v28 =	vld [tilespmem:s25+$0xB90]  }
0x2cb: {  	v52 =	vmul.f32 v55, v54;
	v46 =	vperm.xlane v43, v2;
	v30 =	vld [tilespmem:s25+$0xBA0]  }
0x2cc: {  	v41 =	vadd.f32 v50, v49;
	v55 =	vperm.xlane v11, v2;
	v32 =	vld [tilespmem:s25+$0xBB0];
	s25 =	spop (v2sf);
	(v2sf) =	vpush v4, $0xB  }
0x2cd: {  	v44 =	vadd.f32 v13, v51;
	v13 =	vld [tilespmem:s10+$0xC0A0];
	v43 =	vadd.f32 v43, v46  }
0x2ce: {  	v54 =	vmul.f32 v57, v56;
	v41 =	vadd.f32 v45, v41;
	v46 =	vadd.f32 v11, v55;
	v11 =	vld [tilespmem:s10+$0xC0B0]  }
0x2cf: {  	v57 =	vmul.f32 v59, v58;
	v58 =	vperm.xlane v43, v3;
	v45 =	vld [tilespmem:s10+$0xC100]  }
0x2d0: {  	v59 =	vperm.xlane v41, v0;
	v17 =	vmul.f32 v21, v17;
	v21 =	vld [tilespmem:s10+$0xC110]  }
0x2d1: {  	v43 =	vadd.f32 v43, v58;
	v58 =	vld [tilespmem:$0x1FFE0]  }
0x2d2: {  	v41 =	vadd.f32 v41, v59;
	v59 =	vmul.f32 v25, v24;
	v25 =	vld [tilespmem:s10+$0xC180]  }
0x2d3: {  	v24 =	vld [tilespmem:s10+$0xC190]  }
0x2d4: {  	v34 =	vld [tilespmem:s25+$0xB80]  }
0x2d5: {  	v36 =	vld [tilespmem:s25+$0xB90]  }
0x2d6: {  	v47 =	vadd.f32 v54, v52;
	v38 =	vld [tilespmem:s25+$0xBA0]  }
0x2d7: {  	v18 =	vmul.f32 v63, v18;
	v6 =	vmul.f32 v9, v6;
	v40 =	vld [tilespmem:s25+$0xBB0];
	s25 =	spop (v2sf);
	(v2sf) =	vpush v4, $0xC  }
0x2d8: {  	v53 =	vperm.xlane v8, v3;
	v61 =	vmul.f32 v61, v60;
	v47 =	vadd.f32 v57, v47;
	v5 =	vld [tilespmem:s25+$0xB80]  }
0x2d9: {  	v57 =	vmul.f32 v23, v19;
	v6 =	vadd.f32 v6, v18;
	v12 =	vld [tilespmem:s25+$0xB90]  }
0x2da: {  	v56 =	vadd.f32 v8, v53;
	v47 =	vadd.f32 v61, v47;
	v20 =	vmul.f32 v62, v20;
	v22 =	vld [tilespmem:s25+$0xBA0]  }
0x2db: {  	v6 =	vadd.f32 v57, v6;
	v8 =	vld [tilespmem:s25+$0xBB0];
	s25 =	spop (v2sf);
	(v2sf) =	vpush v4, $0xD  }
0x2dc: {  	v15 =	vmul.f32 v16, v15;
	v19 =	vld [tilespmem:s10+$0xC1B0];
	v17 =	vadd.f32 v17, v20;
	v7 =	vmul.f32 v7, v58  }
0x2dd: {  	v9 =	vld [tilespmem:s10+$0xC120];
	v6 =	vadd.f32 v59, v6;
	v60 =	vmul.f32 v27, v26;
	v61 =	vmul.f32 v29, v28  }
0x2de: {  	v44 =	vsel vm0, v44, v56;
	v18 =	vld [tilespmem:s10+$0xC130];
	v62 =	vmul.f32 v35, v34;
	v63 =	vmul.f32 v37, v36  }
0x2df: {  	v15 =	vadd.f32 v15, v17;
	v34 =	vmul.f32 v31, v30;
	v37 =	vperm.xlane v6, v0;
	v31 =	vld [tilespmem:s10+$0xC1A0]  }
0x2e0: {  	v36 =	vmul.f32 v39, v38;
	v38 =	vmul.f32 v33, v32;
	v32 =	vld [tilespmem:s10+$0xC210];
	v17 =	vadd.f32 v61, v60  }
0x2e1: {  	v53 =	vperm.xlane v46, v3;
	v7 =	vadd.f32 v7, v15;
	v6 =	vadd.f32 v6, v37;
	v37 =	vld [tilespmem:s10+$0xC230]  }
0x2e2: {  	v54 =	vperm.xlane v41, v1;
	v15 =	vadd.f32 v63, v62;
	v17 =	vadd.f32 v34, v17;
	v34 =	vld [tilespmem:s10+$0xC200]  }
0x2e3: {  	v55 =	vperm.xlane v47, v0;
	v46 =	vadd.f32 v46, v53;
	v35 =	vperm.xlane v7, v0;
	v51 =	vld [tilespmem:s25+$0xB80]  }
0x2e4: {  	v41 =	vadd.f32 v41, v54;
	v39 =	vmul.f32 v42, v40;
	v15 =	vadd.f32 v36, v15;
	v49 =	vld [tilespmem:s25+$0xB90]  }
0x2e5: {  	v43 =	vsel vm1, v44, v43;
	v56 =	vadd.f32 v47, v55;
	v7 =	vadd.f32 v7, v35;
	v16 =	vld [tilespmem:s25+$0xBA0]  }
0x2e6: {  	v47 =	vperm.xlane v41, v2;
	v15 =	vadd.f32 v39, v15;
	v44 =	vld [tilespmem:s25+$0xBB0];
	s25 =	spop (v2sf);
	(v2sf) =	vpush v4, $0xE  }
0x2e7: {  	v20 =	vsel vm2, v43, v46;
	v42 =	vperm.xlane v7, v1;
	v43 =	vperm.xlane v6, v1;
	v23 =	vld [tilespmem:s25+$0xB80]  }
0x2e8: {  	v52 =	vadd.f32 v41, v47;
	v17 =	vadd.f32 v38, v17;
	v48 =	vperm.xlane v15, v0;
	v27 =	vld [tilespmem:s25+$0xB90]  }
0x2e9: {  	v40 =	vperm.xlane v56, v1;
	v7 =	vadd.f32 v7, v42;
	v6 =	vadd.f32 v6, v43;
	v29 =	vld [tilespmem:s25+$0xBA0]  }
0x2ea: {  	v46 =	vperm.xlane v17, v0;
	v15 =	vadd.f32 v15, v48;
	v28 =	vld [tilespmem:s25+$0xBB0];
	s25 =	spop (v2sf);
	(v2sf) =	vpush v4, $0xF  }
0x2eb: {  	v39 =	vld [tilespmem:s10+$0xC220];
	v53 =	vperm.xlane v7, v2;
	v54 =	vperm.xlane v6, v2;
	v4 =	vadd.f32 v56, v40  }
0x2ec: {  	v43 =	vld [tilespmem:s10+$0xC280];
	v17 =	vadd.f32 v17, v46;
	v57 =	vperm.xlane v15, v1;
	v5 =	vmul.f32 v10, v5  }
0x2ed: {  	v6 =	vadd.f32 v6, v54;
	v54 =	vld [tilespmem:s10+$0xC2B0];
	v63 =	vmul.f32 v14, v12;
	v50 =	vperm.xlane v4, v2  }
0x2ee: {  	v7 =	vadd.f32 v7, v53;
	v55 =	vperm.xlane v17, v1;
	v15 =	vadd.f32 v15, v57;
	v57 =	vld [tilespmem:s10+$0xC300]  }
0x2ef: {  	v5 =	vadd.f32 v63, v5;
	v63 =	vld [tilespmem:s10+$0xC310];
	v4 =	vadd.f32 v4, v50  }
0x2f0: {  	v59 =	vperm.xlane v7, v3;
	v17 =	vadd.f32 v17, v55;
	v56 =	vperm.xlane v52, v3;
	v26 =	vld [tilespmem:s25+$0xB80]  }
0x2f1: {  	v60 =	vperm.xlane v6, v3;
	v36 =	vld [tilespmem:s25+$0xB90];
	v58 =	vperm.xlane v4, v3  }
0x2f2: {  	v7 =	vadd.f32 v7, v59;
	v61 =	vperm.xlane v17, v2;
	v30 =	vld [tilespmem:s25+$0xBA0];
	v33 =	vadd.f32 v52, v56  }
0x2f3: {  	v53 =	vmul.f32 v13, v22;
	v48 =	vmul.f32 v45, v51;
	v41 =	vld [tilespmem:s25+$0xBB0];
	v4 =	vadd.f32 v4, v58  }
0x2f4: {  	v21 =	vmul.f32 v21, v49;
	v17 =	vadd.f32 v17, v61;
	v20 =	vsel vm3, v20, v33;
	v50 =	vld [tilespmem:s10+$0xC2A0]  }
0x2f5: {  	v9 =	vmul.f32 v9, v16;
	v62 =	vperm.xlane v15, v2;
	v4 =	vsel vm4, v20, v4;
	v20 =	vld [tilespmem:s10+$0xC290];
	s25 =	spop (v2sf)  }
0x2f6: {  	v6 =	vadd.f32 v6, v60;
	v59 =	vmul.f32 v18, v44;
	v47 =	vperm.xlane v17, v3;
	v35 =	vld [tilespmem:s25+$0xB80]  }
0x2f7: {  	v15 =	vadd.f32 v15, v62;
	v61 =	vmul.f32 v25, v23;
	v62 =	vmul.f32 v24, v27;
	v38 =	vld [tilespmem:s25+$0xB90]  }
0x2f8: {  	v14 =	vadd.f32 v21, v48;
	v24 =	vmul.f32 v34, v26;
	v25 =	vmul.f32 v32, v36;
	v46 =	vld [tilespmem:s25+$0xBA0]  }
0x2f9: {  	v5 =	vadd.f32 v53, v5;
	v56 =	vmul.f32 v11, v8;
	v27 =	vmul.f32 v31, v29;
	v52 =	vld [tilespmem:s25+$0xBB0];
	s25 =	spop (v2sf)  }
0x2fa: {  	v31 =	vmul.f32 v39, v30;
	v58 =	vadd.f32 v9, v14;
	v9 =	vadd.f32 v25, v24;
	v55 =	vld [tilespmem:s25+$0xB80]  }
0x2fb: {  	v51 =	vperm.xlane v15, v3;
	v5 =	vadd.f32 v56, v5;
	v32 =	vmul.f32 v37, v41;
	v60 =	vld [tilespmem:s25+$0xB90]  }
0x2fc: {  	v29 =	vld [tilespmem:s10+$0xC320];
	v9 =	vadd.f32 v31, v9;
	v4 =	vsel vm5, v4, v7;
	v7 =	vadd.f32 v17, v47  }
0x2fd: {  	v28 =	vmul.f32 v19, v28;
	v40 =	vperm.xlane v5, v0;
	v4 =	vsel vm6, v4, v6;
	v26 =	vld [tilespmem:s25+$0xBA0]  }
0x2fe: {  	v37 =	vld [tilespmem:s10+$0xC330];
	v6 =	vadd.f32 v15, v51;
	v9 =	vadd.f32 v32, v9;
	v4 =	vsel vm7, v4, v7  }
0x2ff: {  	v7 =	vadd.f32 v62, v61;
	v34 =	vld [tilespmem:s25+$0xBB0];
	v36 =	vmul.f32 v43, v35;
	v20 =	vmul.f32 v20, v38  }
0x300: {  	v4 =	vsel vm8, v4, v6;
	v8 =	vmul.f32 v57, v55;
	v10 =	vmul.f32 v63, v60  }
0x301: {  	v7 =	vadd.f32 v27, v7;
	v12 =	vmul.f32 v50, v46;
	v11 =	vadd.f32 v20, v36  }
0x302: {  	v6 =	vadd.f32 v59, v58;
	v38 =	vmul.f32 v29, v26;
	v8 =	vadd.f32 v10, v8  }
0x303: {  	v7 =	vadd.f32 v28, v7;
	v39 =	vmul.f32 v54, v52;
	v11 =	vadd.f32 v12, v11  }
0x304: {  	v42 =	vperm.xlane v6, v0;
	v41 =	vmul.f32 v37, v34;
	v8 =	vadd.f32 v38, v8  }
0x305: {  	v5 =	vadd.f32 v5, v40;
	v43 =	vperm.xlane v7, v0;
	v11 =	vadd.f32 v39, v11  }
0x306: {  	v44 =	vperm.xlane v9, v0;
	v6 =	vadd.f32 v6, v42;
	v8 =	vadd.f32 v41, v8  }
0x307: {  	v45 =	vperm.xlane v5, v1;
	v7 =	vadd.f32 v7, v43;
	v46 =	vperm.xlane v11, v0  }
0x308: {  	v9 =	vadd.f32 v9, v44;
	v14 =	vperm.xlane v6, v1;
	v47 =	vperm.xlane v8, v0  }
0x309: {  	v5 =	vadd.f32 v5, v45;
	v48 =	vperm.xlane v7, v1;
	v11 =	vadd.f32 v11, v46  }
0x30a: {  	v49 =	vperm.xlane v9, v1;
	v6 =	vadd.f32 v6, v14;
	v8 =	vadd.f32 v8, v47  }
0x30b: {  	v50 =	vperm.xlane v5, v2;
	v7 =	vadd.f32 v7, v48;
	v51 =	vperm.xlane v11, v1  }
0x30c: {  	v9 =	vadd.f32 v9, v49;
	v14 =	vperm.xlane v6, v2;
	v52 =	vperm.xlane v8, v1  }
0x30d: {  	v5 =	vadd.f32 v5, v50;
	v53 =	vperm.xlane v7, v2;
	v10 =	vadd.f32 v11, v51  }
0x30e: {  	v54 =	vperm.xlane v9, v2;
	v6 =	vadd.f32 v6, v14;
	v8 =	vadd.f32 v8, v52  }
0x30f: {  	v55 =	vperm.xlane v5, v3;
	v7 =	vadd.f32 v7, v53;
	v56 =	vperm.xlane v10, v2  }
0x310: {  	v9 =	vadd.f32 v9, v54;
	v14 =	vperm.xlane v6, v3;
	v57 =	vperm.xlane v8, v2  }
0x311: {  	v5 =	vadd.f32 v5, v55;
	v58 =	vperm.xlane v7, v3;
	v10 =	vadd.f32 v10, v56  }
0x312: {  	v59 =	vperm.xlane v9, v3;
	v6 =	vadd.f32 v6, v14;
	v8 =	vadd.f32 v8, v57  }
0x313: {  	v4 =	vsel vm9, v4, v5;
	v5 =	vadd.f32 v7, v58;
	v60 =	vperm.xlane v10, v3  }
0x314: {  	p0 =	sne.s32 s23, $0x28000;
	v61 =	vadd.f32 v9, v59;
	v4 =	vsel vm10, v4, v6;
	v62 =	vperm.xlane v8, v3  }
.Ltmp1:
0x315: {  	v4 =	vsel vm11, v4, v5;
	v5 =	vadd.f32 v10, v60;
	(pc) =	sbr.rel @p0 .LBB2_5-.Ltmp1, $4  }
0x316: {  	v4 =	vsel vm12, v4, v61;
	v63 =	vadd.f32 v8, v62  }
0x317: {  	v4 =	vsel vm13, v4, v5  }
0x318: {  	v4 =	vsel vm14, v4, v63  }
0x319: {  	s24 =	sadd.s32 $0x10, s24;
	s23 =	sadd.s32 $0x2000, s23;
	[tilespmem:s16+$0x0] =	vst v4;
	s16 =	sadd.s32 $0x10, s16  }
0x31a: {  	s11 =	sadd.s32 $0x1, s11  }
0x31b: {  	p0 =	sne.s32 s11, $0x10  }
.Ltmp2:
0x31c: {  	_ = 	snop;
	(pc) =	sbr.rel @p0 .LBB2_2-.Ltmp2, $2  }
0x31d: {  	_ =	sdelay $0x2  }
0x31e: {  	s22 =	sadd.s32 $0x2A0, s22;
	s8 =	sadd.s32 $0x2A0, s8  }
0x31f: {  	_ =	swait.ge [sflag:s21], $0xA800  }
0x320: {  	s11 =	simm.s32 $0x0;
	[sflag:s21] =	ssyncset.done $0x0  }
0x321: {  	s10 =	simm.s32 $0x16380;
	s8 =	rddreg [dreg:$0x9];
	[sflag:s21] =	ssyncadd.s32 $0xFFFF5800  }
0x322: {  	[hbm4b:s8+s11] =	stream.linear.scatter [tilespmem:s10], [sflag:$0x4], $0x2A00, $0x38;
	[tilespmem:$0x18F00] =	vst v63  }
0x323: {  	_ =	swait.ge [sflag:s15], $0x2A00  }
0x324: {  	s24 =	rddreg [dreg:$0xb]  }
0x325: {  	s25 =	rddreg [dreg:$0xa];
	s10 =	sadd.s32 $0x1, s24  }
0x326: {  	p0 =	sne.s32 s10, s25  }
.Ltmp3:
0x327: {  	_ = 	snop;
	(pc) =	sbr.rel @p0 .LBB2_1-.Ltmp3, $3  }
0x328: {  	_ =	sdelay $0x1  }
0x329: {  	[sflag:s15] =	ssyncset.done $0x0  }
0x32a: {  	[sflag:s15] =	ssyncadd.s32 $0xFFFFD600  }
0x32b: {  	_ =	sfence.sel $0x180000  }
0x32c: {  	[bflag:$0x0] =	sbarrier.arrive $0xFFFF  }
0x32d: {  	_ =	strace $0x90000047  }
0x32e: {  	s0 =	stileid.u32;
	[bflag:$0x2] =	sbarrier.arrive $0xFFFF  }
0x32f: {  	p0 =	sne.s32 s0, $0x0;
	s0 =	rddreg [dreg:$0x4]  }
0x330: {  	s0 =	sadd.s32 @!p0 $0x100000, s0  }
0x331: {  	[sflag:s0] =	ssyncadd.tile.s32 @!p0 $0x1;
	_ =	shalt  }
.Lfunc_end2:
_tile_overlayer_lowered:
.L_overlay_start_2:
0x332: {  	(tag) =	ssettag $0x2  }
0x333: {  	s0 =	rddreg [dreg:$0x0];
	s2 =	stileid.u32  }
0x334: {  	s1 =	rddreg [dreg:$0x1];
	p0 =	sne.s32 s2, $0x0  }
0x335: {  	s3 =	rddreg [dreg:$0x2];
	[bflag:$0x3] =	sbarrier.arrive $0xFFFF;
	s2 =	simm.s32 @!p0 $0x1C04  }
0x336: {  	[timem:s3], [sflag:s2] =	dma.local @!p0 [hbm:s0], s1  }
0x337: {  	s0 =	simm.s32 @!p0 $0x4  }
0x338: {  	_ =	swait.ge @!p0 [sflag:s0], s1  }
0x339: {  	s1 =	ssub.s32 @!p0 $0x0, s1;
	[sflag:s0] =	ssyncset.done @!p0 $0x0  }
0x33a: {  	[sflag:s0] =	ssyncadd.s32 @!p0 s1  }
0x33b: {  	[bflag:$0x3] =	sbarrier.arrive $0xFFFF  }
0x33c: {  	_ =	shalt  }

</sc_bundles>
